<compile_context>
chip_gen: v7x
topology: tpu7x:2x2x1
jax: 0.10.2.dev20260603
libtpu: 0.0.44.dev20260713+nightly
codegen_flags: <defaults>
</compile_context>

<pallas_src>
import functools

import jax
import jax.numpy as jnp
from jax import lax
from jax.experimental import pallas as pl
from jax.experimental.pallas import tpu as pltpu
from jax.experimental.pallas import tpu_sc as plsc

VOCAB = 1000000
B = 16384
OP_DIM = 32
STATS_IN = 4
STATS_H = 16
PRED_DIM = 8
OUT_DIM = 64

_NC = 2
_NS = 16
_NW = _NC * _NS
_BPW = B // _NW
_LSLICE = 128
_NBUF = 16


def _sc_gather_t(table_t, idx, n):
    mesh = plsc.VectorSubcoreMesh(core_axis_name="c", subcore_axis_name="s")
    lanes_mask = _LSLICE - 1
    bpw = n // _NW

    @functools.partial(
        pl.kernel,
        mesh=mesh,
        out_type=jax.ShapeDtypeStruct((OP_DIM, n), jnp.float32),
        scratch_types=[
            pltpu.VMEM((bpw,), jnp.int32),
            pltpu.VMEM((_NBUF, OP_DIM, _LSLICE), jnp.float32),
            pltpu.VMEM((OP_DIM, bpw), jnp.float32),
            pltpu.SemaphoreType.DMA,
        ],
        compiler_params=pltpu.CompilerParams(use_tc_tiling_on_sc=True,
                                             needs_layout_passes=False),
    )
    def k(table_hbm, idx_hbm, out_hbm, idx_v, ring_v, stage_v, sem):
        wid = lax.axis_index("s") * _NC + lax.axis_index("c")
        base = wid * bpw
        pltpu.sync_copy(idx_hbm.at[pl.ds(base, bpw)], idx_v)

        lane_iota = lax.iota(jnp.int32, 16)
        d_lo = lane_iota
        d_hi = lane_iota + 16
        neg_inf = jnp.full((16,), jnp.int32(-2147483648))

        def lane_scalar(v, t):
            return jnp.max(jnp.where(lane_iota == t, v, neg_inf))

        def fire(i_scalar, slot):
            lane0 = pl.multiple_of(i_scalar & ~lanes_mask, _LSLICE)
            pltpu.async_copy(
                table_hbm.at[:, pl.ds(lane0, _LSLICE)],
                ring_v.at[slot],
                sem,
            )

        def wait_slot(slot):
            pltpu.make_async_copy(
                table_hbm.at[:, pl.ds(0, _LSLICE)],
                ring_v.at[slot],
                sem,
            ).wait()

        def extract(i_scalar, j, slot):
            l = i_scalar & lanes_mask
            l_vec = jnp.full((16,), l, jnp.int32)
            j_vec = jnp.full((16,), j, jnp.int32)
            buf = ring_v.at[slot]
            v0 = plsc.load_gather(buf, [d_lo, l_vec])
            v1 = plsc.load_gather(buf, [d_hi, l_vec])
            plsc.store_scatter(stage_v, [d_lo, j_vec], v0)
            plsc.store_scatter(stage_v, [d_hi, j_vec], v1)

        n_grp = bpw // _NBUF

        v0g = idx_v[pl.ds(0, _NBUF)]
        for t in range(_NBUF):
            fire(lane_scalar(v0g, t), t)

        def body(g, v_cur):
            v_next = idx_v[pl.ds((g + 1) * _NBUF, _NBUF)]
            for t in range(_NBUF):
                j = g * _NBUF + t
                wait_slot(t)
                extract(lane_scalar(v_cur, t), j, t)
                fire(lane_scalar(v_next, t), t)
            return v_next

        v_last = lax.fori_loop(0, n_grp - 1, body, v0g)
        for t in range(_NBUF):
            j = (n_grp - 1) * _NBUF + t
            wait_slot(t)
            extract(lane_scalar(v_last, t), j, t)

        pltpu.sync_copy(stage_v, out_hbm.at[:, pl.ds(base, bpw)])

    return k(table_t, idx)


def _dot_t(a, b):
    return lax.dot_general(a, b, dimension_numbers=(((0,), (0,)), ((), ())),
                           preferred_element_type=jnp.float32)


def _tc_body(g_ref, s_ref, p_ref, W1_ref, b1_ref, W2_ref, b2_ref,
             Wout_ref, bout_ref, o_ref):
    s_t = jnp.log1p(s_ref[...])
    h_t = jnp.maximum(_dot_t(W1_ref[...], s_t) + b1_ref[...], 0.0)
    sv_t = _dot_t(W2_ref[...], h_t) + b2_ref[...]
    out_t = (_dot_t(Wout_ref[0:OP_DIM, :], g_ref[...])
             + _dot_t(Wout_ref[OP_DIM:OP_DIM + STATS_H, :], sv_t)
             + _dot_t(Wout_ref[OP_DIM + STATS_H:, :], p_ref[...])
             + bout_ref[...])
    o_ref[...] = out_t


def _tc_dense(g_t, stats_t, pred_t, W1, b1, W2, b2, Wout, bout):
    BLK = 8192
    col_spec = lambda d: pl.BlockSpec((d, BLK), lambda i: (0, i))
    full = lambda a: pl.BlockSpec(a.shape, lambda i: tuple(0 for _ in a.shape))
    b1_2d = b1.reshape(STATS_H, 1)
    b2_2d = b2.reshape(STATS_H, 1)
    bout_2d = bout.reshape(OUT_DIM, 1)
    return pl.pallas_call(
        _tc_body,
        grid=(B // BLK,),
        in_specs=[
            col_spec(OP_DIM),
            col_spec(STATS_IN),
            col_spec(PRED_DIM),
            full(W1), full(b1_2d), full(W2), full(b2_2d),
            full(Wout), full(bout_2d),
        ],
        out_specs=pl.BlockSpec((OUT_DIM, BLK), lambda i: (0, i)),
        out_shape=jax.ShapeDtypeStruct((OUT_DIM, B), jnp.float32),
    )(g_t, stats_t, pred_t, W1, b1_2d, W2, b2_2d, Wout, bout_2d)


def kernel(op_idx, stats, pred_feat, emb_table, W1, b1, W2, b2, Wout, bout):
    idx = op_idx.astype(jnp.int32)
    g_t = _sc_gather_t(emb_table.T, idx, B)
    out_t = _tc_dense(g_t, stats.T, pred_feat.T, W1, b1, W2, b2, Wout, bout)
    return out_t.T

# --- scband reference (transcript-rebuilt; emitter-appended) ---
"""Pipeline reference for scband-node-encoder-4011499455052 (READ-ONLY COPY).

The authoritative reference and input builder live on the scoring server;
editing this copy changes nothing except your own understanding.
"""

import jax, jax.numpy as jnp
import numpy as np

VOCAB = 1000000
B = 16384
OP_DIM = 32
STATS_IN = 4
STATS_H = 16
PRED_DIM = 8
OUT_DIM = 64


def setup_inputs(seed: int = 0) -> dict:
    key = jax.random.key(seed)
    ks = jax.random.split(key, 10)
    op_idx = jax.random.randint(ks[0], (B,), 0, VOCAB)
    stats = jax.random.uniform(ks[1], (B, STATS_IN), dtype=jnp.float32)
    pred_feat = jax.random.uniform(ks[2], (B, PRED_DIM), dtype=jnp.float32)
    emb_table = jax.random.normal(ks[3], (VOCAB, OP_DIM), dtype=jnp.float32) * 0.02
    W1 = jax.random.normal(ks[4], (STATS_IN, STATS_H), dtype=jnp.float32) * (1.0 / np.sqrt(STATS_IN))
    b1 = jnp.zeros((STATS_H,), dtype=jnp.float32)
    W2 = jax.random.normal(ks[5], (STATS_H, STATS_H), dtype=jnp.float32) * (1.0 / np.sqrt(STATS_H))
    b2 = jnp.zeros((STATS_H,), dtype=jnp.float32)
    total_dim = OP_DIM + STATS_H + PRED_DIM
    Wout = jax.random.normal(ks[6], (total_dim, OUT_DIM), dtype=jnp.float32) * (1.0 / np.sqrt(total_dim))
    bout = jnp.zeros((OUT_DIM,), dtype=jnp.float32)
    return {
        "op_idx": op_idx,
        "stats": stats,
        "pred_feat": pred_feat,
        "emb_table": emb_table,
        "W1": W1,
        "b1": b1,
        "W2": W2,
        "b2": b2,
        "Wout": Wout,
        "bout": bout,
    }


def reference(op_idx, stats, pred_feat, emb_table, W1, b1, W2, b2, Wout, bout):
    # 1) operator type -> embedding lookup (memory-bound gather)
    operator_vec = jnp.take(emb_table, op_idx, axis=0)
    # 2) stats -> log1p normalization + 2-layer MLP
    s = jnp.log1p(stats)
    h = jnp.maximum(jnp.dot(s, W1) + b1, 0.0)
    stats_vec = jnp.dot(h, W2) + b2
    # 3) predicate features (precomputed hand-crafted features in [0,1])
    # 4) concat all views and project
    combined = jnp.concatenate([operator_vec, stats_vec, pred_feat], axis=-1)
    output = jnp.dot(combined, Wout) + bout
    return output

if __name__ == "__main__":
    import jax
    _d = setup_inputs()
    print(jax.jit(kernel)(*tuple(_d.values())))

</pallas_src>

<mosaic_0001>
#map = affine_map<(d0, d1) -> (0, 0)>
#map1 = affine_map<(d0, d1) -> (0)>
module attributes {stable_mosaic.version = 14 : i64} {
  func.func @k(%arg0: i32, %arg1: i32, %arg2: memref<32x1000000xf32, #tpu.memory_space<hbm>>, %arg3: memref<16384xi32, #tpu.memory_space<hbm>>, %arg4: memref<32x16384xf32, #tpu.memory_space<hbm>>, %arg5: memref<512xi32, #tpu.memory_space<vmem>>, %arg6: memref<16x32x128xf32, #tpu.memory_space<vmem>>, %arg7: memref<32x512xf32, #tpu.memory_space<vmem>>, %arg8: memref<!tpu.dma_semaphore, #tpu.memory_space<semaphore_mem>>) attributes {dimension_semantics = [#tpu.dimension_semantics<core_parallel>, #tpu.dimension_semantics<subcore_parallel>], iteration_bounds = array<i64: 2, 16>, scalar_prefetch = 0 : i64, scratch_operands = 4 : i64, tpu.core_type = #tpu.core_type<sc_vector_subcore>, window_params = [{transform_indices = #map}, {transform_indices = #map1}, {transform_indices = #map}]} {
    %mul3A = arith.constant 2 : i32
    %mul3A_0 = arith.muli %arg1, %mul3A : i32
    %add3A = arith.addi %mul3A_0, %arg0 : i32
    %mul3A_1 = arith.constant 512 : i32
    %mul3A_2 = arith.muli %add3A, %mul3A_1 : i32
    "tpu.region"() ({
      %run_scoped3A = tpu.sem_alloc : memref<!tpu.dma_semaphore, #tpu.memory_space<semaphore_mem>>
      %dma_start3A_1157 = tpu.memref_slice %arg3[%mul3A_2] : memref<16384xi32, #tpu.memory_space<hbm>> -> memref<512xi32, #tpu.memory_space<hbm>>
      %dma_start3A_1158 = tpu.memref_slice %arg3[%mul3A_2] : memref<16384xi32, #tpu.memory_space<hbm>> -> memref<512xi32, #tpu.memory_space<hbm>>
      tpu.enqueue_dma source(%dma_start3A_1158 : memref<512xi32, #tpu.memory_space<hbm>>) target(%arg5 : memref<512xi32, #tpu.memory_space<vmem>>) target_semaphore(%run_scoped3A : memref<!tpu.dma_semaphore, #tpu.memory_space<semaphore_mem>>)
      %dma_wait3A_1159 = tpu.memref_slice %arg3[%mul3A_2] : memref<16384xi32, #tpu.memory_space<hbm>> -> memref<512xi32, #tpu.memory_space<hbm>>
      %dma_wait3A_1160 = tpu.memref_slice %arg3[%mul3A_2] : memref<16384xi32, #tpu.memory_space<hbm>> -> memref<512xi32, #tpu.memory_space<hbm>>
      tpu.wait_dma2 semaphore(%run_scoped3A : memref<!tpu.dma_semaphore, #tpu.memory_space<semaphore_mem>>) src(%dma_wait3A_1160 : memref<512xi32, #tpu.memory_space<hbm>>) dst(%arg5 : memref<512xi32, #tpu.memory_space<vmem>>)
      tpu.yield
    }) : () -> ()
    %iota3A = tpu.iota {dimensions = array<i32: 0>} : vector<16xi32>
    %add3A_3 = arith.constant 16 : i32
    %add3A_4 = vector.broadcast %add3A_3 : i32 to vector<16xi32>
    %add3A_5 = arith.addi %iota3A, %add3A_4 : vector<16xi32>
    %broadcast_in_dim3A = arith.constant -2147483648 : i32
    %broadcast_in_dim3A_6 = vector.broadcast %broadcast_in_dim3A : i32 to vector<16xi32>
    %get3A = arith.constant 0 : index
    %get3A_7 = tpu.vector_load %arg5[%get3A] {strides = array<i32>} : memref<512xi32, #tpu.memory_space<vmem>>, vector<16xi32>,
    %eq3A = arith.constant 0 : i32
    %eq3A_8 = vector.broadcast %eq3A : i32 to vector<16xi32>
    %eq3A_9 = arith.cmpi eq, %iota3A, %eq3A_8 : vector<16xi32>
    %select_n3A = arith.select %eq3A_9, %get3A_7, %broadcast_in_dim3A_6 : vector<16xi1>, vector<16xi32>
    %reduce_max3A = arith.constant true
    %reduce_max3A_10 = vector.broadcast %reduce_max3A : i1 to vector<16xi1>
    %reduce_max3A_11 = arith.constant -2147483648 : i32
    %reduce_max3A_12 = vector.broadcast %reduce_max3A_11 : i32 to vector<16xi32>
    %reduce_max3A_13 = arith.xori %select_n3A, %reduce_max3A_12 : vector<16xi32>
    %reduce_max3A_14 = tpu.scan <max>, %reduce_max3A_13 masked %reduce_max3A_10 : vector<16xi32>, vector<16xi1> -> vector<16xi32>
    %reduce_max3A_15 = arith.xori %reduce_max3A_14, %reduce_max3A_12 : vector<16xi32>
    %reduce_max3A_16 = vector.extract %reduce_max3A_15[15] : i32 from vector<16xi32>
    %and3A = arith.constant -128 : i32
    %and3A_17 = arith.andi %reduce_max3A_16, %and3A : i32
    %multiple_of3A = tpu.assume_multiple %and3A_17, 128 : i32
    %dma_start3A = arith.constant 0 : i32
    %dma_start3A_18 = arith.constant 0 : i32
    %dma_start3A_19 = arith.constant 0 : i32
    %dma_start3A_20 = tpu.memref_slice %arg6[%dma_start3A, %dma_start3A_18, %dma_start3A_19] : memref<16x32x128xf32, #tpu.memory_space<vmem>> -> memref<1x32x128xf32, #tpu.memory_space<vmem>>
    %dma_start3A_21 = tpu.memref_squeeze %dma_start3A_20 : memref<1x32x128xf32, #tpu.memory_space<vmem>> -> memref<32x128xf32, #tpu.memory_space<vmem>>
    %dma_start3A_22 = arith.constant 0 : i32
    %dma_start3A_23 = tpu.memref_slice %arg2[%dma_start3A_22, %multiple_of3A] : memref<32x1000000xf32, #tpu.memory_space<hbm>> -> memref<32x128xf32, #tpu.memory_space<hbm>>
    %dma_start3A_24 = arith.constant 0 : i32
    %dma_start3A_25 = arith.constant 0 : i32
    %dma_start3A_26 = tpu.memref_slice %arg6[%dma_start3A, %dma_start3A_24, %dma_start3A_25] : memref<16x32x128xf32, #tpu.memory_space<vmem>> -> memref<1x32x128xf32, #tpu.memory_space<vmem>>
    %dma_start3A_27 = tpu.memref_squeeze %dma_start3A_26 : memref<1x32x128xf32, #tpu.memory_space<vmem>> -> memref<32x128xf32, #tpu.memory_space<vmem>>
    %dma_start3A_28 = arith.constant 0 : i32
    %dma_start3A_29 = tpu.memref_slice %arg2[%dma_start3A_28, %multiple_of3A] : memref<32x1000000xf32, #tpu.memory_space<hbm>> -> memref<32x128xf32, #tpu.memory_space<hbm>>
    tpu.enqueue_dma source(%dma_start3A_29 : memref<32x128xf32, #tpu.memory_space<hbm>>) target(%dma_start3A_27 : memref<32x128xf32, #tpu.memory_space<vmem>>) target_semaphore(%arg8 : memref<!tpu.dma_semaphore, #tpu.memory_space<semaphore_mem>>)
    %eq3A_30 = arith.constant 1 : i32
    %eq3A_31 = vector.broadcast %eq3A_30 : i32 to vector<16xi32>
    %eq3A_32 = arith.cmpi eq, %iota3A, %eq3A_31 : vector<16xi32>
    %select_n3A_33 = arith.select %eq3A_32, %get3A_7, %broadcast_in_dim3A_6 : vector<16xi1>, vector<16xi32>
    %reduce_max3A_34 = arith.constant true
    %reduce_max3A_35 = vector.broadcast %reduce_max3A_34 : i1 to vector<16xi1>
    %reduce_max3A_36 = arith.constant -2147483648 : i32
    %reduce_max3A_37 = vector.broadcast %reduce_max3A_36 : i32 to vector<16xi32>
    %reduce_max3A_38 = arith.xori %select_n3A_33, %reduce_max3A_37 : vector<16xi32>
    %reduce_max3A_39 = tpu.scan <max>, %reduce_max3A_38 masked %reduce_max3A_35 : vector<16xi32>, vector<16xi1> -> vector<16xi32>
    %reduce_max3A_40 = arith.xori %reduce_max3A_39, %reduce_max3A_37 : vector<16xi32>
    %reduce_max3A_41 = vector.extract %reduce_max3A_40[15] : i32 from vector<16xi32>
    %and3A_42 = arith.constant -128 : i32
    %and3A_43 = arith.andi %reduce_max3A_41, %and3A_42 : i32
    %multiple_of3A_44 = tpu.assume_multiple %and3A_43, 128 : i32
    %dma_start3A_45 = arith.constant 1 : i32
    %dma_start3A_46 = arith.constant 0 : i32
    %dma_start3A_47 = arith.constant 0 : i32
    %dma_start3A_48 = tpu.memref_slice %arg6[%dma_start3A_45, %dma_start3A_46, %dma_start3A_47] : memref<16x32x128xf32, #tpu.memory_space<vmem>> -> memref<1x32x128xf32, #tpu.memory_space<vmem>>
    %dma_start3A_49 = tpu.memref_squeeze %dma_start3A_48 : memref<1x32x128xf32, #tpu.memory_space<vmem>> -> memref<32x128xf32, #tpu.memory_space<vmem>>
    %dma_start3A_50 = arith.constant 0 : i32
    %dma_start3A_51 = tpu.memref_slice %arg2[%dma_start3A_50, %multiple_of3A_44] : memref<32x1000000xf32, #tpu.memory_space<hbm>> -> memref<32x128xf32, #tpu.memory_space<hbm>>
    %dma_start3A_52 = arith.constant 0 : i32
    %dma_start3A_53 = arith.constant 0 : i32
    %dma_start3A_54 = tpu.memref_slice %arg6[%dma_start3A_45, %dma_start3A_52, %dma_start3A_53] : memref<16x32x128xf32, #tpu.memory_space<vmem>> -> memref<1x32x128xf32, #tpu.memory_space<vmem>>
    %dma_start3A_55 = tpu.memref_squeeze %dma_start3A_54 : memref<1x32x128xf32, #tpu.memory_space<vmem>> -> memref<32x128xf32, #tpu.memory_space<vmem>>
    %dma_start3A_56 = arith.constant 0 : i32
    %dma_start3A_57 = tpu.memref_slice %arg2[%dma_start3A_56, %multiple_of3A_44] : memref<32x1000000xf32, #tpu.memory_space<hbm>> -> memref<32x128xf32, #tpu.memory_space<hbm>>
    tpu.enqueue_dma source(%dma_start3A_57 : memref<32x128xf32, #tpu.memory_space<hbm>>) target(%dma_start3A_55 : memref<32x128xf32, #tpu.memory_space<vmem>>) target_semaphore(%arg8 : memref<!tpu.dma_semaphore, #tpu.memory_space<semaphore_mem>>)
    %eq3A_58 = arith.constant 2 : i32
    %eq3A_59 = vector.broadcast %eq3A_58 : i32 to vector<16xi32>
    %eq3A_60 = arith.cmpi eq, %iota3A, %eq3A_59 : vector<16xi32>
    %select_n3A_61 = arith.select %eq3A_60, %get3A_7, %broadcast_in_dim3A_6 : vector<16xi1>, vector<16xi32>
    %reduce_max3A_62 = arith.constant true
    %reduce_max3A_63 = vector.broadcast %reduce_max3A_62 : i1 to vector<16xi1>
    %reduce_max3A_64 = arith.constant -2147483648 : i32
    %reduce_max3A_65 = vector.broadcast %reduce_max3A_64 : i32 to vector<16xi32>
    %reduce_max3A_66 = arith.xori %select_n3A_61, %reduce_max3A_65 : vector<16xi32>
    %reduce_max3A_67 = tpu.scan <max>, %reduce_max3A_66 masked %reduce_max3A_63 : vector<16xi32>, vector<16xi1> -> vector<16xi32>
    %reduce_max3A_68 = arith.xori %reduce_max3A_67, %reduce_max3A_65 : vector<16xi32>
    %reduce_max3A_69 = vector.extract %reduce_max3A_68[15] : i32 from vector<16xi32>
    %and3A_70 = arith.constant -128 : i32
    %and3A_71 = arith.andi %reduce_max3A_69, %and3A_70 : i32
    %multiple_of3A_72 = tpu.assume_multiple %and3A_71, 128 : i32
    %dma_start3A_73 = arith.constant 2 : i32
    %dma_start3A_74 = arith.constant 0 : i32
    %dma_start3A_75 = arith.constant 0 : i32
    %dma_start3A_76 = tpu.memref_slice %arg6[%dma_start3A_73, %dma_start3A_74, %dma_start3A_75] : memref<16x32x128xf32, #tpu.memory_space<vmem>> -> memref<1x32x128xf32, #tpu.memory_space<vmem>>
    %dma_start3A_77 = tpu.memref_squeeze %dma_start3A_76 : memref<1x32x128xf32, #tpu.memory_space<vmem>> -> memref<32x128xf32, #tpu.memory_space<vmem>>
    %dma_start3A_78 = arith.constant 0 : i32
    %dma_start3A_79 = tpu.memref_slice %arg2[%dma_start3A_78, %multiple_of3A_72] : memref<32x1000000xf32, #tpu.memory_space<hbm>> -> memref<32x128xf32, #tpu.memory_space<hbm>>
    %dma_start3A_80 = arith.constant 0 : i32
    %dma_start3A_81 = arith.constant 0 : i32
    %dma_start3A_82 = tpu.memref_slice %arg6[%dma_start3A_73, %dma_start3A_80, %dma_start3A_81] : memref<16x32x128xf32, #tpu.memory_space<vmem>> -> memref<1x32x128xf32, #tpu.memory_space<vmem>>
    %dma_start3A_83 = tpu.memref_squeeze %dma_start3A_82 : memref<1x32x128xf32, #tpu.memory_space<vmem>> -> memref<32x128xf32, #tpu.memory_space<vmem>>
    %dma_start3A_84 = arith.constant 0 : i32
    %dma_start3A_85 = tpu.memref_slice %arg2[%dma_start3A_84, %multiple_of3A_72] : memref<32x1000000xf32, #tpu.memory_space<hbm>> -> memref<32x128xf32, #tpu.memory_space<hbm>>
    tpu.enqueue_dma source(%dma_start3A_85 : memref<32x128xf32, #tpu.memory_space<hbm>>) target(%dma_start3A_83 : memref<32x128xf32, #tpu.memory_space<vmem>>) target_semaphore(%arg8 : memref<!tpu.dma_semaphore, #tpu.memory_space<semaphore_mem>>)
    %eq3A_86 = arith.constant 3 : i32
    %eq3A_87 = vector.broadcast %eq3A_86 : i32 to vector<16xi32>
    %eq3A_88 = arith.cmpi eq, %iota3A, %eq3A_87 : vector<16xi32>
    %select_n3A_89 = arith.select %eq3A_88, %get3A_7, %broadcast_in_dim3A_6 : vector<16xi1>, vector<16xi32>
    %reduce_max3A_90 = arith.constant true
    %reduce_max3A_91 = vector.broadcast %reduce_max3A_90 : i1 to vector<16xi1>
    %reduce_max3A_92 = arith.constant -2147483648 : i32
    %reduce_max3A_93 = vector.broadcast %reduce_max3A_92 : i32 to vector<16xi32>
    %reduce_max3A_94 = arith.xori %select_n3A_89, %reduce_max3A_93 : vector<16xi32>
    %reduce_max3A_95 = tpu.scan <max>, %reduce_max3A_94 masked %reduce_max3A_91 : vector<16xi32>, vector<16xi1> -> vector<16xi32>
    %reduce_max3A_96 = arith.xori %reduce_max3A_95, %reduce_max3A_93 : vector<16xi32>
    %reduce_max3A_97 = vector.extract %reduce_max3A_96[15] : i32 from vector<16xi32>
    %and3A_98 = arith.constant -128 : i32
    %and3A_99 = arith.andi %reduce_max3A_97, %and3A_98 : i32
    %multiple_of3A_100 = tpu.assume_multiple %and3A_99, 128 : i32
    %dma_start3A_101 = arith.constant 3 : i32
    %dma_start3A_102 = arith.constant 0 : i32
    %dma_start3A_103 = arith.constant 0 : i32
    %dma_start3A_104 = tpu.memref_slice %arg6[%dma_start3A_101, %dma_start3A_102, %dma_start3A_103] : memref<16x32x128xf32, #tpu.memory_space<vmem>> -> memref<1x32x128xf32, #tpu.memory_space<vmem>>
    %dma_start3A_105 = tpu.memref_squeeze %dma_start3A_104 : memref<1x32x128xf32, #tpu.memory_space<vmem>> -> memref<32x128xf32, #tpu.memory_space<vmem>>
    %dma_start3A_106 = arith.constant 0 : i32
    %dma_start3A_107 = tpu.memref_slice %arg2[%dma_start3A_106, %multiple_of3A_100] : memref<32x1000000xf32, #tpu.memory_space<hbm>> -> memref<32x128xf32, #tpu.memory_space<hbm>>
    %dma_start3A_108 = arith.constant 0 : i32
    %dma_start3A_109 = arith.constant 0 : i32
    %dma_start3A_110 = tpu.memref_slice %arg6[%dma_start3A_101, %dma_start3A_108, %dma_start3A_109] : memref<16x32x128xf32, #tpu.memory_space<vmem>> -> memref<1x32x128xf32, #tpu.memory_space<vmem>>
    %dma_start3A_111 = tpu.memref_squeeze %dma_start3A_110 : memref<1x32x128xf32, #tpu.memory_space<vmem>> -> memref<32x128xf32, #tpu.memory_space<vmem>>
    %dma_start3A_112 = arith.constant 0 : i32
    %dma_start3A_113 = tpu.memref_slice %arg2[%dma_start3A_112, %multiple_of3A_100] : memref<32x1000000xf32, #tpu.memory_space<hbm>> -> memref<32x128xf32, #tpu.memory_space<hbm>>
    tpu.enqueue_dma source(%dma_start3A_113 : memref<32x128xf32, #tpu.memory_space<hbm>>) target(%dma_start3A_111 : memref<32x128xf32, #tpu.memory_space<vmem>>) target_semaphore(%arg8 : memref<!tpu.dma_semaphore, #tpu.memory_space<semaphore_mem>>)
    %eq3A_114 = arith.constant 4 : i32
    %eq3A_115 = vector.broadcast %eq3A_114 : i32 to vector<16xi32>
    %eq3A_116 = arith.cmpi eq, %iota3A, %eq3A_115 : vector<16xi32>
    %select_n3A_117 = arith.select %eq3A_116, %get3A_7, %broadcast_in_dim3A_6 : vector<16xi1>, vector<16xi32>
    %reduce_max3A_118 = arith.constant true
    %reduce_max3A_119 = vector.broadcast %reduce_max3A_118 : i1 to vector<16xi1>
    %reduce_max3A_120 = arith.constant -2147483648 : i32
    %reduce_max3A_121 = vector.broadcast %reduce_max3A_120 : i32 to vector<16xi32>
    %reduce_max3A_122 = arith.xori %select_n3A_117, %reduce_max3A_121 : vector<16xi32>
    %reduce_max3A_123 = tpu.scan <max>, %reduce_max3A_122 masked %reduce_max3A_119 : vector<16xi32>, vector<16xi1> -> vector<16xi32>
    %reduce_max3A_124 = arith.xori %reduce_max3A_123, %reduce_max3A_121 : vector<16xi32>
    %reduce_max3A_125 = vector.extract %reduce_max3A_124[15] : i32 from vector<16xi32>
    %and3A_126 = arith.constant -128 : i32
    %and3A_127 = arith.andi %reduce_max3A_125, %and3A_126 : i32
    %multiple_of3A_128 = tpu.assume_multiple %and3A_127, 128 : i32
    %dma_start3A_129 = arith.constant 4 : i32
    %dma_start3A_130 = arith.constant 0 : i32
    %dma_start3A_131 = arith.constant 0 : i32
    %dma_start3A_132 = tpu.memref_slice %arg6[%dma_start3A_129, %dma_start3A_130, %dma_start3A_131] : memref<16x32x128xf32, #tpu.memory_space<vmem>> -> memref<1x32x128xf32, #tpu.memory_space<vmem>>
    %dma_start3A_133 = tpu.memref_squeeze %dma_start3A_132 : memref<1x32x128xf32, #tpu.memory_space<vmem>> -> memref<32x128xf32, #tpu.memory_space<vmem>>
    %dma_start3A_134 = arith.constant 0 : i32
    %dma_start3A_135 = tpu.memref_slice %arg2[%dma_start3A_134, %multiple_of3A_128] : memref<32x1000000xf32, #tpu.memory_space<hbm>> -> memref<32x128xf32, #tpu.memory_space<hbm>>
    %dma_start3A_136 = arith.constant 0 : i32
    %dma_start3A_137 = arith.constant 0 : i32
    %dma_start3A_138 = tpu.memref_slice %arg6[%dma_start3A_129, %dma_start3A_136, %dma_start3A_137] : memref<16x32x128xf32, #tpu.memory_space<vmem>> -> memref<1x32x128xf32, #tpu.memory_space<vmem>>
    %dma_start3A_139 = tpu.memref_squeeze %dma_start3A_138 : memref<1x32x128xf32, #tpu.memory_space<vmem>> -> memref<32x128xf32, #tpu.memory_space<vmem>>
    %dma_start3A_140 = arith.constant 0 : i32
    %dma_start3A_141 = tpu.memref_slice %arg2[%dma_start3A_140, %multiple_of3A_128] : memref<32x1000000xf32, #tpu.memory_space<hbm>> -> memref<32x128xf32, #tpu.memory_space<hbm>>
    tpu.enqueue_dma source(%dma_start3A_141 : memref<32x128xf32, #tpu.memory_space<hbm>>) target(%dma_start3A_139 : memref<32x128xf32, #tpu.memory_space<vmem>>) target_semaphore(%arg8 : memref<!tpu.dma_semaphore, #tpu.memory_space<semaphore_mem>>)
    %eq3A_142 = arith.constant 5 : i32
    %eq3A_143 = vector.broadcast %eq3A_142 : i32 to vector<16xi32>
    %eq3A_144 = arith.cmpi eq, %iota3A, %eq3A_143 : vector<16xi32>
    %select_n3A_145 = arith.select %eq3A_144, %get3A_7, %broadcast_in_dim3A_6 : vector<16xi1>, vector<16xi32>
    %reduce_max3A_146 = arith.constant true
    %reduce_max3A_147 = vector.broadcast %reduce_max3A_146 : i1 to vector<16xi1>
    %reduce_max3A_148 = arith.constant -2147483648 : i32
    %reduce_max3A_149 = vector.broadcast %reduce_max3A_148 : i32 to vector<16xi32>
    %reduce_max3A_150 = arith.xori %select_n3A_145, %reduce_max3A_149 : vector<16xi32>
    %reduce_max3A_151 = tpu.scan <max>, %reduce_max3A_150 masked %reduce_max3A_147 : vector<16xi32>, vector<16xi1> -> vector<16xi32>
    %reduce_max3A_152 = arith.xori %reduce_max3A_151, %reduce_max3A_149 : vector<16xi32>
    %reduce_max3A_153 = vector.extract %reduce_max3A_152[15] : i32 from vector<16xi32>
    %and3A_154 = arith.constant -128 : i32
    %and3A_155 = arith.andi %reduce_max3A_153, %and3A_154 : i32
    %multiple_of3A_156 = tpu.assume_multiple %and3A_155, 128 : i32
    %dma_start3A_157 = arith.constant 5 : i32
    %dma_start3A_158 = arith.constant 0 : i32
    %dma_start3A_159 = arith.constant 0 : i32
    %dma_start3A_160 = tpu.memref_slice %arg6[%dma_start3A_157, %dma_start3A_158, %dma_start3A_159] : memref<16x32x128xf32, #tpu.memory_space<vmem>> -> memref<1x32x128xf32, #tpu.memory_space<vmem>>
    %dma_start3A_161 = tpu.memref_squeeze %dma_start3A_160 : memref<1x32x128xf32, #tpu.memory_space<vmem>> -> memref<32x128xf32, #tpu.memory_space<vmem>>
    %dma_start3A_162 = arith.constant 0 : i32
    %dma_start3A_163 = tpu.memref_slice %arg2[%dma_start3A_162, %multiple_of3A_156] : memref<32x1000000xf32, #tpu.memory_space<hbm>> -> memref<32x128xf32, #tpu.memory_space<hbm>>
    %dma_start3A_164 = arith.constant 0 : i32
    %dma_start3A_165 = arith.constant 0 : i32
    %dma_start3A_166 = tpu.memref_slice %arg6[%dma_start3A_157, %dma_start3A_164, %dma_start3A_165] : memref<16x32x128xf32, #tpu.memory_space<vmem>> -> memref<1x32x128xf32, #tpu.memory_space<vmem>>
    %dma_start3A_167 = tpu.memref_squeeze %dma_start3A_166 : memref<1x32x128xf32, #tpu.memory_space<vmem>> -> memref<32x128xf32, #tpu.memory_space<vmem>>
    %dma_start3A_168 = arith.constant 0 : i32
    %dma_start3A_169 = tpu.memref_slice %arg2[%dma_start3A_168, %multiple_of3A_156] : memref<32x1000000xf32, #tpu.memory_space<hbm>> -> memref<32x128xf32, #tpu.memory_space<hbm>>
    tpu.enqueue_dma source(%dma_start3A_169 : memref<32x128xf32, #tpu.memory_space<hbm>>) target(%dma_start3A_167 : memref<32x128xf32, #tpu.memory_space<vmem>>) target_semaphore(%arg8 : memref<!tpu.dma_semaphore, #tpu.memory_space<semaphore_mem>>)
    %eq3A_170 = arith.constant 6 : i32
    %eq3A_171 = vector.broadcast %eq3A_170 : i32 to vector<16xi32>
    %eq3A_172 = arith.cmpi eq, %iota3A, %eq3A_171 : vector<16xi32>
    %select_n3A_173 = arith.select %eq3A_172, %get3A_7, %broadcast_in_dim3A_6 : vector<16xi1>, vector<16xi32>
    %reduce_max3A_174 = arith.constant true
    %reduce_max3A_175 = vector.broadcast %reduce_max3A_174 : i1 to vector<16xi1>
    %reduce_max3A_176 = arith.constant -2147483648 : i32
    %reduce_max3A_177 = vector.broadcast %reduce_max3A_176 : i32 to vector<16xi32>
    %reduce_max3A_178 = arith.xori %select_n3A_173, %reduce_max3A_177 : vector<16xi32>
    %reduce_max3A_179 = tpu.scan <max>, %reduce_max3A_178 masked %reduce_max3A_175 : vector<16xi32>, vector<16xi1> -> vector<16xi32>
    %reduce_max3A_180 = arith.xori %reduce_max3A_179, %reduce_max3A_177 : vector<16xi32>
    %reduce_max3A_181 = vector.extract %reduce_max3A_180[15] : i32 from vector<16xi32>
    %and3A_182 = arith.constant -128 : i32
    %and3A_183 = arith.andi %reduce_max3A_181, %and3A_182 : i32
    %multiple_of3A_184 = tpu.assume_multiple %and3A_183, 128 : i32
    %dma_start3A_185 = arith.constant 6 : i32
    %dma_start3A_186 = arith.constant 0 : i32
    %dma_start3A_187 = arith.constant 0 : i32
    %dma_start3A_188 = tpu.memref_slice %arg6[%dma_start3A_185, %dma_start3A_186, %dma_start3A_187] : memref<16x32x128xf32, #tpu.memory_space<vmem>> -> memref<1x32x128xf32, #tpu.memory_space<vmem>>
    %dma_start3A_189 = tpu.memref_squeeze %dma_start3A_188 : memref<1x32x128xf32, #tpu.memory_space<vmem>> -> memref<32x128xf32, #tpu.memory_space<vmem>>
    %dma_start3A_190 = arith.constant 0 : i32
    %dma_start3A_191 = tpu.memref_slice %arg2[%dma_start3A_190, %multiple_of3A_184] : memref<32x1000000xf32, #tpu.memory_space<hbm>> -> memref<32x128xf32, #tpu.memory_space<hbm>>
    %dma_start3A_192 = arith.constant 0 : i32
    %dma_start3A_193 = arith.constant 0 : i32
    %dma_start3A_194 = tpu.memref_slice %arg6[%dma_start3A_185, %dma_start3A_192, %dma_start3A_193] : memref<16x32x128xf32, #tpu.memory_space<vmem>> -> memref<1x32x128xf32, #tpu.memory_space<vmem>>
    %dma_start3A_195 = tpu.memref_squeeze %dma_start3A_194 : memref<1x32x128xf32, #tpu.memory_space<vmem>> -> memref<32x128xf32, #tpu.memory_space<vmem>>
    %dma_start3A_196 = arith.constant 0 : i32
    %dma_start3A_197 = tpu.memref_slice %arg2[%dma_start3A_196, %multiple_of3A_184] : memref<32x1000000xf32, #tpu.memory_space<hbm>> -> memref<32x128xf32, #tpu.memory_space<hbm>>
    tpu.enqueue_dma source(%dma_start3A_197 : memref<32x128xf32, #tpu.memory_space<hbm>>) target(%dma_start3A_195 : memref<32x128xf32, #tpu.memory_space<vmem>>) target_semaphore(%arg8 : memref<!tpu.dma_semaphore, #tpu.memory_space<semaphore_mem>>)
    %eq3A_198 = arith.constant 7 : i32
    %eq3A_199 = vector.broadcast %eq3A_198 : i32 to vector<16xi32>
    %eq3A_200 = arith.cmpi eq, %iota3A, %eq3A_199 : vector<16xi32>
    %select_n3A_201 = arith.select %eq3A_200, %get3A_7, %broadcast_in_dim3A_6 : vector<16xi1>, vector<16xi32>
    %reduce_max3A_202 = arith.constant true
    %reduce_max3A_203 = vector.broadcast %reduce_max3A_202 : i1 to vector<16xi1>
    %reduce_max3A_204 = arith.constant -2147483648 : i32
    %reduce_max3A_205 = vector.broadcast %reduce_max3A_204 : i32 to vector<16xi32>
    %reduce_max3A_206 = arith.xori %select_n3A_201, %reduce_max3A_205 : vector<16xi32>
    %reduce_max3A_207 = tpu.scan <max>, %reduce_max3A_206 masked %reduce_max3A_203 : vector<16xi32>, vector<16xi1> -> vector<16xi32>
    %reduce_max3A_208 = arith.xori %reduce_max3A_207, %reduce_max3A_205 : vector<16xi32>
    %reduce_max3A_209 = vector.extract %reduce_max3A_208[15] : i32 from vector<16xi32>
    %and3A_210 = arith.constant -128 : i32
    %and3A_211 = arith.andi %reduce_max3A_209, %and3A_210 : i32
    %multiple_of3A_212 = tpu.assume_multiple %and3A_211, 128 : i32
    %dma_start3A_213 = arith.constant 7 : i32
    %dma_start3A_214 = arith.constant 0 : i32
    %dma_start3A_215 = arith.constant 0 : i32
    %dma_start3A_216 = tpu.memref_slice %arg6[%dma_start3A_213, %dma_start3A_214, %dma_start3A_215] : memref<16x32x128xf32, #tpu.memory_space<vmem>> -> memref<1x32x128xf32, #tpu.memory_space<vmem>>
    %dma_start3A_217 = tpu.memref_squeeze %dma_start3A_216 : memref<1x32x128xf32, #tpu.memory_space<vmem>> -> memref<32x128xf32, #tpu.memory_space<vmem>>
    %dma_start3A_218 = arith.constant 0 : i32
    %dma_start3A_219 = tpu.memref_slice %arg2[%dma_start3A_218, %multiple_of3A_212] : memref<32x1000000xf32, #tpu.memory_space<hbm>> -> memref<32x128xf32, #tpu.memory_space<hbm>>
    %dma_start3A_220 = arith.constant 0 : i32
    %dma_start3A_221 = arith.constant 0 : i32
    %dma_start3A_222 = tpu.memref_slice %arg6[%dma_start3A_213, %dma_start3A_220, %dma_start3A_221] : memref<16x32x128xf32, #tpu.memory_space<vmem>> -> memref<1x32x128xf32, #tpu.memory_space<vmem>>
    %dma_start3A_223 = tpu.memref_squeeze %dma_start3A_222 : memref<1x32x128xf32, #tpu.memory_space<vmem>> -> memref<32x128xf32, #tpu.memory_space<vmem>>
    %dma_start3A_224 = arith.constant 0 : i32
    %dma_start3A_225 = tpu.memref_slice %arg2[%dma_start3A_224, %multiple_of3A_212] : memref<32x1000000xf32, #tpu.memory_space<hbm>> -> memref<32x128xf32, #tpu.memory_space<hbm>>
    tpu.enqueue_dma source(%dma_start3A_225 : memref<32x128xf32, #tpu.memory_space<hbm>>) target(%dma_start3A_223 : memref<32x128xf32, #tpu.memory_space<vmem>>) target_semaphore(%arg8 : memref<!tpu.dma_semaphore, #tpu.memory_space<semaphore_mem>>)
    %eq3A_226 = arith.constant 8 : i32
    %eq3A_227 = vector.broadcast %eq3A_226 : i32 to vector<16xi32>
    %eq3A_228 = arith.cmpi eq, %iota3A, %eq3A_227 : vector<16xi32>
    %select_n3A_229 = arith.select %eq3A_228, %get3A_7, %broadcast_in_dim3A_6 : vector<16xi1>, vector<16xi32>
    %reduce_max3A_230 = arith.constant true
    %reduce_max3A_231 = vector.broadcast %reduce_max3A_230 : i1 to vector<16xi1>
    %reduce_max3A_232 = arith.constant -2147483648 : i32
    %reduce_max3A_233 = vector.broadcast %reduce_max3A_232 : i32 to vector<16xi32>
    %reduce_max3A_234 = arith.xori %select_n3A_229, %reduce_max3A_233 : vector<16xi32>
    %reduce_max3A_235 = tpu.scan <max>, %reduce_max3A_234 masked %reduce_max3A_231 : vector<16xi32>, vector<16xi1> -> vector<16xi32>
    %reduce_max3A_236 = arith.xori %reduce_max3A_235, %reduce_max3A_233 : vector<16xi32>
    %reduce_max3A_237 = vector.extract %reduce_max3A_236[15] : i32 from vector<16xi32>
    %and3A_238 = arith.constant -128 : i32
    %and3A_239 = arith.andi %reduce_max3A_237, %and3A_238 : i32
    %multiple_of3A_240 = tpu.assume_multiple %and3A_239, 128 : i32
    %dma_start3A_241 = arith.constant 8 : i32
    %dma_start3A_242 = arith.constant 0 : i32
    %dma_start3A_243 = arith.constant 0 : i32
    %dma_start3A_244 = tpu.memref_slice %arg6[%dma_start3A_241, %dma_start3A_242, %dma_start3A_243] : memref<16x32x128xf32, #tpu.memory_space<vmem>> -> memref<1x32x128xf32, #tpu.memory_space<vmem>>
    %dma_start3A_245 = tpu.memref_squeeze %dma_start3A_244 : memref<1x32x128xf32, #tpu.memory_space<vmem>> -> memref<32x128xf32, #tpu.memory_space<vmem>>
    %dma_start3A_246 = arith.constant 0 : i32
    %dma_start3A_247 = tpu.memref_slice %arg2[%dma_start3A_246, %multiple_of3A_240] : memref<32x1000000xf32, #tpu.memory_space<hbm>> -> memref<32x128xf32, #tpu.memory_space<hbm>>
    %dma_start3A_248 = arith.constant 0 : i32
    %dma_start3A_249 = arith.constant 0 : i32
    %dma_start3A_250 = tpu.memref_slice %arg6[%dma_start3A_241, %dma_start3A_248, %dma_start3A_249] : memref<16x32x128xf32, #tpu.memory_space<vmem>> -> memref<1x32x128xf32, #tpu.memory_space<vmem>>
    %dma_start3A_251 = tpu.memref_squeeze %dma_start3A_250 : memref<1x32x128xf32, #tpu.memory_space<vmem>> -> memref<32x128xf32, #tpu.memory_space<vmem>>
    %dma_start3A_252 = arith.constant 0 : i32
    %dma_start3A_253 = tpu.memref_slice %arg2[%dma_start3A_252, %multiple_of3A_240] : memref<32x1000000xf32, #tpu.memory_space<hbm>> -> memref<32x128xf32, #tpu.memory_space<hbm>>
    tpu.enqueue_dma source(%dma_start3A_253 : memref<32x128xf32, #tpu.memory_space<hbm>>) target(%dma_start3A_251 : memref<32x128xf32, #tpu.memory_space<vmem>>) target_semaphore(%arg8 : memref<!tpu.dma_semaphore, #tpu.memory_space<semaphore_mem>>)
    %eq3A_254 = arith.constant 9 : i32
    %eq3A_255 = vector.broadcast %eq3A_254 : i32 to vector<16xi32>
    %eq3A_256 = arith.cmpi eq, %iota3A, %eq3A_255 : vector<16xi32>
    %select_n3A_257 = arith.select %eq3A_256, %get3A_7, %broadcast_in_dim3A_6 : vector<16xi1>, vector<16xi32>
    %reduce_max3A_258 = arith.constant true
    %reduce_max3A_259 = vector.broadcast %reduce_max3A_258 : i1 to vector<16xi1>
    %reduce_max3A_260 = arith.constant -2147483648 : i32
    %reduce_max3A_261 = vector.broadcast %reduce_max3A_260 : i32 to vector<16xi32>
    %reduce_max3A_262 = arith.xori %select_n3A_257, %reduce_max3A_261 : vector<16xi32>
    %reduce_max3A_263 = tpu.scan <max>, %reduce_max3A_262 masked %reduce_max3A_259 : vector<16xi32>, vector<16xi1> -> vector<16xi32>
    %reduce_max3A_264 = arith.xori %reduce_max3A_263, %reduce_max3A_261 : vector<16xi32>
    %reduce_max3A_265 = vector.extract %reduce_max3A_264[15] : i32 from vector<16xi32>
    %and3A_266 = arith.constant -128 : i32
    %and3A_267 = arith.andi %reduce_max3A_265, %and3A_266 : i32
    %multiple_of3A_268 = tpu.assume_multiple %and3A_267, 128 : i32
    %dma_start3A_269 = arith.constant 9 : i32
    %dma_start3A_270 = arith.constant 0 : i32
    %dma_start3A_271 = arith.constant 0 : i32
    %dma_start3A_272 = tpu.memref_slice %arg6[%dma_start3A_269, %dma_start3A_270, %dma_start3A_271] : memref<16x32x128xf32, #tpu.memory_space<vmem>> -> memref<1x32x128xf32, #tpu.memory_space<vmem>>
    %dma_start3A_273 = tpu.memref_squeeze %dma_start3A_272 : memref<1x32x128xf32, #tpu.memory_space<vmem>> -> memref<32x128xf32, #tpu.memory_space<vmem>>
    %dma_start3A_274 = arith.constant 0 : i32
    %dma_start3A_275 = tpu.memref_slice %arg2[%dma_start3A_274, %multiple_of3A_268] : memref<32x1000000xf32, #tpu.memory_space<hbm>> -> memref<32x128xf32, #tpu.memory_space<hbm>>
    %dma_start3A_276 = arith.constant 0 : i32
    %dma_start3A_277 = arith.constant 0 : i32
    %dma_start3A_278 = tpu.memref_slice %arg6[%dma_start3A_269, %dma_start3A_276, %dma_start3A_277] : memref<16x32x128xf32, #tpu.memory_space<vmem>> -> memref<1x32x128xf32, #tpu.memory_space<vmem>>
    %dma_start3A_279 = tpu.memref_squeeze %dma_start3A_278 : memref<1x32x128xf32, #tpu.memory_space<vmem>> -> memref<32x128xf32, #tpu.memory_space<vmem>>
    %dma_start3A_280 = arith.constant 0 : i32
    %dma_start3A_281 = tpu.memref_slice %arg2[%dma_start3A_280, %multiple_of3A_268] : memref<32x1000000xf32, #tpu.memory_space<hbm>> -> memref<32x128xf32, #tpu.memory_space<hbm>>
    tpu.enqueue_dma source(%dma_start3A_281 : memref<32x128xf32, #tpu.memory_space<hbm>>) target(%dma_start3A_279 : memref<32x128xf32, #tpu.memory_space<vmem>>) target_semaphore(%arg8 : memref<!tpu.dma_semaphore, #tpu.memory_space<semaphore_mem>>)
    %eq3A_282 = arith.constant 10 : i32
    %eq3A_283 = vector.broadcast %eq3A_282 : i32 to vector<16xi32>
    %eq3A_284 = arith.cmpi eq, %iota3A, %eq3A_283 : vector<16xi32>
    %select_n3A_285 = arith.select %eq3A_284, %get3A_7, %broadcast_in_dim3A_6 : vector<16xi1>, vector<16xi32>
    %reduce_max3A_286 = arith.constant true
    %reduce_max3A_287 = vector.broadcast %reduce_max3A_286 : i1 to vector<16xi1>
    %reduce_max3A_288 = arith.constant -2147483648 : i32
    %reduce_max3A_289 = vector.broadcast %reduce_max3A_288 : i32 to vector<16xi32>
    %reduce_max3A_290 = arith.xori %select_n3A_285, %reduce_max3A_289 : vector<16xi32>
    %reduce_max3A_291 = tpu.scan <max>, %reduce_max3A_290 masked %reduce_max3A_287 : vector<16xi32>, vector<16xi1> -> vector<16xi32>
    %reduce_max3A_292 = arith.xori %reduce_max3A_291, %reduce_max3A_289 : vector<16xi32>
    %reduce_max3A_293 = vector.extract %reduce_max3A_292[15] : i32 from vector<16xi32>
    %and3A_294 = arith.constant -128 : i32
    %and3A_295 = arith.andi %reduce_max3A_293, %and3A_294 : i32
    %multiple_of3A_296 = tpu.assume_multiple %and3A_295, 128 : i32
    %dma_start3A_297 = arith.constant 10 : i32
    %dma_start3A_298 = arith.constant 0 : i32
    %dma_start3A_299 = arith.constant 0 : i32
    %dma_start3A_300 = tpu.memref_slice %arg6[%dma_start3A_297, %dma_start3A_298, %dma_start3A_299] : memref<16x32x128xf32, #tpu.memory_space<vmem>> -> memref<1x32x128xf32, #tpu.memory_space<vmem>>
    %dma_start3A_301 = tpu.memref_squeeze %dma_start3A_300 : memref<1x32x128xf32, #tpu.memory_space<vmem>> -> memref<32x128xf32, #tpu.memory_space<vmem>>
    %dma_start3A_302 = arith.constant 0 : i32
    %dma_start3A_303 = tpu.memref_slice %arg2[%dma_start3A_302, %multiple_of3A_296] : memref<32x1000000xf32, #tpu.memory_space<hbm>> -> memref<32x128xf32, #tpu.memory_space<hbm>>
    %dma_start3A_304 = arith.constant 0 : i32
    %dma_start3A_305 = arith.constant 0 : i32
    %dma_start3A_306 = tpu.memref_slice %arg6[%dma_start3A_297, %dma_start3A_304, %dma_start3A_305] : memref<16x32x128xf32, #tpu.memory_space<vmem>> -> memref<1x32x128xf32, #tpu.memory_space<vmem>>
    %dma_start3A_307 = tpu.memref_squeeze %dma_start3A_306 : memref<1x32x128xf32, #tpu.memory_space<vmem>> -> memref<32x128xf32, #tpu.memory_space<vmem>>
    %dma_start3A_308 = arith.constant 0 : i32
    %dma_start3A_309 = tpu.memref_slice %arg2[%dma_start3A_308, %multiple_of3A_296] : memref<32x1000000xf32, #tpu.memory_space<hbm>> -> memref<32x128xf32, #tpu.memory_space<hbm>>
    tpu.enqueue_dma source(%dma_start3A_309 : memref<32x128xf32, #tpu.memory_space<hbm>>) target(%dma_start3A_307 : memref<32x128xf32, #tpu.memory_space<vmem>>) target_semaphore(%arg8 : memref<!tpu.dma_semaphore, #tpu.memory_space<semaphore_mem>>)
    %eq3A_310 = arith.constant 11 : i32
    %eq3A_311 = vector.broadcast %eq3A_310 : i32 to vector<16xi32>
    %eq3A_312 = arith.cmpi eq, %iota3A, %eq3A_311 : vector<16xi32>
    %select_n3A_313 = arith.select %eq3A_312, %get3A_7, %broadcast_in_dim3A_6 : vector<16xi1>, vector<16xi32>
    %reduce_max3A_314 = arith.constant true
    %reduce_max3A_315 = vector.broadcast %reduce_max3A_314 : i1 to vector<16xi1>
    %reduce_max3A_316 = arith.constant -2147483648 : i32
    %reduce_max3A_317 = vector.broadcast %reduce_max3A_316 : i32 to vector<16xi32>
    %reduce_max3A_318 = arith.xori %select_n3A_313, %reduce_max3A_317 : vector<16xi32>
    %reduce_max3A_319 = tpu.scan <max>, %reduce_max3A_318 masked %reduce_max3A_315 : vector<16xi32>, vector<16xi1> -> vector<16xi32>
    %reduce_max3A_320 = arith.xori %reduce_max3A_319, %reduce_max3A_317 : vector<16xi32>
    %reduce_max3A_321 = vector.extract %reduce_max3A_320[15] : i32 from vector<16xi32>
    %and3A_322 = arith.constant -128 : i32
    %and3A_323 = arith.andi %reduce_max3A_321, %and3A_322 : i32
    %multiple_of3A_324 = tpu.assume_multiple %and3A_323, 128 : i32
    %dma_start3A_325 = arith.constant 11 : i32
    %dma_start3A_326 = arith.constant 0 : i32
    %dma_start3A_327 = arith.constant 0 : i32
    %dma_start3A_328 = tpu.memref_slice %arg6[%dma_start3A_325, %dma_start3A_326, %dma_start3A_327] : memref<16x32x128xf32, #tpu.memory_space<vmem>> -> memref<1x32x128xf32, #tpu.memory_space<vmem>>
    %dma_start3A_329 = tpu.memref_squeeze %dma_start3A_328 : memref<1x32x128xf32, #tpu.memory_space<vmem>> -> memref<32x128xf32, #tpu.memory_space<vmem>>
    %dma_start3A_330 = arith.constant 0 : i32
    %dma_start3A_331 = tpu.memref_slice %arg2[%dma_start3A_330, %multiple_of3A_324] : memref<32x1000000xf32, #tpu.memory_space<hbm>> -> memref<32x128xf32, #tpu.memory_space<hbm>>
    %dma_start3A_332 = arith.constant 0 : i32
    %dma_start3A_333 = arith.constant 0 : i32
    %dma_start3A_334 = tpu.memref_slice %arg6[%dma_start3A_325, %dma_start3A_332, %dma_start3A_333] : memref<16x32x128xf32, #tpu.memory_space<vmem>> -> memref<1x32x128xf32, #tpu.memory_space<vmem>>
    %dma_start3A_335 = tpu.memref_squeeze %dma_start3A_334 : memref<1x32x128xf32, #tpu.memory_space<vmem>> -> memref<32x128xf32, #tpu.memory_space<vmem>>
    %dma_start3A_336 = arith.constant 0 : i32
    %dma_start3A_337 = tpu.memref_slice %arg2[%dma_start3A_336, %multiple_of3A_324] : memref<32x1000000xf32, #tpu.memory_space<hbm>> -> memref<32x128xf32, #tpu.memory_space<hbm>>
    tpu.enqueue_dma source(%dma_start3A_337 : memref<32x128xf32, #tpu.memory_space<hbm>>) target(%dma_start3A_335 : memref<32x128xf32, #tpu.memory_space<vmem>>) target_semaphore(%arg8 : memref<!tpu.dma_semaphore, #tpu.memory_space<semaphore_mem>>)
    %eq3A_338 = arith.constant 12 : i32
    %eq3A_339 = vector.broadcast %eq3A_338 : i32 to vector<16xi32>
    %eq3A_340 = arith.cmpi eq, %iota3A, %eq3A_339 : vector<16xi32>
    %select_n3A_341 = arith.select %eq3A_340, %get3A_7, %broadcast_in_dim3A_6 : vector<16xi1>, vector<16xi32>
    %reduce_max3A_342 = arith.constant true
    %reduce_max3A_343 = vector.broadcast %reduce_max3A_342 : i1 to vector<16xi1>
    %reduce_max3A_344 = arith.constant -2147483648 : i32
    %reduce_max3A_345 = vector.broadcast %reduce_max3A_344 : i32 to vector<16xi32>
    %reduce_max3A_346 = arith.xori %select_n3A_341, %reduce_max3A_345 : vector<16xi32>
    %reduce_max3A_347 = tpu.scan <max>, %reduce_max3A_346 masked %reduce_max3A_343 : vector<16xi32>, vector<16xi1> -> vector<16xi32>
    %reduce_max3A_348 = arith.xori %reduce_max3A_347, %reduce_max3A_345 : vector<16xi32>
    %reduce_max3A_349 = vector.extract %reduce_max3A_348[15] : i32 from vector<16xi32>
    %and3A_350 = arith.constant -128 : i32
    %and3A_351 = arith.andi %reduce_max3A_349, %and3A_350 : i32
    %multiple_of3A_352 = tpu.assume_multiple %and3A_351, 128 : i32
    %dma_start3A_353 = arith.constant 12 : i32
    %dma_start3A_354 = arith.constant 0 : i32
    %dma_start3A_355 = arith.constant 0 : i32
    %dma_start3A_356 = tpu.memref_slice %arg6[%dma_start3A_353, %dma_start3A_354, %dma_start3A_355] : memref<16x32x128xf32, #tpu.memory_space<vmem>> -> memref<1x32x128xf32, #tpu.memory_space<vmem>>
    %dma_start3A_357 = tpu.memref_squeeze %dma_start3A_356 : memref<1x32x128xf32, #tpu.memory_space<vmem>> -> memref<32x128xf32, #tpu.memory_space<vmem>>
    %dma_start3A_358 = arith.constant 0 : i32
    %dma_start3A_359 = tpu.memref_slice %arg2[%dma_start3A_358, %multiple_of3A_352] : memref<32x1000000xf32, #tpu.memory_space<hbm>> -> memref<32x128xf32, #tpu.memory_space<hbm>>
    %dma_start3A_360 = arith.constant 0 : i32
    %dma_start3A_361 = arith.constant 0 : i32
    %dma_start3A_362 = tpu.memref_slice %arg6[%dma_start3A_353, %dma_start3A_360, %dma_start3A_361] : memref<16x32x128xf32, #tpu.memory_space<vmem>> -> memref<1x32x128xf32, #tpu.memory_space<vmem>>
    %dma_start3A_363 = tpu.memref_squeeze %dma_start3A_362 : memref<1x32x128xf32, #tpu.memory_space<vmem>> -> memref<32x128xf32, #tpu.memory_space<vmem>>
    %dma_start3A_364 = arith.constant 0 : i32
    %dma_start3A_365 = tpu.memref_slice %arg2[%dma_start3A_364, %multiple_of3A_352] : memref<32x1000000xf32, #tpu.memory_space<hbm>> -> memref<32x128xf32, #tpu.memory_space<hbm>>
    tpu.enqueue_dma source(%dma_start3A_365 : memref<32x128xf32, #tpu.memory_space<hbm>>) target(%dma_start3A_363 : memref<32x128xf32, #tpu.memory_space<vmem>>) target_semaphore(%arg8 : memref<!tpu.dma_semaphore, #tpu.memory_space<semaphore_mem>>)
    %eq3A_366 = arith.constant 13 : i32
    %eq3A_367 = vector.broadcast %eq3A_366 : i32 to vector<16xi32>
    %eq3A_368 = arith.cmpi eq, %iota3A, %eq3A_367 : vector<16xi32>
    %select_n3A_369 = arith.select %eq3A_368, %get3A_7, %broadcast_in_dim3A_6 : vector<16xi1>, vector<16xi32>
    %reduce_max3A_370 = arith.constant true
    %reduce_max3A_371 = vector.broadcast %reduce_max3A_370 : i1 to vector<16xi1>
    %reduce_max3A_372 = arith.constant -2147483648 : i32
    %reduce_max3A_373 = vector.broadcast %reduce_max3A_372 : i32 to vector<16xi32>
    %reduce_max3A_374 = arith.xori %select_n3A_369, %reduce_max3A_373 : vector<16xi32>
    %reduce_max3A_375 = tpu.scan <max>, %reduce_max3A_374 masked %reduce_max3A_371 : vector<16xi32>, vector<16xi1> -> vector<16xi32>
    %reduce_max3A_376 = arith.xori %reduce_max3A_375, %reduce_max3A_373 : vector<16xi32>
    %reduce_max3A_377 = vector.extract %reduce_max3A_376[15] : i32 from vector<16xi32>
    %and3A_378 = arith.constant -128 : i32
    %and3A_379 = arith.andi %reduce_max3A_377, %and3A_378 : i32
    %multiple_of3A_380 = tpu.assume_multiple %and3A_379, 128 : i32
    %dma_start3A_381 = arith.constant 13 : i32
    %dma_start3A_382 = arith.constant 0 : i32
    %dma_start3A_383 = arith.constant 0 : i32
    %dma_start3A_384 = tpu.memref_slice %arg6[%dma_start3A_381, %dma_start3A_382, %dma_start3A_383] : memref<16x32x128xf32, #tpu.memory_space<vmem>> -> memref<1x32x128xf32, #tpu.memory_space<vmem>>
    %dma_start3A_385 = tpu.memref_squeeze %dma_start3A_384 : memref<1x32x128xf32, #tpu.memory_space<vmem>> -> memref<32x128xf32, #tpu.memory_space<vmem>>
    %dma_start3A_386 = arith.constant 0 : i32
    %dma_start3A_387 = tpu.memref_slice %arg2[%dma_start3A_386, %multiple_of3A_380] : memref<32x1000000xf32, #tpu.memory_space<hbm>> -> memref<32x128xf32, #tpu.memory_space<hbm>>
    %dma_start3A_388 = arith.constant 0 : i32
    %dma_start3A_389 = arith.constant 0 : i32
    %dma_start3A_390 = tpu.memref_slice %arg6[%dma_start3A_381, %dma_start3A_388, %dma_start3A_389] : memref<16x32x128xf32, #tpu.memory_space<vmem>> -> memref<1x32x128xf32, #tpu.memory_space<vmem>>
    %dma_start3A_391 = tpu.memref_squeeze %dma_start3A_390 : memref<1x32x128xf32, #tpu.memory_space<vmem>> -> memref<32x128xf32, #tpu.memory_space<vmem>>
    %dma_start3A_392 = arith.constant 0 : i32
    %dma_start3A_393 = tpu.memref_slice %arg2[%dma_start3A_392, %multiple_of3A_380] : memref<32x1000000xf32, #tpu.memory_space<hbm>> -> memref<32x128xf32, #tpu.memory_space<hbm>>
    tpu.enqueue_dma source(%dma_start3A_393 : memref<32x128xf32, #tpu.memory_space<hbm>>) target(%dma_start3A_391 : memref<32x128xf32, #tpu.memory_space<vmem>>) target_semaphore(%arg8 : memref<!tpu.dma_semaphore, #tpu.memory_space<semaphore_mem>>)
    %eq3A_394 = arith.constant 14 : i32
    %eq3A_395 = vector.broadcast %eq3A_394 : i32 to vector<16xi32>
    %eq3A_396 = arith.cmpi eq, %iota3A, %eq3A_395 : vector<16xi32>
    %select_n3A_397 = arith.select %eq3A_396, %get3A_7, %broadcast_in_dim3A_6 : vector<16xi1>, vector<16xi32>
    %reduce_max3A_398 = arith.constant true
    %reduce_max3A_399 = vector.broadcast %reduce_max3A_398 : i1 to vector<16xi1>
    %reduce_max3A_400 = arith.constant -2147483648 : i32
    %reduce_max3A_401 = vector.broadcast %reduce_max3A_400 : i32 to vector<16xi32>
    %reduce_max3A_402 = arith.xori %select_n3A_397, %reduce_max3A_401 : vector<16xi32>
    %reduce_max3A_403 = tpu.scan <max>, %reduce_max3A_402 masked %reduce_max3A_399 : vector<16xi32>, vector<16xi1> -> vector<16xi32>
    %reduce_max3A_404 = arith.xori %reduce_max3A_403, %reduce_max3A_401 : vector<16xi32>
    %reduce_max3A_405 = vector.extract %reduce_max3A_404[15] : i32 from vector<16xi32>
    %and3A_406 = arith.constant -128 : i32
    %and3A_407 = arith.andi %reduce_max3A_405, %and3A_406 : i32
    %multiple_of3A_408 = tpu.assume_multiple %and3A_407, 128 : i32
    %dma_start3A_409 = arith.constant 14 : i32
    %dma_start3A_410 = arith.constant 0 : i32
    %dma_start3A_411 = arith.constant 0 : i32
    %dma_start3A_412 = tpu.memref_slice %arg6[%dma_start3A_409, %dma_start3A_410, %dma_start3A_411] : memref<16x32x128xf32, #tpu.memory_space<vmem>> -> memref<1x32x128xf32, #tpu.memory_space<vmem>>
    %dma_start3A_413 = tpu.memref_squeeze %dma_start3A_412 : memref<1x32x128xf32, #tpu.memory_space<vmem>> -> memref<32x128xf32, #tpu.memory_space<vmem>>
    %dma_start3A_414 = arith.constant 0 : i32
    %dma_start3A_415 = tpu.memref_slice %arg2[%dma_start3A_414, %multiple_of3A_408] : memref<32x1000000xf32, #tpu.memory_space<hbm>> -> memref<32x128xf32, #tpu.memory_space<hbm>>
    %dma_start3A_416 = arith.constant 0 : i32
    %dma_start3A_417 = arith.constant 0 : i32
    %dma_start3A_418 = tpu.memref_slice %arg6[%dma_start3A_409, %dma_start3A_416, %dma_start3A_417] : memref<16x32x128xf32, #tpu.memory_space<vmem>> -> memref<1x32x128xf32, #tpu.memory_space<vmem>>
    %dma_start3A_419 = tpu.memref_squeeze %dma_start3A_418 : memref<1x32x128xf32, #tpu.memory_space<vmem>> -> memref<32x128xf32, #tpu.memory_space<vmem>>
    %dma_start3A_420 = arith.constant 0 : i32
    %dma_start3A_421 = tpu.memref_slice %arg2[%dma_start3A_420, %multiple_of3A_408] : memref<32x1000000xf32, #tpu.memory_space<hbm>> -> memref<32x128xf32, #tpu.memory_space<hbm>>
    tpu.enqueue_dma source(%dma_start3A_421 : memref<32x128xf32, #tpu.memory_space<hbm>>) target(%dma_start3A_419 : memref<32x128xf32, #tpu.memory_space<vmem>>) target_semaphore(%arg8 : memref<!tpu.dma_semaphore, #tpu.memory_space<semaphore_mem>>)
    %eq3A_422 = arith.constant 15 : i32
    %eq3A_423 = vector.broadcast %eq3A_422 : i32 to vector<16xi32>
    %eq3A_424 = arith.cmpi eq, %iota3A, %eq3A_423 : vector<16xi32>
    %select_n3A_425 = arith.select %eq3A_424, %get3A_7, %broadcast_in_dim3A_6 : vector<16xi1>, vector<16xi32>
    %reduce_max3A_426 = arith.constant true
    %reduce_max3A_427 = vector.broadcast %reduce_max3A_426 : i1 to vector<16xi1>
    %reduce_max3A_428 = arith.constant -2147483648 : i32
    %reduce_max3A_429 = vector.broadcast %reduce_max3A_428 : i32 to vector<16xi32>
    %reduce_max3A_430 = arith.xori %select_n3A_425, %reduce_max3A_429 : vector<16xi32>
    %reduce_max3A_431 = tpu.scan <max>, %reduce_max3A_430 masked %reduce_max3A_427 : vector<16xi32>, vector<16xi1> -> vector<16xi32>
    %reduce_max3A_432 = arith.xori %reduce_max3A_431, %reduce_max3A_429 : vector<16xi32>
    %reduce_max3A_433 = vector.extract %reduce_max3A_432[15] : i32 from vector<16xi32>
    %and3A_434 = arith.constant -128 : i32
    %and3A_435 = arith.andi %reduce_max3A_433, %and3A_434 : i32
    %multiple_of3A_436 = tpu.assume_multiple %and3A_435, 128 : i32
    %dma_start3A_437 = arith.constant 15 : i32
    %dma_start3A_438 = arith.constant 0 : i32
    %dma_start3A_439 = arith.constant 0 : i32
    %dma_start3A_440 = tpu.memref_slice %arg6[%dma_start3A_437, %dma_start3A_438, %dma_start3A_439] : memref<16x32x128xf32, #tpu.memory_space<vmem>> -> memref<1x32x128xf32, #tpu.memory_space<vmem>>
    %dma_start3A_441 = tpu.memref_squeeze %dma_start3A_440 : memref<1x32x128xf32, #tpu.memory_space<vmem>> -> memref<32x128xf32, #tpu.memory_space<vmem>>
    %dma_start3A_442 = arith.constant 0 : i32
    %dma_start3A_443 = tpu.memref_slice %arg2[%dma_start3A_442, %multiple_of3A_436] : memref<32x1000000xf32, #tpu.memory_space<hbm>> -> memref<32x128xf32, #tpu.memory_space<hbm>>
    %dma_start3A_444 = arith.constant 0 : i32
    %dma_start3A_445 = arith.constant 0 : i32
    %dma_start3A_446 = tpu.memref_slice %arg6[%dma_start3A_437, %dma_start3A_444, %dma_start3A_445] : memref<16x32x128xf32, #tpu.memory_space<vmem>> -> memref<1x32x128xf32, #tpu.memory_space<vmem>>
    %dma_start3A_447 = tpu.memref_squeeze %dma_start3A_446 : memref<1x32x128xf32, #tpu.memory_space<vmem>> -> memref<32x128xf32, #tpu.memory_space<vmem>>
    %dma_start3A_448 = arith.constant 0 : i32
    %dma_start3A_449 = tpu.memref_slice %arg2[%dma_start3A_448, %multiple_of3A_436] : memref<32x1000000xf32, #tpu.memory_space<hbm>> -> memref<32x128xf32, #tpu.memory_space<hbm>>
    tpu.enqueue_dma source(%dma_start3A_449 : memref<32x128xf32, #tpu.memory_space<hbm>>) target(%dma_start3A_447 : memref<32x128xf32, #tpu.memory_space<vmem>>) target_semaphore(%arg8 : memref<!tpu.dma_semaphore, #tpu.memory_space<semaphore_mem>>)
    %scan3A = arith.constant 0 : i32
    %scan3A_450 = arith.constant 31 : i32
    %scan3A_451 = arith.addi %scan3A, %scan3A_450 : i32
    %scan3A_452 = arith.constant 1 : i32
    %scan3A_453 = scf.for %scan3A_1157 = %scan3A to %scan3A_451 step %scan3A_452 iter_args(%scan3A_1158 = %get3A_7) -> (vector<16xi32>)  : i32 {
      %add3A_1159 = arith.constant 1 : i32
      %add3A_1160 = arith.addi %scan3A_1157, %add3A_1159 : i32
      %mul3A_1161 = arith.constant 16 : i32
      %mul3A_1162 = arith.muli %add3A_1160, %mul3A_1161 : i32
      %get3A_1163 = arith.index_cast %mul3A_1162 : i32 to index
      %get3A_1164 = tpu.vector_load %arg5[%get3A_1163] {strides = array<i32>} : memref<512xi32, #tpu.memory_space<vmem>>, vector<16xi32>,
      %mul3A_1165 = arith.constant 16 : i32
      %mul3A_1166 = arith.muli %scan3A_1157, %mul3A_1165 : i32
      %add3A_1167 = arith.constant 0 : i32
      %add3A_1168 = arith.addi %mul3A_1166, %add3A_1167 : i32
      %dma_wait3A_1169 = arith.constant 0 : i32
      %dma_wait3A_1170 = arith.constant 0 : i32
      %dma_wait3A_1171 = arith.constant 0 : i32
      %dma_wait3A_1172 = tpu.memref_slice %arg6[%dma_wait3A_1169, %dma_wait3A_1170, %dma_wait3A_1171] : memref<16x32x128xf32, #tpu.memory_space<vmem>> -> memref<1x32x128xf32, #tpu.memory_space<vmem>>
      %dma_wait3A_1173 = tpu.memref_squeeze %dma_wait3A_1172 : memref<1x32x128xf32, #tpu.memory_space<vmem>> -> memref<32x128xf32, #tpu.memory_space<vmem>>
      %dma_wait3A_1174 = arith.constant 0 : i32
      %dma_wait3A_1175 = arith.constant 0 : i32
      %dma_wait3A_1176 = tpu.memref_slice %arg2[%dma_wait3A_1174, %dma_wait3A_1175] : memref<32x1000000xf32, #tpu.memory_space<hbm>> -> memref<32x128xf32, #tpu.memory_space<hbm>>
      %dma_wait3A_1177 = arith.constant 0 : i32
      %dma_wait3A_1178 = arith.constant 0 : i32
      %dma_wait3A_1179 = tpu.memref_slice %arg6[%dma_wait3A_1169, %dma_wait3A_1177, %dma_wait3A_1178] : memref<16x32x128xf32, #tpu.memory_space<vmem>> -> memref<1x32x128xf32, #tpu.memory_space<vmem>>
      %dma_wait3A_1180 = tpu.memref_squeeze %dma_wait3A_1179 : memref<1x32x128xf32, #tpu.memory_space<vmem>> -> memref<32x128xf32, #tpu.memory_space<vmem>>
      %dma_wait3A_1181 = arith.constant 0 : i32
      %dma_wait3A_1182 = arith.constant 0 : i32
      %dma_wait3A_1183 = tpu.memref_slice %arg2[%dma_wait3A_1181, %dma_wait3A_1182] : memref<32x1000000xf32, #tpu.memory_space<hbm>> -> memref<32x128xf32, #tpu.memory_space<hbm>>
      tpu.wait_dma2 semaphore(%arg8 : memref<!tpu.dma_semaphore, #tpu.memory_space<semaphore_mem>>) src(%dma_wait3A_1183 : memref<32x128xf32, #tpu.memory_space<hbm>>) dst(%dma_wait3A_1180 : memref<32x128xf32, #tpu.memory_space<vmem>>)
      %eq3A_1184 = arith.constant 0 : i32
      %eq3A_1185 = vector.broadcast %eq3A_1184 : i32 to vector<16xi32>
      %eq3A_1186 = arith.cmpi eq, %iota3A, %eq3A_1185 : vector<16xi32>
      %select_n3A_1187 = arith.select %eq3A_1186, %scan3A_1158, %broadcast_in_dim3A_6 : vector<16xi1>, vector<16xi32>
      %reduce_max3A_1188 = arith.constant true
      %reduce_max3A_1189 = vector.broadcast %reduce_max3A_1188 : i1 to vector<16xi1>
      %reduce_max3A_1190 = arith.constant -2147483648 : i32
      %reduce_max3A_1191 = vector.broadcast %reduce_max3A_1190 : i32 to vector<16xi32>
      %reduce_max3A_1192 = arith.xori %select_n3A_1187, %reduce_max3A_1191 : vector<16xi32>
      %reduce_max3A_1193 = tpu.scan <max>, %reduce_max3A_1192 masked %reduce_max3A_1189 : vector<16xi32>, vector<16xi1> -> vector<16xi32>
      %reduce_max3A_1194 = arith.xori %reduce_max3A_1193, %reduce_max3A_1191 : vector<16xi32>
      %reduce_max3A_1195 = vector.extract %reduce_max3A_1194[15] : i32 from vector<16xi32>
      %and3A_1196 = arith.constant 127 : i32
      %and3A_1197 = arith.andi %reduce_max3A_1195, %and3A_1196 : i32
      %broadcast_in_dim3A_1198 = vector.broadcast %and3A_1197 : i32 to vector<16xi32>
      %broadcast_in_dim3A_1199 = vector.broadcast %add3A_1168 : i32 to vector<16xi32>
      %gather3A_1200 = arith.constant 0 : i32
      %gather3A_1201 = arith.constant 0 : i32
      %gather3A_1202 = arith.constant 0 : i32
      %gather3A_1203 = tpu.memref_slice %arg6[%gather3A_1200, %gather3A_1201, %gather3A_1202] : memref<16x32x128xf32, #tpu.memory_space<vmem>> -> memref<1x32x128xf32, #tpu.memory_space<vmem>>
      %gather3A_1204 = tpu.memref_squeeze %gather3A_1203 : memref<1x32x128xf32, #tpu.memory_space<vmem>> -> memref<32x128xf32, #tpu.memory_space<vmem>>
      %gather3A_1205 = tpu.vector_load_idx %gather3A_1204[%iota3A, %broadcast_in_dim3A_1198] : memref<32x128xf32, #tpu.memory_space<vmem>>[vector<16xi32>, vector<16xi32>], vector<16xf32>,
      %gather3A_1206 = arith.constant 0 : i32
      %gather3A_1207 = arith.constant 0 : i32
      %gather3A_1208 = arith.constant 0 : i32
      %gather3A_1209 = tpu.memref_slice %arg6[%gather3A_1206, %gather3A_1207, %gather3A_1208] : memref<16x32x128xf32, #tpu.memory_space<vmem>> -> memref<1x32x128xf32, #tpu.memory_space<vmem>>
      %gather3A_1210 = tpu.memref_squeeze %gather3A_1209 : memref<1x32x128xf32, #tpu.memory_space<vmem>> -> memref<32x128xf32, #tpu.memory_space<vmem>>
      %gather3A_1211 = tpu.vector_load_idx %gather3A_1210[%add3A_5, %broadcast_in_dim3A_1198] : memref<32x128xf32, #tpu.memory_space<vmem>>[vector<16xi32>, vector<16xi32>], vector<16xf32>,
      tpu.vector_store_idx %arg7[%iota3A, %broadcast_in_dim3A_1199], %gather3A_1205 : memref<32x512xf32, #tpu.memory_space<vmem>>[vector<16xi32>, vector<16xi32>], vector<16xf32>,
      tpu.vector_store_idx %arg7[%add3A_5, %broadcast_in_dim3A_1199], %gather3A_1211 : memref<32x512xf32, #tpu.memory_space<vmem>>[vector<16xi32>, vector<16xi32>], vector<16xf32>,
      %eq3A_1212 = arith.constant 0 : i32
      %eq3A_1213 = vector.broadcast %eq3A_1212 : i32 to vector<16xi32>
      %eq3A_1214 = arith.cmpi eq, %iota3A, %eq3A_1213 : vector<16xi32>
      %select_n3A_1215 = arith.select %eq3A_1214, %get3A_1164, %broadcast_in_dim3A_6 : vector<16xi1>, vector<16xi32>
      %reduce_max3A_1216 = arith.constant true
      %reduce_max3A_1217 = vector.broadcast %reduce_max3A_1216 : i1 to vector<16xi1>
      %reduce_max3A_1218 = arith.constant -2147483648 : i32
      %reduce_max3A_1219 = vector.broadcast %reduce_max3A_1218 : i32 to vector<16xi32>
      %reduce_max3A_1220 = arith.xori %select_n3A_1215, %reduce_max3A_1219 : vector<16xi32>
      %reduce_max3A_1221 = tpu.scan <max>, %reduce_max3A_1220 masked %reduce_max3A_1217 : vector<16xi32>, vector<16xi1> -> vector<16xi32>
      %reduce_max3A_1222 = arith.xori %reduce_max3A_1221, %reduce_max3A_1219 : vector<16xi32>
      %reduce_max3A_1223 = vector.extract %reduce_max3A_1222[15] : i32 from vector<16xi32>
      %and3A_1224 = arith.constant -128 : i32
      %and3A_1225 = arith.andi %reduce_max3A_1223, %and3A_1224 : i32
      %multiple_of3A_1226 = tpu.assume_multiple %and3A_1225, 128 : i32
      %dma_start3A_1227 = arith.constant 0 : i32
      %dma_start3A_1228 = arith.constant 0 : i32
      %dma_start3A_1229 = arith.constant 0 : i32
      %dma_start3A_1230 = tpu.memref_slice %arg6[%dma_start3A_1227, %dma_start3A_1228, %dma_start3A_1229] : memref<16x32x128xf32, #tpu.memory_space<vmem>> -> memref<1x32x128xf32, #tpu.memory_space<vmem>>
      %dma_start3A_1231 = tpu.memref_squeeze %dma_start3A_1230 : memref<1x32x128xf32, #tpu.memory_space<vmem>> -> memref<32x128xf32, #tpu.memory_space<vmem>>
      %dma_start3A_1232 = arith.constant 0 : i32
      %dma_start3A_1233 = tpu.memref_slice %arg2[%dma_start3A_1232, %multiple_of3A_1226] : memref<32x1000000xf32, #tpu.memory_space<hbm>> -> memref<32x128xf32, #tpu.memory_space<hbm>>
      %dma_start3A_1234 = arith.constant 0 : i32
      %dma_start3A_1235 = arith.constant 0 : i32
      %dma_start3A_1236 = tpu.memref_slice %arg6[%dma_start3A_1227, %dma_start3A_1234, %dma_start3A_1235] : memref<16x32x128xf32, #tpu.memory_space<vmem>> -> memref<1x32x128xf32, #tpu.memory_space<vmem>>
      %dma_start3A_1237 = tpu.memref_squeeze %dma_start3A_1236 : memref<1x32x128xf32, #tpu.memory_space<vmem>> -> memref<32x128xf32, #tpu.memory_space<vmem>>
      %dma_start3A_1238 = arith.constant 0 : i32
      %dma_start3A_1239 = tpu.memref_slice %arg2[%dma_start3A_1238, %multiple_of3A_1226] : memref<32x1000000xf32, #tpu.memory_space<hbm>> -> memref<32x128xf32, #tpu.memory_space<hbm>>
      tpu.enqueue_dma source(%dma_start3A_1239 : memref<32x128xf32, #tpu.memory_space<hbm>>) target(%dma_start3A_1237 : memref<32x128xf32, #tpu.memory_space<vmem>>) target_semaphore(%arg8 : memref<!tpu.dma_semaphore, #tpu.memory_space<semaphore_mem>>)
      %mul3A_1240 = arith.constant 16 : i32
      %mul3A_1241 = arith.muli %scan3A_1157, %mul3A_1240 : i32
      %add3A_1242 = arith.constant 1 : i32
      %add3A_1243 = arith.addi %mul3A_1241, %add3A_1242 : i32
      %dma_wait3A_1244 = arith.constant 1 : i32
      %dma_wait3A_1245 = arith.constant 0 : i32
      %dma_wait3A_1246 = arith.constant 0 : i32
      %dma_wait3A_1247 = tpu.memref_slice %arg6[%dma_wait3A_1244, %dma_wait3A_1245, %dma_wait3A_1246] : memref<16x32x128xf32, #tpu.memory_space<vmem>> -> memref<1x32x128xf32, #tpu.memory_space<vmem>>
      %dma_wait3A_1248 = tpu.memref_squeeze %dma_wait3A_1247 : memref<1x32x128xf32, #tpu.memory_space<vmem>> -> memref<32x128xf32, #tpu.memory_space<vmem>>
      %dma_wait3A_1249 = arith.constant 0 : i32
      %dma_wait3A_1250 = arith.constant 0 : i32
      %dma_wait3A_1251 = tpu.memref_slice %arg2[%dma_wait3A_1249, %dma_wait3A_1250] : memref<32x1000000xf32, #tpu.memory_space<hbm>> -> memref<32x128xf32, #tpu.memory_space<hbm>>
      %dma_wait3A_1252 = arith.constant 0 : i32
      %dma_wait3A_1253 = arith.constant 0 : i32
      %dma_wait3A_1254 = tpu.memref_slice %arg6[%dma_wait3A_1244, %dma_wait3A_1252, %dma_wait3A_1253] : memref<16x32x128xf32, #tpu.memory_space<vmem>> -> memref<1x32x128xf32, #tpu.memory_space<vmem>>
      %dma_wait3A_1255 = tpu.memref_squeeze %dma_wait3A_1254 : memref<1x32x128xf32, #tpu.memory_space<vmem>> -> memref<32x128xf32, #tpu.memory_space<vmem>>
      %dma_wait3A_1256 = arith.constant 0 : i32
      %dma_wait3A_1257 = arith.constant 0 : i32
      %dma_wait3A_1258 = tpu.memref_slice %arg2[%dma_wait3A_1256, %dma_wait3A_1257] : memref<32x1000000xf32, #tpu.memory_space<hbm>> -> memref<32x128xf32, #tpu.memory_space<hbm>>
      tpu.wait_dma2 semaphore(%arg8 : memref<!tpu.dma_semaphore, #tpu.memory_space<semaphore_mem>>) src(%dma_wait3A_1258 : memref<32x128xf32, #tpu.memory_space<hbm>>) dst(%dma_wait3A_1255 : memref<32x128xf32, #tpu.memory_space<vmem>>)
      %eq3A_1259 = arith.constant 1 : i32
      %eq3A_1260 = vector.broadcast %eq3A_1259 : i32 to vector<16xi32>
      %eq3A_1261 = arith.cmpi eq, %iota3A, %eq3A_1260 : vector<16xi32>
      %select_n3A_1262 = arith.select %eq3A_1261, %scan3A_1158, %broadcast_in_dim3A_6 : vector<16xi1>, vector<16xi32>
      %reduce_max3A_1263 = arith.constant true
      %reduce_max3A_1264 = vector.broadcast %reduce_max3A_1263 : i1 to vector<16xi1>
      %reduce_max3A_1265 = arith.constant -2147483648 : i32
      %reduce_max3A_1266 = vector.broadcast %reduce_max3A_1265 : i32 to vector<16xi32>
      %reduce_max3A_1267 = arith.xori %select_n3A_1262, %reduce_max3A_1266 : vector<16xi32>
      %reduce_max3A_1268 = tpu.scan <max>, %reduce_max3A_1267 masked %reduce_max3A_1264 : vector<16xi32>, vector<16xi1> -> vector<16xi32>
      %reduce_max3A_1269 = arith.xori %reduce_max3A_1268, %reduce_max3A_1266 : vector<16xi32>
      %reduce_max3A_1270 = vector.extract %reduce_max3A_1269[15] : i32 from vector<16xi32>
      %and3A_1271 = arith.constant 127 : i32
      %and3A_1272 = arith.andi %reduce_max3A_1270, %and3A_1271 : i32
      %broadcast_in_dim3A_1273 = vector.broadcast %and3A_1272 : i32 to vector<16xi32>
      %broadcast_in_dim3A_1274 = vector.broadcast %add3A_1243 : i32 to vector<16xi32>
      %gather3A_1275 = arith.constant 1 : i32
      %gather3A_1276 = arith.constant 0 : i32
      %gather3A_1277 = arith.constant 0 : i32
      %gather3A_1278 = tpu.memref_slice %arg6[%gather3A_1275, %gather3A_1276, %gather3A_1277] : memref<16x32x128xf32, #tpu.memory_space<vmem>> -> memref<1x32x128xf32, #tpu.memory_space<vmem>>
      %gather3A_1279 = tpu.memref_squeeze %gather3A_1278 : memref<1x32x128xf32, #tpu.memory_space<vmem>> -> memref<32x128xf32, #tpu.memory_space<vmem>>
      %gather3A_1280 = tpu.vector_load_idx %gather3A_1279[%iota3A, %broadcast_in_dim3A_1273] : memref<32x128xf32, #tpu.memory_space<vmem>>[vector<16xi32>, vector<16xi32>], vector<16xf32>,
      %gather3A_1281 = arith.constant 1 : i32
      %gather3A_1282 = arith.constant 0 : i32
      %gather3A_1283 = arith.constant 0 : i32
      %gather3A_1284 = tpu.memref_slice %arg6[%gather3A_1281, %gather3A_1282, %gather3A_1283] : memref<16x32x128xf32, #tpu.memory_space<vmem>> -> memref<1x32x128xf32, #tpu.memory_space<vmem>>
      %gather3A_1285 = tpu.memref_squeeze %gather3A_1284 : memref<1x32x128xf32, #tpu.memory_space<vmem>> -> memref<32x128xf32, #tpu.memory_space<vmem>>
      %gather3A_1286 = tpu.vector_load_idx %gather3A_1285[%add3A_5, %broadcast_in_dim3A_1273] : memref<32x128xf32, #tpu.memory_space<vmem>>[vector<16xi32>, vector<16xi32>], vector<16xf32>,
      tpu.vector_store_idx %arg7[%iota3A, %broadcast_in_dim3A_1274], %gather3A_1280 : memref<32x512xf32, #tpu.memory_space<vmem>>[vector<16xi32>, vector<16xi32>], vector<16xf32>,
      tpu.vector_store_idx %arg7[%add3A_5, %broadcast_in_dim3A_1274], %gather3A_1286 : memref<32x512xf32, #tpu.memory_space<vmem>>[vector<16xi32>, vector<16xi32>], vector<16xf32>,
      %eq3A_1287 = arith.constant 1 : i32
      %eq3A_1288 = vector.broadcast %eq3A_1287 : i32 to vector<16xi32>
      %eq3A_1289 = arith.cmpi eq, %iota3A, %eq3A_1288 : vector<16xi32>
      %select_n3A_1290 = arith.select %eq3A_1289, %get3A_1164, %broadcast_in_dim3A_6 : vector<16xi1>, vector<16xi32>
      %reduce_max3A_1291 = arith.constant true
      %reduce_max3A_1292 = vector.broadcast %reduce_max3A_1291 : i1 to vector<16xi1>
      %reduce_max3A_1293 = arith.constant -2147483648 : i32
      %reduce_max3A_1294 = vector.broadcast %reduce_max3A_1293 : i32 to vector<16xi32>
      %reduce_max3A_1295 = arith.xori %select_n3A_1290, %reduce_max3A_1294 : vector<16xi32>
      %reduce_max3A_1296 = tpu.scan <max>, %reduce_max3A_1295 masked %reduce_max3A_1292 : vector<16xi32>, vector<16xi1> -> vector<16xi32>
      %reduce_max3A_1297 = arith.xori %reduce_max3A_1296, %reduce_max3A_1294 : vector<16xi32>
      %reduce_max3A_1298 = vector.extract %reduce_max3A_1297[15] : i32 from vector<16xi32>
      %and3A_1299 = arith.constant -128 : i32
      %and3A_1300 = arith.andi %reduce_max3A_1298, %and3A_1299 : i32
      %multiple_of3A_1301 = tpu.assume_multiple %and3A_1300, 128 : i32
      %dma_start3A_1302 = arith.constant 1 : i32
      %dma_start3A_1303 = arith.constant 0 : i32
      %dma_start3A_1304 = arith.constant 0 : i32
      %dma_start3A_1305 = tpu.memref_slice %arg6[%dma_start3A_1302, %dma_start3A_1303, %dma_start3A_1304] : memref<16x32x128xf32, #tpu.memory_space<vmem>> -> memref<1x32x128xf32, #tpu.memory_space<vmem>>
      %dma_start3A_1306 = tpu.memref_squeeze %dma_start3A_1305 : memref<1x32x128xf32, #tpu.memory_space<vmem>> -> memref<32x128xf32, #tpu.memory_space<vmem>>
      %dma_start3A_1307 = arith.constant 0 : i32
      %dma_start3A_1308 = tpu.memref_slice %arg2[%dma_start3A_1307, %multiple_of3A_1301] : memref<32x1000000xf32, #tpu.memory_space<hbm>> -> memref<32x128xf32, #tpu.memory_space<hbm>>
      %dma_start3A_1309 = arith.constant 0 : i32
      %dma_start3A_1310 = arith.constant 0 : i32
      %dma_start3A_1311 = tpu.memref_slice %arg6[%dma_start3A_1302, %dma_start3A_1309, %dma_start3A_1310] : memref<16x32x128xf32, #tpu.memory_space<vmem>> -> memref<1x32x128xf32, #tpu.memory_space<vmem>>
      %dma_start3A_1312 = tpu.memref_squeeze %dma_start3A_1311 : memref<1x32x128xf32, #tpu.memory_space<vmem>> -> memref<32x128xf32, #tpu.memory_space<vmem>>
      %dma_start3A_1313 = arith.constant 0 : i32
      %dma_start3A_1314 = tpu.memref_slice %arg2[%dma_start3A_1313, %multiple_of3A_1301] : memref<32x1000000xf32, #tpu.memory_space<hbm>> -> memref<32x128xf32, #tpu.memory_space<hbm>>
      tpu.enqueue_dma source(%dma_start3A_1314 : memref<32x128xf32, #tpu.memory_space<hbm>>) target(%dma_start3A_1312 : memref<32x128xf32, #tpu.memory_space<vmem>>) target_semaphore(%arg8 : memref<!tpu.dma_semaphore, #tpu.memory_space<semaphore_mem>>)
      %mul3A_1315 = arith.constant 16 : i32
      %mul3A_1316 = arith.muli %scan3A_1157, %mul3A_1315 : i32
      %add3A_1317 = arith.constant 2 : i32
      %add3A_1318 = arith.addi %mul3A_1316, %add3A_1317 : i32
      %dma_wait3A_1319 = arith.constant 2 : i32
      %dma_wait3A_1320 = arith.constant 0 : i32
      %dma_wait3A_1321 = arith.constant 0 : i32
      %dma_wait3A_1322 = tpu.memref_slice %arg6[%dma_wait3A_1319, %dma_wait3A_1320, %dma_wait3A_1321] : memref<16x32x128xf32, #tpu.memory_space<vmem>> -> memref<1x32x128xf32, #tpu.memory_space<vmem>>
      %dma_wait3A_1323 = tpu.memref_squeeze %dma_wait3A_1322 : memref<1x32x128xf32, #tpu.memory_space<vmem>> -> memref<32x128xf32, #tpu.memory_space<vmem>>
      %dma_wait3A_1324 = arith.constant 0 : i32
      %dma_wait3A_1325 = arith.constant 0 : i32
      %dma_wait3A_1326 = tpu.memref_slice %arg2[%dma_wait3A_1324, %dma_wait3A_1325] : memref<32x1000000xf32, #tpu.memory_space<hbm>> -> memref<32x128xf32, #tpu.memory_space<hbm>>
      %dma_wait3A_1327 = arith.constant 0 : i32
      %dma_wait3A_1328 = arith.constant 0 : i32
      %dma_wait3A_1329 = tpu.memref_slice %arg6[%dma_wait3A_1319, %dma_wait3A_1327, %dma_wait3A_1328] : memref<16x32x128xf32, #tpu.memory_space<vmem>> -> memref<1x32x128xf32, #tpu.memory_space<vmem>>
      %dma_wait3A_1330 = tpu.memref_squeeze %dma_wait3A_1329 : memref<1x32x128xf32, #tpu.memory_space<vmem>> -> memref<32x128xf32, #tpu.memory_space<vmem>>
      %dma_wait3A_1331 = arith.constant 0 : i32
      %dma_wait3A_1332 = arith.constant 0 : i32
      %dma_wait3A_1333 = tpu.memref_slice %arg2[%dma_wait3A_1331, %dma_wait3A_1332] : memref<32x1000000xf32, #tpu.memory_space<hbm>> -> memref<32x128xf32, #tpu.memory_space<hbm>>
      tpu.wait_dma2 semaphore(%arg8 : memref<!tpu.dma_semaphore, #tpu.memory_space<semaphore_mem>>) src(%dma_wait3A_1333 : memref<32x128xf32, #tpu.memory_space<hbm>>) dst(%dma_wait3A_1330 : memref<32x128xf32, #tpu.memory_space<vmem>>)
      %eq3A_1334 = arith.constant 2 : i32
      %eq3A_1335 = vector.broadcast %eq3A_1334 : i32 to vector<16xi32>
      %eq3A_1336 = arith.cmpi eq, %iota3A, %eq3A_1335 : vector<16xi32>
      %select_n3A_1337 = arith.select %eq3A_1336, %scan3A_1158, %broadcast_in_dim3A_6 : vector<16xi1>, vector<16xi32>
      %reduce_max3A_1338 = arith.constant true
      %reduce_max3A_1339 = vector.broadcast %reduce_max3A_1338 : i1 to vector<16xi1>
      %reduce_max3A_1340 = arith.constant -2147483648 : i32
      %reduce_max3A_1341 = vector.broadcast %reduce_max3A_1340 : i32 to vector<16xi32>
      %reduce_max3A_1342 = arith.xori %select_n3A_1337, %reduce_max3A_1341 : vector<16xi32>
      %reduce_max3A_1343 = tpu.scan <max>, %reduce_max3A_1342 masked %reduce_max3A_1339 : vector<16xi32>, vector<16xi1> -> vector<16xi32>
      %reduce_max3A_1344 = arith.xori %reduce_max3A_1343, %reduce_max3A_1341 : vector<16xi32>
      %reduce_max3A_1345 = vector.extract %reduce_max3A_1344[15] : i32 from vector<16xi32>
      %and3A_1346 = arith.constant 127 : i32
      %and3A_1347 = arith.andi %reduce_max3A_1345, %and3A_1346 : i32
      %broadcast_in_dim3A_1348 = vector.broadcast %and3A_1347 : i32 to vector<16xi32>
      %broadcast_in_dim3A_1349 = vector.broadcast %add3A_1318 : i32 to vector<16xi32>
      %gather3A_1350 = arith.constant 2 : i32
      %gather3A_1351 = arith.constant 0 : i32
      %gather3A_1352 = arith.constant 0 : i32
      %gather3A_1353 = tpu.memref_slice %arg6[%gather3A_1350, %gather3A_1351, %gather3A_1352] : memref<16x32x128xf32, #tpu.memory_space<vmem>> -> memref<1x32x128xf32, #tpu.memory_space<vmem>>
      %gather3A_1354 = tpu.memref_squeeze %gather3A_1353 : memref<1x32x128xf32, #tpu.memory_space<vmem>> -> memref<32x128xf32, #tpu.memory_space<vmem>>
      %gather3A_1355 = tpu.vector_load_idx %gather3A_1354[%iota3A, %broadcast_in_dim3A_1348] : memref<32x128xf32, #tpu.memory_space<vmem>>[vector<16xi32>, vector<16xi32>], vector<16xf32>,
      %gather3A_1356 = arith.constant 2 : i32
      %gather3A_1357 = arith.constant 0 : i32
      %gather3A_1358 = arith.constant 0 : i32
      %gather3A_1359 = tpu.memref_slice %arg6[%gather3A_1356, %gather3A_1357, %gather3A_1358] : memref<16x32x128xf32, #tpu.memory_space<vmem>> -> memref<1x32x128xf32, #tpu.memory_space<vmem>>
      %gather3A_1360 = tpu.memref_squeeze %gather3A_1359 : memref<1x32x128xf32, #tpu.memory_space<vmem>> -> memref<32x128xf32, #tpu.memory_space<vmem>>
      %gather3A_1361 = tpu.vector_load_idx %gather3A_1360[%add3A_5, %broadcast_in_dim3A_1348] : memref<32x128xf32, #tpu.memory_space<vmem>>[vector<16xi32>, vector<16xi32>], vector<16xf32>,
      tpu.vector_store_idx %arg7[%iota3A, %broadcast_in_dim3A_1349], %gather3A_1355 : memref<32x512xf32, #tpu.memory_space<vmem>>[vector<16xi32>, vector<16xi32>], vector<16xf32>,
      tpu.vector_store_idx %arg7[%add3A_5, %broadcast_in_dim3A_1349], %gather3A_1361 : memref<32x512xf32, #tpu.memory_space<vmem>>[vector<16xi32>, vector<16xi32>], vector<16xf32>,
      %eq3A_1362 = arith.constant 2 : i32
      %eq3A_1363 = vector.broadcast %eq3A_1362 : i32 to vector<16xi32>
      %eq3A_1364 = arith.cmpi eq, %iota3A, %eq3A_1363 : vector<16xi32>
      %select_n3A_1365 = arith.select %eq3A_1364, %get3A_1164, %broadcast_in_dim3A_6 : vector<16xi1>, vector<16xi32>
      %reduce_max3A_1366 = arith.constant true
      %reduce_max3A_1367 = vector.broadcast %reduce_max3A_1366 : i1 to vector<16xi1>
      %reduce_max3A_1368 = arith.constant -2147483648 : i32
      %reduce_max3A_1369 = vector.broadcast %reduce_max3A_1368 : i32 to vector<16xi32>
      %reduce_max3A_1370 = arith.xori %select_n3A_1365, %reduce_max3A_1369 : vector<16xi32>
      %reduce_max3A_1371 = tpu.scan <max>, %reduce_max3A_1370 masked %reduce_max3A_1367 : vector<16xi32>, vector<16xi1> -> vector<16xi32>
      %reduce_max3A_1372 = arith.xori %reduce_max3A_1371, %reduce_max3A_1369 : vector<16xi32>
      %reduce_max3A_1373 = vector.extract %reduce_max3A_1372[15] : i32 from vector<16xi32>
      %and3A_1374 = arith.constant -128 : i32
      %and3A_1375 = arith.andi %reduce_max3A_1373, %and3A_1374 : i32
      %multiple_of3A_1376 = tpu.assume_multiple %and3A_1375, 128 : i32
      %dma_start3A_1377 = arith.constant 2 : i32
      %dma_start3A_1378 = arith.constant 0 : i32
      %dma_start3A_1379 = arith.constant 0 : i32
      %dma_start3A_1380 = tpu.memref_slice %arg6[%dma_start3A_1377, %dma_start3A_1378, %dma_start3A_1379] : memref<16x32x128xf32, #tpu.memory_space<vmem>> -> memref<1x32x128xf32, #tpu.memory_space<vmem>>
      %dma_start3A_1381 = tpu.memref_squeeze %dma_start3A_1380 : memref<1x32x128xf32, #tpu.memory_space<vmem>> -> memref<32x128xf32, #tpu.memory_space<vmem>>
      %dma_start3A_1382 = arith.constant 0 : i32
      %dma_start3A_1383 = tpu.memref_slice %arg2[%dma_start3A_1382, %multiple_of3A_1376] : memref<32x1000000xf32, #tpu.memory_space<hbm>> -> memref<32x128xf32, #tpu.memory_space<hbm>>
      %dma_start3A_1384 = arith.constant 0 : i32
      %dma_start3A_1385 = arith.constant 0 : i32
      %dma_start3A_1386 = tpu.memref_slice %arg6[%dma_start3A_1377, %dma_start3A_1384, %dma_start3A_1385] : memref<16x32x128xf32, #tpu.memory_space<vmem>> -> memref<1x32x128xf32, #tpu.memory_space<vmem>>
      %dma_start3A_1387 = tpu.memref_squeeze %dma_start3A_1386 : memref<1x32x128xf32, #tpu.memory_space<vmem>> -> memref<32x128xf32, #tpu.memory_space<vmem>>
      %dma_start3A_1388 = arith.constant 0 : i32
      %dma_start3A_1389 = tpu.memref_slice %arg2[%dma_start3A_1388, %multiple_of3A_1376] : memref<32x1000000xf32, #tpu.memory_space<hbm>> -> memref<32x128xf32, #tpu.memory_space<hbm>>
      tpu.enqueue_dma source(%dma_start3A_1389 : memref<32x128xf32, #tpu.memory_space<hbm>>) target(%dma_start3A_1387 : memref<32x128xf32, #tpu.memory_space<vmem>>) target_semaphore(%arg8 : memref<!tpu.dma_semaphore, #tpu.memory_space<semaphore_mem>>)
      %mul3A_1390 = arith.constant 16 : i32
      %mul3A_1391 = arith.muli %scan3A_1157, %mul3A_1390 : i32
      %add3A_1392 = arith.constant 3 : i32
      %add3A_1393 = arith.addi %mul3A_1391, %add3A_1392 : i32
      %dma_wait3A_1394 = arith.constant 3 : i32
      %dma_wait3A_1395 = arith.constant 0 : i32
      %dma_wait3A_1396 = arith.constant 0 : i32
      %dma_wait3A_1397 = tpu.memref_slice %arg6[%dma_wait3A_1394, %dma_wait3A_1395, %dma_wait3A_1396] : memref<16x32x128xf32, #tpu.memory_space<vmem>> -> memref<1x32x128xf32, #tpu.memory_space<vmem>>
      %dma_wait3A_1398 = tpu.memref_squeeze %dma_wait3A_1397 : memref<1x32x128xf32, #tpu.memory_space<vmem>> -> memref<32x128xf32, #tpu.memory_space<vmem>>
      %dma_wait3A_1399 = arith.constant 0 : i32
      %dma_wait3A_1400 = arith.constant 0 : i32
      %dma_wait3A_1401 = tpu.memref_slice %arg2[%dma_wait3A_1399, %dma_wait3A_1400] : memref<32x1000000xf32, #tpu.memory_space<hbm>> -> memref<32x128xf32, #tpu.memory_space<hbm>>
      %dma_wait3A_1402 = arith.constant 0 : i32
      %dma_wait3A_1403 = arith.constant 0 : i32
      %dma_wait3A_1404 = tpu.memref_slice %arg6[%dma_wait3A_1394, %dma_wait3A_1402, %dma_wait3A_1403] : memref<16x32x128xf32, #tpu.memory_space<vmem>> -> memref<1x32x128xf32, #tpu.memory_space<vmem>>
      %dma_wait3A_1405 = tpu.memref_squeeze %dma_wait3A_1404 : memref<1x32x128xf32, #tpu.memory_space<vmem>> -> memref<32x128xf32, #tpu.memory_space<vmem>>
      %dma_wait3A_1406 = arith.constant 0 : i32
      %dma_wait3A_1407 = arith.constant 0 : i32
      %dma_wait3A_1408 = tpu.memref_slice %arg2[%dma_wait3A_1406, %dma_wait3A_1407] : memref<32x1000000xf32, #tpu.memory_space<hbm>> -> memref<32x128xf32, #tpu.memory_space<hbm>>
      tpu.wait_dma2 semaphore(%arg8 : memref<!tpu.dma_semaphore, #tpu.memory_space<semaphore_mem>>) src(%dma_wait3A_1408 : memref<32x128xf32, #tpu.memory_space<hbm>>) dst(%dma_wait3A_1405 : memref<32x128xf32, #tpu.memory_space<vmem>>)
      %eq3A_1409 = arith.constant 3 : i32
      %eq3A_1410 = vector.broadcast %eq3A_1409 : i32 to vector<16xi32>
      %eq3A_1411 = arith.cmpi eq, %iota3A, %eq3A_1410 : vector<16xi32>
      %select_n3A_1412 = arith.select %eq3A_1411, %scan3A_1158, %broadcast_in_dim3A_6 : vector<16xi1>, vector<16xi32>
      %reduce_max3A_1413 = arith.constant true
      %reduce_max3A_1414 = vector.broadcast %reduce_max3A_1413 : i1 to vector<16xi1>
      %reduce_max3A_1415 = arith.constant -2147483648 : i32
      %reduce_max3A_1416 = vector.broadcast %reduce_max3A_1415 : i32 to vector<16xi32>
      %reduce_max3A_1417 = arith.xori %select_n3A_1412, %reduce_max3A_1416 : vector<16xi32>
      %reduce_max3A_1418 = tpu.scan <max>, %reduce_max3A_1417 masked %reduce_max3A_1414 : vector<16xi32>, vector<16xi1> -> vector<16xi32>
      %reduce_max3A_1419 = arith.xori %reduce_max3A_1418, %reduce_max3A_1416 : vector<16xi32>
      %reduce_max3A_1420 = vector.extract %reduce_max3A_1419[15] : i32 from vector<16xi32>
      %and3A_1421 = arith.constant 127 : i32
      %and3A_1422 = arith.andi %reduce_max3A_1420, %and3A_1421 : i32
      %broadcast_in_dim3A_1423 = vector.broadcast %and3A_1422 : i32 to vector<16xi32>
      %broadcast_in_dim3A_1424 = vector.broadcast %add3A_1393 : i32 to vector<16xi32>
      %gather3A_1425 = arith.constant 3 : i32
      %gather3A_1426 = arith.constant 0 : i32
      %gather3A_1427 = arith.constant 0 : i32
      %gather3A_1428 = tpu.memref_slice %arg6[%gather3A_1425, %gather3A_1426, %gather3A_1427] : memref<16x32x128xf32, #tpu.memory_space<vmem>> -> memref<1x32x128xf32, #tpu.memory_space<vmem>>
      %gather3A_1429 = tpu.memref_squeeze %gather3A_1428 : memref<1x32x128xf32, #tpu.memory_space<vmem>> -> memref<32x128xf32, #tpu.memory_space<vmem>>
      %gather3A_1430 = tpu.vector_load_idx %gather3A_1429[%iota3A, %broadcast_in_dim3A_1423] : memref<32x128xf32, #tpu.memory_space<vmem>>[vector<16xi32>, vector<16xi32>], vector<16xf32>,
      %gather3A_1431 = arith.constant 3 : i32
      %gather3A_1432 = arith.constant 0 : i32
      %gather3A_1433 = arith.constant 0 : i32
      %gather3A_1434 = tpu.memref_slice %arg6[%gather3A_1431, %gather3A_1432, %gather3A_1433] : memref<16x32x128xf32, #tpu.memory_space<vmem>> -> memref<1x32x128xf32, #tpu.memory_space<vmem>>
      %gather3A_1435 = tpu.memref_squeeze %gather3A_1434 : memref<1x32x128xf32, #tpu.memory_space<vmem>> -> memref<32x128xf32, #tpu.memory_space<vmem>>
      %gather3A_1436 = tpu.vector_load_idx %gather3A_1435[%add3A_5, %broadcast_in_dim3A_1423] : memref<32x128xf32, #tpu.memory_space<vmem>>[vector<16xi32>, vector<16xi32>], vector<16xf32>,
      tpu.vector_store_idx %arg7[%iota3A, %broadcast_in_dim3A_1424], %gather3A_1430 : memref<32x512xf32, #tpu.memory_space<vmem>>[vector<16xi32>, vector<16xi32>], vector<16xf32>,
      tpu.vector_store_idx %arg7[%add3A_5, %broadcast_in_dim3A_1424], %gather3A_1436 : memref<32x512xf32, #tpu.memory_space<vmem>>[vector<16xi32>, vector<16xi32>], vector<16xf32>,
      %eq3A_1437 = arith.constant 3 : i32
      %eq3A_1438 = vector.broadcast %eq3A_1437 : i32 to vector<16xi32>
      %eq3A_1439 = arith.cmpi eq, %iota3A, %eq3A_1438 : vector<16xi32>
      %select_n3A_1440 = arith.select %eq3A_1439, %get3A_1164, %broadcast_in_dim3A_6 : vector<16xi1>, vector<16xi32>
      %reduce_max3A_1441 = arith.constant true
      %reduce_max3A_1442 = vector.broadcast %reduce_max3A_1441 : i1 to vector<16xi1>
      %reduce_max3A_1443 = arith.constant -2147483648 : i32
      %reduce_max3A_1444 = vector.broadcast %reduce_max3A_1443 : i32 to vector<16xi32>
      %reduce_max3A_1445 = arith.xori %select_n3A_1440, %reduce_max3A_1444 : vector<16xi32>
      %reduce_max3A_1446 = tpu.scan <max>, %reduce_max3A_1445 masked %reduce_max3A_1442 : vector<16xi32>, vector<16xi1> -> vector<16xi32>
      %reduce_max3A_1447 = arith.xori %reduce_max3A_1446, %reduce_max3A_1444 : vector<16xi32>
      %reduce_max3A_1448 = vector.extract %reduce_max3A_1447[15] : i32 from vector<16xi32>
      %and3A_1449 = arith.constant -128 : i32
      %and3A_1450 = arith.andi %reduce_max3A_1448, %and3A_1449 : i32
      %multiple_of3A_1451 = tpu.assume_multiple %and3A_1450, 128 : i32
      %dma_start3A_1452 = arith.constant 3 : i32
      %dma_start3A_1453 = arith.constant 0 : i32
      %dma_start3A_1454 = arith.constant 0 : i32
      %dma_start3A_1455 = tpu.memref_slice %arg6[%dma_start3A_1452, %dma_start3A_1453, %dma_start3A_1454] : memref<16x32x128xf32, #tpu.memory_space<vmem>> -> memref<1x32x128xf32, #tpu.memory_space<vmem>>
      %dma_start3A_1456 = tpu.memref_squeeze %dma_start3A_1455 : memref<1x32x128xf32, #tpu.memory_space<vmem>> -> memref<32x128xf32, #tpu.memory_space<vmem>>
      %dma_start3A_1457 = arith.constant 0 : i32
      %dma_start3A_1458 = tpu.memref_slice %arg2[%dma_start3A_1457, %multiple_of3A_1451] : memref<32x1000000xf32, #tpu.memory_space<hbm>> -> memref<32x128xf32, #tpu.memory_space<hbm>>
      %dma_start3A_1459 = arith.constant 0 : i32
      %dma_start3A_1460 = arith.constant 0 : i32
      %dma_start3A_1461 = tpu.memref_slice %arg6[%dma_start3A_1452, %dma_start3A_1459, %dma_start3A_1460] : memref<16x32x128xf32, #tpu.memory_space<vmem>> -> memref<1x32x128xf32, #tpu.memory_space<vmem>>
      %dma_start3A_1462 = tpu.memref_squeeze %dma_start3A_1461 : memref<1x32x128xf32, #tpu.memory_space<vmem>> -> memref<32x128xf32, #tpu.memory_space<vmem>>
      %dma_start3A_1463 = arith.constant 0 : i32
      %dma_start3A_1464 = tpu.memref_slice %arg2[%dma_start3A_1463, %multiple_of3A_1451] : memref<32x1000000xf32, #tpu.memory_space<hbm>> -> memref<32x128xf32, #tpu.memory_space<hbm>>
      tpu.enqueue_dma source(%dma_start3A_1464 : memref<32x128xf32, #tpu.memory_space<hbm>>) target(%dma_start3A_1462 : memref<32x128xf32, #tpu.memory_space<vmem>>) target_semaphore(%arg8 : memref<!tpu.dma_semaphore, #tpu.memory_space<semaphore_mem>>)
      %mul3A_1465 = arith.constant 16 : i32
      %mul3A_1466 = arith.muli %scan3A_1157, %mul3A_1465 : i32
      %add3A_1467 = arith.constant 4 : i32
      %add3A_1468 = arith.addi %mul3A_1466, %add3A_1467 : i32
      %dma_wait3A_1469 = arith.constant 4 : i32
      %dma_wait3A_1470 = arith.constant 0 : i32
      %dma_wait3A_1471 = arith.constant 0 : i32
      %dma_wait3A_1472 = tpu.memref_slice %arg6[%dma_wait3A_1469, %dma_wait3A_1470, %dma_wait3A_1471] : memref<16x32x128xf32, #tpu.memory_space<vmem>> -> memref<1x32x128xf32, #tpu.memory_space<vmem>>
      %dma_wait3A_1473 = tpu.memref_squeeze %dma_wait3A_1472 : memref<1x32x128xf32, #tpu.memory_space<vmem>> -> memref<32x128xf32, #tpu.memory_space<vmem>>
      %dma_wait3A_1474 = arith.constant 0 : i32
      %dma_wait3A_1475 = arith.constant 0 : i32
      %dma_wait3A_1476 = tpu.memref_slice %arg2[%dma_wait3A_1474, %dma_wait3A_1475] : memref<32x1000000xf32, #tpu.memory_space<hbm>> -> memref<32x128xf32, #tpu.memory_space<hbm>>
      %dma_wait3A_1477 = arith.constant 0 : i32
      %dma_wait3A_1478 = arith.constant 0 : i32
      %dma_wait3A_1479 = tpu.memref_slice %arg6[%dma_wait3A_1469, %dma_wait3A_1477, %dma_wait3A_1478] : memref<16x32x128xf32, #tpu.memory_space<vmem>> -> memref<1x32x128xf32, #tpu.memory_space<vmem>>
      %dma_wait3A_1480 = tpu.memref_squeeze %dma_wait3A_1479 : memref<1x32x128xf32, #tpu.memory_space<vmem>> -> memref<32x128xf32, #tpu.memory_space<vmem>>
      %dma_wait3A_1481 = arith.constant 0 : i32
      %dma_wait3A_1482 = arith.constant 0 : i32
      %dma_wait3A_1483 = tpu.memref_slice %arg2[%dma_wait3A_1481, %dma_wait3A_1482] : memref<32x1000000xf32, #tpu.memory_space<hbm>> -> memref<32x128xf32, #tpu.memory_space<hbm>>
      tpu.wait_dma2 semaphore(%arg8 : memref<!tpu.dma_semaphore, #tpu.memory_space<semaphore_mem>>) src(%dma_wait3A_1483 : memref<32x128xf32, #tpu.memory_space<hbm>>) dst(%dma_wait3A_1480 : memref<32x128xf32, #tpu.memory_space<vmem>>)
      %eq3A_1484 = arith.constant 4 : i32
      %eq3A_1485 = vector.broadcast %eq3A_1484 : i32 to vector<16xi32>
      %eq3A_1486 = arith.cmpi eq, %iota3A, %eq3A_1485 : vector<16xi32>
      %select_n3A_1487 = arith.select %eq3A_1486, %scan3A_1158, %broadcast_in_dim3A_6 : vector<16xi1>, vector<16xi32>
      %reduce_max3A_1488 = arith.constant true
      %reduce_max3A_1489 = vector.broadcast %reduce_max3A_1488 : i1 to vector<16xi1>
      %reduce_max3A_1490 = arith.constant -2147483648 : i32
      %reduce_max3A_1491 = vector.broadcast %reduce_max3A_1490 : i32 to vector<16xi32>
      %reduce_max3A_1492 = arith.xori %select_n3A_1487, %reduce_max3A_1491 : vector<16xi32>
      %reduce_max3A_1493 = tpu.scan <max>, %reduce_max3A_1492 masked %reduce_max3A_1489 : vector<16xi32>, vector<16xi1> -> vector<16xi32>
      %reduce_max3A_1494 = arith.xori %reduce_max3A_1493, %reduce_max3A_1491 : vector<16xi32>
      %reduce_max3A_1495 = vector.extract %reduce_max3A_1494[15] : i32 from vector<16xi32>
      %and3A_1496 = arith.constant 127 : i32
      %and3A_1497 = arith.andi %reduce_max3A_1495, %and3A_1496 : i32
      %broadcast_in_dim3A_1498 = vector.broadcast %and3A_1497 : i32 to vector<16xi32>
      %broadcast_in_dim3A_1499 = vector.broadcast %add3A_1468 : i32 to vector<16xi32>
      %gather3A_1500 = arith.constant 4 : i32
      %gather3A_1501 = arith.constant 0 : i32
      %gather3A_1502 = arith.constant 0 : i32
      %gather3A_1503 = tpu.memref_slice %arg6[%gather3A_1500, %gather3A_1501, %gather3A_1502] : memref<16x32x128xf32, #tpu.memory_space<vmem>> -> memref<1x32x128xf32, #tpu.memory_space<vmem>>
      %gather3A_1504 = tpu.memref_squeeze %gather3A_1503 : memref<1x32x128xf32, #tpu.memory_space<vmem>> -> memref<32x128xf32, #tpu.memory_space<vmem>>
      %gather3A_1505 = tpu.vector_load_idx %gather3A_1504[%iota3A, %broadcast_in_dim3A_1498] : memref<32x128xf32, #tpu.memory_space<vmem>>[vector<16xi32>, vector<16xi32>], vector<16xf32>,
      %gather3A_1506 = arith.constant 4 : i32
      %gather3A_1507 = arith.constant 0 : i32
      %gather3A_1508 = arith.constant 0 : i32
      %gather3A_1509 = tpu.memref_slice %arg6[%gather3A_1506, %gather3A_1507, %gather3A_1508] : memref<16x32x128xf32, #tpu.memory_space<vmem>> -> memref<1x32x128xf32, #tpu.memory_space<vmem>>
      %gather3A_1510 = tpu.memref_squeeze %gather3A_1509 : memref<1x32x128xf32, #tpu.memory_space<vmem>> -> memref<32x128xf32, #tpu.memory_space<vmem>>
      %gather3A_1511 = tpu.vector_load_idx %gather3A_1510[%add3A_5, %broadcast_in_dim3A_1498] : memref<32x128xf32, #tpu.memory_space<vmem>>[vector<16xi32>, vector<16xi32>], vector<16xf32>,
      tpu.vector_store_idx %arg7[%iota3A, %broadcast_in_dim3A_1499], %gather3A_1505 : memref<32x512xf32, #tpu.memory_space<vmem>>[vector<16xi32>, vector<16xi32>], vector<16xf32>,
      tpu.vector_store_idx %arg7[%add3A_5, %broadcast_in_dim3A_1499], %gather3A_1511 : memref<32x512xf32, #tpu.memory_space<vmem>>[vector<16xi32>, vector<16xi32>], vector<16xf32>,
      %eq3A_1512 = arith.constant 4 : i32
      %eq3A_1513 = vector.broadcast %eq3A_1512 : i32 to vector<16xi32>
      %eq3A_1514 = arith.cmpi eq, %iota3A, %eq3A_1513 : vector<16xi32>
      %select_n3A_1515 = arith.select %eq3A_1514, %get3A_1164, %broadcast_in_dim3A_6 : vector<16xi1>, vector<16xi32>
      %reduce_max3A_1516 = arith.constant true
      %reduce_max3A_1517 = vector.broadcast %reduce_max3A_1516 : i1 to vector<16xi1>
      %reduce_max3A_1518 = arith.constant -2147483648 : i32
      %reduce_max3A_1519 = vector.broadcast %reduce_max3A_1518 : i32 to vector<16xi32>
      %reduce_max3A_1520 = arith.xori %select_n3A_1515, %reduce_max3A_1519 : vector<16xi32>
      %reduce_max3A_1521 = tpu.scan <max>, %reduce_max3A_1520 masked %reduce_max3A_1517 : vector<16xi32>, vector<16xi1> -> vector<16xi32>
      %reduce_max3A_1522 = arith.xori %reduce_max3A_1521, %reduce_max3A_1519 : vector<16xi32>
      %reduce_max3A_1523 = vector.extract %reduce_max3A_1522[15] : i32 from vector<16xi32>
      %and3A_1524 = arith.constant -128 : i32
      %and3A_1525 = arith.andi %reduce_max3A_1523, %and3A_1524 : i32
      %multiple_of3A_1526 = tpu.assume_multiple %and3A_1525, 128 : i32
      %dma_start3A_1527 = arith.constant 4 : i32
      %dma_start3A_1528 = arith.constant 0 : i32
      %dma_start3A_1529 = arith.constant 0 : i32
      %dma_start3A_1530 = tpu.memref_slice %arg6[%dma_start3A_1527, %dma_start3A_1528, %dma_start3A_1529] : memref<16x32x128xf32, #tpu.memory_space<vmem>> -> memref<1x32x128xf32, #tpu.memory_space<vmem>>
      %dma_start3A_1531 = tpu.memref_squeeze %dma_start3A_1530 : memref<1x32x128xf32, #tpu.memory_space<vmem>> -> memref<32x128xf32, #tpu.memory_space<vmem>>
      %dma_start3A_1532 = arith.constant 0 : i32
      %dma_start3A_1533 = tpu.memref_slice %arg2[%dma_start3A_1532, %multiple_of3A_1526] : memref<32x1000000xf32, #tpu.memory_space<hbm>> -> memref<32x128xf32, #tpu.memory_space<hbm>>
      %dma_start3A_1534 = arith.constant 0 : i32
      %dma_start3A_1535 = arith.constant 0 : i32
      %dma_start3A_1536 = tpu.memref_slice %arg6[%dma_start3A_1527, %dma_start3A_1534, %dma_start3A_1535] : memref<16x32x128xf32, #tpu.memory_space<vmem>> -> memref<1x32x128xf32, #tpu.memory_space<vmem>>
      %dma_start3A_1537 = tpu.memref_squeeze %dma_start3A_1536 : memref<1x32x128xf32, #tpu.memory_space<vmem>> -> memref<32x128xf32, #tpu.memory_space<vmem>>
      %dma_start3A_1538 = arith.constant 0 : i32
      %dma_start3A_1539 = tpu.memref_slice %arg2[%dma_start3A_1538, %multiple_of3A_1526] : memref<32x1000000xf32, #tpu.memory_space<hbm>> -> memref<32x128xf32, #tpu.memory_space<hbm>>
      tpu.enqueue_dma source(%dma_start3A_1539 : memref<32x128xf32, #tpu.memory_space<hbm>>) target(%dma_start3A_1537 : memref<32x128xf32, #tpu.memory_space<vmem>>) target_semaphore(%arg8 : memref<!tpu.dma_semaphore, #tpu.memory_space<semaphore_mem>>)
      %mul3A_1540 = arith.constant 16 : i32
      %mul3A_1541 = arith.muli %scan3A_1157, %mul3A_1540 : i32
      %add3A_1542 = arith.constant 5 : i32
      %add3A_1543 = arith.addi %mul3A_1541, %add3A_1542 : i32
      %dma_wait3A_1544 = arith.constant 5 : i32
      %dma_wait3A_1545 = arith.constant 0 : i32
      %dma_wait3A_1546 = arith.constant 0 : i32
      %dma_wait3A_1547 = tpu.memref_slice %arg6[%dma_wait3A_1544, %dma_wait3A_1545, %dma_wait3A_1546] : memref<16x32x128xf32, #tpu.memory_space<vmem>> -> memref<1x32x128xf32, #tpu.memory_space<vmem>>
      %dma_wait3A_1548 = tpu.memref_squeeze %dma_wait3A_1547 : memref<1x32x128xf32, #tpu.memory_space<vmem>> -> memref<32x128xf32, #tpu.memory_space<vmem>>
      %dma_wait3A_1549 = arith.constant 0 : i32
      %dma_wait3A_1550 = arith.constant 0 : i32
      %dma_wait3A_1551 = tpu.memref_slice %arg2[%dma_wait3A_1549, %dma_wait3A_1550] : memref<32x1000000xf32, #tpu.memory_space<hbm>> -> memref<32x128xf32, #tpu.memory_space<hbm>>
      %dma_wait3A_1552 = arith.constant 0 : i32
      %dma_wait3A_1553 = arith.constant 0 : i32
      %dma_wait3A_1554 = tpu.memref_slice %arg6[%dma_wait3A_1544, %dma_wait3A_1552, %dma_wait3A_1553] : memref<16x32x128xf32, #tpu.memory_space<vmem>> -> memref<1x32x128xf32, #tpu.memory_space<vmem>>
      %dma_wait3A_1555 = tpu.memref_squeeze %dma_wait3A_1554 : memref<1x32x128xf32, #tpu.memory_space<vmem>> -> memref<32x128xf32, #tpu.memory_space<vmem>>
      %dma_wait3A_1556 = arith.constant 0 : i32
      %dma_wait3A_1557 = arith.constant 0 : i32
      %dma_wait3A_1558 = tpu.memref_slice %arg2[%dma_wait3A_1556, %dma_wait3A_1557] : memref<32x1000000xf32, #tpu.memory_space<hbm>> -> memref<32x128xf32, #tpu.memory_space<hbm>>
      tpu.wait_dma2 semaphore(%arg8 : memref<!tpu.dma_semaphore, #tpu.memory_space<semaphore_mem>>) src(%dma_wait3A_1558 : memref<32x128xf32, #tpu.memory_space<hbm>>) dst(%dma_wait3A_1555 : memref<32x128xf32, #tpu.memory_space<vmem>>)
      %eq3A_1559 = arith.constant 5 : i32
      %eq3A_1560 = vector.broadcast %eq3A_1559 : i32 to vector<16xi32>
      %eq3A_1561 = arith.cmpi eq, %iota3A, %eq3A_1560 : vector<16xi32>
      %select_n3A_1562 = arith.select %eq3A_1561, %scan3A_1158, %broadcast_in_dim3A_6 : vector<16xi1>, vector<16xi32>
      %reduce_max3A_1563 = arith.constant true
      %reduce_max3A_1564 = vector.broadcast %reduce_max3A_1563 : i1 to vector<16xi1>
      %reduce_max3A_1565 = arith.constant -2147483648 : i32
      %reduce_max3A_1566 = vector.broadcast %reduce_max3A_1565 : i32 to vector<16xi32>
      %reduce_max3A_1567 = arith.xori %select_n3A_1562, %reduce_max3A_1566 : vector<16xi32>
      %reduce_max3A_1568 = tpu.scan <max>, %reduce_max3A_1567 masked %reduce_max3A_1564 : vector<16xi32>, vector<16xi1> -> vector<16xi32>
      %reduce_max3A_1569 = arith.xori %reduce_max3A_1568, %reduce_max3A_1566 : vector<16xi32>
      %reduce_max3A_1570 = vector.extract %reduce_max3A_1569[15] : i32 from vector<16xi32>
      %and3A_1571 = arith.constant 127 : i32
      %and3A_1572 = arith.andi %reduce_max3A_1570, %and3A_1571 : i32
      %broadcast_in_dim3A_1573 = vector.broadcast %and3A_1572 : i32 to vector<16xi32>
      %broadcast_in_dim3A_1574 = vector.broadcast %add3A_1543 : i32 to vector<16xi32>
      %gather3A_1575 = arith.constant 5 : i32
      %gather3A_1576 = arith.constant 0 : i32
      %gather3A_1577 = arith.constant 0 : i32
      %gather3A_1578 = tpu.memref_slice %arg6[%gather3A_1575, %gather3A_1576, %gather3A_1577] : memref<16x32x128xf32, #tpu.memory_space<vmem>> -> memref<1x32x128xf32, #tpu.memory_space<vmem>>
      %gather3A_1579 = tpu.memref_squeeze %gather3A_1578 : memref<1x32x128xf32, #tpu.memory_space<vmem>> -> memref<32x128xf32, #tpu.memory_space<vmem>>
      %gather3A_1580 = tpu.vector_load_idx %gather3A_1579[%iota3A, %broadcast_in_dim3A_1573] : memref<32x128xf32, #tpu.memory_space<vmem>>[vector<16xi32>, vector<16xi32>], vector<16xf32>,
      %gather3A_1581 = arith.constant 5 : i32
      %gather3A_1582 = arith.constant 0 : i32
      %gather3A_1583 = arith.constant 0 : i32
      %gather3A_1584 = tpu.memref_slice %arg6[%gather3A_1581, %gather3A_1582, %gather3A_1583] : memref<16x32x128xf32, #tpu.memory_space<vmem>> -> memref<1x32x128xf32, #tpu.memory_space<vmem>>
      %gather3A_1585 = tpu.memref_squeeze %gather3A_1584 : memref<1x32x128xf32, #tpu.memory_space<vmem>> -> memref<32x128xf32, #tpu.memory_space<vmem>>
      %gather3A_1586 = tpu.vector_load_idx %gather3A_1585[%add3A_5, %broadcast_in_dim3A_1573] : memref<32x128xf32, #tpu.memory_space<vmem>>[vector<16xi32>, vector<16xi32>], vector<16xf32>,
      tpu.vector_store_idx %arg7[%iota3A, %broadcast_in_dim3A_1574], %gather3A_1580 : memref<32x512xf32, #tpu.memory_space<vmem>>[vector<16xi32>, vector<16xi32>], vector<16xf32>,
      tpu.vector_store_idx %arg7[%add3A_5, %broadcast_in_dim3A_1574], %gather3A_1586 : memref<32x512xf32, #tpu.memory_space<vmem>>[vector<16xi32>, vector<16xi32>], vector<16xf32>,
      %eq3A_1587 = arith.constant 5 : i32
      %eq3A_1588 = vector.broadcast %eq3A_1587 : i32 to vector<16xi32>
      %eq3A_1589 = arith.cmpi eq, %iota3A, %eq3A_1588 : vector<16xi32>
      %select_n3A_1590 = arith.select %eq3A_1589, %get3A_1164, %broadcast_in_dim3A_6 : vector<16xi1>, vector<16xi32>
      %reduce_max3A_1591 = arith.constant true
      %reduce_max3A_1592 = vector.broadcast %reduce_max3A_1591 : i1 to vector<16xi1>
      %reduce_max3A_1593 = arith.constant -2147483648 : i32
      %reduce_max3A_1594 = vector.broadcast %reduce_max3A_1593 : i32 to vector<16xi32>
      %reduce_max3A_1595 = arith.xori %select_n3A_1590, %reduce_max3A_1594 : vector<16xi32>
      %reduce_max3A_1596 = tpu.scan <max>, %reduce_max3A_1595 masked %reduce_max3A_1592 : vector<16xi32>, vector<16xi1> -> vector<16xi32>
      %reduce_max3A_1597 = arith.xori %reduce_max3A_1596, %reduce_max3A_1594 : vector<16xi32>
      %reduce_max3A_1598 = vector.extract %reduce_max3A_1597[15] : i32 from vector<16xi32>
      %and3A_1599 = arith.constant -128 : i32
      %and3A_1600 = arith.andi %reduce_max3A_1598, %and3A_1599 : i32
      %multiple_of3A_1601 = tpu.assume_multiple %and3A_1600, 128 : i32
      %dma_start3A_1602 = arith.constant 5 : i32
      %dma_start3A_1603 = arith.constant 0 : i32
      %dma_start3A_1604 = arith.constant 0 : i32
      %dma_start3A_1605 = tpu.memref_slice %arg6[%dma_start3A_1602, %dma_start3A_1603, %dma_start3A_1604] : memref<16x32x128xf32, #tpu.memory_space<vmem>> -> memref<1x32x128xf32, #tpu.memory_space<vmem>>
      %dma_start3A_1606 = tpu.memref_squeeze %dma_start3A_1605 : memref<1x32x128xf32, #tpu.memory_space<vmem>> -> memref<32x128xf32, #tpu.memory_space<vmem>>
      %dma_start3A_1607 = arith.constant 0 : i32
      %dma_start3A_1608 = tpu.memref_slice %arg2[%dma_start3A_1607, %multiple_of3A_1601] : memref<32x1000000xf32, #tpu.memory_space<hbm>> -> memref<32x128xf32, #tpu.memory_space<hbm>>
      %dma_start3A_1609 = arith.constant 0 : i32
      %dma_start3A_1610 = arith.constant 0 : i32
      %dma_start3A_1611 = tpu.memref_slice %arg6[%dma_start3A_1602, %dma_start3A_1609, %dma_start3A_1610] : memref<16x32x128xf32, #tpu.memory_space<vmem>> -> memref<1x32x128xf32, #tpu.memory_space<vmem>>
      %dma_start3A_1612 = tpu.memref_squeeze %dma_start3A_1611 : memref<1x32x128xf32, #tpu.memory_space<vmem>> -> memref<32x128xf32, #tpu.memory_space<vmem>>
      %dma_start3A_1613 = arith.constant 0 : i32
      %dma_start3A_1614 = tpu.memref_slice %arg2[%dma_start3A_1613, %multiple_of3A_1601] : memref<32x1000000xf32, #tpu.memory_space<hbm>> -> memref<32x128xf32, #tpu.memory_space<hbm>>
      tpu.enqueue_dma source(%dma_start3A_1614 : memref<32x128xf32, #tpu.memory_space<hbm>>) target(%dma_start3A_1612 : memref<32x128xf32, #tpu.memory_space<vmem>>) target_semaphore(%arg8 : memref<!tpu.dma_semaphore, #tpu.memory_space<semaphore_mem>>)
      %mul3A_1615 = arith.constant 16 : i32
      %mul3A_1616 = arith.muli %scan3A_1157, %mul3A_1615 : i32
      %add3A_1617 = arith.constant 6 : i32
      %add3A_1618 = arith.addi %mul3A_1616, %add3A_1617 : i32
      %dma_wait3A_1619 = arith.constant 6 : i32
      %dma_wait3A_1620 = arith.constant 0 : i32
      %dma_wait3A_1621 = arith.constant 0 : i32
      %dma_wait3A_1622 = tpu.memref_slice %arg6[%dma_wait3A_1619, %dma_wait3A_1620, %dma_wait3A_1621] : memref<16x32x128xf32, #tpu.memory_space<vmem>> -> memref<1x32x128xf32, #tpu.memory_space<vmem>>
      %dma_wait3A_1623 = tpu.memref_squeeze %dma_wait3A_1622 : memref<1x32x128xf32, #tpu.memory_space<vmem>> -> memref<32x128xf32, #tpu.memory_space<vmem>>
      %dma_wait3A_1624 = arith.constant 0 : i32
      %dma_wait3A_1625 = arith.constant 0 : i32
      %dma_wait3A_1626 = tpu.memref_slice %arg2[%dma_wait3A_1624, %dma_wait3A_1625] : memref<32x1000000xf32, #tpu.memory_space<hbm>> -> memref<32x128xf32, #tpu.memory_space<hbm>>
      %dma_wait3A_1627 = arith.constant 0 : i32
      %dma_wait3A_1628 = arith.constant 0 : i32
      %dma_wait3A_1629 = tpu.memref_slice %arg6[%dma_wait3A_1619, %dma_wait3A_1627, %dma_wait3A_1628] : memref<16x32x128xf32, #tpu.memory_space<vmem>> -> memref<1x32x128xf32, #tpu.memory_space<vmem>>
      %dma_wait3A_1630 = tpu.memref_squeeze %dma_wait3A_1629 : memref<1x32x128xf32, #tpu.memory_space<vmem>> -> memref<32x128xf32, #tpu.memory_space<vmem>>
      %dma_wait3A_1631 = arith.constant 0 : i32
      %dma_wait3A_1632 = arith.constant 0 : i32
      %dma_wait3A_1633 = tpu.memref_slice %arg2[%dma_wait3A_1631, %dma_wait3A_1632] : memref<32x1000000xf32, #tpu.memory_space<hbm>> -> memref<32x128xf32, #tpu.memory_space<hbm>>
      tpu.wait_dma2 semaphore(%arg8 : memref<!tpu.dma_semaphore, #tpu.memory_space<semaphore_mem>>) src(%dma_wait3A_1633 : memref<32x128xf32, #tpu.memory_space<hbm>>) dst(%dma_wait3A_1630 : memref<32x128xf32, #tpu.memory_space<vmem>>)
      %eq3A_1634 = arith.constant 6 : i32
      %eq3A_1635 = vector.broadcast %eq3A_1634 : i32 to vector<16xi32>
      %eq3A_1636 = arith.cmpi eq, %iota3A, %eq3A_1635 : vector<16xi32>
      %select_n3A_1637 = arith.select %eq3A_1636, %scan3A_1158, %broadcast_in_dim3A_6 : vector<16xi1>, vector<16xi32>
      %reduce_max3A_1638 = arith.constant true
      %reduce_max3A_1639 = vector.broadcast %reduce_max3A_1638 : i1 to vector<16xi1>
      %reduce_max3A_1640 = arith.constant -2147483648 : i32
      %reduce_max3A_1641 = vector.broadcast %reduce_max3A_1640 : i32 to vector<16xi32>
      %reduce_max3A_1642 = arith.xori %select_n3A_1637, %reduce_max3A_1641 : vector<16xi32>
      %reduce_max3A_1643 = tpu.scan <max>, %reduce_max3A_1642 masked %reduce_max3A_1639 : vector<16xi32>, vector<16xi1> -> vector<16xi32>
      %reduce_max3A_1644 = arith.xori %reduce_max3A_1643, %reduce_max3A_1641 : vector<16xi32>
      %reduce_max3A_1645 = vector.extract %reduce_max3A_1644[15] : i32 from vector<16xi32>
      %and3A_1646 = arith.constant 127 : i32
      %and3A_1647 = arith.andi %reduce_max3A_1645, %and3A_1646 : i32
      %broadcast_in_dim3A_1648 = vector.broadcast %and3A_1647 : i32 to vector<16xi32>
      %broadcast_in_dim3A_1649 = vector.broadcast %add3A_1618 : i32 to vector<16xi32>
      %gather3A_1650 = arith.constant 6 : i32
      %gather3A_1651 = arith.constant 0 : i32
      %gather3A_1652 = arith.constant 0 : i32
      %gather3A_1653 = tpu.memref_slice %arg6[%gather3A_1650, %gather3A_1651, %gather3A_1652] : memref<16x32x128xf32, #tpu.memory_space<vmem>> -> memref<1x32x128xf32, #tpu.memory_space<vmem>>
      %gather3A_1654 = tpu.memref_squeeze %gather3A_1653 : memref<1x32x128xf32, #tpu.memory_space<vmem>> -> memref<32x128xf32, #tpu.memory_space<vmem>>
      %gather3A_1655 = tpu.vector_load_idx %gather3A_1654[%iota3A, %broadcast_in_dim3A_1648] : memref<32x128xf32, #tpu.memory_space<vmem>>[vector<16xi32>, vector<16xi32>], vector<16xf32>,
      %gather3A_1656 = arith.constant 6 : i32
      %gather3A_1657 = arith.constant 0 : i32
      %gather3A_1658 = arith.constant 0 : i32
      %gather3A_1659 = tpu.memref_slice %arg6[%gather3A_1656, %gather3A_1657, %gather3A_1658] : memref<16x32x128xf32, #tpu.memory_space<vmem>> -> memref<1x32x128xf32, #tpu.memory_space<vmem>>
      %gather3A_1660 = tpu.memref_squeeze %gather3A_1659 : memref<1x32x128xf32, #tpu.memory_space<vmem>> -> memref<32x128xf32, #tpu.memory_space<vmem>>
      %gather3A_1661 = tpu.vector_load_idx %gather3A_1660[%add3A_5, %broadcast_in_dim3A_1648] : memref<32x128xf32, #tpu.memory_space<vmem>>[vector<16xi32>, vector<16xi32>], vector<16xf32>,
      tpu.vector_store_idx %arg7[%iota3A, %broadcast_in_dim3A_1649], %gather3A_1655 : memref<32x512xf32, #tpu.memory_space<vmem>>[vector<16xi32>, vector<16xi32>], vector<16xf32>,
      tpu.vector_store_idx %arg7[%add3A_5, %broadcast_in_dim3A_1649], %gather3A_1661 : memref<32x512xf32, #tpu.memory_space<vmem>>[vector<16xi32>, vector<16xi32>], vector<16xf32>,
      %eq3A_1662 = arith.constant 6 : i32
      %eq3A_1663 = vector.broadcast %eq3A_1662 : i32 to vector<16xi32>
      %eq3A_1664 = arith.cmpi eq, %iota3A, %eq3A_1663 : vector<16xi32>
      %select_n3A_1665 = arith.select %eq3A_1664, %get3A_1164, %broadcast_in_dim3A_6 : vector<16xi1>, vector<16xi32>
      %reduce_max3A_1666 = arith.constant true
      %reduce_max3A_1667 = vector.broadcast %reduce_max3A_1666 : i1 to vector<16xi1>
      %reduce_max3A_1668 = arith.constant -2147483648 : i32
      %reduce_max3A_1669 = vector.broadcast %reduce_max3A_1668 : i32 to vector<16xi32>
      %reduce_max3A_1670 = arith.xori %select_n3A_1665, %reduce_max3A_1669 : vector<16xi32>
      %reduce_max3A_1671 = tpu.scan <max>, %reduce_max3A_1670 masked %reduce_max3A_1667 : vector<16xi32>, vector<16xi1> -> vector<16xi32>
      %reduce_max3A_1672 = arith.xori %reduce_max3A_1671, %reduce_max3A_1669 : vector<16xi32>
      %reduce_max3A_1673 = vector.extract %reduce_max3A_1672[15] : i32 from vector<16xi32>
      %and3A_1674 = arith.constant -128 : i32
      %and3A_1675 = arith.andi %reduce_max3A_1673, %and3A_1674 : i32
      %multiple_of3A_1676 = tpu.assume_multiple %and3A_1675, 128 : i32
      %dma_start3A_1677 = arith.constant 6 : i32
      %dma_start3A_1678 = arith.constant 0 : i32
      %dma_start3A_1679 = arith.constant 0 : i32
      %dma_start3A_1680 = tpu.memref_slice %arg6[%dma_start3A_1677, %dma_start3A_1678, %dma_start3A_1679] : memref<16x32x128xf32, #tpu.memory_space<vmem>> -> memref<1x32x128xf32, #tpu.memory_space<vmem>>
      %dma_start3A_1681 = tpu.memref_squeeze %dma_start3A_1680 : memref<1x32x128xf32, #tpu.memory_space<vmem>> -> memref<32x128xf32, #tpu.memory_space<vmem>>
      %dma_start3A_1682 = arith.constant 0 : i32
      %dma_start3A_1683 = tpu.memref_slice %arg2[%dma_start3A_1682, %multiple_of3A_1676] : memref<32x1000000xf32, #tpu.memory_space<hbm>> -> memref<32x128xf32, #tpu.memory_space<hbm>>
      %dma_start3A_1684 = arith.constant 0 : i32
      %dma_start3A_1685 = arith.constant 0 : i32
      %dma_start3A_1686 = tpu.memref_slice %arg6[%dma_start3A_1677, %dma_start3A_1684, %dma_start3A_1685] : memref<16x32x128xf32, #tpu.memory_space<vmem>> -> memref<1x32x128xf32, #tpu.memory_space<vmem>>
      %dma_start3A_1687 = tpu.memref_squeeze %dma_start3A_1686 : memref<1x32x128xf32, #tpu.memory_space<vmem>> -> memref<32x128xf32, #tpu.memory_space<vmem>>
      %dma_start3A_1688 = arith.constant 0 : i32
      %dma_start3A_1689 = tpu.memref_slice %arg2[%dma_start3A_1688, %multiple_of3A_1676] : memref<32x1000000xf32, #tpu.memory_space<hbm>> -> memref<32x128xf32, #tpu.memory_space<hbm>>
      tpu.enqueue_dma source(%dma_start3A_1689 : memref<32x128xf32, #tpu.memory_space<hbm>>) target(%dma_start3A_1687 : memref<32x128xf32, #tpu.memory_space<vmem>>) target_semaphore(%arg8 : memref<!tpu.dma_semaphore, #tpu.memory_space<semaphore_mem>>)
      %mul3A_1690 = arith.constant 16 : i32
      %mul3A_1691 = arith.muli %scan3A_1157, %mul3A_1690 : i32
      %add3A_1692 = arith.constant 7 : i32
      %add3A_1693 = arith.addi %mul3A_1691, %add3A_1692 : i32
      %dma_wait3A_1694 = arith.constant 7 : i32
      %dma_wait3A_1695 = arith.constant 0 : i32
      %dma_wait3A_1696 = arith.constant 0 : i32
      %dma_wait3A_1697 = tpu.memref_slice %arg6[%dma_wait3A_1694, %dma_wait3A_1695, %dma_wait3A_1696] : memref<16x32x128xf32, #tpu.memory_space<vmem>> -> memref<1x32x128xf32, #tpu.memory_space<vmem>>
      %dma_wait3A_1698 = tpu.memref_squeeze %dma_wait3A_1697 : memref<1x32x128xf32, #tpu.memory_space<vmem>> -> memref<32x128xf32, #tpu.memory_space<vmem>>
      %dma_wait3A_1699 = arith.constant 0 : i32
      %dma_wait3A_1700 = arith.constant 0 : i32
      %dma_wait3A_1701 = tpu.memref_slice %arg2[%dma_wait3A_1699, %dma_wait3A_1700] : memref<32x1000000xf32, #tpu.memory_space<hbm>> -> memref<32x128xf32, #tpu.memory_space<hbm>>
      %dma_wait3A_1702 = arith.constant 0 : i32
      %dma_wait3A_1703 = arith.constant 0 : i32
      %dma_wait3A_1704 = tpu.memref_slice %arg6[%dma_wait3A_1694, %dma_wait3A_1702, %dma_wait3A_1703] : memref<16x32x128xf32, #tpu.memory_space<vmem>> -> memref<1x32x128xf32, #tpu.memory_space<vmem>>
      %dma_wait3A_1705 = tpu.memref_squeeze %dma_wait3A_1704 : memref<1x32x128xf32, #tpu.memory_space<vmem>> -> memref<32x128xf32, #tpu.memory_space<vmem>>
      %dma_wait3A_1706 = arith.constant 0 : i32
      %dma_wait3A_1707 = arith.constant 0 : i32
      %dma_wait3A_1708 = tpu.memref_slice %arg2[%dma_wait3A_1706, %dma_wait3A_1707] : memref<32x1000000xf32, #tpu.memory_space<hbm>> -> memref<32x128xf32, #tpu.memory_space<hbm>>
      tpu.wait_dma2 semaphore(%arg8 : memref<!tpu.dma_semaphore, #tpu.memory_space<semaphore_mem>>) src(%dma_wait3A_1708 : memref<32x128xf32, #tpu.memory_space<hbm>>) dst(%dma_wait3A_1705 : memref<32x128xf32, #tpu.memory_space<vmem>>)
      %eq3A_1709 = arith.constant 7 : i32
      %eq3A_1710 = vector.broadcast %eq3A_1709 : i32 to vector<16xi32>
      %eq3A_1711 = arith.cmpi eq, %iota3A, %eq3A_1710 : vector<16xi32>
      %select_n3A_1712 = arith.select %eq3A_1711, %scan3A_1158, %broadcast_in_dim3A_6 : vector<16xi1>, vector<16xi32>
      %reduce_max3A_1713 = arith.constant true
      %reduce_max3A_1714 = vector.broadcast %reduce_max3A_1713 : i1 to vector<16xi1>
      %reduce_max3A_1715 = arith.constant -2147483648 : i32
      %reduce_max3A_1716 = vector.broadcast %reduce_max3A_1715 : i32 to vector<16xi32>
      %reduce_max3A_1717 = arith.xori %select_n3A_1712, %reduce_max3A_1716 : vector<16xi32>
      %reduce_max3A_1718 = tpu.scan <max>, %reduce_max3A_1717 masked %reduce_max3A_1714 : vector<16xi32>, vector<16xi1> -> vector<16xi32>
      %reduce_max3A_1719 = arith.xori %reduce_max3A_1718, %reduce_max3A_1716 : vector<16xi32>
      %reduce_max3A_1720 = vector.extract %reduce_max3A_1719[15] : i32 from vector<16xi32>
      %and3A_1721 = arith.constant 127 : i32
      %and3A_1722 = arith.andi %reduce_max3A_1720, %and3A_1721 : i32
      %broadcast_in_dim3A_1723 = vector.broadcast %and3A_1722 : i32 to vector<16xi32>
      %broadcast_in_dim3A_1724 = vector.broadcast %add3A_1693 : i32 to vector<16xi32>
      %gather3A_1725 = arith.constant 7 : i32
      %gather3A_1726 = arith.constant 0 : i32
      %gather3A_1727 = arith.constant 0 : i32
      %gather3A_1728 = tpu.memref_slice %arg6[%gather3A_1725, %gather3A_1726, %gather3A_1727] : memref<16x32x128xf32, #tpu.memory_space<vmem>> -> memref<1x32x128xf32, #tpu.memory_space<vmem>>
      %gather3A_1729 = tpu.memref_squeeze %gather3A_1728 : memref<1x32x128xf32, #tpu.memory_space<vmem>> -> memref<32x128xf32, #tpu.memory_space<vmem>>
      %gather3A_1730 = tpu.vector_load_idx %gather3A_1729[%iota3A, %broadcast_in_dim3A_1723] : memref<32x128xf32, #tpu.memory_space<vmem>>[vector<16xi32>, vector<16xi32>], vector<16xf32>,
      %gather3A_1731 = arith.constant 7 : i32
      %gather3A_1732 = arith.constant 0 : i32
      %gather3A_1733 = arith.constant 0 : i32
      %gather3A_1734 = tpu.memref_slice %arg6[%gather3A_1731, %gather3A_1732, %gather3A_1733] : memref<16x32x128xf32, #tpu.memory_space<vmem>> -> memref<1x32x128xf32, #tpu.memory_space<vmem>>
      %gather3A_1735 = tpu.memref_squeeze %gather3A_1734 : memref<1x32x128xf32, #tpu.memory_space<vmem>> -> memref<32x128xf32, #tpu.memory_space<vmem>>
      %gather3A_1736 = tpu.vector_load_idx %gather3A_1735[%add3A_5, %broadcast_in_dim3A_1723] : memref<32x128xf32, #tpu.memory_space<vmem>>[vector<16xi32>, vector<16xi32>], vector<16xf32>,
      tpu.vector_store_idx %arg7[%iota3A, %broadcast_in_dim3A_1724], %gather3A_1730 : memref<32x512xf32, #tpu.memory_space<vmem>>[vector<16xi32>, vector<16xi32>], vector<16xf32>,
      tpu.vector_store_idx %arg7[%add3A_5, %broadcast_in_dim3A_1724], %gather3A_1736 : memref<32x512xf32, #tpu.memory_space<vmem>>[vector<16xi32>, vector<16xi32>], vector<16xf32>,
      %eq3A_1737 = arith.constant 7 : i32
      %eq3A_1738 = vector.broadcast %eq3A_1737 : i32 to vector<16xi32>
      %eq3A_1739 = arith.cmpi eq, %iota3A, %eq3A_1738 : vector<16xi32>
      %select_n3A_1740 = arith.select %eq3A_1739, %get3A_1164, %broadcast_in_dim3A_6 : vector<16xi1>, vector<16xi32>
      %reduce_max3A_1741 = arith.constant true
      %reduce_max3A_1742 = vector.broadcast %reduce_max3A_1741 : i1 to vector<16xi1>
      %reduce_max3A_1743 = arith.constant -2147483648 : i32
      %reduce_max3A_1744 = vector.broadcast %reduce_max3A_1743 : i32 to vector<16xi32>
      %reduce_max3A_1745 = arith.xori %select_n3A_1740, %reduce_max3A_1744 : vector<16xi32>
      %reduce_max3A_1746 = tpu.scan <max>, %reduce_max3A_1745 masked %reduce_max3A_1742 : vector<16xi32>, vector<16xi1> -> vector<16xi32>
      %reduce_max3A_1747 = arith.xori %reduce_max3A_1746, %reduce_max3A_1744 : vector<16xi32>
      %reduce_max3A_1748 = vector.extract %reduce_max3A_1747[15] : i32 from vector<16xi32>
      %and3A_1749 = arith.constant -128 : i32
      %and3A_1750 = arith.andi %reduce_max3A_1748, %and3A_1749 : i32
      %multiple_of3A_1751 = tpu.assume_multiple %and3A_1750, 128 : i32
      %dma_start3A_1752 = arith.constant 7 : i32
      %dma_start3A_1753 = arith.constant 0 : i32
      %dma_start3A_1754 = arith.constant 0 : i32
      %dma_start3A_1755 = tpu.memref_slice %arg6[%dma_start3A_1752, %dma_start3A_1753, %dma_start3A_1754] : memref<16x32x128xf32, #tpu.memory_space<vmem>> -> memref<1x32x128xf32, #tpu.memory_space<vmem>>
      %dma_start3A_1756 = tpu.memref_squeeze %dma_start3A_1755 : memref<1x32x128xf32, #tpu.memory_space<vmem>> -> memref<32x128xf32, #tpu.memory_space<vmem>>
      %dma_start3A_1757 = arith.constant 0 : i32
      %dma_start3A_1758 = tpu.memref_slice %arg2[%dma_start3A_1757, %multiple_of3A_1751] : memref<32x1000000xf32, #tpu.memory_space<hbm>> -> memref<32x128xf32, #tpu.memory_space<hbm>>
      %dma_start3A_1759 = arith.constant 0 : i32
      %dma_start3A_1760 = arith.constant 0 : i32
      %dma_start3A_1761 = tpu.memref_slice %arg6[%dma_start3A_1752, %dma_start3A_1759, %dma_start3A_1760] : memref<16x32x128xf32, #tpu.memory_space<vmem>> -> memref<1x32x128xf32, #tpu.memory_space<vmem>>
      %dma_start3A_1762 = tpu.memref_squeeze %dma_start3A_1761 : memref<1x32x128xf32, #tpu.memory_space<vmem>> -> memref<32x128xf32, #tpu.memory_space<vmem>>
      %dma_start3A_1763 = arith.constant 0 : i32
      %dma_start3A_1764 = tpu.memref_slice %arg2[%dma_start3A_1763, %multiple_of3A_1751] : memref<32x1000000xf32, #tpu.memory_space<hbm>> -> memref<32x128xf32, #tpu.memory_space<hbm>>
      tpu.enqueue_dma source(%dma_start3A_1764 : memref<32x128xf32, #tpu.memory_space<hbm>>) target(%dma_start3A_1762 : memref<32x128xf32, #tpu.memory_space<vmem>>) target_semaphore(%arg8 : memref<!tpu.dma_semaphore, #tpu.memory_space<semaphore_mem>>)
      %mul3A_1765 = arith.constant 16 : i32
      %mul3A_1766 = arith.muli %scan3A_1157, %mul3A_1765 : i32
      %add3A_1767 = arith.constant 8 : i32
      %add3A_1768 = arith.addi %mul3A_1766, %add3A_1767 : i32
      %dma_wait3A_1769 = arith.constant 8 : i32
      %dma_wait3A_1770 = arith.constant 0 : i32
      %dma_wait3A_1771 = arith.constant 0 : i32
      %dma_wait3A_1772 = tpu.memref_slice %arg6[%dma_wait3A_1769, %dma_wait3A_1770, %dma_wait3A_1771] : memref<16x32x128xf32, #tpu.memory_space<vmem>> -> memref<1x32x128xf32, #tpu.memory_space<vmem>>
      %dma_wait3A_1773 = tpu.memref_squeeze %dma_wait3A_1772 : memref<1x32x128xf32, #tpu.memory_space<vmem>> -> memref<32x128xf32, #tpu.memory_space<vmem>>
      %dma_wait3A_1774 = arith.constant 0 : i32
      %dma_wait3A_1775 = arith.constant 0 : i32
      %dma_wait3A_1776 = tpu.memref_slice %arg2[%dma_wait3A_1774, %dma_wait3A_1775] : memref<32x1000000xf32, #tpu.memory_space<hbm>> -> memref<32x128xf32, #tpu.memory_space<hbm>>
      %dma_wait3A_1777 = arith.constant 0 : i32
      %dma_wait3A_1778 = arith.constant 0 : i32
      %dma_wait3A_1779 = tpu.memref_slice %arg6[%dma_wait3A_1769, %dma_wait3A_1777, %dma_wait3A_1778] : memref<16x32x128xf32, #tpu.memory_space<vmem>> -> memref<1x32x128xf32, #tpu.memory_space<vmem>>
      %dma_wait3A_1780 = tpu.memref_squeeze %dma_wait3A_1779 : memref<1x32x128xf32, #tpu.memory_space<vmem>> -> memref<32x128xf32, #tpu.memory_space<vmem>>
      %dma_wait3A_1781 = arith.constant 0 : i32
      %dma_wait3A_1782 = arith.constant 0 : i32
      %dma_wait3A_1783 = tpu.memref_slice %arg2[%dma_wait3A_1781, %dma_wait3A_1782] : memref<32x1000000xf32, #tpu.memory_space<hbm>> -> memref<32x128xf32, #tpu.memory_space<hbm>>
      tpu.wait_dma2 semaphore(%arg8 : memref<!tpu.dma_semaphore, #tpu.memory_space<semaphore_mem>>) src(%dma_wait3A_1783 : memref<32x128xf32, #tpu.memory_space<hbm>>) dst(%dma_wait3A_1780 : memref<32x128xf32, #tpu.memory_space<vmem>>)
      %eq3A_1784 = arith.constant 8 : i32
      %eq3A_1785 = vector.broadcast %eq3A_1784 : i32 to vector<16xi32>
      %eq3A_1786 = arith.cmpi eq, %iota3A, %eq3A_1785 : vector<16xi32>
      %select_n3A_1787 = arith.select %eq3A_1786, %scan3A_1158, %broadcast_in_dim3A_6 : vector<16xi1>, vector<16xi32>
      %reduce_max3A_1788 = arith.constant true
      %reduce_max3A_1789 = vector.broadcast %reduce_max3A_1788 : i1 to vector<16xi1>
      %reduce_max3A_1790 = arith.constant -2147483648 : i32
      %reduce_max3A_1791 = vector.broadcast %reduce_max3A_1790 : i32 to vector<16xi32>
      %reduce_max3A_1792 = arith.xori %select_n3A_1787, %reduce_max3A_1791 : vector<16xi32>
      %reduce_max3A_1793 = tpu.scan <max>, %reduce_max3A_1792 masked %reduce_max3A_1789 : vector<16xi32>, vector<16xi1> -> vector<16xi32>
      %reduce_max3A_1794 = arith.xori %reduce_max3A_1793, %reduce_max3A_1791 : vector<16xi32>
      %reduce_max3A_1795 = vector.extract %reduce_max3A_1794[15] : i32 from vector<16xi32>
      %and3A_1796 = arith.constant 127 : i32
      %and3A_1797 = arith.andi %reduce_max3A_1795, %and3A_1796 : i32
      %broadcast_in_dim3A_1798 = vector.broadcast %and3A_1797 : i32 to vector<16xi32>
      %broadcast_in_dim3A_1799 = vector.broadcast %add3A_1768 : i32 to vector<16xi32>
      %gather3A_1800 = arith.constant 8 : i32
      %gather3A_1801 = arith.constant 0 : i32
      %gather3A_1802 = arith.constant 0 : i32
      %gather3A_1803 = tpu.memref_slice %arg6[%gather3A_1800, %gather3A_1801, %gather3A_1802] : memref<16x32x128xf32, #tpu.memory_space<vmem>> -> memref<1x32x128xf32, #tpu.memory_space<vmem>>
      %gather3A_1804 = tpu.memref_squeeze %gather3A_1803 : memref<1x32x128xf32, #tpu.memory_space<vmem>> -> memref<32x128xf32, #tpu.memory_space<vmem>>
      %gather3A_1805 = tpu.vector_load_idx %gather3A_1804[%iota3A, %broadcast_in_dim3A_1798] : memref<32x128xf32, #tpu.memory_space<vmem>>[vector<16xi32>, vector<16xi32>], vector<16xf32>,
      %gather3A_1806 = arith.constant 8 : i32
      %gather3A_1807 = arith.constant 0 : i32
      %gather3A_1808 = arith.constant 0 : i32
      %gather3A_1809 = tpu.memref_slice %arg6[%gather3A_1806, %gather3A_1807, %gather3A_1808] : memref<16x32x128xf32, #tpu.memory_space<vmem>> -> memref<1x32x128xf32, #tpu.memory_space<vmem>>
      %gather3A_1810 = tpu.memref_squeeze %gather3A_1809 : memref<1x32x128xf32, #tpu.memory_space<vmem>> -> memref<32x128xf32, #tpu.memory_space<vmem>>
      %gather3A_1811 = tpu.vector_load_idx %gather3A_1810[%add3A_5, %broadcast_in_dim3A_1798] : memref<32x128xf32, #tpu.memory_space<vmem>>[vector<16xi32>, vector<16xi32>], vector<16xf32>,
      tpu.vector_store_idx %arg7[%iota3A, %broadcast_in_dim3A_1799], %gather3A_1805 : memref<32x512xf32, #tpu.memory_space<vmem>>[vector<16xi32>, vector<16xi32>], vector<16xf32>,
      tpu.vector_store_idx %arg7[%add3A_5, %broadcast_in_dim3A_1799], %gather3A_1811 : memref<32x512xf32, #tpu.memory_space<vmem>>[vector<16xi32>, vector<16xi32>], vector<16xf32>,
      %eq3A_1812 = arith.constant 8 : i32
      %eq3A_1813 = vector.broadcast %eq3A_1812 : i32 to vector<16xi32>
      %eq3A_1814 = arith.cmpi eq, %iota3A, %eq3A_1813 : vector<16xi32>
      %select_n3A_1815 = arith.select %eq3A_1814, %get3A_1164, %broadcast_in_dim3A_6 : vector<16xi1>, vector<16xi32>
      %reduce_max3A_1816 = arith.constant true
      %reduce_max3A_1817 = vector.broadcast %reduce_max3A_1816 : i1 to vector<16xi1>
      %reduce_max3A_1818 = arith.constant -2147483648 : i32
      %reduce_max3A_1819 = vector.broadcast %reduce_max3A_1818 : i32 to vector<16xi32>
      %reduce_max3A_1820 = arith.xori %select_n3A_1815, %reduce_max3A_1819 : vector<16xi32>
      %reduce_max3A_1821 = tpu.scan <max>, %reduce_max3A_1820 masked %reduce_max3A_1817 : vector<16xi32>, vector<16xi1> -> vector<16xi32>
      %reduce_max3A_1822 = arith.xori %reduce_max3A_1821, %reduce_max3A_1819 : vector<16xi32>
      %reduce_max3A_1823 = vector.extract %reduce_max3A_1822[15] : i32 from vector<16xi32>
      %and3A_1824 = arith.constant -128 : i32
      %and3A_1825 = arith.andi %reduce_max3A_1823, %and3A_1824 : i32
      %multiple_of3A_1826 = tpu.assume_multiple %and3A_1825, 128 : i32
      %dma_start3A_1827 = arith.constant 8 : i32
      %dma_start3A_1828 = arith.constant 0 : i32
      %dma_start3A_1829 = arith.constant 0 : i32
      %dma_start3A_1830 = tpu.memref_slice %arg6[%dma_start3A_1827, %dma_start3A_1828, %dma_start3A_1829] : memref<16x32x128xf32, #tpu.memory_space<vmem>> -> memref<1x32x128xf32, #tpu.memory_space<vmem>>
      %dma_start3A_1831 = tpu.memref_squeeze %dma_start3A_1830 : memref<1x32x128xf32, #tpu.memory_space<vmem>> -> memref<32x128xf32, #tpu.memory_space<vmem>>
      %dma_start3A_1832 = arith.constant 0 : i32
      %dma_start3A_1833 = tpu.memref_slice %arg2[%dma_start3A_1832, %multiple_of3A_1826] : memref<32x1000000xf32, #tpu.memory_space<hbm>> -> memref<32x128xf32, #tpu.memory_space<hbm>>
      %dma_start3A_1834 = arith.constant 0 : i32
      %dma_start3A_1835 = arith.constant 0 : i32
      %dma_start3A_1836 = tpu.memref_slice %arg6[%dma_start3A_1827, %dma_start3A_1834, %dma_start3A_1835] : memref<16x32x128xf32, #tpu.memory_space<vmem>> -> memref<1x32x128xf32, #tpu.memory_space<vmem>>
      %dma_start3A_1837 = tpu.memref_squeeze %dma_start3A_1836 : memref<1x32x128xf32, #tpu.memory_space<vmem>> -> memref<32x128xf32, #tpu.memory_space<vmem>>
      %dma_start3A_1838 = arith.constant 0 : i32
      %dma_start3A_1839 = tpu.memref_slice %arg2[%dma_start3A_1838, %multiple_of3A_1826] : memref<32x1000000xf32, #tpu.memory_space<hbm>> -> memref<32x128xf32, #tpu.memory_space<hbm>>
      tpu.enqueue_dma source(%dma_start3A_1839 : memref<32x128xf32, #tpu.memory_space<hbm>>) target(%dma_start3A_1837 : memref<32x128xf32, #tpu.memory_space<vmem>>) target_semaphore(%arg8 : memref<!tpu.dma_semaphore, #tpu.memory_space<semaphore_mem>>)
      %mul3A_1840 = arith.constant 16 : i32
      %mul3A_1841 = arith.muli %scan3A_1157, %mul3A_1840 : i32
      %add3A_1842 = arith.constant 9 : i32
      %add3A_1843 = arith.addi %mul3A_1841, %add3A_1842 : i32
      %dma_wait3A_1844 = arith.constant 9 : i32
      %dma_wait3A_1845 = arith.constant 0 : i32
      %dma_wait3A_1846 = arith.constant 0 : i32
      %dma_wait3A_1847 = tpu.memref_slice %arg6[%dma_wait3A_1844, %dma_wait3A_1845, %dma_wait3A_1846] : memref<16x32x128xf32, #tpu.memory_space<vmem>> -> memref<1x32x128xf32, #tpu.memory_space<vmem>>
      %dma_wait3A_1848 = tpu.memref_squeeze %dma_wait3A_1847 : memref<1x32x128xf32, #tpu.memory_space<vmem>> -> memref<32x128xf32, #tpu.memory_space<vmem>>
      %dma_wait3A_1849 = arith.constant 0 : i32
      %dma_wait3A_1850 = arith.constant 0 : i32
      %dma_wait3A_1851 = tpu.memref_slice %arg2[%dma_wait3A_1849, %dma_wait3A_1850] : memref<32x1000000xf32, #tpu.memory_space<hbm>> -> memref<32x128xf32, #tpu.memory_space<hbm>>
      %dma_wait3A_1852 = arith.constant 0 : i32
      %dma_wait3A_1853 = arith.constant 0 : i32
      %dma_wait3A_1854 = tpu.memref_slice %arg6[%dma_wait3A_1844, %dma_wait3A_1852, %dma_wait3A_1853] : memref<16x32x128xf32, #tpu.memory_space<vmem>> -> memref<1x32x128xf32, #tpu.memory_space<vmem>>
      %dma_wait3A_1855 = tpu.memref_squeeze %dma_wait3A_1854 : memref<1x32x128xf32, #tpu.memory_space<vmem>> -> memref<32x128xf32, #tpu.memory_space<vmem>>
      %dma_wait3A_1856 = arith.constant 0 : i32
      %dma_wait3A_1857 = arith.constant 0 : i32
      %dma_wait3A_1858 = tpu.memref_slice %arg2[%dma_wait3A_1856, %dma_wait3A_1857] : memref<32x1000000xf32, #tpu.memory_space<hbm>> -> memref<32x128xf32, #tpu.memory_space<hbm>>
      tpu.wait_dma2 semaphore(%arg8 : memref<!tpu.dma_semaphore, #tpu.memory_space<semaphore_mem>>) src(%dma_wait3A_1858 : memref<32x128xf32, #tpu.memory_space<hbm>>) dst(%dma_wait3A_1855 : memref<32x128xf32, #tpu.memory_space<vmem>>)
      %eq3A_1859 = arith.constant 9 : i32
      %eq3A_1860 = vector.broadcast %eq3A_1859 : i32 to vector<16xi32>
      %eq3A_1861 = arith.cmpi eq, %iota3A, %eq3A_1860 : vector<16xi32>
      %select_n3A_1862 = arith.select %eq3A_1861, %scan3A_1158, %broadcast_in_dim3A_6 : vector<16xi1>, vector<16xi32>
      %reduce_max3A_1863 = arith.constant true
      %reduce_max3A_1864 = vector.broadcast %reduce_max3A_1863 : i1 to vector<16xi1>
      %reduce_max3A_1865 = arith.constant -2147483648 : i32
      %reduce_max3A_1866 = vector.broadcast %reduce_max3A_1865 : i32 to vector<16xi32>
      %reduce_max3A_1867 = arith.xori %select_n3A_1862, %reduce_max3A_1866 : vector<16xi32>
      %reduce_max3A_1868 = tpu.scan <max>, %reduce_max3A_1867 masked %reduce_max3A_1864 : vector<16xi32>, vector<16xi1> -> vector<16xi32>
      %reduce_max3A_1869 = arith.xori %reduce_max3A_1868, %reduce_max3A_1866 : vector<16xi32>
      %reduce_max3A_1870 = vector.extract %reduce_max3A_1869[15] : i32 from vector<16xi32>
      %and3A_1871 = arith.constant 127 : i32
      %and3A_1872 = arith.andi %reduce_max3A_1870, %and3A_1871 : i32
      %broadcast_in_dim3A_1873 = vector.broadcast %and3A_1872 : i32 to vector<16xi32>
      %broadcast_in_dim3A_1874 = vector.broadcast %add3A_1843 : i32 to vector<16xi32>
      %gather3A_1875 = arith.constant 9 : i32
      %gather3A_1876 = arith.constant 0 : i32
      %gather3A_1877 = arith.constant 0 : i32
      %gather3A_1878 = tpu.memref_slice %arg6[%gather3A_1875, %gather3A_1876, %gather3A_1877] : memref<16x32x128xf32, #tpu.memory_space<vmem>> -> memref<1x32x128xf32, #tpu.memory_space<vmem>>
      %gather3A_1879 = tpu.memref_squeeze %gather3A_1878 : memref<1x32x128xf32, #tpu.memory_space<vmem>> -> memref<32x128xf32, #tpu.memory_space<vmem>>
      %gather3A_1880 = tpu.vector_load_idx %gather3A_1879[%iota3A, %broadcast_in_dim3A_1873] : memref<32x128xf32, #tpu.memory_space<vmem>>[vector<16xi32>, vector<16xi32>], vector<16xf32>,
      %gather3A_1881 = arith.constant 9 : i32
      %gather3A_1882 = arith.constant 0 : i32
      %gather3A_1883 = arith.constant 0 : i32
      %gather3A_1884 = tpu.memref_slice %arg6[%gather3A_1881, %gather3A_1882, %gather3A_1883] : memref<16x32x128xf32, #tpu.memory_space<vmem>> -> memref<1x32x128xf32, #tpu.memory_space<vmem>>
      %gather3A_1885 = tpu.memref_squeeze %gather3A_1884 : memref<1x32x128xf32, #tpu.memory_space<vmem>> -> memref<32x128xf32, #tpu.memory_space<vmem>>
      %gather3A_1886 = tpu.vector_load_idx %gather3A_1885[%add3A_5, %broadcast_in_dim3A_1873] : memref<32x128xf32, #tpu.memory_space<vmem>>[vector<16xi32>, vector<16xi32>], vector<16xf32>,
      tpu.vector_store_idx %arg7[%iota3A, %broadcast_in_dim3A_1874], %gather3A_1880 : memref<32x512xf32, #tpu.memory_space<vmem>>[vector<16xi32>, vector<16xi32>], vector<16xf32>,
      tpu.vector_store_idx %arg7[%add3A_5, %broadcast_in_dim3A_1874], %gather3A_1886 : memref<32x512xf32, #tpu.memory_space<vmem>>[vector<16xi32>, vector<16xi32>], vector<16xf32>,
      %eq3A_1887 = arith.constant 9 : i32
      %eq3A_1888 = vector.broadcast %eq3A_1887 : i32 to vector<16xi32>
      %eq3A_1889 = arith.cmpi eq, %iota3A, %eq3A_1888 : vector<16xi32>
      %select_n3A_1890 = arith.select %eq3A_1889, %get3A_1164, %broadcast_in_dim3A_6 : vector<16xi1>, vector<16xi32>
      %reduce_max3A_1891 = arith.constant true
      %reduce_max3A_1892 = vector.broadcast %reduce_max3A_1891 : i1 to vector<16xi1>
      %reduce_max3A_1893 = arith.constant -2147483648 : i32
      %reduce_max3A_1894 = vector.broadcast %reduce_max3A_1893 : i32 to vector<16xi32>
      %reduce_max3A_1895 = arith.xori %select_n3A_1890, %reduce_max3A_1894 : vector<16xi32>
      %reduce_max3A_1896 = tpu.scan <max>, %reduce_max3A_1895 masked %reduce_max3A_1892 : vector<16xi32>, vector<16xi1> -> vector<16xi32>
      %reduce_max3A_1897 = arith.xori %reduce_max3A_1896, %reduce_max3A_1894 : vector<16xi32>
      %reduce_max3A_1898 = vector.extract %reduce_max3A_1897[15] : i32 from vector<16xi32>
      %and3A_1899 = arith.constant -128 : i32
      %and3A_1900 = arith.andi %reduce_max3A_1898, %and3A_1899 : i32
      %multiple_of3A_1901 = tpu.assume_multiple %and3A_1900, 128 : i32
      %dma_start3A_1902 = arith.constant 9 : i32
      %dma_start3A_1903 = arith.constant 0 : i32
      %dma_start3A_1904 = arith.constant 0 : i32
      %dma_start3A_1905 = tpu.memref_slice %arg6[%dma_start3A_1902, %dma_start3A_1903, %dma_start3A_1904] : memref<16x32x128xf32, #tpu.memory_space<vmem>> -> memref<1x32x128xf32, #tpu.memory_space<vmem>>
      %dma_start3A_1906 = tpu.memref_squeeze %dma_start3A_1905 : memref<1x32x128xf32, #tpu.memory_space<vmem>> -> memref<32x128xf32, #tpu.memory_space<vmem>>
      %dma_start3A_1907 = arith.constant 0 : i32
      %dma_start3A_1908 = tpu.memref_slice %arg2[%dma_start3A_1907, %multiple_of3A_1901] : memref<32x1000000xf32, #tpu.memory_space<hbm>> -> memref<32x128xf32, #tpu.memory_space<hbm>>
      %dma_start3A_1909 = arith.constant 0 : i32
      %dma_start3A_1910 = arith.constant 0 : i32
      %dma_start3A_1911 = tpu.memref_slice %arg6[%dma_start3A_1902, %dma_start3A_1909, %dma_start3A_1910] : memref<16x32x128xf32, #tpu.memory_space<vmem>> -> memref<1x32x128xf32, #tpu.memory_space<vmem>>
      %dma_start3A_1912 = tpu.memref_squeeze %dma_start3A_1911 : memref<1x32x128xf32, #tpu.memory_space<vmem>> -> memref<32x128xf32, #tpu.memory_space<vmem>>
      %dma_start3A_1913 = arith.constant 0 : i32
      %dma_start3A_1914 = tpu.memref_slice %arg2[%dma_start3A_1913, %multiple_of3A_1901] : memref<32x1000000xf32, #tpu.memory_space<hbm>> -> memref<32x128xf32, #tpu.memory_space<hbm>>
      tpu.enqueue_dma source(%dma_start3A_1914 : memref<32x128xf32, #tpu.memory_space<hbm>>) target(%dma_start3A_1912 : memref<32x128xf32, #tpu.memory_space<vmem>>) target_semaphore(%arg8 : memref<!tpu.dma_semaphore, #tpu.memory_space<semaphore_mem>>)
      %mul3A_1915 = arith.constant 16 : i32
      %mul3A_1916 = arith.muli %scan3A_1157, %mul3A_1915 : i32
      %add3A_1917 = arith.constant 10 : i32
      %add3A_1918 = arith.addi %mul3A_1916, %add3A_1917 : i32
      %dma_wait3A_1919 = arith.constant 10 : i32
      %dma_wait3A_1920 = arith.constant 0 : i32
      %dma_wait3A_1921 = arith.constant 0 : i32
      %dma_wait3A_1922 = tpu.memref_slice %arg6[%dma_wait3A_1919, %dma_wait3A_1920, %dma_wait3A_1921] : memref<16x32x128xf32, #tpu.memory_space<vmem>> -> memref<1x32x128xf32, #tpu.memory_space<vmem>>
      %dma_wait3A_1923 = tpu.memref_squeeze %dma_wait3A_1922 : memref<1x32x128xf32, #tpu.memory_space<vmem>> -> memref<32x128xf32, #tpu.memory_space<vmem>>
      %dma_wait3A_1924 = arith.constant 0 : i32
      %dma_wait3A_1925 = arith.constant 0 : i32
      %dma_wait3A_1926 = tpu.memref_slice %arg2[%dma_wait3A_1924, %dma_wait3A_1925] : memref<32x1000000xf32, #tpu.memory_space<hbm>> -> memref<32x128xf32, #tpu.memory_space<hbm>>
      %dma_wait3A_1927 = arith.constant 0 : i32
      %dma_wait3A_1928 = arith.constant 0 : i32
      %dma_wait3A_1929 = tpu.memref_slice %arg6[%dma_wait3A_1919, %dma_wait3A_1927, %dma_wait3A_1928] : memref<16x32x128xf32, #tpu.memory_space<vmem>> -> memref<1x32x128xf32, #tpu.memory_space<vmem>>
      %dma_wait3A_1930 = tpu.memref_squeeze %dma_wait3A_1929 : memref<1x32x128xf32, #tpu.memory_space<vmem>> -> memref<32x128xf32, #tpu.memory_space<vmem>>
      %dma_wait3A_1931 = arith.constant 0 : i32
      %dma_wait3A_1932 = arith.constant 0 : i32
      %dma_wait3A_1933 = tpu.memref_slice %arg2[%dma_wait3A_1931, %dma_wait3A_1932] : memref<32x1000000xf32, #tpu.memory_space<hbm>> -> memref<32x128xf32, #tpu.memory_space<hbm>>
      tpu.wait_dma2 semaphore(%arg8 : memref<!tpu.dma_semaphore, #tpu.memory_space<semaphore_mem>>) src(%dma_wait3A_1933 : memref<32x128xf32, #tpu.memory_space<hbm>>) dst(%dma_wait3A_1930 : memref<32x128xf32, #tpu.memory_space<vmem>>)
      %eq3A_1934 = arith.constant 10 : i32
      %eq3A_1935 = vector.broadcast %eq3A_1934 : i32 to vector<16xi32>
      %eq3A_1936 = arith.cmpi eq, %iota3A, %eq3A_1935 : vector<16xi32>
      %select_n3A_1937 = arith.select %eq3A_1936, %scan3A_1158, %broadcast_in_dim3A_6 : vector<16xi1>, vector<16xi32>
      %reduce_max3A_1938 = arith.constant true
      %reduce_max3A_1939 = vector.broadcast %reduce_max3A_1938 : i1 to vector<16xi1>
      %reduce_max3A_1940 = arith.constant -2147483648 : i32
      %reduce_max3A_1941 = vector.broadcast %reduce_max3A_1940 : i32 to vector<16xi32>
      %reduce_max3A_1942 = arith.xori %select_n3A_1937, %reduce_max3A_1941 : vector<16xi32>
      %reduce_max3A_1943 = tpu.scan <max>, %reduce_max3A_1942 masked %reduce_max3A_1939 : vector<16xi32>, vector<16xi1> -> vector<16xi32>
      %reduce_max3A_1944 = arith.xori %reduce_max3A_1943, %reduce_max3A_1941 : vector<16xi32>
      %reduce_max3A_1945 = vector.extract %reduce_max3A_1944[15] : i32 from vector<16xi32>
      %and3A_1946 = arith.constant 127 : i32
      %and3A_1947 = arith.andi %reduce_max3A_1945, %and3A_1946 : i32
      %broadcast_in_dim3A_1948 = vector.broadcast %and3A_1947 : i32 to vector<16xi32>
      %broadcast_in_dim3A_1949 = vector.broadcast %add3A_1918 : i32 to vector<16xi32>
      %gather3A_1950 = arith.constant 10 : i32
      %gather3A_1951 = arith.constant 0 : i32
      %gather3A_1952 = arith.constant 0 : i32
      %gather3A_1953 = tpu.memref_slice %arg6[%gather3A_1950, %gather3A_1951, %gather3A_1952] : memref<16x32x128xf32, #tpu.memory_space<vmem>> -> memref<1x32x128xf32, #tpu.memory_space<vmem>>
      %gather3A_1954 = tpu.memref_squeeze %gather3A_1953 : memref<1x32x128xf32, #tpu.memory_space<vmem>> -> memref<32x128xf32, #tpu.memory_space<vmem>>
      %gather3A_1955 = tpu.vector_load_idx %gather3A_1954[%iota3A, %broadcast_in_dim3A_1948] : memref<32x128xf32, #tpu.memory_space<vmem>>[vector<16xi32>, vector<16xi32>], vector<16xf32>,
      %gather3A_1956 = arith.constant 10 : i32
      %gather3A_1957 = arith.constant 0 : i32
      %gather3A_1958 = arith.constant 0 : i32
      %gather3A_1959 = tpu.memref_slice %arg6[%gather3A_1956, %gather3A_1957, %gather3A_1958] : memref<16x32x128xf32, #tpu.memory_space<vmem>> -> memref<1x32x128xf32, #tpu.memory_space<vmem>>
      %gather3A_1960 = tpu.memref_squeeze %gather3A_1959 : memref<1x32x128xf32, #tpu.memory_space<vmem>> -> memref<32x128xf32, #tpu.memory_space<vmem>>
      %gather3A_1961 = tpu.vector_load_idx %gather3A_1960[%add3A_5, %broadcast_in_dim3A_1948] : memref<32x128xf32, #tpu.memory_space<vmem>>[vector<16xi32>, vector<16xi32>], vector<16xf32>,
      tpu.vector_store_idx %arg7[%iota3A, %broadcast_in_dim3A_1949], %gather3A_1955 : memref<32x512xf32, #tpu.memory_space<vmem>>[vector<16xi32>, vector<16xi32>], vector<16xf32>,
      tpu.vector_store_idx %arg7[%add3A_5, %broadcast_in_dim3A_1949], %gather3A_1961 : memref<32x512xf32, #tpu.memory_space<vmem>>[vector<16xi32>, vector<16xi32>], vector<16xf32>,
      %eq3A_1962 = arith.constant 10 : i32
      %eq3A_1963 = vector.broadcast %eq3A_1962 : i32 to vector<16xi32>
      %eq3A_1964 = arith.cmpi eq, %iota3A, %eq3A_1963 : vector<16xi32>
      %select_n3A_1965 = arith.select %eq3A_1964, %get3A_1164, %broadcast_in_dim3A_6 : vector<16xi1>, vector<16xi32>
      %reduce_max3A_1966 = arith.constant true
      %reduce_max3A_1967 = vector.broadcast %reduce_max3A_1966 : i1 to vector<16xi1>
      %reduce_max3A_1968 = arith.constant -2147483648 : i32
      %reduce_max3A_1969 = vector.broadcast %reduce_max3A_1968 : i32 to vector<16xi32>
      %reduce_max3A_1970 = arith.xori %select_n3A_1965, %reduce_max3A_1969 : vector<16xi32>
      %reduce_max3A_1971 = tpu.scan <max>, %reduce_max3A_1970 masked %reduce_max3A_1967 : vector<16xi32>, vector<16xi1> -> vector<16xi32>
      %reduce_max3A_1972 = arith.xori %reduce_max3A_1971, %reduce_max3A_1969 : vector<16xi32>
      %reduce_max3A_1973 = vector.extract %reduce_max3A_1972[15] : i32 from vector<16xi32>
      %and3A_1974 = arith.constant -128 : i32
      %and3A_1975 = arith.andi %reduce_max3A_1973, %and3A_1974 : i32
      %multiple_of3A_1976 = tpu.assume_multiple %and3A_1975, 128 : i32
      %dma_start3A_1977 = arith.constant 10 : i32
      %dma_start3A_1978 = arith.constant 0 : i32
      %dma_start3A_1979 = arith.constant 0 : i32
      %dma_start3A_1980 = tpu.memref_slice %arg6[%dma_start3A_1977, %dma_start3A_1978, %dma_start3A_1979] : memref<16x32x128xf32, #tpu.memory_space<vmem>> -> memref<1x32x128xf32, #tpu.memory_space<vmem>>
      %dma_start3A_1981 = tpu.memref_squeeze %dma_start3A_1980 : memref<1x32x128xf32, #tpu.memory_space<vmem>> -> memref<32x128xf32, #tpu.memory_space<vmem>>
      %dma_start3A_1982 = arith.constant 0 : i32
      %dma_start3A_1983 = tpu.memref_slice %arg2[%dma_start3A_1982, %multiple_of3A_1976] : memref<32x1000000xf32, #tpu.memory_space<hbm>> -> memref<32x128xf32, #tpu.memory_space<hbm>>
      %dma_start3A_1984 = arith.constant 0 : i32
      %dma_start3A_1985 = arith.constant 0 : i32
      %dma_start3A_1986 = tpu.memref_slice %arg6[%dma_start3A_1977, %dma_start3A_1984, %dma_start3A_1985] : memref<16x32x128xf32, #tpu.memory_space<vmem>> -> memref<1x32x128xf32, #tpu.memory_space<vmem>>
      %dma_start3A_1987 = tpu.memref_squeeze %dma_start3A_1986 : memref<1x32x128xf32, #tpu.memory_space<vmem>> -> memref<32x128xf32, #tpu.memory_space<vmem>>
      %dma_start3A_1988 = arith.constant 0 : i32
      %dma_start3A_1989 = tpu.memref_slice %arg2[%dma_start3A_1988, %multiple_of3A_1976] : memref<32x1000000xf32, #tpu.memory_space<hbm>> -> memref<32x128xf32, #tpu.memory_space<hbm>>
      tpu.enqueue_dma source(%dma_start3A_1989 : memref<32x128xf32, #tpu.memory_space<hbm>>) target(%dma_start3A_1987 : memref<32x128xf32, #tpu.memory_space<vmem>>) target_semaphore(%arg8 : memref<!tpu.dma_semaphore, #tpu.memory_space<semaphore_mem>>)
      %mul3A_1990 = arith.constant 16 : i32
      %mul3A_1991 = arith.muli %scan3A_1157, %mul3A_1990 : i32
      %add3A_1992 = arith.constant 11 : i32
      %add3A_1993 = arith.addi %mul3A_1991, %add3A_1992 : i32
      %dma_wait3A_1994 = arith.constant 11 : i32
      %dma_wait3A_1995 = arith.constant 0 : i32
      %dma_wait3A_1996 = arith.constant 0 : i32
      %dma_wait3A_1997 = tpu.memref_slice %arg6[%dma_wait3A_1994, %dma_wait3A_1995, %dma_wait3A_1996] : memref<16x32x128xf32, #tpu.memory_space<vmem>> -> memref<1x32x128xf32, #tpu.memory_space<vmem>>
      %dma_wait3A_1998 = tpu.memref_squeeze %dma_wait3A_1997 : memref<1x32x128xf32, #tpu.memory_space<vmem>> -> memref<32x128xf32, #tpu.memory_space<vmem>>
      %dma_wait3A_1999 = arith.constant 0 : i32
      %dma_wait3A_2000 = arith.constant 0 : i32
      %dma_wait3A_2001 = tpu.memref_slice %arg2[%dma_wait3A_1999, %dma_wait3A_2000] : memref<32x1000000xf32, #tpu.memory_space<hbm>> -> memref<32x128xf32, #tpu.memory_space<hbm>>
      %dma_wait3A_2002 = arith.constant 0 : i32
      %dma_wait3A_2003 = arith.constant 0 : i32
      %dma_wait3A_2004 = tpu.memref_slice %arg6[%dma_wait3A_1994, %dma_wait3A_2002, %dma_wait3A_2003] : memref<16x32x128xf32, #tpu.memory_space<vmem>> -> memref<1x32x128xf32, #tpu.memory_space<vmem>>
      %dma_wait3A_2005 = tpu.memref_squeeze %dma_wait3A_2004 : memref<1x32x128xf32, #tpu.memory_space<vmem>> -> memref<32x128xf32, #tpu.memory_space<vmem>>
      %dma_wait3A_2006 = arith.constant 0 : i32
      %dma_wait3A_2007 = arith.constant 0 : i32
      %dma_wait3A_2008 = tpu.memref_slice %arg2[%dma_wait3A_2006, %dma_wait3A_2007] : memref<32x1000000xf32, #tpu.memory_space<hbm>> -> memref<32x128xf32, #tpu.memory_space<hbm>>
      tpu.wait_dma2 semaphore(%arg8 : memref<!tpu.dma_semaphore, #tpu.memory_space<semaphore_mem>>) src(%dma_wait3A_2008 : memref<32x128xf32, #tpu.memory_space<hbm>>) dst(%dma_wait3A_2005 : memref<32x128xf32, #tpu.memory_space<vmem>>)
      %eq3A_2009 = arith.constant 11 : i32
      %eq3A_2010 = vector.broadcast %eq3A_2009 : i32 to vector<16xi32>
      %eq3A_2011 = arith.cmpi eq, %iota3A, %eq3A_2010 : vector<16xi32>
      %select_n3A_2012 = arith.select %eq3A_2011, %scan3A_1158, %broadcast_in_dim3A_6 : vector<16xi1>, vector<16xi32>
      %reduce_max3A_2013 = arith.constant true
      %reduce_max3A_2014 = vector.broadcast %reduce_max3A_2013 : i1 to vector<16xi1>
      %reduce_max3A_2015 = arith.constant -2147483648 : i32
      %reduce_max3A_2016 = vector.broadcast %reduce_max3A_2015 : i32 to vector<16xi32>
      %reduce_max3A_2017 = arith.xori %select_n3A_2012, %reduce_max3A_2016 : vector<16xi32>
      %reduce_max3A_2018 = tpu.scan <max>, %reduce_max3A_2017 masked %reduce_max3A_2014 : vector<16xi32>, vector<16xi1> -> vector<16xi32>
      %reduce_max3A_2019 = arith.xori %reduce_max3A_2018, %reduce_max3A_2016 : vector<16xi32>
      %reduce_max3A_2020 = vector.extract %reduce_max3A_2019[15] : i32 from vector<16xi32>
      %and3A_2021 = arith.constant 127 : i32
      %and3A_2022 = arith.andi %reduce_max3A_2020, %and3A_2021 : i32
      %broadcast_in_dim3A_2023 = vector.broadcast %and3A_2022 : i32 to vector<16xi32>
      %broadcast_in_dim3A_2024 = vector.broadcast %add3A_1993 : i32 to vector<16xi32>
      %gather3A_2025 = arith.constant 11 : i32
      %gather3A_2026 = arith.constant 0 : i32
      %gather3A_2027 = arith.constant 0 : i32
      %gather3A_2028 = tpu.memref_slice %arg6[%gather3A_2025, %gather3A_2026, %gather3A_2027] : memref<16x32x128xf32, #tpu.memory_space<vmem>> -> memref<1x32x128xf32, #tpu.memory_space<vmem>>
      %gather3A_2029 = tpu.memref_squeeze %gather3A_2028 : memref<1x32x128xf32, #tpu.memory_space<vmem>> -> memref<32x128xf32, #tpu.memory_space<vmem>>
      %gather3A_2030 = tpu.vector_load_idx %gather3A_2029[%iota3A, %broadcast_in_dim3A_2023] : memref<32x128xf32, #tpu.memory_space<vmem>>[vector<16xi32>, vector<16xi32>], vector<16xf32>,
      %gather3A_2031 = arith.constant 11 : i32
      %gather3A_2032 = arith.constant 0 : i32
      %gather3A_2033 = arith.constant 0 : i32
      %gather3A_2034 = tpu.memref_slice %arg6[%gather3A_2031, %gather3A_2032, %gather3A_2033] : memref<16x32x128xf32, #tpu.memory_space<vmem>> -> memref<1x32x128xf32, #tpu.memory_space<vmem>>
      %gather3A_2035 = tpu.memref_squeeze %gather3A_2034 : memref<1x32x128xf32, #tpu.memory_space<vmem>> -> memref<32x128xf32, #tpu.memory_space<vmem>>
      %gather3A_2036 = tpu.vector_load_idx %gather3A_2035[%add3A_5, %broadcast_in_dim3A_2023] : memref<32x128xf32, #tpu.memory_space<vmem>>[vector<16xi32>, vector<16xi32>], vector<16xf32>,
      tpu.vector_store_idx %arg7[%iota3A, %broadcast_in_dim3A_2024], %gather3A_2030 : memref<32x512xf32, #tpu.memory_space<vmem>>[vector<16xi32>, vector<16xi32>], vector<16xf32>,
      tpu.vector_store_idx %arg7[%add3A_5, %broadcast_in_dim3A_2024], %gather3A_2036 : memref<32x512xf32, #tpu.memory_space<vmem>>[vector<16xi32>, vector<16xi32>], vector<16xf32>,
      %eq3A_2037 = arith.constant 11 : i32
      %eq3A_2038 = vector.broadcast %eq3A_2037 : i32 to vector<16xi32>
      %eq3A_2039 = arith.cmpi eq, %iota3A, %eq3A_2038 : vector<16xi32>
      %select_n3A_2040 = arith.select %eq3A_2039, %get3A_1164, %broadcast_in_dim3A_6 : vector<16xi1>, vector<16xi32>
      %reduce_max3A_2041 = arith.constant true
      %reduce_max3A_2042 = vector.broadcast %reduce_max3A_2041 : i1 to vector<16xi1>
      %reduce_max3A_2043 = arith.constant -2147483648 : i32
      %reduce_max3A_2044 = vector.broadcast %reduce_max3A_2043 : i32 to vector<16xi32>
      %reduce_max3A_2045 = arith.xori %select_n3A_2040, %reduce_max3A_2044 : vector<16xi32>
      %reduce_max3A_2046 = tpu.scan <max>, %reduce_max3A_2045 masked %reduce_max3A_2042 : vector<16xi32>, vector<16xi1> -> vector<16xi32>
      %reduce_max3A_2047 = arith.xori %reduce_max3A_2046, %reduce_max3A_2044 : vector<16xi32>
      %reduce_max3A_2048 = vector.extract %reduce_max3A_2047[15] : i32 from vector<16xi32>
      %and3A_2049 = arith.constant -128 : i32
      %and3A_2050 = arith.andi %reduce_max3A_2048, %and3A_2049 : i32
      %multiple_of3A_2051 = tpu.assume_multiple %and3A_2050, 128 : i32
      %dma_start3A_2052 = arith.constant 11 : i32
      %dma_start3A_2053 = arith.constant 0 : i32
      %dma_start3A_2054 = arith.constant 0 : i32
      %dma_start3A_2055 = tpu.memref_slice %arg6[%dma_start3A_2052, %dma_start3A_2053, %dma_start3A_2054] : memref<16x32x128xf32, #tpu.memory_space<vmem>> -> memref<1x32x128xf32, #tpu.memory_space<vmem>>
      %dma_start3A_2056 = tpu.memref_squeeze %dma_start3A_2055 : memref<1x32x128xf32, #tpu.memory_space<vmem>> -> memref<32x128xf32, #tpu.memory_space<vmem>>
      %dma_start3A_2057 = arith.constant 0 : i32
      %dma_start3A_2058 = tpu.memref_slice %arg2[%dma_start3A_2057, %multiple_of3A_2051] : memref<32x1000000xf32, #tpu.memory_space<hbm>> -> memref<32x128xf32, #tpu.memory_space<hbm>>
      %dma_start3A_2059 = arith.constant 0 : i32
      %dma_start3A_2060 = arith.constant 0 : i32
      %dma_start3A_2061 = tpu.memref_slice %arg6[%dma_start3A_2052, %dma_start3A_2059, %dma_start3A_2060] : memref<16x32x128xf32, #tpu.memory_space<vmem>> -> memref<1x32x128xf32, #tpu.memory_space<vmem>>
      %dma_start3A_2062 = tpu.memref_squeeze %dma_start3A_2061 : memref<1x32x128xf32, #tpu.memory_space<vmem>> -> memref<32x128xf32, #tpu.memory_space<vmem>>
      %dma_start3A_2063 = arith.constant 0 : i32
      %dma_start3A_2064 = tpu.memref_slice %arg2[%dma_start3A_2063, %multiple_of3A_2051] : memref<32x1000000xf32, #tpu.memory_space<hbm>> -> memref<32x128xf32, #tpu.memory_space<hbm>>
      tpu.enqueue_dma source(%dma_start3A_2064 : memref<32x128xf32, #tpu.memory_space<hbm>>) target(%dma_start3A_2062 : memref<32x128xf32, #tpu.memory_space<vmem>>) target_semaphore(%arg8 : memref<!tpu.dma_semaphore, #tpu.memory_space<semaphore_mem>>)
      %mul3A_2065 = arith.constant 16 : i32
      %mul3A_2066 = arith.muli %scan3A_1157, %mul3A_2065 : i32
      %add3A_2067 = arith.constant 12 : i32
      %add3A_2068 = arith.addi %mul3A_2066, %add3A_2067 : i32
      %dma_wait3A_2069 = arith.constant 12 : i32
      %dma_wait3A_2070 = arith.constant 0 : i32
      %dma_wait3A_2071 = arith.constant 0 : i32
      %dma_wait3A_2072 = tpu.memref_slice %arg6[%dma_wait3A_2069, %dma_wait3A_2070, %dma_wait3A_2071] : memref<16x32x128xf32, #tpu.memory_space<vmem>> -> memref<1x32x128xf32, #tpu.memory_space<vmem>>
      %dma_wait3A_2073 = tpu.memref_squeeze %dma_wait3A_2072 : memref<1x32x128xf32, #tpu.memory_space<vmem>> -> memref<32x128xf32, #tpu.memory_space<vmem>>
      %dma_wait3A_2074 = arith.constant 0 : i32
      %dma_wait3A_2075 = arith.constant 0 : i32
      %dma_wait3A_2076 = tpu.memref_slice %arg2[%dma_wait3A_2074, %dma_wait3A_2075] : memref<32x1000000xf32, #tpu.memory_space<hbm>> -> memref<32x128xf32, #tpu.memory_space<hbm>>
      %dma_wait3A_2077 = arith.constant 0 : i32
      %dma_wait3A_2078 = arith.constant 0 : i32
      %dma_wait3A_2079 = tpu.memref_slice %arg6[%dma_wait3A_2069, %dma_wait3A_2077, %dma_wait3A_2078] : memref<16x32x128xf32, #tpu.memory_space<vmem>> -> memref<1x32x128xf32, #tpu.memory_space<vmem>>
      %dma_wait3A_2080 = tpu.memref_squeeze %dma_wait3A_2079 : memref<1x32x128xf32, #tpu.memory_space<vmem>> -> memref<32x128xf32, #tpu.memory_space<vmem>>
      %dma_wait3A_2081 = arith.constant 0 : i32
      %dma_wait3A_2082 = arith.constant 0 : i32
      %dma_wait3A_2083 = tpu.memref_slice %arg2[%dma_wait3A_2081, %dma_wait3A_2082] : memref<32x1000000xf32, #tpu.memory_space<hbm>> -> memref<32x128xf32, #tpu.memory_space<hbm>>
      tpu.wait_dma2 semaphore(%arg8 : memref<!tpu.dma_semaphore, #tpu.memory_space<semaphore_mem>>) src(%dma_wait3A_2083 : memref<32x128xf32, #tpu.memory_space<hbm>>) dst(%dma_wait3A_2080 : memref<32x128xf32, #tpu.memory_space<vmem>>)
      %eq3A_2084 = arith.constant 12 : i32
      %eq3A_2085 = vector.broadcast %eq3A_2084 : i32 to vector<16xi32>
      %eq3A_2086 = arith.cmpi eq, %iota3A, %eq3A_2085 : vector<16xi32>
      %select_n3A_2087 = arith.select %eq3A_2086, %scan3A_1158, %broadcast_in_dim3A_6 : vector<16xi1>, vector<16xi32>
      %reduce_max3A_2088 = arith.constant true
      %reduce_max3A_2089 = vector.broadcast %reduce_max3A_2088 : i1 to vector<16xi1>
      %reduce_max3A_2090 = arith.constant -2147483648 : i32
      %reduce_max3A_2091 = vector.broadcast %reduce_max3A_2090 : i32 to vector<16xi32>
      %reduce_max3A_2092 = arith.xori %select_n3A_2087, %reduce_max3A_2091 : vector<16xi32>
      %reduce_max3A_2093 = tpu.scan <max>, %reduce_max3A_2092 masked %reduce_max3A_2089 : vector<16xi32>, vector<16xi1> -> vector<16xi32>
      %reduce_max3A_2094 = arith.xori %reduce_max3A_2093, %reduce_max3A_2091 : vector<16xi32>
      %reduce_max3A_2095 = vector.extract %reduce_max3A_2094[15] : i32 from vector<16xi32>
      %and3A_2096 = arith.constant 127 : i32
      %and3A_2097 = arith.andi %reduce_max3A_2095, %and3A_2096 : i32
      %broadcast_in_dim3A_2098 = vector.broadcast %and3A_2097 : i32 to vector<16xi32>
      %broadcast_in_dim3A_2099 = vector.broadcast %add3A_2068 : i32 to vector<16xi32>
      %gather3A_2100 = arith.constant 12 : i32
      %gather3A_2101 = arith.constant 0 : i32
      %gather3A_2102 = arith.constant 0 : i32
      %gather3A_2103 = tpu.memref_slice %arg6[%gather3A_2100, %gather3A_2101, %gather3A_2102] : memref<16x32x128xf32, #tpu.memory_space<vmem>> -> memref<1x32x128xf32, #tpu.memory_space<vmem>>
      %gather3A_2104 = tpu.memref_squeeze %gather3A_2103 : memref<1x32x128xf32, #tpu.memory_space<vmem>> -> memref<32x128xf32, #tpu.memory_space<vmem>>
      %gather3A_2105 = tpu.vector_load_idx %gather3A_2104[%iota3A, %broadcast_in_dim3A_2098] : memref<32x128xf32, #tpu.memory_space<vmem>>[vector<16xi32>, vector<16xi32>], vector<16xf32>,
      %gather3A_2106 = arith.constant 12 : i32
      %gather3A_2107 = arith.constant 0 : i32
      %gather3A_2108 = arith.constant 0 : i32
      %gather3A_2109 = tpu.memref_slice %arg6[%gather3A_2106, %gather3A_2107, %gather3A_2108] : memref<16x32x128xf32, #tpu.memory_space<vmem>> -> memref<1x32x128xf32, #tpu.memory_space<vmem>>
      %gather3A_2110 = tpu.memref_squeeze %gather3A_2109 : memref<1x32x128xf32, #tpu.memory_space<vmem>> -> memref<32x128xf32, #tpu.memory_space<vmem>>
      %gather3A_2111 = tpu.vector_load_idx %gather3A_2110[%add3A_5, %broadcast_in_dim3A_2098] : memref<32x128xf32, #tpu.memory_space<vmem>>[vector<16xi32>, vector<16xi32>], vector<16xf32>,
      tpu.vector_store_idx %arg7[%iota3A, %broadcast_in_dim3A_2099], %gather3A_2105 : memref<32x512xf32, #tpu.memory_space<vmem>>[vector<16xi32>, vector<16xi32>], vector<16xf32>,
      tpu.vector_store_idx %arg7[%add3A_5, %broadcast_in_dim3A_2099], %gather3A_2111 : memref<32x512xf32, #tpu.memory_space<vmem>>[vector<16xi32>, vector<16xi32>], vector<16xf32>,
      %eq3A_2112 = arith.constant 12 : i32
      %eq3A_2113 = vector.broadcast %eq3A_2112 : i32 to vector<16xi32>
      %eq3A_2114 = arith.cmpi eq, %iota3A, %eq3A_2113 : vector<16xi32>
      %select_n3A_2115 = arith.select %eq3A_2114, %get3A_1164, %broadcast_in_dim3A_6 : vector<16xi1>, vector<16xi32>
      %reduce_max3A_2116 = arith.constant true
      %reduce_max3A_2117 = vector.broadcast %reduce_max3A_2116 : i1 to vector<16xi1>
      %reduce_max3A_2118 = arith.constant -2147483648 : i32
      %reduce_max3A_2119 = vector.broadcast %reduce_max3A_2118 : i32 to vector<16xi32>
      %reduce_max3A_2120 = arith.xori %select_n3A_2115, %reduce_max3A_2119 : vector<16xi32>
      %reduce_max3A_2121 = tpu.scan <max>, %reduce_max3A_2120 masked %reduce_max3A_2117 : vector<16xi32>, vector<16xi1> -> vector<16xi32>
      %reduce_max3A_2122 = arith.xori %reduce_max3A_2121, %reduce_max3A_2119 : vector<16xi32>
      %reduce_max3A_2123 = vector.extract %reduce_max3A_2122[15] : i32 from vector<16xi32>
      %and3A_2124 = arith.constant -128 : i32
      %and3A_2125 = arith.andi %reduce_max3A_2123, %and3A_2124 : i32
      %multiple_of3A_2126 = tpu.assume_multiple %and3A_2125, 128 : i32
      %dma_start3A_2127 = arith.constant 12 : i32
      %dma_start3A_2128 = arith.constant 0 : i32
      %dma_start3A_2129 = arith.constant 0 : i32
      %dma_start3A_2130 = tpu.memref_slice %arg6[%dma_start3A_2127, %dma_start3A_2128, %dma_start3A_2129] : memref<16x32x128xf32, #tpu.memory_space<vmem>> -> memref<1x32x128xf32, #tpu.memory_space<vmem>>
      %dma_start3A_2131 = tpu.memref_squeeze %dma_start3A_2130 : memref<1x32x128xf32, #tpu.memory_space<vmem>> -> memref<32x128xf32, #tpu.memory_space<vmem>>
      %dma_start3A_2132 = arith.constant 0 : i32
      %dma_start3A_2133 = tpu.memref_slice %arg2[%dma_start3A_2132, %multiple_of3A_2126] : memref<32x1000000xf32, #tpu.memory_space<hbm>> -> memref<32x128xf32, #tpu.memory_space<hbm>>
      %dma_start3A_2134 = arith.constant 0 : i32
      %dma_start3A_2135 = arith.constant 0 : i32
      %dma_start3A_2136 = tpu.memref_slice %arg6[%dma_start3A_2127, %dma_start3A_2134, %dma_start3A_2135] : memref<16x32x128xf32, #tpu.memory_space<vmem>> -> memref<1x32x128xf32, #tpu.memory_space<vmem>>
      %dma_start3A_2137 = tpu.memref_squeeze %dma_start3A_2136 : memref<1x32x128xf32, #tpu.memory_space<vmem>> -> memref<32x128xf32, #tpu.memory_space<vmem>>
      %dma_start3A_2138 = arith.constant 0 : i32
      %dma_start3A_2139 = tpu.memref_slice %arg2[%dma_start3A_2138, %multiple_of3A_2126] : memref<32x1000000xf32, #tpu.memory_space<hbm>> -> memref<32x128xf32, #tpu.memory_space<hbm>>
      tpu.enqueue_dma source(%dma_start3A_2139 : memref<32x128xf32, #tpu.memory_space<hbm>>) target(%dma_start3A_2137 : memref<32x128xf32, #tpu.memory_space<vmem>>) target_semaphore(%arg8 : memref<!tpu.dma_semaphore, #tpu.memory_space<semaphore_mem>>)
      %mul3A_2140 = arith.constant 16 : i32
      %mul3A_2141 = arith.muli %scan3A_1157, %mul3A_2140 : i32
      %add3A_2142 = arith.constant 13 : i32
      %add3A_2143 = arith.addi %mul3A_2141, %add3A_2142 : i32
      %dma_wait3A_2144 = arith.constant 13 : i32
      %dma_wait3A_2145 = arith.constant 0 : i32
      %dma_wait3A_2146 = arith.constant 0 : i32
      %dma_wait3A_2147 = tpu.memref_slice %arg6[%dma_wait3A_2144, %dma_wait3A_2145, %dma_wait3A_2146] : memref<16x32x128xf32, #tpu.memory_space<vmem>> -> memref<1x32x128xf32, #tpu.memory_space<vmem>>
      %dma_wait3A_2148 = tpu.memref_squeeze %dma_wait3A_2147 : memref<1x32x128xf32, #tpu.memory_space<vmem>> -> memref<32x128xf32, #tpu.memory_space<vmem>>
      %dma_wait3A_2149 = arith.constant 0 : i32
      %dma_wait3A_2150 = arith.constant 0 : i32
      %dma_wait3A_2151 = tpu.memref_slice %arg2[%dma_wait3A_2149, %dma_wait3A_2150] : memref<32x1000000xf32, #tpu.memory_space<hbm>> -> memref<32x128xf32, #tpu.memory_space<hbm>>
      %dma_wait3A_2152 = arith.constant 0 : i32
      %dma_wait3A_2153 = arith.constant 0 : i32
      %dma_wait3A_2154 = tpu.memref_slice %arg6[%dma_wait3A_2144, %dma_wait3A_2152, %dma_wait3A_2153] : memref<16x32x128xf32, #tpu.memory_space<vmem>> -> memref<1x32x128xf32, #tpu.memory_space<vmem>>
      %dma_wait3A_2155 = tpu.memref_squeeze %dma_wait3A_2154 : memref<1x32x128xf32, #tpu.memory_space<vmem>> -> memref<32x128xf32, #tpu.memory_space<vmem>>
      %dma_wait3A_2156 = arith.constant 0 : i32
      %dma_wait3A_2157 = arith.constant 0 : i32
      %dma_wait3A_2158 = tpu.memref_slice %arg2[%dma_wait3A_2156, %dma_wait3A_2157] : memref<32x1000000xf32, #tpu.memory_space<hbm>> -> memref<32x128xf32, #tpu.memory_space<hbm>>
      tpu.wait_dma2 semaphore(%arg8 : memref<!tpu.dma_semaphore, #tpu.memory_space<semaphore_mem>>) src(%dma_wait3A_2158 : memref<32x128xf32, #tpu.memory_space<hbm>>) dst(%dma_wait3A_2155 : memref<32x128xf32, #tpu.memory_space<vmem>>)
      %eq3A_2159 = arith.constant 13 : i32
      %eq3A_2160 = vector.broadcast %eq3A_2159 : i32 to vector<16xi32>
      %eq3A_2161 = arith.cmpi eq, %iota3A, %eq3A_2160 : vector<16xi32>
      %select_n3A_2162 = arith.select %eq3A_2161, %scan3A_1158, %broadcast_in_dim3A_6 : vector<16xi1>, vector<16xi32>
      %reduce_max3A_2163 = arith.constant true
      %reduce_max3A_2164 = vector.broadcast %reduce_max3A_2163 : i1 to vector<16xi1>
      %reduce_max3A_2165 = arith.constant -2147483648 : i32
      %reduce_max3A_2166 = vector.broadcast %reduce_max3A_2165 : i32 to vector<16xi32>
      %reduce_max3A_2167 = arith.xori %select_n3A_2162, %reduce_max3A_2166 : vector<16xi32>
      %reduce_max3A_2168 = tpu.scan <max>, %reduce_max3A_2167 masked %reduce_max3A_2164 : vector<16xi32>, vector<16xi1> -> vector<16xi32>
      %reduce_max3A_2169 = arith.xori %reduce_max3A_2168, %reduce_max3A_2166 : vector<16xi32>
      %reduce_max3A_2170 = vector.extract %reduce_max3A_2169[15] : i32 from vector<16xi32>
      %and3A_2171 = arith.constant 127 : i32
      %and3A_2172 = arith.andi %reduce_max3A_2170, %and3A_2171 : i32
      %broadcast_in_dim3A_2173 = vector.broadcast %and3A_2172 : i32 to vector<16xi32>
      %broadcast_in_dim3A_2174 = vector.broadcast %add3A_2143 : i32 to vector<16xi32>
      %gather3A_2175 = arith.constant 13 : i32
      %gather3A_2176 = arith.constant 0 : i32
      %gather3A_2177 = arith.constant 0 : i32
      %gather3A_2178 = tpu.memref_slice %arg6[%gather3A_2175, %gather3A_2176, %gather3A_2177] : memref<16x32x128xf32, #tpu.memory_space<vmem>> -> memref<1x32x128xf32, #tpu.memory_space<vmem>>
      %gather3A_2179 = tpu.memref_squeeze %gather3A_2178 : memref<1x32x128xf32, #tpu.memory_space<vmem>> -> memref<32x128xf32, #tpu.memory_space<vmem>>
      %gather3A_2180 = tpu.vector_load_idx %gather3A_2179[%iota3A, %broadcast_in_dim3A_2173] : memref<32x128xf32, #tpu.memory_space<vmem>>[vector<16xi32>, vector<16xi32>], vector<16xf32>,
      %gather3A_2181 = arith.constant 13 : i32
      %gather3A_2182 = arith.constant 0 : i32
      %gather3A_2183 = arith.constant 0 : i32
      %gather3A_2184 = tpu.memref_slice %arg6[%gather3A_2181, %gather3A_2182, %gather3A_2183] : memref<16x32x128xf32, #tpu.memory_space<vmem>> -> memref<1x32x128xf32, #tpu.memory_space<vmem>>
      %gather3A_2185 = tpu.memref_squeeze %gather3A_2184 : memref<1x32x128xf32, #tpu.memory_space<vmem>> -> memref<32x128xf32, #tpu.memory_space<vmem>>
      %gather3A_2186 = tpu.vector_load_idx %gather3A_2185[%add3A_5, %broadcast_in_dim3A_2173] : memref<32x128xf32, #tpu.memory_space<vmem>>[vector<16xi32>, vector<16xi32>], vector<16xf32>,
      tpu.vector_store_idx %arg7[%iota3A, %broadcast_in_dim3A_2174], %gather3A_2180 : memref<32x512xf32, #tpu.memory_space<vmem>>[vector<16xi32>, vector<16xi32>], vector<16xf32>,
      tpu.vector_store_idx %arg7[%add3A_5, %broadcast_in_dim3A_2174], %gather3A_2186 : memref<32x512xf32, #tpu.memory_space<vmem>>[vector<16xi32>, vector<16xi32>], vector<16xf32>,
      %eq3A_2187 = arith.constant 13 : i32
      %eq3A_2188 = vector.broadcast %eq3A_2187 : i32 to vector<16xi32>
      %eq3A_2189 = arith.cmpi eq, %iota3A, %eq3A_2188 : vector<16xi32>
      %select_n3A_2190 = arith.select %eq3A_2189, %get3A_1164, %broadcast_in_dim3A_6 : vector<16xi1>, vector<16xi32>
      %reduce_max3A_2191 = arith.constant true
      %reduce_max3A_2192 = vector.broadcast %reduce_max3A_2191 : i1 to vector<16xi1>
      %reduce_max3A_2193 = arith.constant -2147483648 : i32
      %reduce_max3A_2194 = vector.broadcast %reduce_max3A_2193 : i32 to vector<16xi32>
      %reduce_max3A_2195 = arith.xori %select_n3A_2190, %reduce_max3A_2194 : vector<16xi32>
      %reduce_max3A_2196 = tpu.scan <max>, %reduce_max3A_2195 masked %reduce_max3A_2192 : vector<16xi32>, vector<16xi1> -> vector<16xi32>
      %reduce_max3A_2197 = arith.xori %reduce_max3A_2196, %reduce_max3A_2194 : vector<16xi32>
      %reduce_max3A_2198 = vector.extract %reduce_max3A_2197[15] : i32 from vector<16xi32>
      %and3A_2199 = arith.constant -128 : i32
      %and3A_2200 = arith.andi %reduce_max3A_2198, %and3A_2199 : i32
      %multiple_of3A_2201 = tpu.assume_multiple %and3A_2200, 128 : i32
      %dma_start3A_2202 = arith.constant 13 : i32
      %dma_start3A_2203 = arith.constant 0 : i32
      %dma_start3A_2204 = arith.constant 0 : i32
      %dma_start3A_2205 = tpu.memref_slice %arg6[%dma_start3A_2202, %dma_start3A_2203, %dma_start3A_2204] : memref<16x32x128xf32, #tpu.memory_space<vmem>> -> memref<1x32x128xf32, #tpu.memory_space<vmem>>
      %dma_start3A_2206 = tpu.memref_squeeze %dma_start3A_2205 : memref<1x32x128xf32, #tpu.memory_space<vmem>> -> memref<32x128xf32, #tpu.memory_space<vmem>>
      %dma_start3A_2207 = arith.constant 0 : i32
      %dma_start3A_2208 = tpu.memref_slice %arg2[%dma_start3A_2207, %multiple_of3A_2201] : memref<32x1000000xf32, #tpu.memory_space<hbm>> -> memref<32x128xf32, #tpu.memory_space<hbm>>
      %dma_start3A_2209 = arith.constant 0 : i32
      %dma_start3A_2210 = arith.constant 0 : i32
      %dma_start3A_2211 = tpu.memref_slice %arg6[%dma_start3A_2202, %dma_start3A_2209, %dma_start3A_2210] : memref<16x32x128xf32, #tpu.memory_space<vmem>> -> memref<1x32x128xf32, #tpu.memory_space<vmem>>
      %dma_start3A_2212 = tpu.memref_squeeze %dma_start3A_2211 : memref<1x32x128xf32, #tpu.memory_space<vmem>> -> memref<32x128xf32, #tpu.memory_space<vmem>>
      %dma_start3A_2213 = arith.constant 0 : i32
      %dma_start3A_2214 = tpu.memref_slice %arg2[%dma_start3A_2213, %multiple_of3A_2201] : memref<32x1000000xf32, #tpu.memory_space<hbm>> -> memref<32x128xf32, #tpu.memory_space<hbm>>
      tpu.enqueue_dma source(%dma_start3A_2214 : memref<32x128xf32, #tpu.memory_space<hbm>>) target(%dma_start3A_2212 : memref<32x128xf32, #tpu.memory_space<vmem>>) target_semaphore(%arg8 : memref<!tpu.dma_semaphore, #tpu.memory_space<semaphore_mem>>)
      %mul3A_2215 = arith.constant 16 : i32
      %mul3A_2216 = arith.muli %scan3A_1157, %mul3A_2215 : i32
      %add3A_2217 = arith.constant 14 : i32
      %add3A_2218 = arith.addi %mul3A_2216, %add3A_2217 : i32
      %dma_wait3A_2219 = arith.constant 14 : i32
      %dma_wait3A_2220 = arith.constant 0 : i32
      %dma_wait3A_2221 = arith.constant 0 : i32
      %dma_wait3A_2222 = tpu.memref_slice %arg6[%dma_wait3A_2219, %dma_wait3A_2220, %dma_wait3A_2221] : memref<16x32x128xf32, #tpu.memory_space<vmem>> -> memref<1x32x128xf32, #tpu.memory_space<vmem>>
      %dma_wait3A_2223 = tpu.memref_squeeze %dma_wait3A_2222 : memref<1x32x128xf32, #tpu.memory_space<vmem>> -> memref<32x128xf32, #tpu.memory_space<vmem>>
      %dma_wait3A_2224 = arith.constant 0 : i32
      %dma_wait3A_2225 = arith.constant 0 : i32
      %dma_wait3A_2226 = tpu.memref_slice %arg2[%dma_wait3A_2224, %dma_wait3A_2225] : memref<32x1000000xf32, #tpu.memory_space<hbm>> -> memref<32x128xf32, #tpu.memory_space<hbm>>
      %dma_wait3A_2227 = arith.constant 0 : i32
      %dma_wait3A_2228 = arith.constant 0 : i32
      %dma_wait3A_2229 = tpu.memref_slice %arg6[%dma_wait3A_2219, %dma_wait3A_2227, %dma_wait3A_2228] : memref<16x32x128xf32, #tpu.memory_space<vmem>> -> memref<1x32x128xf32, #tpu.memory_space<vmem>>
      %dma_wait3A_2230 = tpu.memref_squeeze %dma_wait3A_2229 : memref<1x32x128xf32, #tpu.memory_space<vmem>> -> memref<32x128xf32, #tpu.memory_space<vmem>>
      %dma_wait3A_2231 = arith.constant 0 : i32
      %dma_wait3A_2232 = arith.constant 0 : i32
      %dma_wait3A_2233 = tpu.memref_slice %arg2[%dma_wait3A_2231, %dma_wait3A_2232] : memref<32x1000000xf32, #tpu.memory_space<hbm>> -> memref<32x128xf32, #tpu.memory_space<hbm>>
      tpu.wait_dma2 semaphore(%arg8 : memref<!tpu.dma_semaphore, #tpu.memory_space<semaphore_mem>>) src(%dma_wait3A_2233 : memref<32x128xf32, #tpu.memory_space<hbm>>) dst(%dma_wait3A_2230 : memref<32x128xf32, #tpu.memory_space<vmem>>)
      %eq3A_2234 = arith.constant 14 : i32
      %eq3A_2235 = vector.broadcast %eq3A_2234 : i32 to vector<16xi32>
      %eq3A_2236 = arith.cmpi eq, %iota3A, %eq3A_2235 : vector<16xi32>
      %select_n3A_2237 = arith.select %eq3A_2236, %scan3A_1158, %broadcast_in_dim3A_6 : vector<16xi1>, vector<16xi32>
      %reduce_max3A_2238 = arith.constant true
      %reduce_max3A_2239 = vector.broadcast %reduce_max3A_2238 : i1 to vector<16xi1>
      %reduce_max3A_2240 = arith.constant -2147483648 : i32
      %reduce_max3A_2241 = vector.broadcast %reduce_max3A_2240 : i32 to vector<16xi32>
      %reduce_max3A_2242 = arith.xori %select_n3A_2237, %reduce_max3A_2241 : vector<16xi32>
      %reduce_max3A_2243 = tpu.scan <max>, %reduce_max3A_2242 masked %reduce_max3A_2239 : vector<16xi32>, vector<16xi1> -> vector<16xi32>
      %reduce_max3A_2244 = arith.xori %reduce_max3A_2243, %reduce_max3A_2241 : vector<16xi32>
      %reduce_max3A_2245 = vector.extract %reduce_max3A_2244[15] : i32 from vector<16xi32>
      %and3A_2246 = arith.constant 127 : i32
      %and3A_2247 = arith.andi %reduce_max3A_2245, %and3A_2246 : i32
      %broadcast_in_dim3A_2248 = vector.broadcast %and3A_2247 : i32 to vector<16xi32>
      %broadcast_in_dim3A_2249 = vector.broadcast %add3A_2218 : i32 to vector<16xi32>
      %gather3A_2250 = arith.constant 14 : i32
      %gather3A_2251 = arith.constant 0 : i32
      %gather3A_2252 = arith.constant 0 : i32
      %gather3A_2253 = tpu.memref_slice %arg6[%gather3A_2250, %gather3A_2251, %gather3A_2252] : memref<16x32x128xf32, #tpu.memory_space<vmem>> -> memref<1x32x128xf32, #tpu.memory_space<vmem>>
      %gather3A_2254 = tpu.memref_squeeze %gather3A_2253 : memref<1x32x128xf32, #tpu.memory_space<vmem>> -> memref<32x128xf32, #tpu.memory_space<vmem>>
      %gather3A_2255 = tpu.vector_load_idx %gather3A_2254[%iota3A, %broadcast_in_dim3A_2248] : memref<32x128xf32, #tpu.memory_space<vmem>>[vector<16xi32>, vector<16xi32>], vector<16xf32>,
      %gather3A_2256 = arith.constant 14 : i32
      %gather3A_2257 = arith.constant 0 : i32
      %gather3A_2258 = arith.constant 0 : i32
      %gather3A_2259 = tpu.memref_slice %arg6[%gather3A_2256, %gather3A_2257, %gather3A_2258] : memref<16x32x128xf32, #tpu.memory_space<vmem>> -> memref<1x32x128xf32, #tpu.memory_space<vmem>>
      %gather3A_2260 = tpu.memref_squeeze %gather3A_2259 : memref<1x32x128xf32, #tpu.memory_space<vmem>> -> memref<32x128xf32, #tpu.memory_space<vmem>>
      %gather3A_2261 = tpu.vector_load_idx %gather3A_2260[%add3A_5, %broadcast_in_dim3A_2248] : memref<32x128xf32, #tpu.memory_space<vmem>>[vector<16xi32>, vector<16xi32>], vector<16xf32>,
      tpu.vector_store_idx %arg7[%iota3A, %broadcast_in_dim3A_2249], %gather3A_2255 : memref<32x512xf32, #tpu.memory_space<vmem>>[vector<16xi32>, vector<16xi32>], vector<16xf32>,
      tpu.vector_store_idx %arg7[%add3A_5, %broadcast_in_dim3A_2249], %gather3A_2261 : memref<32x512xf32, #tpu.memory_space<vmem>>[vector<16xi32>, vector<16xi32>], vector<16xf32>,
      %eq3A_2262 = arith.constant 14 : i32
      %eq3A_2263 = vector.broadcast %eq3A_2262 : i32 to vector<16xi32>
      %eq3A_2264 = arith.cmpi eq, %iota3A, %eq3A_2263 : vector<16xi32>
      %select_n3A_2265 = arith.select %eq3A_2264, %get3A_1164, %broadcast_in_dim3A_6 : vector<16xi1>, vector<16xi32>
      %reduce_max3A_2266 = arith.constant true
      %reduce_max3A_2267 = vector.broadcast %reduce_max3A_2266 : i1 to vector<16xi1>
      %reduce_max3A_2268 = arith.constant -2147483648 : i32
      %reduce_max3A_2269 = vector.broadcast %reduce_max3A_2268 : i32 to vector<16xi32>
      %reduce_max3A_2270 = arith.xori %select_n3A_2265, %reduce_max3A_2269 : vector<16xi32>
      %reduce_max3A_2271 = tpu.scan <max>, %reduce_max3A_2270 masked %reduce_max3A_2267 : vector<16xi32>, vector<16xi1> -> vector<16xi32>
      %reduce_max3A_2272 = arith.xori %reduce_max3A_2271, %reduce_max3A_2269 : vector<16xi32>
      %reduce_max3A_2273 = vector.extract %reduce_max3A_2272[15] : i32 from vector<16xi32>
      %and3A_2274 = arith.constant -128 : i32
      %and3A_2275 = arith.andi %reduce_max3A_2273, %and3A_2274 : i32
      %multiple_of3A_2276 = tpu.assume_multiple %and3A_2275, 128 : i32
      %dma_start3A_2277 = arith.constant 14 : i32
      %dma_start3A_2278 = arith.constant 0 : i32
      %dma_start3A_2279 = arith.constant 0 : i32
      %dma_start3A_2280 = tpu.memref_slice %arg6[%dma_start3A_2277, %dma_start3A_2278, %dma_start3A_2279] : memref<16x32x128xf32, #tpu.memory_space<vmem>> -> memref<1x32x128xf32, #tpu.memory_space<vmem>>
      %dma_start3A_2281 = tpu.memref_squeeze %dma_start3A_2280 : memref<1x32x128xf32, #tpu.memory_space<vmem>> -> memref<32x128xf32, #tpu.memory_space<vmem>>
      %dma_start3A_2282 = arith.constant 0 : i32
      %dma_start3A_2283 = tpu.memref_slice %arg2[%dma_start3A_2282, %multiple_of3A_2276] : memref<32x1000000xf32, #tpu.memory_space<hbm>> -> memref<32x128xf32, #tpu.memory_space<hbm>>
      %dma_start3A_2284 = arith.constant 0 : i32
      %dma_start3A_2285 = arith.constant 0 : i32
      %dma_start3A_2286 = tpu.memref_slice %arg6[%dma_start3A_2277, %dma_start3A_2284, %dma_start3A_2285] : memref<16x32x128xf32, #tpu.memory_space<vmem>> -> memref<1x32x128xf32, #tpu.memory_space<vmem>>
      %dma_start3A_2287 = tpu.memref_squeeze %dma_start3A_2286 : memref<1x32x128xf32, #tpu.memory_space<vmem>> -> memref<32x128xf32, #tpu.memory_space<vmem>>
      %dma_start3A_2288 = arith.constant 0 : i32
      %dma_start3A_2289 = tpu.memref_slice %arg2[%dma_start3A_2288, %multiple_of3A_2276] : memref<32x1000000xf32, #tpu.memory_space<hbm>> -> memref<32x128xf32, #tpu.memory_space<hbm>>
      tpu.enqueue_dma source(%dma_start3A_2289 : memref<32x128xf32, #tpu.memory_space<hbm>>) target(%dma_start3A_2287 : memref<32x128xf32, #tpu.memory_space<vmem>>) target_semaphore(%arg8 : memref<!tpu.dma_semaphore, #tpu.memory_space<semaphore_mem>>)
      %mul3A_2290 = arith.constant 16 : i32
      %mul3A_2291 = arith.muli %scan3A_1157, %mul3A_2290 : i32
      %add3A_2292 = arith.constant 15 : i32
      %add3A_2293 = arith.addi %mul3A_2291, %add3A_2292 : i32
      %dma_wait3A_2294 = arith.constant 15 : i32
      %dma_wait3A_2295 = arith.constant 0 : i32
      %dma_wait3A_2296 = arith.constant 0 : i32
      %dma_wait3A_2297 = tpu.memref_slice %arg6[%dma_wait3A_2294, %dma_wait3A_2295, %dma_wait3A_2296] : memref<16x32x128xf32, #tpu.memory_space<vmem>> -> memref<1x32x128xf32, #tpu.memory_space<vmem>>
      %dma_wait3A_2298 = tpu.memref_squeeze %dma_wait3A_2297 : memref<1x32x128xf32, #tpu.memory_space<vmem>> -> memref<32x128xf32, #tpu.memory_space<vmem>>
      %dma_wait3A_2299 = arith.constant 0 : i32
      %dma_wait3A_2300 = arith.constant 0 : i32
      %dma_wait3A_2301 = tpu.memref_slice %arg2[%dma_wait3A_2299, %dma_wait3A_2300] : memref<32x1000000xf32, #tpu.memory_space<hbm>> -> memref<32x128xf32, #tpu.memory_space<hbm>>
      %dma_wait3A_2302 = arith.constant 0 : i32
      %dma_wait3A_2303 = arith.constant 0 : i32
      %dma_wait3A_2304 = tpu.memref_slice %arg6[%dma_wait3A_2294, %dma_wait3A_2302, %dma_wait3A_2303] : memref<16x32x128xf32, #tpu.memory_space<vmem>> -> memref<1x32x128xf32, #tpu.memory_space<vmem>>
      %dma_wait3A_2305 = tpu.memref_squeeze %dma_wait3A_2304 : memref<1x32x128xf32, #tpu.memory_space<vmem>> -> memref<32x128xf32, #tpu.memory_space<vmem>>
      %dma_wait3A_2306 = arith.constant 0 : i32
      %dma_wait3A_2307 = arith.constant 0 : i32
      %dma_wait3A_2308 = tpu.memref_slice %arg2[%dma_wait3A_2306, %dma_wait3A_2307] : memref<32x1000000xf32, #tpu.memory_space<hbm>> -> memref<32x128xf32, #tpu.memory_space<hbm>>
      tpu.wait_dma2 semaphore(%arg8 : memref<!tpu.dma_semaphore, #tpu.memory_space<semaphore_mem>>) src(%dma_wait3A_2308 : memref<32x128xf32, #tpu.memory_space<hbm>>) dst(%dma_wait3A_2305 : memref<32x128xf32, #tpu.memory_space<vmem>>)
      %eq3A_2309 = arith.constant 15 : i32
      %eq3A_2310 = vector.broadcast %eq3A_2309 : i32 to vector<16xi32>
      %eq3A_2311 = arith.cmpi eq, %iota3A, %eq3A_2310 : vector<16xi32>
      %select_n3A_2312 = arith.select %eq3A_2311, %scan3A_1158, %broadcast_in_dim3A_6 : vector<16xi1>, vector<16xi32>
      %reduce_max3A_2313 = arith.constant true
      %reduce_max3A_2314 = vector.broadcast %reduce_max3A_2313 : i1 to vector<16xi1>
      %reduce_max3A_2315 = arith.constant -2147483648 : i32
      %reduce_max3A_2316 = vector.broadcast %reduce_max3A_2315 : i32 to vector<16xi32>
      %reduce_max3A_2317 = arith.xori %select_n3A_2312, %reduce_max3A_2316 : vector<16xi32>
      %reduce_max3A_2318 = tpu.scan <max>, %reduce_max3A_2317 masked %reduce_max3A_2314 : vector<16xi32>, vector<16xi1> -> vector<16xi32>
      %reduce_max3A_2319 = arith.xori %reduce_max3A_2318, %reduce_max3A_2316 : vector<16xi32>
      %reduce_max3A_2320 = vector.extract %reduce_max3A_2319[15] : i32 from vector<16xi32>
      %and3A_2321 = arith.constant 127 : i32
      %and3A_2322 = arith.andi %reduce_max3A_2320, %and3A_2321 : i32
      %broadcast_in_dim3A_2323 = vector.broadcast %and3A_2322 : i32 to vector<16xi32>
      %broadcast_in_dim3A_2324 = vector.broadcast %add3A_2293 : i32 to vector<16xi32>
      %gather3A_2325 = arith.constant 15 : i32
      %gather3A_2326 = arith.constant 0 : i32
      %gather3A_2327 = arith.constant 0 : i32
      %gather3A_2328 = tpu.memref_slice %arg6[%gather3A_2325, %gather3A_2326, %gather3A_2327] : memref<16x32x128xf32, #tpu.memory_space<vmem>> -> memref<1x32x128xf32, #tpu.memory_space<vmem>>
      %gather3A_2329 = tpu.memref_squeeze %gather3A_2328 : memref<1x32x128xf32, #tpu.memory_space<vmem>> -> memref<32x128xf32, #tpu.memory_space<vmem>>
      %gather3A_2330 = tpu.vector_load_idx %gather3A_2329[%iota3A, %broadcast_in_dim3A_2323] : memref<32x128xf32, #tpu.memory_space<vmem>>[vector<16xi32>, vector<16xi32>], vector<16xf32>,
      %gather3A_2331 = arith.constant 15 : i32
      %gather3A_2332 = arith.constant 0 : i32
      %gather3A_2333 = arith.constant 0 : i32
      %gather3A_2334 = tpu.memref_slice %arg6[%gather3A_2331, %gather3A_2332, %gather3A_2333] : memref<16x32x128xf32, #tpu.memory_space<vmem>> -> memref<1x32x128xf32, #tpu.memory_space<vmem>>
      %gather3A_2335 = tpu.memref_squeeze %gather3A_2334 : memref<1x32x128xf32, #tpu.memory_space<vmem>> -> memref<32x128xf32, #tpu.memory_space<vmem>>
      %gather3A_2336 = tpu.vector_load_idx %gather3A_2335[%add3A_5, %broadcast_in_dim3A_2323] : memref<32x128xf32, #tpu.memory_space<vmem>>[vector<16xi32>, vector<16xi32>], vector<16xf32>,
      tpu.vector_store_idx %arg7[%iota3A, %broadcast_in_dim3A_2324], %gather3A_2330 : memref<32x512xf32, #tpu.memory_space<vmem>>[vector<16xi32>, vector<16xi32>], vector<16xf32>,
      tpu.vector_store_idx %arg7[%add3A_5, %broadcast_in_dim3A_2324], %gather3A_2336 : memref<32x512xf32, #tpu.memory_space<vmem>>[vector<16xi32>, vector<16xi32>], vector<16xf32>,
      %eq3A_2337 = arith.constant 15 : i32
      %eq3A_2338 = vector.broadcast %eq3A_2337 : i32 to vector<16xi32>
      %eq3A_2339 = arith.cmpi eq, %iota3A, %eq3A_2338 : vector<16xi32>
      %select_n3A_2340 = arith.select %eq3A_2339, %get3A_1164, %broadcast_in_dim3A_6 : vector<16xi1>, vector<16xi32>
      %reduce_max3A_2341 = arith.constant true
      %reduce_max3A_2342 = vector.broadcast %reduce_max3A_2341 : i1 to vector<16xi1>
      %reduce_max3A_2343 = arith.constant -2147483648 : i32
      %reduce_max3A_2344 = vector.broadcast %reduce_max3A_2343 : i32 to vector<16xi32>
      %reduce_max3A_2345 = arith.xori %select_n3A_2340, %reduce_max3A_2344 : vector<16xi32>
      %reduce_max3A_2346 = tpu.scan <max>, %reduce_max3A_2345 masked %reduce_max3A_2342 : vector<16xi32>, vector<16xi1> -> vector<16xi32>
      %reduce_max3A_2347 = arith.xori %reduce_max3A_2346, %reduce_max3A_2344 : vector<16xi32>
      %reduce_max3A_2348 = vector.extract %reduce_max3A_2347[15] : i32 from vector<16xi32>
      %and3A_2349 = arith.constant -128 : i32
      %and3A_2350 = arith.andi %reduce_max3A_2348, %and3A_2349 : i32
      %multiple_of3A_2351 = tpu.assume_multiple %and3A_2350, 128 : i32
      %dma_start3A_2352 = arith.constant 15 : i32
      %dma_start3A_2353 = arith.constant 0 : i32
      %dma_start3A_2354 = arith.constant 0 : i32
      %dma_start3A_2355 = tpu.memref_slice %arg6[%dma_start3A_2352, %dma_start3A_2353, %dma_start3A_2354] : memref<16x32x128xf32, #tpu.memory_space<vmem>> -> memref<1x32x128xf32, #tpu.memory_space<vmem>>
      %dma_start3A_2356 = tpu.memref_squeeze %dma_start3A_2355 : memref<1x32x128xf32, #tpu.memory_space<vmem>> -> memref<32x128xf32, #tpu.memory_space<vmem>>
      %dma_start3A_2357 = arith.constant 0 : i32
      %dma_start3A_2358 = tpu.memref_slice %arg2[%dma_start3A_2357, %multiple_of3A_2351] : memref<32x1000000xf32, #tpu.memory_space<hbm>> -> memref<32x128xf32, #tpu.memory_space<hbm>>
      %dma_start3A_2359 = arith.constant 0 : i32
      %dma_start3A_2360 = arith.constant 0 : i32
      %dma_start3A_2361 = tpu.memref_slice %arg6[%dma_start3A_2352, %dma_start3A_2359, %dma_start3A_2360] : memref<16x32x128xf32, #tpu.memory_space<vmem>> -> memref<1x32x128xf32, #tpu.memory_space<vmem>>
      %dma_start3A_2362 = tpu.memref_squeeze %dma_start3A_2361 : memref<1x32x128xf32, #tpu.memory_space<vmem>> -> memref<32x128xf32, #tpu.memory_space<vmem>>
      %dma_start3A_2363 = arith.constant 0 : i32
      %dma_start3A_2364 = tpu.memref_slice %arg2[%dma_start3A_2363, %multiple_of3A_2351] : memref<32x1000000xf32, #tpu.memory_space<hbm>> -> memref<32x128xf32, #tpu.memory_space<hbm>>
      tpu.enqueue_dma source(%dma_start3A_2364 : memref<32x128xf32, #tpu.memory_space<hbm>>) target(%dma_start3A_2362 : memref<32x128xf32, #tpu.memory_space<vmem>>) target_semaphore(%arg8 : memref<!tpu.dma_semaphore, #tpu.memory_space<semaphore_mem>>)
      scf.yield %get3A_1164 : vector<16xi32>
    }
    %scan3A_454 = arith.constant 31 : i32
    %dma_wait3A = arith.constant 0 : i32
    %dma_wait3A_455 = arith.constant 0 : i32
    %dma_wait3A_456 = arith.constant 0 : i32
    %dma_wait3A_457 = tpu.memref_slice %arg6[%dma_wait3A, %dma_wait3A_455, %dma_wait3A_456] : memref<16x32x128xf32, #tpu.memory_space<vmem>> -> memref<1x32x128xf32, #tpu.memory_space<vmem>>
    %dma_wait3A_458 = tpu.memref_squeeze %dma_wait3A_457 : memref<1x32x128xf32, #tpu.memory_space<vmem>> -> memref<32x128xf32, #tpu.memory_space<vmem>>
    %dma_wait3A_459 = arith.constant 0 : i32
    %dma_wait3A_460 = arith.constant 0 : i32
    %dma_wait3A_461 = tpu.memref_slice %arg2[%dma_wait3A_459, %dma_wait3A_460] : memref<32x1000000xf32, #tpu.memory_space<hbm>> -> memref<32x128xf32, #tpu.memory_space<hbm>>
    %dma_wait3A_462 = arith.constant 0 : i32
    %dma_wait3A_463 = arith.constant 0 : i32
    %dma_wait3A_464 = tpu.memref_slice %arg6[%dma_wait3A, %dma_wait3A_462, %dma_wait3A_463] : memref<16x32x128xf32, #tpu.memory_space<vmem>> -> memref<1x32x128xf32, #tpu.memory_space<vmem>>
    %dma_wait3A_465 = tpu.memref_squeeze %dma_wait3A_464 : memref<1x32x128xf32, #tpu.memory_space<vmem>> -> memref<32x128xf32, #tpu.memory_space<vmem>>
    %dma_wait3A_466 = arith.constant 0 : i32
    %dma_wait3A_467 = arith.constant 0 : i32
    %dma_wait3A_468 = tpu.memref_slice %arg2[%dma_wait3A_466, %dma_wait3A_467] : memref<32x1000000xf32, #tpu.memory_space<hbm>> -> memref<32x128xf32, #tpu.memory_space<hbm>>
    tpu.wait_dma2 semaphore(%arg8 : memref<!tpu.dma_semaphore, #tpu.memory_space<semaphore_mem>>) src(%dma_wait3A_468 : memref<32x128xf32, #tpu.memory_space<hbm>>) dst(%dma_wait3A_465 : memref<32x128xf32, #tpu.memory_space<vmem>>)
    %eq3A_469 = arith.constant 0 : i32
    %eq3A_470 = vector.broadcast %eq3A_469 : i32 to vector<16xi32>
    %eq3A_471 = arith.cmpi eq, %iota3A, %eq3A_470 : vector<16xi32>
    %select_n3A_472 = arith.select %eq3A_471, %scan3A_453, %broadcast_in_dim3A_6 : vector<16xi1>, vector<16xi32>
    %reduce_max3A_473 = arith.constant true
    %reduce_max3A_474 = vector.broadcast %reduce_max3A_473 : i1 to vector<16xi1>
    %reduce_max3A_475 = arith.constant -2147483648 : i32
    %reduce_max3A_476 = vector.broadcast %reduce_max3A_475 : i32 to vector<16xi32>
    %reduce_max3A_477 = arith.xori %select_n3A_472, %reduce_max3A_476 : vector<16xi32>
    %reduce_max3A_478 = tpu.scan <max>, %reduce_max3A_477 masked %reduce_max3A_474 : vector<16xi32>, vector<16xi1> -> vector<16xi32>
    %reduce_max3A_479 = arith.xori %reduce_max3A_478, %reduce_max3A_476 : vector<16xi32>
    %reduce_max3A_480 = vector.extract %reduce_max3A_479[15] : i32 from vector<16xi32>
    %and3A_481 = arith.constant 127 : i32
    %and3A_482 = arith.andi %reduce_max3A_480, %and3A_481 : i32
    %broadcast_in_dim3A_483 = vector.broadcast %and3A_482 : i32 to vector<16xi32>
    %broadcast_in_dim3A_484 = arith.constant 496 : i32
    %broadcast_in_dim3A_485 = vector.broadcast %broadcast_in_dim3A_484 : i32 to vector<16xi32>
    %gather3A = arith.constant 0 : i32
    %gather3A_486 = arith.constant 0 : i32
    %gather3A_487 = arith.constant 0 : i32
    %gather3A_488 = tpu.memref_slice %arg6[%gather3A, %gather3A_486, %gather3A_487] : memref<16x32x128xf32, #tpu.memory_space<vmem>> -> memref<1x32x128xf32, #tpu.memory_space<vmem>>
    %gather3A_489 = tpu.memref_squeeze %gather3A_488 : memref<1x32x128xf32, #tpu.memory_space<vmem>> -> memref<32x128xf32, #tpu.memory_space<vmem>>
    %gather3A_490 = tpu.vector_load_idx %gather3A_489[%iota3A, %broadcast_in_dim3A_483] : memref<32x128xf32, #tpu.memory_space<vmem>>[vector<16xi32>, vector<16xi32>], vector<16xf32>,
    %gather3A_491 = arith.constant 0 : i32
    %gather3A_492 = arith.constant 0 : i32
    %gather3A_493 = arith.constant 0 : i32
    %gather3A_494 = tpu.memref_slice %arg6[%gather3A_491, %gather3A_492, %gather3A_493] : memref<16x32x128xf32, #tpu.memory_space<vmem>> -> memref<1x32x128xf32, #tpu.memory_space<vmem>>
    %gather3A_495 = tpu.memref_squeeze %gather3A_494 : memref<1x32x128xf32, #tpu.memory_space<vmem>> -> memref<32x128xf32, #tpu.memory_space<vmem>>
    %gather3A_496 = tpu.vector_load_idx %gather3A_495[%add3A_5, %broadcast_in_dim3A_483] : memref<32x128xf32, #tpu.memory_space<vmem>>[vector<16xi32>, vector<16xi32>], vector<16xf32>,
    tpu.vector_store_idx %arg7[%iota3A, %broadcast_in_dim3A_485], %gather3A_490 : memref<32x512xf32, #tpu.memory_space<vmem>>[vector<16xi32>, vector<16xi32>], vector<16xf32>,
    tpu.vector_store_idx %arg7[%add3A_5, %broadcast_in_dim3A_485], %gather3A_496 : memref<32x512xf32, #tpu.memory_space<vmem>>[vector<16xi32>, vector<16xi32>], vector<16xf32>,
    %dma_wait3A_497 = arith.constant 1 : i32
    %dma_wait3A_498 = arith.constant 0 : i32
    %dma_wait3A_499 = arith.constant 0 : i32
    %dma_wait3A_500 = tpu.memref_slice %arg6[%dma_wait3A_497, %dma_wait3A_498, %dma_wait3A_499] : memref<16x32x128xf32, #tpu.memory_space<vmem>> -> memref<1x32x128xf32, #tpu.memory_space<vmem>>
    %dma_wait3A_501 = tpu.memref_squeeze %dma_wait3A_500 : memref<1x32x128xf32, #tpu.memory_space<vmem>> -> memref<32x128xf32, #tpu.memory_space<vmem>>
    %dma_wait3A_502 = arith.constant 0 : i32
    %dma_wait3A_503 = arith.constant 0 : i32
    %dma_wait3A_504 = tpu.memref_slice %arg2[%dma_wait3A_502, %dma_wait3A_503] : memref<32x1000000xf32, #tpu.memory_space<hbm>> -> memref<32x128xf32, #tpu.memory_space<hbm>>
    %dma_wait3A_505 = arith.constant 0 : i32
    %dma_wait3A_506 = arith.constant 0 : i32
    %dma_wait3A_507 = tpu.memref_slice %arg6[%dma_wait3A_497, %dma_wait3A_505, %dma_wait3A_506] : memref<16x32x128xf32, #tpu.memory_space<vmem>> -> memref<1x32x128xf32, #tpu.memory_space<vmem>>
    %dma_wait3A_508 = tpu.memref_squeeze %dma_wait3A_507 : memref<1x32x128xf32, #tpu.memory_space<vmem>> -> memref<32x128xf32, #tpu.memory_space<vmem>>
    %dma_wait3A_509 = arith.constant 0 : i32
    %dma_wait3A_510 = arith.constant 0 : i32
    %dma_wait3A_511 = tpu.memref_slice %arg2[%dma_wait3A_509, %dma_wait3A_510] : memref<32x1000000xf32, #tpu.memory_space<hbm>> -> memref<32x128xf32, #tpu.memory_space<hbm>>
    tpu.wait_dma2 semaphore(%arg8 : memref<!tpu.dma_semaphore, #tpu.memory_space<semaphore_mem>>) src(%dma_wait3A_511 : memref<32x128xf32, #tpu.memory_space<hbm>>) dst(%dma_wait3A_508 : memref<32x128xf32, #tpu.memory_space<vmem>>)
    %eq3A_512 = arith.constant 1 : i32
    %eq3A_513 = vector.broadcast %eq3A_512 : i32 to vector<16xi32>
    %eq3A_514 = arith.cmpi eq, %iota3A, %eq3A_513 : vector<16xi32>
    %select_n3A_515 = arith.select %eq3A_514, %scan3A_453, %broadcast_in_dim3A_6 : vector<16xi1>, vector<16xi32>
    %reduce_max3A_516 = arith.constant true
    %reduce_max3A_517 = vector.broadcast %reduce_max3A_516 : i1 to vector<16xi1>
    %reduce_max3A_518 = arith.constant -2147483648 : i32
    %reduce_max3A_519 = vector.broadcast %reduce_max3A_518 : i32 to vector<16xi32>
    %reduce_max3A_520 = arith.xori %select_n3A_515, %reduce_max3A_519 : vector<16xi32>
    %reduce_max3A_521 = tpu.scan <max>, %reduce_max3A_520 masked %reduce_max3A_517 : vector<16xi32>, vector<16xi1> -> vector<16xi32>
    %reduce_max3A_522 = arith.xori %reduce_max3A_521, %reduce_max3A_519 : vector<16xi32>
    %reduce_max3A_523 = vector.extract %reduce_max3A_522[15] : i32 from vector<16xi32>
    %and3A_524 = arith.constant 127 : i32
    %and3A_525 = arith.andi %reduce_max3A_523, %and3A_524 : i32
    %broadcast_in_dim3A_526 = vector.broadcast %and3A_525 : i32 to vector<16xi32>
    %broadcast_in_dim3A_527 = arith.constant 497 : i32
    %broadcast_in_dim3A_528 = vector.broadcast %broadcast_in_dim3A_527 : i32 to vector<16xi32>
    %gather3A_529 = arith.constant 1 : i32
    %gather3A_530 = arith.constant 0 : i32
    %gather3A_531 = arith.constant 0 : i32
    %gather3A_532 = tpu.memref_slice %arg6[%gather3A_529, %gather3A_530, %gather3A_531] : memref<16x32x128xf32, #tpu.memory_space<vmem>> -> memref<1x32x128xf32, #tpu.memory_space<vmem>>
    %gather3A_533 = tpu.memref_squeeze %gather3A_532 : memref<1x32x128xf32, #tpu.memory_space<vmem>> -> memref<32x128xf32, #tpu.memory_space<vmem>>
    %gather3A_534 = tpu.vector_load_idx %gather3A_533[%iota3A, %broadcast_in_dim3A_526] : memref<32x128xf32, #tpu.memory_space<vmem>>[vector<16xi32>, vector<16xi32>], vector<16xf32>,
    %gather3A_535 = arith.constant 1 : i32
    %gather3A_536 = arith.constant 0 : i32
    %gather3A_537 = arith.constant 0 : i32
    %gather3A_538 = tpu.memref_slice %arg6[%gather3A_535, %gather3A_536, %gather3A_537] : memref<16x32x128xf32, #tpu.memory_space<vmem>> -> memref<1x32x128xf32, #tpu.memory_space<vmem>>
    %gather3A_539 = tpu.memref_squeeze %gather3A_538 : memref<1x32x128xf32, #tpu.memory_space<vmem>> -> memref<32x128xf32, #tpu.memory_space<vmem>>
    %gather3A_540 = tpu.vector_load_idx %gather3A_539[%add3A_5, %broadcast_in_dim3A_526] : memref<32x128xf32, #tpu.memory_space<vmem>>[vector<16xi32>, vector<16xi32>], vector<16xf32>,
    tpu.vector_store_idx %arg7[%iota3A, %broadcast_in_dim3A_528], %gather3A_534 : memref<32x512xf32, #tpu.memory_space<vmem>>[vector<16xi32>, vector<16xi32>], vector<16xf32>,
    tpu.vector_store_idx %arg7[%add3A_5, %broadcast_in_dim3A_528], %gather3A_540 : memref<32x512xf32, #tpu.memory_space<vmem>>[vector<16xi32>, vector<16xi32>], vector<16xf32>,
    %dma_wait3A_541 = arith.constant 2 : i32
    %dma_wait3A_542 = arith.constant 0 : i32
    %dma_wait3A_543 = arith.constant 0 : i32
    %dma_wait3A_544 = tpu.memref_slice %arg6[%dma_wait3A_541, %dma_wait3A_542, %dma_wait3A_543] : memref<16x32x128xf32, #tpu.memory_space<vmem>> -> memref<1x32x128xf32, #tpu.memory_space<vmem>>
    %dma_wait3A_545 = tpu.memref_squeeze %dma_wait3A_544 : memref<1x32x128xf32, #tpu.memory_space<vmem>> -> memref<32x128xf32, #tpu.memory_space<vmem>>
    %dma_wait3A_546 = arith.constant 0 : i32
    %dma_wait3A_547 = arith.constant 0 : i32
    %dma_wait3A_548 = tpu.memref_slice %arg2[%dma_wait3A_546, %dma_wait3A_547] : memref<32x1000000xf32, #tpu.memory_space<hbm>> -> memref<32x128xf32, #tpu.memory_space<hbm>>
    %dma_wait3A_549 = arith.constant 0 : i32
    %dma_wait3A_550 = arith.constant 0 : i32
    %dma_wait3A_551 = tpu.memref_slice %arg6[%dma_wait3A_541, %dma_wait3A_549, %dma_wait3A_550] : memref<16x32x128xf32, #tpu.memory_space<vmem>> -> memref<1x32x128xf32, #tpu.memory_space<vmem>>
    %dma_wait3A_552 = tpu.memref_squeeze %dma_wait3A_551 : memref<1x32x128xf32, #tpu.memory_space<vmem>> -> memref<32x128xf32, #tpu.memory_space<vmem>>
    %dma_wait3A_553 = arith.constant 0 : i32
    %dma_wait3A_554 = arith.constant 0 : i32
    %dma_wait3A_555 = tpu.memref_slice %arg2[%dma_wait3A_553, %dma_wait3A_554] : memref<32x1000000xf32, #tpu.memory_space<hbm>> -> memref<32x128xf32, #tpu.memory_space<hbm>>
    tpu.wait_dma2 semaphore(%arg8 : memref<!tpu.dma_semaphore, #tpu.memory_space<semaphore_mem>>) src(%dma_wait3A_555 : memref<32x128xf32, #tpu.memory_space<hbm>>) dst(%dma_wait3A_552 : memref<32x128xf32, #tpu.memory_space<vmem>>)
    %eq3A_556 = arith.constant 2 : i32
    %eq3A_557 = vector.broadcast %eq3A_556 : i32 to vector<16xi32>
    %eq3A_558 = arith.cmpi eq, %iota3A, %eq3A_557 : vector<16xi32>
    %select_n3A_559 = arith.select %eq3A_558, %scan3A_453, %broadcast_in_dim3A_6 : vector<16xi1>, vector<16xi32>
    %reduce_max3A_560 = arith.constant true
    %reduce_max3A_561 = vector.broadcast %reduce_max3A_560 : i1 to vector<16xi1>
    %reduce_max3A_562 = arith.constant -2147483648 : i32
    %reduce_max3A_563 = vector.broadcast %reduce_max3A_562 : i32 to vector<16xi32>
    %reduce_max3A_564 = arith.xori %select_n3A_559, %reduce_max3A_563 : vector<16xi32>
    %reduce_max3A_565 = tpu.scan <max>, %reduce_max3A_564 masked %reduce_max3A_561 : vector<16xi32>, vector<16xi1> -> vector<16xi32>
    %reduce_max3A_566 = arith.xori %reduce_max3A_565, %reduce_max3A_563 : vector<16xi32>
    %reduce_max3A_567 = vector.extract %reduce_max3A_566[15] : i32 from vector<16xi32>
    %and3A_568 = arith.constant 127 : i32
    %and3A_569 = arith.andi %reduce_max3A_567, %and3A_568 : i32
    %broadcast_in_dim3A_570 = vector.broadcast %and3A_569 : i32 to vector<16xi32>
    %broadcast_in_dim3A_571 = arith.constant 498 : i32
    %broadcast_in_dim3A_572 = vector.broadcast %broadcast_in_dim3A_571 : i32 to vector<16xi32>
    %gather3A_573 = arith.constant 2 : i32
    %gather3A_574 = arith.constant 0 : i32
    %gather3A_575 = arith.constant 0 : i32
    %gather3A_576 = tpu.memref_slice %arg6[%gather3A_573, %gather3A_574, %gather3A_575] : memref<16x32x128xf32, #tpu.memory_space<vmem>> -> memref<1x32x128xf32, #tpu.memory_space<vmem>>
    %gather3A_577 = tpu.memref_squeeze %gather3A_576 : memref<1x32x128xf32, #tpu.memory_space<vmem>> -> memref<32x128xf32, #tpu.memory_space<vmem>>
    %gather3A_578 = tpu.vector_load_idx %gather3A_577[%iota3A, %broadcast_in_dim3A_570] : memref<32x128xf32, #tpu.memory_space<vmem>>[vector<16xi32>, vector<16xi32>], vector<16xf32>,
    %gather3A_579 = arith.constant 2 : i32
    %gather3A_580 = arith.constant 0 : i32
    %gather3A_581 = arith.constant 0 : i32
    %gather3A_582 = tpu.memref_slice %arg6[%gather3A_579, %gather3A_580, %gather3A_581] : memref<16x32x128xf32, #tpu.memory_space<vmem>> -> memref<1x32x128xf32, #tpu.memory_space<vmem>>
    %gather3A_583 = tpu.memref_squeeze %gather3A_582 : memref<1x32x128xf32, #tpu.memory_space<vmem>> -> memref<32x128xf32, #tpu.memory_space<vmem>>
    %gather3A_584 = tpu.vector_load_idx %gather3A_583[%add3A_5, %broadcast_in_dim3A_570] : memref<32x128xf32, #tpu.memory_space<vmem>>[vector<16xi32>, vector<16xi32>], vector<16xf32>,
    tpu.vector_store_idx %arg7[%iota3A, %broadcast_in_dim3A_572], %gather3A_578 : memref<32x512xf32, #tpu.memory_space<vmem>>[vector<16xi32>, vector<16xi32>], vector<16xf32>,
    tpu.vector_store_idx %arg7[%add3A_5, %broadcast_in_dim3A_572], %gather3A_584 : memref<32x512xf32, #tpu.memory_space<vmem>>[vector<16xi32>, vector<16xi32>], vector<16xf32>,
    %dma_wait3A_585 = arith.constant 3 : i32
    %dma_wait3A_586 = arith.constant 0 : i32
    %dma_wait3A_587 = arith.constant 0 : i32
    %dma_wait3A_588 = tpu.memref_slice %arg6[%dma_wait3A_585, %dma_wait3A_586, %dma_wait3A_587] : memref<16x32x128xf32, #tpu.memory_space<vmem>> -> memref<1x32x128xf32, #tpu.memory_space<vmem>>
    %dma_wait3A_589 = tpu.memref_squeeze %dma_wait3A_588 : memref<1x32x128xf32, #tpu.memory_space<vmem>> -> memref<32x128xf32, #tpu.memory_space<vmem>>
    %dma_wait3A_590 = arith.constant 0 : i32
    %dma_wait3A_591 = arith.constant 0 : i32
    %dma_wait3A_592 = tpu.memref_slice %arg2[%dma_wait3A_590, %dma_wait3A_591] : memref<32x1000000xf32, #tpu.memory_space<hbm>> -> memref<32x128xf32, #tpu.memory_space<hbm>>
    %dma_wait3A_593 = arith.constant 0 : i32
    %dma_wait3A_594 = arith.constant 0 : i32
    %dma_wait3A_595 = tpu.memref_slice %arg6[%dma_wait3A_585, %dma_wait3A_593, %dma_wait3A_594] : memref<16x32x128xf32, #tpu.memory_space<vmem>> -> memref<1x32x128xf32, #tpu.memory_space<vmem>>
    %dma_wait3A_596 = tpu.memref_squeeze %dma_wait3A_595 : memref<1x32x128xf32, #tpu.memory_space<vmem>> -> memref<32x128xf32, #tpu.memory_space<vmem>>
    %dma_wait3A_597 = arith.constant 0 : i32
    %dma_wait3A_598 = arith.constant 0 : i32
    %dma_wait3A_599 = tpu.memref_slice %arg2[%dma_wait3A_597, %dma_wait3A_598] : memref<32x1000000xf32, #tpu.memory_space<hbm>> -> memref<32x128xf32, #tpu.memory_space<hbm>>
    tpu.wait_dma2 semaphore(%arg8 : memref<!tpu.dma_semaphore, #tpu.memory_space<semaphore_mem>>) src(%dma_wait3A_599 : memref<32x128xf32, #tpu.memory_space<hbm>>) dst(%dma_wait3A_596 : memref<32x128xf32, #tpu.memory_space<vmem>>)
    %eq3A_600 = arith.constant 3 : i32
    %eq3A_601 = vector.broadcast %eq3A_600 : i32 to vector<16xi32>
    %eq3A_602 = arith.cmpi eq, %iota3A, %eq3A_601 : vector<16xi32>
    %select_n3A_603 = arith.select %eq3A_602, %scan3A_453, %broadcast_in_dim3A_6 : vector<16xi1>, vector<16xi32>
    %reduce_max3A_604 = arith.constant true
    %reduce_max3A_605 = vector.broadcast %reduce_max3A_604 : i1 to vector<16xi1>
    %reduce_max3A_606 = arith.constant -2147483648 : i32
    %reduce_max3A_607 = vector.broadcast %reduce_max3A_606 : i32 to vector<16xi32>
    %reduce_max3A_608 = arith.xori %select_n3A_603, %reduce_max3A_607 : vector<16xi32>
    %reduce_max3A_609 = tpu.scan <max>, %reduce_max3A_608 masked %reduce_max3A_605 : vector<16xi32>, vector<16xi1> -> vector<16xi32>
    %reduce_max3A_610 = arith.xori %reduce_max3A_609, %reduce_max3A_607 : vector<16xi32>
    %reduce_max3A_611 = vector.extract %reduce_max3A_610[15] : i32 from vector<16xi32>
    %and3A_612 = arith.constant 127 : i32
    %and3A_613 = arith.andi %reduce_max3A_611, %and3A_612 : i32
    %broadcast_in_dim3A_614 = vector.broadcast %and3A_613 : i32 to vector<16xi32>
    %broadcast_in_dim3A_615 = arith.constant 499 : i32
    %broadcast_in_dim3A_616 = vector.broadcast %broadcast_in_dim3A_615 : i32 to vector<16xi32>
    %gather3A_617 = arith.constant 3 : i32
    %gather3A_618 = arith.constant 0 : i32
    %gather3A_619 = arith.constant 0 : i32
    %gather3A_620 = tpu.memref_slice %arg6[%gather3A_617, %gather3A_618, %gather3A_619] : memref<16x32x128xf32, #tpu.memory_space<vmem>> -> memref<1x32x128xf32, #tpu.memory_space<vmem>>
    %gather3A_621 = tpu.memref_squeeze %gather3A_620 : memref<1x32x128xf32, #tpu.memory_space<vmem>> -> memref<32x128xf32, #tpu.memory_space<vmem>>
    %gather3A_622 = tpu.vector_load_idx %gather3A_621[%iota3A, %broadcast_in_dim3A_614] : memref<32x128xf32, #tpu.memory_space<vmem>>[vector<16xi32>, vector<16xi32>], vector<16xf32>,
    %gather3A_623 = arith.constant 3 : i32
    %gather3A_624 = arith.constant 0 : i32
    %gather3A_625 = arith.constant 0 : i32
    %gather3A_626 = tpu.memref_slice %arg6[%gather3A_623, %gather3A_624, %gather3A_625] : memref<16x32x128xf32, #tpu.memory_space<vmem>> -> memref<1x32x128xf32, #tpu.memory_space<vmem>>
    %gather3A_627 = tpu.memref_squeeze %gather3A_626 : memref<1x32x128xf32, #tpu.memory_space<vmem>> -> memref<32x128xf32, #tpu.memory_space<vmem>>
    %gather3A_628 = tpu.vector_load_idx %gather3A_627[%add3A_5, %broadcast_in_dim3A_614] : memref<32x128xf32, #tpu.memory_space<vmem>>[vector<16xi32>, vector<16xi32>], vector<16xf32>,
    tpu.vector_store_idx %arg7[%iota3A, %broadcast_in_dim3A_616], %gather3A_622 : memref<32x512xf32, #tpu.memory_space<vmem>>[vector<16xi32>, vector<16xi32>], vector<16xf32>,
    tpu.vector_store_idx %arg7[%add3A_5, %broadcast_in_dim3A_616], %gather3A_628 : memref<32x512xf32, #tpu.memory_space<vmem>>[vector<16xi32>, vector<16xi32>], vector<16xf32>,
    %dma_wait3A_629 = arith.constant 4 : i32
    %dma_wait3A_630 = arith.constant 0 : i32
    %dma_wait3A_631 = arith.constant 0 : i32
    %dma_wait3A_632 = tpu.memref_slice %arg6[%dma_wait3A_629, %dma_wait3A_630, %dma_wait3A_631] : memref<16x32x128xf32, #tpu.memory_space<vmem>> -> memref<1x32x128xf32, #tpu.memory_space<vmem>>
    %dma_wait3A_633 = tpu.memref_squeeze %dma_wait3A_632 : memref<1x32x128xf32, #tpu.memory_space<vmem>> -> memref<32x128xf32, #tpu.memory_space<vmem>>
    %dma_wait3A_634 = arith.constant 0 : i32
    %dma_wait3A_635 = arith.constant 0 : i32
    %dma_wait3A_636 = tpu.memref_slice %arg2[%dma_wait3A_634, %dma_wait3A_635] : memref<32x1000000xf32, #tpu.memory_space<hbm>> -> memref<32x128xf32, #tpu.memory_space<hbm>>
    %dma_wait3A_637 = arith.constant 0 : i32
    %dma_wait3A_638 = arith.constant 0 : i32
    %dma_wait3A_639 = tpu.memref_slice %arg6[%dma_wait3A_629, %dma_wait3A_637, %dma_wait3A_638] : memref<16x32x128xf32, #tpu.memory_space<vmem>> -> memref<1x32x128xf32, #tpu.memory_space<vmem>>
    %dma_wait3A_640 = tpu.memref_squeeze %dma_wait3A_639 : memref<1x32x128xf32, #tpu.memory_space<vmem>> -> memref<32x128xf32, #tpu.memory_space<vmem>>
    %dma_wait3A_641 = arith.constant 0 : i32
    %dma_wait3A_642 = arith.constant 0 : i32
    %dma_wait3A_643 = tpu.memref_slice %arg2[%dma_wait3A_641, %dma_wait3A_642] : memref<32x1000000xf32, #tpu.memory_space<hbm>> -> memref<32x128xf32, #tpu.memory_space<hbm>>
    tpu.wait_dma2 semaphore(%arg8 : memref<!tpu.dma_semaphore, #tpu.memory_space<semaphore_mem>>) src(%dma_wait3A_643 : memref<32x128xf32, #tpu.memory_space<hbm>>) dst(%dma_wait3A_640 : memref<32x128xf32, #tpu.memory_space<vmem>>)
    %eq3A_644 = arith.constant 4 : i32
    %eq3A_645 = vector.broadcast %eq3A_644 : i32 to vector<16xi32>
    %eq3A_646 = arith.cmpi eq, %iota3A, %eq3A_645 : vector<16xi32>
    %select_n3A_647 = arith.select %eq3A_646, %scan3A_453, %broadcast_in_dim3A_6 : vector<16xi1>, vector<16xi32>
    %reduce_max3A_648 = arith.constant true
    %reduce_max3A_649 = vector.broadcast %reduce_max3A_648 : i1 to vector<16xi1>
    %reduce_max3A_650 = arith.constant -2147483648 : i32
    %reduce_max3A_651 = vector.broadcast %reduce_max3A_650 : i32 to vector<16xi32>
    %reduce_max3A_652 = arith.xori %select_n3A_647, %reduce_max3A_651 : vector<16xi32>
    %reduce_max3A_653 = tpu.scan <max>, %reduce_max3A_652 masked %reduce_max3A_649 : vector<16xi32>, vector<16xi1> -> vector<16xi32>
    %reduce_max3A_654 = arith.xori %reduce_max3A_653, %reduce_max3A_651 : vector<16xi32>
    %reduce_max3A_655 = vector.extract %reduce_max3A_654[15] : i32 from vector<16xi32>
    %and3A_656 = arith.constant 127 : i32
    %and3A_657 = arith.andi %reduce_max3A_655, %and3A_656 : i32
    %broadcast_in_dim3A_658 = vector.broadcast %and3A_657 : i32 to vector<16xi32>
    %broadcast_in_dim3A_659 = arith.constant 500 : i32
    %broadcast_in_dim3A_660 = vector.broadcast %broadcast_in_dim3A_659 : i32 to vector<16xi32>
    %gather3A_661 = arith.constant 4 : i32
    %gather3A_662 = arith.constant 0 : i32
    %gather3A_663 = arith.constant 0 : i32
    %gather3A_664 = tpu.memref_slice %arg6[%gather3A_661, %gather3A_662, %gather3A_663] : memref<16x32x128xf32, #tpu.memory_space<vmem>> -> memref<1x32x128xf32, #tpu.memory_space<vmem>>
    %gather3A_665 = tpu.memref_squeeze %gather3A_664 : memref<1x32x128xf32, #tpu.memory_space<vmem>> -> memref<32x128xf32, #tpu.memory_space<vmem>>
    %gather3A_666 = tpu.vector_load_idx %gather3A_665[%iota3A, %broadcast_in_dim3A_658] : memref<32x128xf32, #tpu.memory_space<vmem>>[vector<16xi32>, vector<16xi32>], vector<16xf32>,
    %gather3A_667 = arith.constant 4 : i32
    %gather3A_668 = arith.constant 0 : i32
    %gather3A_669 = arith.constant 0 : i32
    %gather3A_670 = tpu.memref_slice %arg6[%gather3A_667, %gather3A_668, %gather3A_669] : memref<16x32x128xf32, #tpu.memory_space<vmem>> -> memref<1x32x128xf32, #tpu.memory_space<vmem>>
    %gather3A_671 = tpu.memref_squeeze %gather3A_670 : memref<1x32x128xf32, #tpu.memory_space<vmem>> -> memref<32x128xf32, #tpu.memory_space<vmem>>
    %gather3A_672 = tpu.vector_load_idx %gather3A_671[%add3A_5, %broadcast_in_dim3A_658] : memref<32x128xf32, #tpu.memory_space<vmem>>[vector<16xi32>, vector<16xi32>], vector<16xf32>,
    tpu.vector_store_idx %arg7[%iota3A, %broadcast_in_dim3A_660], %gather3A_666 : memref<32x512xf32, #tpu.memory_space<vmem>>[vector<16xi32>, vector<16xi32>], vector<16xf32>,
    tpu.vector_store_idx %arg7[%add3A_5, %broadcast_in_dim3A_660], %gather3A_672 : memref<32x512xf32, #tpu.memory_space<vmem>>[vector<16xi32>, vector<16xi32>], vector<16xf32>,
    %dma_wait3A_673 = arith.constant 5 : i32
    %dma_wait3A_674 = arith.constant 0 : i32
    %dma_wait3A_675 = arith.constant 0 : i32
    %dma_wait3A_676 = tpu.memref_slice %arg6[%dma_wait3A_673, %dma_wait3A_674, %dma_wait3A_675] : memref<16x32x128xf32, #tpu.memory_space<vmem>> -> memref<1x32x128xf32, #tpu.memory_space<vmem>>
    %dma_wait3A_677 = tpu.memref_squeeze %dma_wait3A_676 : memref<1x32x128xf32, #tpu.memory_space<vmem>> -> memref<32x128xf32, #tpu.memory_space<vmem>>
    %dma_wait3A_678 = arith.constant 0 : i32
    %dma_wait3A_679 = arith.constant 0 : i32
    %dma_wait3A_680 = tpu.memref_slice %arg2[%dma_wait3A_678, %dma_wait3A_679] : memref<32x1000000xf32, #tpu.memory_space<hbm>> -> memref<32x128xf32, #tpu.memory_space<hbm>>
    %dma_wait3A_681 = arith.constant 0 : i32
    %dma_wait3A_682 = arith.constant 0 : i32
    %dma_wait3A_683 = tpu.memref_slice %arg6[%dma_wait3A_673, %dma_wait3A_681, %dma_wait3A_682] : memref<16x32x128xf32, #tpu.memory_space<vmem>> -> memref<1x32x128xf32, #tpu.memory_space<vmem>>
    %dma_wait3A_684 = tpu.memref_squeeze %dma_wait3A_683 : memref<1x32x128xf32, #tpu.memory_space<vmem>> -> memref<32x128xf32, #tpu.memory_space<vmem>>
    %dma_wait3A_685 = arith.constant 0 : i32
    %dma_wait3A_686 = arith.constant 0 : i32
    %dma_wait3A_687 = tpu.memref_slice %arg2[%dma_wait3A_685, %dma_wait3A_686] : memref<32x1000000xf32, #tpu.memory_space<hbm>> -> memref<32x128xf32, #tpu.memory_space<hbm>>
    tpu.wait_dma2 semaphore(%arg8 : memref<!tpu.dma_semaphore, #tpu.memory_space<semaphore_mem>>) src(%dma_wait3A_687 : memref<32x128xf32, #tpu.memory_space<hbm>>) dst(%dma_wait3A_684 : memref<32x128xf32, #tpu.memory_space<vmem>>)
    %eq3A_688 = arith.constant 5 : i32
    %eq3A_689 = vector.broadcast %eq3A_688 : i32 to vector<16xi32>
    %eq3A_690 = arith.cmpi eq, %iota3A, %eq3A_689 : vector<16xi32>
    %select_n3A_691 = arith.select %eq3A_690, %scan3A_453, %broadcast_in_dim3A_6 : vector<16xi1>, vector<16xi32>
    %reduce_max3A_692 = arith.constant true
    %reduce_max3A_693 = vector.broadcast %reduce_max3A_692 : i1 to vector<16xi1>
    %reduce_max3A_694 = arith.constant -2147483648 : i32
    %reduce_max3A_695 = vector.broadcast %reduce_max3A_694 : i32 to vector<16xi32>
    %reduce_max3A_696 = arith.xori %select_n3A_691, %reduce_max3A_695 : vector<16xi32>
    %reduce_max3A_697 = tpu.scan <max>, %reduce_max3A_696 masked %reduce_max3A_693 : vector<16xi32>, vector<16xi1> -> vector<16xi32>
    %reduce_max3A_698 = arith.xori %reduce_max3A_697, %reduce_max3A_695 : vector<16xi32>
    %reduce_max3A_699 = vector.extract %reduce_max3A_698[15] : i32 from vector<16xi32>
    %and3A_700 = arith.constant 127 : i32
    %and3A_701 = arith.andi %reduce_max3A_699, %and3A_700 : i32
    %broadcast_in_dim3A_702 = vector.broadcast %and3A_701 : i32 to vector<16xi32>
    %broadcast_in_dim3A_703 = arith.constant 501 : i32
    %broadcast_in_dim3A_704 = vector.broadcast %broadcast_in_dim3A_703 : i32 to vector<16xi32>
    %gather3A_705 = arith.constant 5 : i32
    %gather3A_706 = arith.constant 0 : i32
    %gather3A_707 = arith.constant 0 : i32
    %gather3A_708 = tpu.memref_slice %arg6[%gather3A_705, %gather3A_706, %gather3A_707] : memref<16x32x128xf32, #tpu.memory_space<vmem>> -> memref<1x32x128xf32, #tpu.memory_space<vmem>>
    %gather3A_709 = tpu.memref_squeeze %gather3A_708 : memref<1x32x128xf32, #tpu.memory_space<vmem>> -> memref<32x128xf32, #tpu.memory_space<vmem>>
    %gather3A_710 = tpu.vector_load_idx %gather3A_709[%iota3A, %broadcast_in_dim3A_702] : memref<32x128xf32, #tpu.memory_space<vmem>>[vector<16xi32>, vector<16xi32>], vector<16xf32>,
    %gather3A_711 = arith.constant 5 : i32
    %gather3A_712 = arith.constant 0 : i32
    %gather3A_713 = arith.constant 0 : i32
    %gather3A_714 = tpu.memref_slice %arg6[%gather3A_711, %gather3A_712, %gather3A_713] : memref<16x32x128xf32, #tpu.memory_space<vmem>> -> memref<1x32x128xf32, #tpu.memory_space<vmem>>
    %gather3A_715 = tpu.memref_squeeze %gather3A_714 : memref<1x32x128xf32, #tpu.memory_space<vmem>> -> memref<32x128xf32, #tpu.memory_space<vmem>>
    %gather3A_716 = tpu.vector_load_idx %gather3A_715[%add3A_5, %broadcast_in_dim3A_702] : memref<32x128xf32, #tpu.memory_space<vmem>>[vector<16xi32>, vector<16xi32>], vector<16xf32>,
    tpu.vector_store_idx %arg7[%iota3A, %broadcast_in_dim3A_704], %gather3A_710 : memref<32x512xf32, #tpu.memory_space<vmem>>[vector<16xi32>, vector<16xi32>], vector<16xf32>,
    tpu.vector_store_idx %arg7[%add3A_5, %broadcast_in_dim3A_704], %gather3A_716 : memref<32x512xf32, #tpu.memory_space<vmem>>[vector<16xi32>, vector<16xi32>], vector<16xf32>,
    %dma_wait3A_717 = arith.constant 6 : i32
    %dma_wait3A_718 = arith.constant 0 : i32
    %dma_wait3A_719 = arith.constant 0 : i32
    %dma_wait3A_720 = tpu.memref_slice %arg6[%dma_wait3A_717, %dma_wait3A_718, %dma_wait3A_719] : memref<16x32x128xf32, #tpu.memory_space<vmem>> -> memref<1x32x128xf32, #tpu.memory_space<vmem>>
    %dma_wait3A_721 = tpu.memref_squeeze %dma_wait3A_720 : memref<1x32x128xf32, #tpu.memory_space<vmem>> -> memref<32x128xf32, #tpu.memory_space<vmem>>
    %dma_wait3A_722 = arith.constant 0 : i32
    %dma_wait3A_723 = arith.constant 0 : i32
    %dma_wait3A_724 = tpu.memref_slice %arg2[%dma_wait3A_722, %dma_wait3A_723] : memref<32x1000000xf32, #tpu.memory_space<hbm>> -> memref<32x128xf32, #tpu.memory_space<hbm>>
    %dma_wait3A_725 = arith.constant 0 : i32
    %dma_wait3A_726 = arith.constant 0 : i32
    %dma_wait3A_727 = tpu.memref_slice %arg6[%dma_wait3A_717, %dma_wait3A_725, %dma_wait3A_726] : memref<16x32x128xf32, #tpu.memory_space<vmem>> -> memref<1x32x128xf32, #tpu.memory_space<vmem>>
    %dma_wait3A_728 = tpu.memref_squeeze %dma_wait3A_727 : memref<1x32x128xf32, #tpu.memory_space<vmem>> -> memref<32x128xf32, #tpu.memory_space<vmem>>
    %dma_wait3A_729 = arith.constant 0 : i32
    %dma_wait3A_730 = arith.constant 0 : i32
    %dma_wait3A_731 = tpu.memref_slice %arg2[%dma_wait3A_729, %dma_wait3A_730] : memref<32x1000000xf32, #tpu.memory_space<hbm>> -> memref<32x128xf32, #tpu.memory_space<hbm>>
    tpu.wait_dma2 semaphore(%arg8 : memref<!tpu.dma_semaphore, #tpu.memory_space<semaphore_mem>>) src(%dma_wait3A_731 : memref<32x128xf32, #tpu.memory_space<hbm>>) dst(%dma_wait3A_728 : memref<32x128xf32, #tpu.memory_space<vmem>>)
    %eq3A_732 = arith.constant 6 : i32
    %eq3A_733 = vector.broadcast %eq3A_732 : i32 to vector<16xi32>
    %eq3A_734 = arith.cmpi eq, %iota3A, %eq3A_733 : vector<16xi32>
    %select_n3A_735 = arith.select %eq3A_734, %scan3A_453, %broadcast_in_dim3A_6 : vector<16xi1>, vector<16xi32>
    %reduce_max3A_736 = arith.constant true
    %reduce_max3A_737 = vector.broadcast %reduce_max3A_736 : i1 to vector<16xi1>
    %reduce_max3A_738 = arith.constant -2147483648 : i32
    %reduce_max3A_739 = vector.broadcast %reduce_max3A_738 : i32 to vector<16xi32>
    %reduce_max3A_740 = arith.xori %select_n3A_735, %reduce_max3A_739 : vector<16xi32>
    %reduce_max3A_741 = tpu.scan <max>, %reduce_max3A_740 masked %reduce_max3A_737 : vector<16xi32>, vector<16xi1> -> vector<16xi32>
    %reduce_max3A_742 = arith.xori %reduce_max3A_741, %reduce_max3A_739 : vector<16xi32>
    %reduce_max3A_743 = vector.extract %reduce_max3A_742[15] : i32 from vector<16xi32>
    %and3A_744 = arith.constant 127 : i32
    %and3A_745 = arith.andi %reduce_max3A_743, %and3A_744 : i32
    %broadcast_in_dim3A_746 = vector.broadcast %and3A_745 : i32 to vector<16xi32>
    %broadcast_in_dim3A_747 = arith.constant 502 : i32
    %broadcast_in_dim3A_748 = vector.broadcast %broadcast_in_dim3A_747 : i32 to vector<16xi32>
    %gather3A_749 = arith.constant 6 : i32
    %gather3A_750 = arith.constant 0 : i32
    %gather3A_751 = arith.constant 0 : i32
    %gather3A_752 = tpu.memref_slice %arg6[%gather3A_749, %gather3A_750, %gather3A_751] : memref<16x32x128xf32, #tpu.memory_space<vmem>> -> memref<1x32x128xf32, #tpu.memory_space<vmem>>
    %gather3A_753 = tpu.memref_squeeze %gather3A_752 : memref<1x32x128xf32, #tpu.memory_space<vmem>> -> memref<32x128xf32, #tpu.memory_space<vmem>>
    %gather3A_754 = tpu.vector_load_idx %gather3A_753[%iota3A, %broadcast_in_dim3A_746] : memref<32x128xf32, #tpu.memory_space<vmem>>[vector<16xi32>, vector<16xi32>], vector<16xf32>,
    %gather3A_755 = arith.constant 6 : i32
    %gather3A_756 = arith.constant 0 : i32
    %gather3A_757 = arith.constant 0 : i32
    %gather3A_758 = tpu.memref_slice %arg6[%gather3A_755, %gather3A_756, %gather3A_757] : memref<16x32x128xf32, #tpu.memory_space<vmem>> -> memref<1x32x128xf32, #tpu.memory_space<vmem>>
    %gather3A_759 = tpu.memref_squeeze %gather3A_758 : memref<1x32x128xf32, #tpu.memory_space<vmem>> -> memref<32x128xf32, #tpu.memory_space<vmem>>
    %gather3A_760 = tpu.vector_load_idx %gather3A_759[%add3A_5, %broadcast_in_dim3A_746] : memref<32x128xf32, #tpu.memory_space<vmem>>[vector<16xi32>, vector<16xi32>], vector<16xf32>,
    tpu.vector_store_idx %arg7[%iota3A, %broadcast_in_dim3A_748], %gather3A_754 : memref<32x512xf32, #tpu.memory_space<vmem>>[vector<16xi32>, vector<16xi32>], vector<16xf32>,
    tpu.vector_store_idx %arg7[%add3A_5, %broadcast_in_dim3A_748], %gather3A_760 : memref<32x512xf32, #tpu.memory_space<vmem>>[vector<16xi32>, vector<16xi32>], vector<16xf32>,
    %dma_wait3A_761 = arith.constant 7 : i32
    %dma_wait3A_762 = arith.constant 0 : i32
    %dma_wait3A_763 = arith.constant 0 : i32
    %dma_wait3A_764 = tpu.memref_slice %arg6[%dma_wait3A_761, %dma_wait3A_762, %dma_wait3A_763] : memref<16x32x128xf32, #tpu.memory_space<vmem>> -> memref<1x32x128xf32, #tpu.memory_space<vmem>>
    %dma_wait3A_765 = tpu.memref_squeeze %dma_wait3A_764 : memref<1x32x128xf32, #tpu.memory_space<vmem>> -> memref<32x128xf32, #tpu.memory_space<vmem>>
    %dma_wait3A_766 = arith.constant 0 : i32
    %dma_wait3A_767 = arith.constant 0 : i32
    %dma_wait3A_768 = tpu.memref_slice %arg2[%dma_wait3A_766, %dma_wait3A_767] : memref<32x1000000xf32, #tpu.memory_space<hbm>> -> memref<32x128xf32, #tpu.memory_space<hbm>>
    %dma_wait3A_769 = arith.constant 0 : i32
    %dma_wait3A_770 = arith.constant 0 : i32
    %dma_wait3A_771 = tpu.memref_slice %arg6[%dma_wait3A_761, %dma_wait3A_769, %dma_wait3A_770] : memref<16x32x128xf32, #tpu.memory_space<vmem>> -> memref<1x32x128xf32, #tpu.memory_space<vmem>>
    %dma_wait3A_772 = tpu.memref_squeeze %dma_wait3A_771 : memref<1x32x128xf32, #tpu.memory_space<vmem>> -> memref<32x128xf32, #tpu.memory_space<vmem>>
    %dma_wait3A_773 = arith.constant 0 : i32
    %dma_wait3A_774 = arith.constant 0 : i32
    %dma_wait3A_775 = tpu.memref_slice %arg2[%dma_wait3A_773, %dma_wait3A_774] : memref<32x1000000xf32, #tpu.memory_space<hbm>> -> memref<32x128xf32, #tpu.memory_space<hbm>>
    tpu.wait_dma2 semaphore(%arg8 : memref<!tpu.dma_semaphore, #tpu.memory_space<semaphore_mem>>) src(%dma_wait3A_775 : memref<32x128xf32, #tpu.memory_space<hbm>>) dst(%dma_wait3A_772 : memref<32x128xf32, #tpu.memory_space<vmem>>)
    %eq3A_776 = arith.constant 7 : i32
    %eq3A_777 = vector.broadcast %eq3A_776 : i32 to vector<16xi32>
    %eq3A_778 = arith.cmpi eq, %iota3A, %eq3A_777 : vector<16xi32>
    %select_n3A_779 = arith.select %eq3A_778, %scan3A_453, %broadcast_in_dim3A_6 : vector<16xi1>, vector<16xi32>
    %reduce_max3A_780 = arith.constant true
    %reduce_max3A_781 = vector.broadcast %reduce_max3A_780 : i1 to vector<16xi1>
    %reduce_max3A_782 = arith.constant -2147483648 : i32
    %reduce_max3A_783 = vector.broadcast %reduce_max3A_782 : i32 to vector<16xi32>
    %reduce_max3A_784 = arith.xori %select_n3A_779, %reduce_max3A_783 : vector<16xi32>
    %reduce_max3A_785 = tpu.scan <max>, %reduce_max3A_784 masked %reduce_max3A_781 : vector<16xi32>, vector<16xi1> -> vector<16xi32>
    %reduce_max3A_786 = arith.xori %reduce_max3A_785, %reduce_max3A_783 : vector<16xi32>
    %reduce_max3A_787 = vector.extract %reduce_max3A_786[15] : i32 from vector<16xi32>
    %and3A_788 = arith.constant 127 : i32
    %and3A_789 = arith.andi %reduce_max3A_787, %and3A_788 : i32
    %broadcast_in_dim3A_790 = vector.broadcast %and3A_789 : i32 to vector<16xi32>
    %broadcast_in_dim3A_791 = arith.constant 503 : i32
    %broadcast_in_dim3A_792 = vector.broadcast %broadcast_in_dim3A_791 : i32 to vector<16xi32>
    %gather3A_793 = arith.constant 7 : i32
    %gather3A_794 = arith.constant 0 : i32
    %gather3A_795 = arith.constant 0 : i32
    %gather3A_796 = tpu.memref_slice %arg6[%gather3A_793, %gather3A_794, %gather3A_795] : memref<16x32x128xf32, #tpu.memory_space<vmem>> -> memref<1x32x128xf32, #tpu.memory_space<vmem>>
    %gather3A_797 = tpu.memref_squeeze %gather3A_796 : memref<1x32x128xf32, #tpu.memory_space<vmem>> -> memref<32x128xf32, #tpu.memory_space<vmem>>
    %gather3A_798 = tpu.vector_load_idx %gather3A_797[%iota3A, %broadcast_in_dim3A_790] : memref<32x128xf32, #tpu.memory_space<vmem>>[vector<16xi32>, vector<16xi32>], vector<16xf32>,
    %gather3A_799 = arith.constant 7 : i32
    %gather3A_800 = arith.constant 0 : i32
    %gather3A_801 = arith.constant 0 : i32
    %gather3A_802 = tpu.memref_slice %arg6[%gather3A_799, %gather3A_800, %gather3A_801] : memref<16x32x128xf32, #tpu.memory_space<vmem>> -> memref<1x32x128xf32, #tpu.memory_space<vmem>>
    %gather3A_803 = tpu.memref_squeeze %gather3A_802 : memref<1x32x128xf32, #tpu.memory_space<vmem>> -> memref<32x128xf32, #tpu.memory_space<vmem>>
    %gather3A_804 = tpu.vector_load_idx %gather3A_803[%add3A_5, %broadcast_in_dim3A_790] : memref<32x128xf32, #tpu.memory_space<vmem>>[vector<16xi32>, vector<16xi32>], vector<16xf32>,
    tpu.vector_store_idx %arg7[%iota3A, %broadcast_in_dim3A_792], %gather3A_798 : memref<32x512xf32, #tpu.memory_space<vmem>>[vector<16xi32>, vector<16xi32>], vector<16xf32>,
    tpu.vector_store_idx %arg7[%add3A_5, %broadcast_in_dim3A_792], %gather3A_804 : memref<32x512xf32, #tpu.memory_space<vmem>>[vector<16xi32>, vector<16xi32>], vector<16xf32>,
    %dma_wait3A_805 = arith.constant 8 : i32
    %dma_wait3A_806 = arith.constant 0 : i32
    %dma_wait3A_807 = arith.constant 0 : i32
    %dma_wait3A_808 = tpu.memref_slice %arg6[%dma_wait3A_805, %dma_wait3A_806, %dma_wait3A_807] : memref<16x32x128xf32, #tpu.memory_space<vmem>> -> memref<1x32x128xf32, #tpu.memory_space<vmem>>
    %dma_wait3A_809 = tpu.memref_squeeze %dma_wait3A_808 : memref<1x32x128xf32, #tpu.memory_space<vmem>> -> memref<32x128xf32, #tpu.memory_space<vmem>>
    %dma_wait3A_810 = arith.constant 0 : i32
    %dma_wait3A_811 = arith.constant 0 : i32
    %dma_wait3A_812 = tpu.memref_slice %arg2[%dma_wait3A_810, %dma_wait3A_811] : memref<32x1000000xf32, #tpu.memory_space<hbm>> -> memref<32x128xf32, #tpu.memory_space<hbm>>
    %dma_wait3A_813 = arith.constant 0 : i32
    %dma_wait3A_814 = arith.constant 0 : i32
    %dma_wait3A_815 = tpu.memref_slice %arg6[%dma_wait3A_805, %dma_wait3A_813, %dma_wait3A_814] : memref<16x32x128xf32, #tpu.memory_space<vmem>> -> memref<1x32x128xf32, #tpu.memory_space<vmem>>
    %dma_wait3A_816 = tpu.memref_squeeze %dma_wait3A_815 : memref<1x32x128xf32, #tpu.memory_space<vmem>> -> memref<32x128xf32, #tpu.memory_space<vmem>>
    %dma_wait3A_817 = arith.constant 0 : i32
    %dma_wait3A_818 = arith.constant 0 : i32
    %dma_wait3A_819 = tpu.memref_slice %arg2[%dma_wait3A_817, %dma_wait3A_818] : memref<32x1000000xf32, #tpu.memory_space<hbm>> -> memref<32x128xf32, #tpu.memory_space<hbm>>
    tpu.wait_dma2 semaphore(%arg8 : memref<!tpu.dma_semaphore, #tpu.memory_space<semaphore_mem>>) src(%dma_wait3A_819 : memref<32x128xf32, #tpu.memory_space<hbm>>) dst(%dma_wait3A_816 : memref<32x128xf32, #tpu.memory_space<vmem>>)
    %eq3A_820 = arith.constant 8 : i32
    %eq3A_821 = vector.broadcast %eq3A_820 : i32 to vector<16xi32>
    %eq3A_822 = arith.cmpi eq, %iota3A, %eq3A_821 : vector<16xi32>
    %select_n3A_823 = arith.select %eq3A_822, %scan3A_453, %broadcast_in_dim3A_6 : vector<16xi1>, vector<16xi32>
    %reduce_max3A_824 = arith.constant true
    %reduce_max3A_825 = vector.broadcast %reduce_max3A_824 : i1 to vector<16xi1>
    %reduce_max3A_826 = arith.constant -2147483648 : i32
    %reduce_max3A_827 = vector.broadcast %reduce_max3A_826 : i32 to vector<16xi32>
    %reduce_max3A_828 = arith.xori %select_n3A_823, %reduce_max3A_827 : vector<16xi32>
    %reduce_max3A_829 = tpu.scan <max>, %reduce_max3A_828 masked %reduce_max3A_825 : vector<16xi32>, vector<16xi1> -> vector<16xi32>
    %reduce_max3A_830 = arith.xori %reduce_max3A_829, %reduce_max3A_827 : vector<16xi32>
    %reduce_max3A_831 = vector.extract %reduce_max3A_830[15] : i32 from vector<16xi32>
    %and3A_832 = arith.constant 127 : i32
    %and3A_833 = arith.andi %reduce_max3A_831, %and3A_832 : i32
    %broadcast_in_dim3A_834 = vector.broadcast %and3A_833 : i32 to vector<16xi32>
    %broadcast_in_dim3A_835 = arith.constant 504 : i32
    %broadcast_in_dim3A_836 = vector.broadcast %broadcast_in_dim3A_835 : i32 to vector<16xi32>
    %gather3A_837 = arith.constant 8 : i32
    %gather3A_838 = arith.constant 0 : i32
    %gather3A_839 = arith.constant 0 : i32
    %gather3A_840 = tpu.memref_slice %arg6[%gather3A_837, %gather3A_838, %gather3A_839] : memref<16x32x128xf32, #tpu.memory_space<vmem>> -> memref<1x32x128xf32, #tpu.memory_space<vmem>>
    %gather3A_841 = tpu.memref_squeeze %gather3A_840 : memref<1x32x128xf32, #tpu.memory_space<vmem>> -> memref<32x128xf32, #tpu.memory_space<vmem>>
    %gather3A_842 = tpu.vector_load_idx %gather3A_841[%iota3A, %broadcast_in_dim3A_834] : memref<32x128xf32, #tpu.memory_space<vmem>>[vector<16xi32>, vector<16xi32>], vector<16xf32>,
    %gather3A_843 = arith.constant 8 : i32
    %gather3A_844 = arith.constant 0 : i32
    %gather3A_845 = arith.constant 0 : i32
    %gather3A_846 = tpu.memref_slice %arg6[%gather3A_843, %gather3A_844, %gather3A_845] : memref<16x32x128xf32, #tpu.memory_space<vmem>> -> memref<1x32x128xf32, #tpu.memory_space<vmem>>
    %gather3A_847 = tpu.memref_squeeze %gather3A_846 : memref<1x32x128xf32, #tpu.memory_space<vmem>> -> memref<32x128xf32, #tpu.memory_space<vmem>>
    %gather3A_848 = tpu.vector_load_idx %gather3A_847[%add3A_5, %broadcast_in_dim3A_834] : memref<32x128xf32, #tpu.memory_space<vmem>>[vector<16xi32>, vector<16xi32>], vector<16xf32>,
    tpu.vector_store_idx %arg7[%iota3A, %broadcast_in_dim3A_836], %gather3A_842 : memref<32x512xf32, #tpu.memory_space<vmem>>[vector<16xi32>, vector<16xi32>], vector<16xf32>,
    tpu.vector_store_idx %arg7[%add3A_5, %broadcast_in_dim3A_836], %gather3A_848 : memref<32x512xf32, #tpu.memory_space<vmem>>[vector<16xi32>, vector<16xi32>], vector<16xf32>,
    %dma_wait3A_849 = arith.constant 9 : i32
    %dma_wait3A_850 = arith.constant 0 : i32
    %dma_wait3A_851 = arith.constant 0 : i32
    %dma_wait3A_852 = tpu.memref_slice %arg6[%dma_wait3A_849, %dma_wait3A_850, %dma_wait3A_851] : memref<16x32x128xf32, #tpu.memory_space<vmem>> -> memref<1x32x128xf32, #tpu.memory_space<vmem>>
    %dma_wait3A_853 = tpu.memref_squeeze %dma_wait3A_852 : memref<1x32x128xf32, #tpu.memory_space<vmem>> -> memref<32x128xf32, #tpu.memory_space<vmem>>
    %dma_wait3A_854 = arith.constant 0 : i32
    %dma_wait3A_855 = arith.constant 0 : i32
    %dma_wait3A_856 = tpu.memref_slice %arg2[%dma_wait3A_854, %dma_wait3A_855] : memref<32x1000000xf32, #tpu.memory_space<hbm>> -> memref<32x128xf32, #tpu.memory_space<hbm>>
    %dma_wait3A_857 = arith.constant 0 : i32
    %dma_wait3A_858 = arith.constant 0 : i32
    %dma_wait3A_859 = tpu.memref_slice %arg6[%dma_wait3A_849, %dma_wait3A_857, %dma_wait3A_858] : memref<16x32x128xf32, #tpu.memory_space<vmem>> -> memref<1x32x128xf32, #tpu.memory_space<vmem>>
    %dma_wait3A_860 = tpu.memref_squeeze %dma_wait3A_859 : memref<1x32x128xf32, #tpu.memory_space<vmem>> -> memref<32x128xf32, #tpu.memory_space<vmem>>
    %dma_wait3A_861 = arith.constant 0 : i32
    %dma_wait3A_862 = arith.constant 0 : i32
    %dma_wait3A_863 = tpu.memref_slice %arg2[%dma_wait3A_861, %dma_wait3A_862] : memref<32x1000000xf32, #tpu.memory_space<hbm>> -> memref<32x128xf32, #tpu.memory_space<hbm>>
    tpu.wait_dma2 semaphore(%arg8 : memref<!tpu.dma_semaphore, #tpu.memory_space<semaphore_mem>>) src(%dma_wait3A_863 : memref<32x128xf32, #tpu.memory_space<hbm>>) dst(%dma_wait3A_860 : memref<32x128xf32, #tpu.memory_space<vmem>>)
    %eq3A_864 = arith.constant 9 : i32
    %eq3A_865 = vector.broadcast %eq3A_864 : i32 to vector<16xi32>
    %eq3A_866 = arith.cmpi eq, %iota3A, %eq3A_865 : vector<16xi32>
    %select_n3A_867 = arith.select %eq3A_866, %scan3A_453, %broadcast_in_dim3A_6 : vector<16xi1>, vector<16xi32>
    %reduce_max3A_868 = arith.constant true
    %reduce_max3A_869 = vector.broadcast %reduce_max3A_868 : i1 to vector<16xi1>
    %reduce_max3A_870 = arith.constant -2147483648 : i32
    %reduce_max3A_871 = vector.broadcast %reduce_max3A_870 : i32 to vector<16xi32>
    %reduce_max3A_872 = arith.xori %select_n3A_867, %reduce_max3A_871 : vector<16xi32>
    %reduce_max3A_873 = tpu.scan <max>, %reduce_max3A_872 masked %reduce_max3A_869 : vector<16xi32>, vector<16xi1> -> vector<16xi32>
    %reduce_max3A_874 = arith.xori %reduce_max3A_873, %reduce_max3A_871 : vector<16xi32>
    %reduce_max3A_875 = vector.extract %reduce_max3A_874[15] : i32 from vector<16xi32>
    %and3A_876 = arith.constant 127 : i32
    %and3A_877 = arith.andi %reduce_max3A_875, %and3A_876 : i32
    %broadcast_in_dim3A_878 = vector.broadcast %and3A_877 : i32 to vector<16xi32>
    %broadcast_in_dim3A_879 = arith.constant 505 : i32
    %broadcast_in_dim3A_880 = vector.broadcast %broadcast_in_dim3A_879 : i32 to vector<16xi32>
    %gather3A_881 = arith.constant 9 : i32
    %gather3A_882 = arith.constant 0 : i32
    %gather3A_883 = arith.constant 0 : i32
    %gather3A_884 = tpu.memref_slice %arg6[%gather3A_881, %gather3A_882, %gather3A_883] : memref<16x32x128xf32, #tpu.memory_space<vmem>> -> memref<1x32x128xf32, #tpu.memory_space<vmem>>
    %gather3A_885 = tpu.memref_squeeze %gather3A_884 : memref<1x32x128xf32, #tpu.memory_space<vmem>> -> memref<32x128xf32, #tpu.memory_space<vmem>>
    %gather3A_886 = tpu.vector_load_idx %gather3A_885[%iota3A, %broadcast_in_dim3A_878] : memref<32x128xf32, #tpu.memory_space<vmem>>[vector<16xi32>, vector<16xi32>], vector<16xf32>,
    %gather3A_887 = arith.constant 9 : i32
    %gather3A_888 = arith.constant 0 : i32
    %gather3A_889 = arith.constant 0 : i32
    %gather3A_890 = tpu.memref_slice %arg6[%gather3A_887, %gather3A_888, %gather3A_889] : memref<16x32x128xf32, #tpu.memory_space<vmem>> -> memref<1x32x128xf32, #tpu.memory_space<vmem>>
    %gather3A_891 = tpu.memref_squeeze %gather3A_890 : memref<1x32x128xf32, #tpu.memory_space<vmem>> -> memref<32x128xf32, #tpu.memory_space<vmem>>
    %gather3A_892 = tpu.vector_load_idx %gather3A_891[%add3A_5, %broadcast_in_dim3A_878] : memref<32x128xf32, #tpu.memory_space<vmem>>[vector<16xi32>, vector<16xi32>], vector<16xf32>,
    tpu.vector_store_idx %arg7[%iota3A, %broadcast_in_dim3A_880], %gather3A_886 : memref<32x512xf32, #tpu.memory_space<vmem>>[vector<16xi32>, vector<16xi32>], vector<16xf32>,
    tpu.vector_store_idx %arg7[%add3A_5, %broadcast_in_dim3A_880], %gather3A_892 : memref<32x512xf32, #tpu.memory_space<vmem>>[vector<16xi32>, vector<16xi32>], vector<16xf32>,
    %dma_wait3A_893 = arith.constant 10 : i32
    %dma_wait3A_894 = arith.constant 0 : i32
    %dma_wait3A_895 = arith.constant 0 : i32
    %dma_wait3A_896 = tpu.memref_slice %arg6[%dma_wait3A_893, %dma_wait3A_894, %dma_wait3A_895] : memref<16x32x128xf32, #tpu.memory_space<vmem>> -> memref<1x32x128xf32, #tpu.memory_space<vmem>>
    %dma_wait3A_897 = tpu.memref_squeeze %dma_wait3A_896 : memref<1x32x128xf32, #tpu.memory_space<vmem>> -> memref<32x128xf32, #tpu.memory_space<vmem>>
    %dma_wait3A_898 = arith.constant 0 : i32
    %dma_wait3A_899 = arith.constant 0 : i32
    %dma_wait3A_900 = tpu.memref_slice %arg2[%dma_wait3A_898, %dma_wait3A_899] : memref<32x1000000xf32, #tpu.memory_space<hbm>> -> memref<32x128xf32, #tpu.memory_space<hbm>>
    %dma_wait3A_901 = arith.constant 0 : i32
    %dma_wait3A_902 = arith.constant 0 : i32
    %dma_wait3A_903 = tpu.memref_slice %arg6[%dma_wait3A_893, %dma_wait3A_901, %dma_wait3A_902] : memref<16x32x128xf32, #tpu.memory_space<vmem>> -> memref<1x32x128xf32, #tpu.memory_space<vmem>>
    %dma_wait3A_904 = tpu.memref_squeeze %dma_wait3A_903 : memref<1x32x128xf32, #tpu.memory_space<vmem>> -> memref<32x128xf32, #tpu.memory_space<vmem>>
    %dma_wait3A_905 = arith.constant 0 : i32
    %dma_wait3A_906 = arith.constant 0 : i32
    %dma_wait3A_907 = tpu.memref_slice %arg2[%dma_wait3A_905, %dma_wait3A_906] : memref<32x1000000xf32, #tpu.memory_space<hbm>> -> memref<32x128xf32, #tpu.memory_space<hbm>>
    tpu.wait_dma2 semaphore(%arg8 : memref<!tpu.dma_semaphore, #tpu.memory_space<semaphore_mem>>) src(%dma_wait3A_907 : memref<32x128xf32, #tpu.memory_space<hbm>>) dst(%dma_wait3A_904 : memref<32x128xf32, #tpu.memory_space<vmem>>)
    %eq3A_908 = arith.constant 10 : i32
    %eq3A_909 = vector.broadcast %eq3A_908 : i32 to vector<16xi32>
    %eq3A_910 = arith.cmpi eq, %iota3A, %eq3A_909 : vector<16xi32>
    %select_n3A_911 = arith.select %eq3A_910, %scan3A_453, %broadcast_in_dim3A_6 : vector<16xi1>, vector<16xi32>
    %reduce_max3A_912 = arith.constant true
    %reduce_max3A_913 = vector.broadcast %reduce_max3A_912 : i1 to vector<16xi1>
    %reduce_max3A_914 = arith.constant -2147483648 : i32
    %reduce_max3A_915 = vector.broadcast %reduce_max3A_914 : i32 to vector<16xi32>
    %reduce_max3A_916 = arith.xori %select_n3A_911, %reduce_max3A_915 : vector<16xi32>
    %reduce_max3A_917 = tpu.scan <max>, %reduce_max3A_916 masked %reduce_max3A_913 : vector<16xi32>, vector<16xi1> -> vector<16xi32>
    %reduce_max3A_918 = arith.xori %reduce_max3A_917, %reduce_max3A_915 : vector<16xi32>
    %reduce_max3A_919 = vector.extract %reduce_max3A_918[15] : i32 from vector<16xi32>
    %and3A_920 = arith.constant 127 : i32
    %and3A_921 = arith.andi %reduce_max3A_919, %and3A_920 : i32
    %broadcast_in_dim3A_922 = vector.broadcast %and3A_921 : i32 to vector<16xi32>
    %broadcast_in_dim3A_923 = arith.constant 506 : i32
    %broadcast_in_dim3A_924 = vector.broadcast %broadcast_in_dim3A_923 : i32 to vector<16xi32>
    %gather3A_925 = arith.constant 10 : i32
    %gather3A_926 = arith.constant 0 : i32
    %gather3A_927 = arith.constant 0 : i32
    %gather3A_928 = tpu.memref_slice %arg6[%gather3A_925, %gather3A_926, %gather3A_927] : memref<16x32x128xf32, #tpu.memory_space<vmem>> -> memref<1x32x128xf32, #tpu.memory_space<vmem>>
    %gather3A_929 = tpu.memref_squeeze %gather3A_928 : memref<1x32x128xf32, #tpu.memory_space<vmem>> -> memref<32x128xf32, #tpu.memory_space<vmem>>
    %gather3A_930 = tpu.vector_load_idx %gather3A_929[%iota3A, %broadcast_in_dim3A_922] : memref<32x128xf32, #tpu.memory_space<vmem>>[vector<16xi32>, vector<16xi32>], vector<16xf32>,
    %gather3A_931 = arith.constant 10 : i32
    %gather3A_932 = arith.constant 0 : i32
    %gather3A_933 = arith.constant 0 : i32
    %gather3A_934 = tpu.memref_slice %arg6[%gather3A_931, %gather3A_932, %gather3A_933] : memref<16x32x128xf32, #tpu.memory_space<vmem>> -> memref<1x32x128xf32, #tpu.memory_space<vmem>>
    %gather3A_935 = tpu.memref_squeeze %gather3A_934 : memref<1x32x128xf32, #tpu.memory_space<vmem>> -> memref<32x128xf32, #tpu.memory_space<vmem>>
    %gather3A_936 = tpu.vector_load_idx %gather3A_935[%add3A_5, %broadcast_in_dim3A_922] : memref<32x128xf32, #tpu.memory_space<vmem>>[vector<16xi32>, vector<16xi32>], vector<16xf32>,
    tpu.vector_store_idx %arg7[%iota3A, %broadcast_in_dim3A_924], %gather3A_930 : memref<32x512xf32, #tpu.memory_space<vmem>>[vector<16xi32>, vector<16xi32>], vector<16xf32>,
    tpu.vector_store_idx %arg7[%add3A_5, %broadcast_in_dim3A_924], %gather3A_936 : memref<32x512xf32, #tpu.memory_space<vmem>>[vector<16xi32>, vector<16xi32>], vector<16xf32>,
    %dma_wait3A_937 = arith.constant 11 : i32
    %dma_wait3A_938 = arith.constant 0 : i32
    %dma_wait3A_939 = arith.constant 0 : i32
    %dma_wait3A_940 = tpu.memref_slice %arg6[%dma_wait3A_937, %dma_wait3A_938, %dma_wait3A_939] : memref<16x32x128xf32, #tpu.memory_space<vmem>> -> memref<1x32x128xf32, #tpu.memory_space<vmem>>
    %dma_wait3A_941 = tpu.memref_squeeze %dma_wait3A_940 : memref<1x32x128xf32, #tpu.memory_space<vmem>> -> memref<32x128xf32, #tpu.memory_space<vmem>>
    %dma_wait3A_942 = arith.constant 0 : i32
    %dma_wait3A_943 = arith.constant 0 : i32
    %dma_wait3A_944 = tpu.memref_slice %arg2[%dma_wait3A_942, %dma_wait3A_943] : memref<32x1000000xf32, #tpu.memory_space<hbm>> -> memref<32x128xf32, #tpu.memory_space<hbm>>
    %dma_wait3A_945 = arith.constant 0 : i32
    %dma_wait3A_946 = arith.constant 0 : i32
    %dma_wait3A_947 = tpu.memref_slice %arg6[%dma_wait3A_937, %dma_wait3A_945, %dma_wait3A_946] : memref<16x32x128xf32, #tpu.memory_space<vmem>> -> memref<1x32x128xf32, #tpu.memory_space<vmem>>
    %dma_wait3A_948 = tpu.memref_squeeze %dma_wait3A_947 : memref<1x32x128xf32, #tpu.memory_space<vmem>> -> memref<32x128xf32, #tpu.memory_space<vmem>>
    %dma_wait3A_949 = arith.constant 0 : i32
    %dma_wait3A_950 = arith.constant 0 : i32
    %dma_wait3A_951 = tpu.memref_slice %arg2[%dma_wait3A_949, %dma_wait3A_950] : memref<32x1000000xf32, #tpu.memory_space<hbm>> -> memref<32x128xf32, #tpu.memory_space<hbm>>
    tpu.wait_dma2 semaphore(%arg8 : memref<!tpu.dma_semaphore, #tpu.memory_space<semaphore_mem>>) src(%dma_wait3A_951 : memref<32x128xf32, #tpu.memory_space<hbm>>) dst(%dma_wait3A_948 : memref<32x128xf32, #tpu.memory_space<vmem>>)
    %eq3A_952 = arith.constant 11 : i32
    %eq3A_953 = vector.broadcast %eq3A_952 : i32 to vector<16xi32>
    %eq3A_954 = arith.cmpi eq, %iota3A, %eq3A_953 : vector<16xi32>
    %select_n3A_955 = arith.select %eq3A_954, %scan3A_453, %broadcast_in_dim3A_6 : vector<16xi1>, vector<16xi32>
    %reduce_max3A_956 = arith.constant true
    %reduce_max3A_957 = vector.broadcast %reduce_max3A_956 : i1 to vector<16xi1>
    %reduce_max3A_958 = arith.constant -2147483648 : i32
    %reduce_max3A_959 = vector.broadcast %reduce_max3A_958 : i32 to vector<16xi32>
    %reduce_max3A_960 = arith.xori %select_n3A_955, %reduce_max3A_959 : vector<16xi32>
    %reduce_max3A_961 = tpu.scan <max>, %reduce_max3A_960 masked %reduce_max3A_957 : vector<16xi32>, vector<16xi1> -> vector<16xi32>
    %reduce_max3A_962 = arith.xori %reduce_max3A_961, %reduce_max3A_959 : vector<16xi32>
    %reduce_max3A_963 = vector.extract %reduce_max3A_962[15] : i32 from vector<16xi32>
    %and3A_964 = arith.constant 127 : i32
    %and3A_965 = arith.andi %reduce_max3A_963, %and3A_964 : i32
    %broadcast_in_dim3A_966 = vector.broadcast %and3A_965 : i32 to vector<16xi32>
    %broadcast_in_dim3A_967 = arith.constant 507 : i32
    %broadcast_in_dim3A_968 = vector.broadcast %broadcast_in_dim3A_967 : i32 to vector<16xi32>
    %gather3A_969 = arith.constant 11 : i32
    %gather3A_970 = arith.constant 0 : i32
    %gather3A_971 = arith.constant 0 : i32
    %gather3A_972 = tpu.memref_slice %arg6[%gather3A_969, %gather3A_970, %gather3A_971] : memref<16x32x128xf32, #tpu.memory_space<vmem>> -> memref<1x32x128xf32, #tpu.memory_space<vmem>>
    %gather3A_973 = tpu.memref_squeeze %gather3A_972 : memref<1x32x128xf32, #tpu.memory_space<vmem>> -> memref<32x128xf32, #tpu.memory_space<vmem>>
    %gather3A_974 = tpu.vector_load_idx %gather3A_973[%iota3A, %broadcast_in_dim3A_966] : memref<32x128xf32, #tpu.memory_space<vmem>>[vector<16xi32>, vector<16xi32>], vector<16xf32>,
    %gather3A_975 = arith.constant 11 : i32
    %gather3A_976 = arith.constant 0 : i32
    %gather3A_977 = arith.constant 0 : i32
    %gather3A_978 = tpu.memref_slice %arg6[%gather3A_975, %gather3A_976, %gather3A_977] : memref<16x32x128xf32, #tpu.memory_space<vmem>> -> memref<1x32x128xf32, #tpu.memory_space<vmem>>
    %gather3A_979 = tpu.memref_squeeze %gather3A_978 : memref<1x32x128xf32, #tpu.memory_space<vmem>> -> memref<32x128xf32, #tpu.memory_space<vmem>>
    %gather3A_980 = tpu.vector_load_idx %gather3A_979[%add3A_5, %broadcast_in_dim3A_966] : memref<32x128xf32, #tpu.memory_space<vmem>>[vector<16xi32>, vector<16xi32>], vector<16xf32>,
    tpu.vector_store_idx %arg7[%iota3A, %broadcast_in_dim3A_968], %gather3A_974 : memref<32x512xf32, #tpu.memory_space<vmem>>[vector<16xi32>, vector<16xi32>], vector<16xf32>,
    tpu.vector_store_idx %arg7[%add3A_5, %broadcast_in_dim3A_968], %gather3A_980 : memref<32x512xf32, #tpu.memory_space<vmem>>[vector<16xi32>, vector<16xi32>], vector<16xf32>,
    %dma_wait3A_981 = arith.constant 12 : i32
    %dma_wait3A_982 = arith.constant 0 : i32
    %dma_wait3A_983 = arith.constant 0 : i32
    %dma_wait3A_984 = tpu.memref_slice %arg6[%dma_wait3A_981, %dma_wait3A_982, %dma_wait3A_983] : memref<16x32x128xf32, #tpu.memory_space<vmem>> -> memref<1x32x128xf32, #tpu.memory_space<vmem>>
    %dma_wait3A_985 = tpu.memref_squeeze %dma_wait3A_984 : memref<1x32x128xf32, #tpu.memory_space<vmem>> -> memref<32x128xf32, #tpu.memory_space<vmem>>
    %dma_wait3A_986 = arith.constant 0 : i32
    %dma_wait3A_987 = arith.constant 0 : i32
    %dma_wait3A_988 = tpu.memref_slice %arg2[%dma_wait3A_986, %dma_wait3A_987] : memref<32x1000000xf32, #tpu.memory_space<hbm>> -> memref<32x128xf32, #tpu.memory_space<hbm>>
    %dma_wait3A_989 = arith.constant 0 : i32
    %dma_wait3A_990 = arith.constant 0 : i32
    %dma_wait3A_991 = tpu.memref_slice %arg6[%dma_wait3A_981, %dma_wait3A_989, %dma_wait3A_990] : memref<16x32x128xf32, #tpu.memory_space<vmem>> -> memref<1x32x128xf32, #tpu.memory_space<vmem>>
    %dma_wait3A_992 = tpu.memref_squeeze %dma_wait3A_991 : memref<1x32x128xf32, #tpu.memory_space<vmem>> -> memref<32x128xf32, #tpu.memory_space<vmem>>
    %dma_wait3A_993 = arith.constant 0 : i32
    %dma_wait3A_994 = arith.constant 0 : i32
    %dma_wait3A_995 = tpu.memref_slice %arg2[%dma_wait3A_993, %dma_wait3A_994] : memref<32x1000000xf32, #tpu.memory_space<hbm>> -> memref<32x128xf32, #tpu.memory_space<hbm>>
    tpu.wait_dma2 semaphore(%arg8 : memref<!tpu.dma_semaphore, #tpu.memory_space<semaphore_mem>>) src(%dma_wait3A_995 : memref<32x128xf32, #tpu.memory_space<hbm>>) dst(%dma_wait3A_992 : memref<32x128xf32, #tpu.memory_space<vmem>>)
    %eq3A_996 = arith.constant 12 : i32
    %eq3A_997 = vector.broadcast %eq3A_996 : i32 to vector<16xi32>
    %eq3A_998 = arith.cmpi eq, %iota3A, %eq3A_997 : vector<16xi32>
    %select_n3A_999 = arith.select %eq3A_998, %scan3A_453, %broadcast_in_dim3A_6 : vector<16xi1>, vector<16xi32>
    %reduce_max3A_1000 = arith.constant true
    %reduce_max3A_1001 = vector.broadcast %reduce_max3A_1000 : i1 to vector<16xi1>
    %reduce_max3A_1002 = arith.constant -2147483648 : i32
    %reduce_max3A_1003 = vector.broadcast %reduce_max3A_1002 : i32 to vector<16xi32>
    %reduce_max3A_1004 = arith.xori %select_n3A_999, %reduce_max3A_1003 : vector<16xi32>
    %reduce_max3A_1005 = tpu.scan <max>, %reduce_max3A_1004 masked %reduce_max3A_1001 : vector<16xi32>, vector<16xi1> -> vector<16xi32>
    %reduce_max3A_1006 = arith.xori %reduce_max3A_1005, %reduce_max3A_1003 : vector<16xi32>
    %reduce_max3A_1007 = vector.extract %reduce_max3A_1006[15] : i32 from vector<16xi32>
    %and3A_1008 = arith.constant 127 : i32
    %and3A_1009 = arith.andi %reduce_max3A_1007, %and3A_1008 : i32
    %broadcast_in_dim3A_1010 = vector.broadcast %and3A_1009 : i32 to vector<16xi32>
    %broadcast_in_dim3A_1011 = arith.constant 508 : i32
    %broadcast_in_dim3A_1012 = vector.broadcast %broadcast_in_dim3A_1011 : i32 to vector<16xi32>
    %gather3A_1013 = arith.constant 12 : i32
    %gather3A_1014 = arith.constant 0 : i32
    %gather3A_1015 = arith.constant 0 : i32
    %gather3A_1016 = tpu.memref_slice %arg6[%gather3A_1013, %gather3A_1014, %gather3A_1015] : memref<16x32x128xf32, #tpu.memory_space<vmem>> -> memref<1x32x128xf32, #tpu.memory_space<vmem>>
    %gather3A_1017 = tpu.memref_squeeze %gather3A_1016 : memref<1x32x128xf32, #tpu.memory_space<vmem>> -> memref<32x128xf32, #tpu.memory_space<vmem>>
    %gather3A_1018 = tpu.vector_load_idx %gather3A_1017[%iota3A, %broadcast_in_dim3A_1010] : memref<32x128xf32, #tpu.memory_space<vmem>>[vector<16xi32>, vector<16xi32>], vector<16xf32>,
    %gather3A_1019 = arith.constant 12 : i32
    %gather3A_1020 = arith.constant 0 : i32
    %gather3A_1021 = arith.constant 0 : i32
    %gather3A_1022 = tpu.memref_slice %arg6[%gather3A_1019, %gather3A_1020, %gather3A_1021] : memref<16x32x128xf32, #tpu.memory_space<vmem>> -> memref<1x32x128xf32, #tpu.memory_space<vmem>>
    %gather3A_1023 = tpu.memref_squeeze %gather3A_1022 : memref<1x32x128xf32, #tpu.memory_space<vmem>> -> memref<32x128xf32, #tpu.memory_space<vmem>>
    %gather3A_1024 = tpu.vector_load_idx %gather3A_1023[%add3A_5, %broadcast_in_dim3A_1010] : memref<32x128xf32, #tpu.memory_space<vmem>>[vector<16xi32>, vector<16xi32>], vector<16xf32>,
    tpu.vector_store_idx %arg7[%iota3A, %broadcast_in_dim3A_1012], %gather3A_1018 : memref<32x512xf32, #tpu.memory_space<vmem>>[vector<16xi32>, vector<16xi32>], vector<16xf32>,
    tpu.vector_store_idx %arg7[%add3A_5, %broadcast_in_dim3A_1012], %gather3A_1024 : memref<32x512xf32, #tpu.memory_space<vmem>>[vector<16xi32>, vector<16xi32>], vector<16xf32>,
    %dma_wait3A_1025 = arith.constant 13 : i32
    %dma_wait3A_1026 = arith.constant 0 : i32
    %dma_wait3A_1027 = arith.constant 0 : i32
    %dma_wait3A_1028 = tpu.memref_slice %arg6[%dma_wait3A_1025, %dma_wait3A_1026, %dma_wait3A_1027] : memref<16x32x128xf32, #tpu.memory_space<vmem>> -> memref<1x32x128xf32, #tpu.memory_space<vmem>>
    %dma_wait3A_1029 = tpu.memref_squeeze %dma_wait3A_1028 : memref<1x32x128xf32, #tpu.memory_space<vmem>> -> memref<32x128xf32, #tpu.memory_space<vmem>>
    %dma_wait3A_1030 = arith.constant 0 : i32
    %dma_wait3A_1031 = arith.constant 0 : i32
    %dma_wait3A_1032 = tpu.memref_slice %arg2[%dma_wait3A_1030, %dma_wait3A_1031] : memref<32x1000000xf32, #tpu.memory_space<hbm>> -> memref<32x128xf32, #tpu.memory_space<hbm>>
    %dma_wait3A_1033 = arith.constant 0 : i32
    %dma_wait3A_1034 = arith.constant 0 : i32
    %dma_wait3A_1035 = tpu.memref_slice %arg6[%dma_wait3A_1025, %dma_wait3A_1033, %dma_wait3A_1034] : memref<16x32x128xf32, #tpu.memory_space<vmem>> -> memref<1x32x128xf32, #tpu.memory_space<vmem>>
    %dma_wait3A_1036 = tpu.memref_squeeze %dma_wait3A_1035 : memref<1x32x128xf32, #tpu.memory_space<vmem>> -> memref<32x128xf32, #tpu.memory_space<vmem>>
    %dma_wait3A_1037 = arith.constant 0 : i32
    %dma_wait3A_1038 = arith.constant 0 : i32
    %dma_wait3A_1039 = tpu.memref_slice %arg2[%dma_wait3A_1037, %dma_wait3A_1038] : memref<32x1000000xf32, #tpu.memory_space<hbm>> -> memref<32x128xf32, #tpu.memory_space<hbm>>
    tpu.wait_dma2 semaphore(%arg8 : memref<!tpu.dma_semaphore, #tpu.memory_space<semaphore_mem>>) src(%dma_wait3A_1039 : memref<32x128xf32, #tpu.memory_space<hbm>>) dst(%dma_wait3A_1036 : memref<32x128xf32, #tpu.memory_space<vmem>>)
    %eq3A_1040 = arith.constant 13 : i32
    %eq3A_1041 = vector.broadcast %eq3A_1040 : i32 to vector<16xi32>
    %eq3A_1042 = arith.cmpi eq, %iota3A, %eq3A_1041 : vector<16xi32>
    %select_n3A_1043 = arith.select %eq3A_1042, %scan3A_453, %broadcast_in_dim3A_6 : vector<16xi1>, vector<16xi32>
    %reduce_max3A_1044 = arith.constant true
    %reduce_max3A_1045 = vector.broadcast %reduce_max3A_1044 : i1 to vector<16xi1>
    %reduce_max3A_1046 = arith.constant -2147483648 : i32
    %reduce_max3A_1047 = vector.broadcast %reduce_max3A_1046 : i32 to vector<16xi32>
    %reduce_max3A_1048 = arith.xori %select_n3A_1043, %reduce_max3A_1047 : vector<16xi32>
    %reduce_max3A_1049 = tpu.scan <max>, %reduce_max3A_1048 masked %reduce_max3A_1045 : vector<16xi32>, vector<16xi1> -> vector<16xi32>
    %reduce_max3A_1050 = arith.xori %reduce_max3A_1049, %reduce_max3A_1047 : vector<16xi32>
    %reduce_max3A_1051 = vector.extract %reduce_max3A_1050[15] : i32 from vector<16xi32>
    %and3A_1052 = arith.constant 127 : i32
    %and3A_1053 = arith.andi %reduce_max3A_1051, %and3A_1052 : i32
    %broadcast_in_dim3A_1054 = vector.broadcast %and3A_1053 : i32 to vector<16xi32>
    %broadcast_in_dim3A_1055 = arith.constant 509 : i32
    %broadcast_in_dim3A_1056 = vector.broadcast %broadcast_in_dim3A_1055 : i32 to vector<16xi32>
    %gather3A_1057 = arith.constant 13 : i32
    %gather3A_1058 = arith.constant 0 : i32
    %gather3A_1059 = arith.constant 0 : i32
    %gather3A_1060 = tpu.memref_slice %arg6[%gather3A_1057, %gather3A_1058, %gather3A_1059] : memref<16x32x128xf32, #tpu.memory_space<vmem>> -> memref<1x32x128xf32, #tpu.memory_space<vmem>>
    %gather3A_1061 = tpu.memref_squeeze %gather3A_1060 : memref<1x32x128xf32, #tpu.memory_space<vmem>> -> memref<32x128xf32, #tpu.memory_space<vmem>>
    %gather3A_1062 = tpu.vector_load_idx %gather3A_1061[%iota3A, %broadcast_in_dim3A_1054] : memref<32x128xf32, #tpu.memory_space<vmem>>[vector<16xi32>, vector<16xi32>], vector<16xf32>,
    %gather3A_1063 = arith.constant 13 : i32
    %gather3A_1064 = arith.constant 0 : i32
    %gather3A_1065 = arith.constant 0 : i32
    %gather3A_1066 = tpu.memref_slice %arg6[%gather3A_1063, %gather3A_1064, %gather3A_1065] : memref<16x32x128xf32, #tpu.memory_space<vmem>> -> memref<1x32x128xf32, #tpu.memory_space<vmem>>
    %gather3A_1067 = tpu.memref_squeeze %gather3A_1066 : memref<1x32x128xf32, #tpu.memory_space<vmem>> -> memref<32x128xf32, #tpu.memory_space<vmem>>
    %gather3A_1068 = tpu.vector_load_idx %gather3A_1067[%add3A_5, %broadcast_in_dim3A_1054] : memref<32x128xf32, #tpu.memory_space<vmem>>[vector<16xi32>, vector<16xi32>], vector<16xf32>,
    tpu.vector_store_idx %arg7[%iota3A, %broadcast_in_dim3A_1056], %gather3A_1062 : memref<32x512xf32, #tpu.memory_space<vmem>>[vector<16xi32>, vector<16xi32>], vector<16xf32>,
    tpu.vector_store_idx %arg7[%add3A_5, %broadcast_in_dim3A_1056], %gather3A_1068 : memref<32x512xf32, #tpu.memory_space<vmem>>[vector<16xi32>, vector<16xi32>], vector<16xf32>,
    %dma_wait3A_1069 = arith.constant 14 : i32
    %dma_wait3A_1070 = arith.constant 0 : i32
    %dma_wait3A_1071 = arith.constant 0 : i32
    %dma_wait3A_1072 = tpu.memref_slice %arg6[%dma_wait3A_1069, %dma_wait3A_1070, %dma_wait3A_1071] : memref<16x32x128xf32, #tpu.memory_space<vmem>> -> memref<1x32x128xf32, #tpu.memory_space<vmem>>
    %dma_wait3A_1073 = tpu.memref_squeeze %dma_wait3A_1072 : memref<1x32x128xf32, #tpu.memory_space<vmem>> -> memref<32x128xf32, #tpu.memory_space<vmem>>
    %dma_wait3A_1074 = arith.constant 0 : i32
    %dma_wait3A_1075 = arith.constant 0 : i32
    %dma_wait3A_1076 = tpu.memref_slice %arg2[%dma_wait3A_1074, %dma_wait3A_1075] : memref<32x1000000xf32, #tpu.memory_space<hbm>> -> memref<32x128xf32, #tpu.memory_space<hbm>>
    %dma_wait3A_1077 = arith.constant 0 : i32
    %dma_wait3A_1078 = arith.constant 0 : i32
    %dma_wait3A_1079 = tpu.memref_slice %arg6[%dma_wait3A_1069, %dma_wait3A_1077, %dma_wait3A_1078] : memref<16x32x128xf32, #tpu.memory_space<vmem>> -> memref<1x32x128xf32, #tpu.memory_space<vmem>>
    %dma_wait3A_1080 = tpu.memref_squeeze %dma_wait3A_1079 : memref<1x32x128xf32, #tpu.memory_space<vmem>> -> memref<32x128xf32, #tpu.memory_space<vmem>>
    %dma_wait3A_1081 = arith.constant 0 : i32
    %dma_wait3A_1082 = arith.constant 0 : i32
    %dma_wait3A_1083 = tpu.memref_slice %arg2[%dma_wait3A_1081, %dma_wait3A_1082] : memref<32x1000000xf32, #tpu.memory_space<hbm>> -> memref<32x128xf32, #tpu.memory_space<hbm>>
    tpu.wait_dma2 semaphore(%arg8 : memref<!tpu.dma_semaphore, #tpu.memory_space<semaphore_mem>>) src(%dma_wait3A_1083 : memref<32x128xf32, #tpu.memory_space<hbm>>) dst(%dma_wait3A_1080 : memref<32x128xf32, #tpu.memory_space<vmem>>)
    %eq3A_1084 = arith.constant 14 : i32
    %eq3A_1085 = vector.broadcast %eq3A_1084 : i32 to vector<16xi32>
    %eq3A_1086 = arith.cmpi eq, %iota3A, %eq3A_1085 : vector<16xi32>
    %select_n3A_1087 = arith.select %eq3A_1086, %scan3A_453, %broadcast_in_dim3A_6 : vector<16xi1>, vector<16xi32>
    %reduce_max3A_1088 = arith.constant true
    %reduce_max3A_1089 = vector.broadcast %reduce_max3A_1088 : i1 to vector<16xi1>
    %reduce_max3A_1090 = arith.constant -2147483648 : i32
    %reduce_max3A_1091 = vector.broadcast %reduce_max3A_1090 : i32 to vector<16xi32>
    %reduce_max3A_1092 = arith.xori %select_n3A_1087, %reduce_max3A_1091 : vector<16xi32>
    %reduce_max3A_1093 = tpu.scan <max>, %reduce_max3A_1092 masked %reduce_max3A_1089 : vector<16xi32>, vector<16xi1> -> vector<16xi32>
    %reduce_max3A_1094 = arith.xori %reduce_max3A_1093, %reduce_max3A_1091 : vector<16xi32>
    %reduce_max3A_1095 = vector.extract %reduce_max3A_1094[15] : i32 from vector<16xi32>
    %and3A_1096 = arith.constant 127 : i32
    %and3A_1097 = arith.andi %reduce_max3A_1095, %and3A_1096 : i32
    %broadcast_in_dim3A_1098 = vector.broadcast %and3A_1097 : i32 to vector<16xi32>
    %broadcast_in_dim3A_1099 = arith.constant 510 : i32
    %broadcast_in_dim3A_1100 = vector.broadcast %broadcast_in_dim3A_1099 : i32 to vector<16xi32>
    %gather3A_1101 = arith.constant 14 : i32
    %gather3A_1102 = arith.constant 0 : i32
    %gather3A_1103 = arith.constant 0 : i32
    %gather3A_1104 = tpu.memref_slice %arg6[%gather3A_1101, %gather3A_1102, %gather3A_1103] : memref<16x32x128xf32, #tpu.memory_space<vmem>> -> memref<1x32x128xf32, #tpu.memory_space<vmem>>
    %gather3A_1105 = tpu.memref_squeeze %gather3A_1104 : memref<1x32x128xf32, #tpu.memory_space<vmem>> -> memref<32x128xf32, #tpu.memory_space<vmem>>
    %gather3A_1106 = tpu.vector_load_idx %gather3A_1105[%iota3A, %broadcast_in_dim3A_1098] : memref<32x128xf32, #tpu.memory_space<vmem>>[vector<16xi32>, vector<16xi32>], vector<16xf32>,
    %gather3A_1107 = arith.constant 14 : i32
    %gather3A_1108 = arith.constant 0 : i32
    %gather3A_1109 = arith.constant 0 : i32
    %gather3A_1110 = tpu.memref_slice %arg6[%gather3A_1107, %gather3A_1108, %gather3A_1109] : memref<16x32x128xf32, #tpu.memory_space<vmem>> -> memref<1x32x128xf32, #tpu.memory_space<vmem>>
    %gather3A_1111 = tpu.memref_squeeze %gather3A_1110 : memref<1x32x128xf32, #tpu.memory_space<vmem>> -> memref<32x128xf32, #tpu.memory_space<vmem>>
    %gather3A_1112 = tpu.vector_load_idx %gather3A_1111[%add3A_5, %broadcast_in_dim3A_1098] : memref<32x128xf32, #tpu.memory_space<vmem>>[vector<16xi32>, vector<16xi32>], vector<16xf32>,
    tpu.vector_store_idx %arg7[%iota3A, %broadcast_in_dim3A_1100], %gather3A_1106 : memref<32x512xf32, #tpu.memory_space<vmem>>[vector<16xi32>, vector<16xi32>], vector<16xf32>,
    tpu.vector_store_idx %arg7[%add3A_5, %broadcast_in_dim3A_1100], %gather3A_1112 : memref<32x512xf32, #tpu.memory_space<vmem>>[vector<16xi32>, vector<16xi32>], vector<16xf32>,
    %dma_wait3A_1113 = arith.constant 15 : i32
    %dma_wait3A_1114 = arith.constant 0 : i32
    %dma_wait3A_1115 = arith.constant 0 : i32
    %dma_wait3A_1116 = tpu.memref_slice %arg6[%dma_wait3A_1113, %dma_wait3A_1114, %dma_wait3A_1115] : memref<16x32x128xf32, #tpu.memory_space<vmem>> -> memref<1x32x128xf32, #tpu.memory_space<vmem>>
    %dma_wait3A_1117 = tpu.memref_squeeze %dma_wait3A_1116 : memref<1x32x128xf32, #tpu.memory_space<vmem>> -> memref<32x128xf32, #tpu.memory_space<vmem>>
    %dma_wait3A_1118 = arith.constant 0 : i32
    %dma_wait3A_1119 = arith.constant 0 : i32
    %dma_wait3A_1120 = tpu.memref_slice %arg2[%dma_wait3A_1118, %dma_wait3A_1119] : memref<32x1000000xf32, #tpu.memory_space<hbm>> -> memref<32x128xf32, #tpu.memory_space<hbm>>
    %dma_wait3A_1121 = arith.constant 0 : i32
    %dma_wait3A_1122 = arith.constant 0 : i32
    %dma_wait3A_1123 = tpu.memref_slice %arg6[%dma_wait3A_1113, %dma_wait3A_1121, %dma_wait3A_1122] : memref<16x32x128xf32, #tpu.memory_space<vmem>> -> memref<1x32x128xf32, #tpu.memory_space<vmem>>
    %dma_wait3A_1124 = tpu.memref_squeeze %dma_wait3A_1123 : memref<1x32x128xf32, #tpu.memory_space<vmem>> -> memref<32x128xf32, #tpu.memory_space<vmem>>
    %dma_wait3A_1125 = arith.constant 0 : i32
    %dma_wait3A_1126 = arith.constant 0 : i32
    %dma_wait3A_1127 = tpu.memref_slice %arg2[%dma_wait3A_1125, %dma_wait3A_1126] : memref<32x1000000xf32, #tpu.memory_space<hbm>> -> memref<32x128xf32, #tpu.memory_space<hbm>>
    tpu.wait_dma2 semaphore(%arg8 : memref<!tpu.dma_semaphore, #tpu.memory_space<semaphore_mem>>) src(%dma_wait3A_1127 : memref<32x128xf32, #tpu.memory_space<hbm>>) dst(%dma_wait3A_1124 : memref<32x128xf32, #tpu.memory_space<vmem>>)
    %eq3A_1128 = arith.constant 15 : i32
    %eq3A_1129 = vector.broadcast %eq3A_1128 : i32 to vector<16xi32>
    %eq3A_1130 = arith.cmpi eq, %iota3A, %eq3A_1129 : vector<16xi32>
    %select_n3A_1131 = arith.select %eq3A_1130, %scan3A_453, %broadcast_in_dim3A_6 : vector<16xi1>, vector<16xi32>
    %reduce_max3A_1132 = arith.constant true
    %reduce_max3A_1133 = vector.broadcast %reduce_max3A_1132 : i1 to vector<16xi1>
    %reduce_max3A_1134 = arith.constant -2147483648 : i32
    %reduce_max3A_1135 = vector.broadcast %reduce_max3A_1134 : i32 to vector<16xi32>
    %reduce_max3A_1136 = arith.xori %select_n3A_1131, %reduce_max3A_1135 : vector<16xi32>
    %reduce_max3A_1137 = tpu.scan <max>, %reduce_max3A_1136 masked %reduce_max3A_1133 : vector<16xi32>, vector<16xi1> -> vector<16xi32>
    %reduce_max3A_1138 = arith.xori %reduce_max3A_1137, %reduce_max3A_1135 : vector<16xi32>
    %reduce_max3A_1139 = vector.extract %reduce_max3A_1138[15] : i32 from vector<16xi32>
    %and3A_1140 = arith.constant 127 : i32
    %and3A_1141 = arith.andi %reduce_max3A_1139, %and3A_1140 : i32
    %broadcast_in_dim3A_1142 = vector.broadcast %and3A_1141 : i32 to vector<16xi32>
    %broadcast_in_dim3A_1143 = arith.constant 511 : i32
    %broadcast_in_dim3A_1144 = vector.broadcast %broadcast_in_dim3A_1143 : i32 to vector<16xi32>
    %gather3A_1145 = arith.constant 15 : i32
    %gather3A_1146 = arith.constant 0 : i32
    %gather3A_1147 = arith.constant 0 : i32
    %gather3A_1148 = tpu.memref_slice %arg6[%gather3A_1145, %gather3A_1146, %gather3A_1147] : memref<16x32x128xf32, #tpu.memory_space<vmem>> -> memref<1x32x128xf32, #tpu.memory_space<vmem>>
    %gather3A_1149 = tpu.memref_squeeze %gather3A_1148 : memref<1x32x128xf32, #tpu.memory_space<vmem>> -> memref<32x128xf32, #tpu.memory_space<vmem>>
    %gather3A_1150 = tpu.vector_load_idx %gather3A_1149[%iota3A, %broadcast_in_dim3A_1142] : memref<32x128xf32, #tpu.memory_space<vmem>>[vector<16xi32>, vector<16xi32>], vector<16xf32>,
    %gather3A_1151 = arith.constant 15 : i32
    %gather3A_1152 = arith.constant 0 : i32
    %gather3A_1153 = arith.constant 0 : i32
    %gather3A_1154 = tpu.memref_slice %arg6[%gather3A_1151, %gather3A_1152, %gather3A_1153] : memref<16x32x128xf32, #tpu.memory_space<vmem>> -> memref<1x32x128xf32, #tpu.memory_space<vmem>>
    %gather3A_1155 = tpu.memref_squeeze %gather3A_1154 : memref<1x32x128xf32, #tpu.memory_space<vmem>> -> memref<32x128xf32, #tpu.memory_space<vmem>>
    %gather3A_1156 = tpu.vector_load_idx %gather3A_1155[%add3A_5, %broadcast_in_dim3A_1142] : memref<32x128xf32, #tpu.memory_space<vmem>>[vector<16xi32>, vector<16xi32>], vector<16xf32>,
    tpu.vector_store_idx %arg7[%iota3A, %broadcast_in_dim3A_1144], %gather3A_1150 : memref<32x512xf32, #tpu.memory_space<vmem>>[vector<16xi32>, vector<16xi32>], vector<16xf32>,
    tpu.vector_store_idx %arg7[%add3A_5, %broadcast_in_dim3A_1144], %gather3A_1156 : memref<32x512xf32, #tpu.memory_space<vmem>>[vector<16xi32>, vector<16xi32>], vector<16xf32>,
    "tpu.region"() ({
      %run_scoped3A = tpu.sem_alloc : memref<!tpu.dma_semaphore, #tpu.memory_space<semaphore_mem>>
      %dma_start3A_1157 = arith.constant 0 : i32
      %dma_start3A_1158 = tpu.memref_slice %arg4[%dma_start3A_1157, %mul3A_2] : memref<32x16384xf32, #tpu.memory_space<hbm>> -> memref<32x512xf32, #tpu.memory_space<hbm>>
      %dma_start3A_1159 = arith.constant 0 : i32
      %dma_start3A_1160 = tpu.memref_slice %arg4[%dma_start3A_1159, %mul3A_2] : memref<32x16384xf32, #tpu.memory_space<hbm>> -> memref<32x512xf32, #tpu.memory_space<hbm>>
      tpu.enqueue_dma source(%arg7 : memref<32x512xf32, #tpu.memory_space<vmem>>) target(%dma_start3A_1160 : memref<32x512xf32, #tpu.memory_space<hbm>>) target_semaphore(%run_scoped3A : memref<!tpu.dma_semaphore, #tpu.memory_space<semaphore_mem>>)
      %dma_wait3A_1161 = arith.constant 0 : i32
      %dma_wait3A_1162 = tpu.memref_slice %arg4[%dma_wait3A_1161, %mul3A_2] : memref<32x16384xf32, #tpu.memory_space<hbm>> -> memref<32x512xf32, #tpu.memory_space<hbm>>
      %dma_wait3A_1163 = arith.constant 0 : i32
      %dma_wait3A_1164 = tpu.memref_slice %arg4[%dma_wait3A_1163, %mul3A_2] : memref<32x16384xf32, #tpu.memory_space<hbm>> -> memref<32x512xf32, #tpu.memory_space<hbm>>
      tpu.wait_dma2 semaphore(%run_scoped3A : memref<!tpu.dma_semaphore, #tpu.memory_space<semaphore_mem>>) src(%arg7 : memref<32x512xf32, #tpu.memory_space<vmem>>) dst(%dma_wait3A_1164 : memref<32x512xf32, #tpu.memory_space<hbm>>)
      tpu.yield
    }) : () -> ()
    return
  }
}

module attributes {stable_mosaic.version = 14 : i64} {
  func.func @_tc_body(%arg0: i32, %arg1: memref<32x8192xf32, #tpu.memory_space<vmem>>, %arg2: memref<4x8192xf32, #tpu.memory_space<vmem>>, %arg3: memref<8x8192xf32, #tpu.memory_space<vmem>>, %arg4: memref<4x16xf32, #tpu.memory_space<vmem>>, %arg5: memref<16x1xf32, #tpu.memory_space<vmem>>, %arg6: memref<16x16xf32, #tpu.memory_space<vmem>>, %arg7: memref<16x1xf32, #tpu.memory_space<vmem>>, %arg8: memref<56x64xf32, #tpu.memory_space<vmem>>, %arg9: memref<64x1xf32, #tpu.memory_space<vmem>>, %arg10: memref<64x8192xf32, #tpu.memory_space<vmem>>) attributes {dimension_semantics = [#tpu.dimension_semantics<arbitrary>], iteration_bounds = array<i64: 2>, scalar_prefetch = 0 : i64, scratch_operands = 0 : i64, tpu.core_type = #tpu.core_type<tc>, window_params = [{transform_indices = @transform_0, window_bounds = array<i64: 32, 8192>}, {transform_indices = @transform_1, window_bounds = array<i64: 4, 8192>}, {transform_indices = @transform_2, window_bounds = array<i64: 8, 8192>}, {pipeline_mode = #tpu.pipeline_mode<synchronous>, transform_indices = @transform_3, window_bounds = array<i64: 4, 16>}, {pipeline_mode = #tpu.pipeline_mode<synchronous>, transform_indices = @transform_4, window_bounds = array<i64: 16, 1>}, {pipeline_mode = #tpu.pipeline_mode<synchronous>, transform_indices = @transform_5, window_bounds = array<i64: 16, 16>}, {pipeline_mode = #tpu.pipeline_mode<synchronous>, transform_indices = @transform_6, window_bounds = array<i64: 16, 1>}, {pipeline_mode = #tpu.pipeline_mode<synchronous>, transform_indices = @transform_7, window_bounds = array<i64: 56, 64>}, {pipeline_mode = #tpu.pipeline_mode<synchronous>, transform_indices = @transform_8, window_bounds = array<i64: 64, 1>}, {transform_indices = @transform_9, window_bounds = array<i64: 64, 8192>}]} {
    %get3A = arith.constant 0 : index
    %get3A_0 = arith.constant 0 : index
    %get3A_1 = vector.load %arg2[%get3A, %get3A_0] : memref<4x8192xf32, #tpu.memory_space<vmem>>, vector<4x8192xf32>
    %log1p3A = math.log1p %get3A_1 : vector<4x8192xf32>
    %get3A_2 = arith.constant 0 : index
    %get3A_3 = arith.constant 0 : index
    %get3A_4 = vector.load %arg4[%get3A_2, %get3A_3] : memref<4x16xf32, #tpu.memory_space<vmem>>, vector<4x16xf32>
    %dot_general3A = arith.constant dense<0.000000e+00> : vector<16x8192xf32>
    %dot_general3A_5 = tpu.matmul %get3A_4, %log1p3A, %dot_general3A {dimension_numbers = #tpu.dot_dimension_numbers<[0], [0], [1], [1], [0, 1, 1, 1], [], []>, transpose_lhs_hint = false} : vector<4x16xf32>, vector<4x8192xf32>, vector<16x8192xf32> -> vector<16x8192xf32>
    %get3A_6 = arith.constant 0 : index
    %get3A_7 = arith.constant 0 : index
    %get3A_8 = vector.load %arg5[%get3A_6, %get3A_7] : memref<16x1xf32, #tpu.memory_space<vmem>>, vector<16x1xf32>
    %add3A = vector.broadcast %get3A_8 : vector<16x1xf32> to vector<16x8192xf32>
    %add3A_9 = arith.addf %dot_general3A_5, %add3A : vector<16x8192xf32>
    %max3A = arith.constant 0.000000e+00 : f32
    %max3A_10 = vector.broadcast %max3A : f32 to vector<16x8192xf32>
    %max3A_11 = arith.maximumf %add3A_9, %max3A_10 : vector<16x8192xf32>
    %get3A_12 = arith.constant 0 : index
    %get3A_13 = arith.constant 0 : index
    %get3A_14 = vector.load %arg6[%get3A_12, %get3A_13] : memref<16x16xf32, #tpu.memory_space<vmem>>, vector<16x16xf32>
    %dot_general3A_15 = arith.constant dense<0.000000e+00> : vector<16x8192xf32>
    %dot_general3A_16 = tpu.matmul %get3A_14, %max3A_11, %dot_general3A_15 {dimension_numbers = #tpu.dot_dimension_numbers<[0], [0], [1], [1], [0, 1, 1, 1], [], []>, transpose_lhs_hint = false} : vector<16x16xf32>, vector<16x8192xf32>, vector<16x8192xf32> -> vector<16x8192xf32>
    %get3A_17 = arith.constant 0 : index
    %get3A_18 = arith.constant 0 : index
    %get3A_19 = vector.load %arg7[%get3A_17, %get3A_18] : memref<16x1xf32, #tpu.memory_space<vmem>>, vector<16x1xf32>
    %add3A_20 = vector.broadcast %get3A_19 : vector<16x1xf32> to vector<16x8192xf32>
    %add3A_21 = arith.addf %dot_general3A_16, %add3A_20 : vector<16x8192xf32>
    %get3A_22 = arith.constant 0 : index
    %get3A_23 = arith.constant 0 : index
    %get3A_24 = vector.load %arg8[%get3A_22, %get3A_23] : memref<56x64xf32, #tpu.memory_space<vmem>>, vector<32x64xf32>
    %get3A_25 = arith.constant 0 : index
    %get3A_26 = arith.constant 0 : index
    %get3A_27 = vector.load %arg1[%get3A_25, %get3A_26] : memref<32x8192xf32, #tpu.memory_space<vmem>>, vector<32x8192xf32>
    %dot_general3A_28 = arith.constant dense<0.000000e+00> : vector<64x8192xf32>
    %dot_general3A_29 = tpu.matmul %get3A_24, %get3A_27, %dot_general3A_28 {dimension_numbers = #tpu.dot_dimension_numbers<[0], [0], [1], [1], [0, 1, 1, 1], [], []>, transpose_lhs_hint = false} : vector<32x64xf32>, vector<32x8192xf32>, vector<64x8192xf32> -> vector<64x8192xf32>
    %get3A_30 = arith.constant 32 : index
    %get3A_31 = arith.constant 0 : index
    %get3A_32 = vector.load %arg8[%get3A_30, %get3A_31] : memref<56x64xf32, #tpu.memory_space<vmem>>, vector<16x64xf32>
    %dot_general3A_33 = arith.constant dense<0.000000e+00> : vector<64x8192xf32>
    %dot_general3A_34 = tpu.matmul %get3A_32, %add3A_21, %dot_general3A_33 {dimension_numbers = #tpu.dot_dimension_numbers<[0], [0], [1], [1], [0, 1, 1, 1], [], []>, transpose_lhs_hint = false} : vector<16x64xf32>, vector<16x8192xf32>, vector<64x8192xf32> -> vector<64x8192xf32>
    %add3A_35 = arith.addf %dot_general3A_29, %dot_general3A_34 : vector<64x8192xf32>
    %get3A_36 = arith.constant 48 : index
    %get3A_37 = arith.constant 0 : index
    %get3A_38 = vector.load %arg8[%get3A_36, %get3A_37] : memref<56x64xf32, #tpu.memory_space<vmem>>, vector<8x64xf32>
    %get3A_39 = arith.constant 0 : index
    %get3A_40 = arith.constant 0 : index
    %get3A_41 = vector.load %arg3[%get3A_39, %get3A_40] : memref<8x8192xf32, #tpu.memory_space<vmem>>, vector<8x8192xf32>
    %dot_general3A_42 = arith.constant dense<0.000000e+00> : vector<64x8192xf32>
    %dot_general3A_43 = tpu.matmul %get3A_38, %get3A_41, %dot_general3A_42 {dimension_numbers = #tpu.dot_dimension_numbers<[0], [0], [1], [1], [0, 1, 1, 1], [], []>, transpose_lhs_hint = false} : vector<8x64xf32>, vector<8x8192xf32>, vector<64x8192xf32> -> vector<64x8192xf32>
    %add3A_44 = arith.addf %add3A_35, %dot_general3A_43 : vector<64x8192xf32>
    %get3A_45 = arith.constant 0 : index
    %get3A_46 = arith.constant 0 : index
    %get3A_47 = vector.load %arg9[%get3A_45, %get3A_46] : memref<64x1xf32, #tpu.memory_space<vmem>>, vector<64x1xf32>
    %add3A_48 = vector.broadcast %get3A_47 : vector<64x1xf32> to vector<64x8192xf32>
    %add3A_49 = arith.addf %add3A_44, %add3A_48 : vector<64x8192xf32>
    %swap3A = arith.constant 0 : index
    %swap3A_50 = arith.constant 0 : index
    %swap3A_51 = vector.load %arg10[%swap3A, %swap3A_50] : memref<64x8192xf32, #tpu.memory_space<vmem>>, vector<64x8192xf32>
    tpu.vector_store %arg10[%swap3A, %swap3A_50], %add3A_49 {strides = array<i32>} : memref<64x8192xf32, #tpu.memory_space<vmem>>, vector<64x8192xf32>,
    return
  }
  func.func @transform_0(%arg0: i32) -> (i32, i32) {
    %c0_i32 = arith.constant 0 : i32
    %c0_i32_0 = arith.constant 0 : i32
    return %c0_i32, %arg0 : i32, i32
  }
  func.func @transform_1(%arg0: i32) -> (i32, i32) {
    %c0_i32 = arith.constant 0 : i32
    %c0_i32_0 = arith.constant 0 : i32
    return %c0_i32, %arg0 : i32, i32
  }
  func.func @transform_2(%arg0: i32) -> (i32, i32) {
    %c0_i32 = arith.constant 0 : i32
    %c0_i32_0 = arith.constant 0 : i32
    return %c0_i32, %arg0 : i32, i32
  }
  func.func @transform_3(%arg0: i32) -> (i32, i32) {
    %c0_i32 = arith.constant 0 : i32
    %c0_i32_0 = arith.constant 0 : i32
    %c0_i32_1 = arith.constant 0 : i32
    return %c0_i32, %c0_i32_0 : i32, i32
  }
  func.func @transform_4(%arg0: i32) -> (i32, i32) {
    %c0_i32 = arith.constant 0 : i32
    %c0_i32_0 = arith.constant 0 : i32
    %c0_i32_1 = arith.constant 0 : i32
    return %c0_i32, %c0_i32_0 : i32, i32
  }
  func.func @transform_5(%arg0: i32) -> (i32, i32) {
    %c0_i32 = arith.constant 0 : i32
    %c0_i32_0 = arith.constant 0 : i32
    %c0_i32_1 = arith.constant 0 : i32
    return %c0_i32, %c0_i32_0 : i32, i32
  }
  func.func @transform_6(%arg0: i32) -> (i32, i32) {
    %c0_i32 = arith.constant 0 : i32
    %c0_i32_0 = arith.constant 0 : i32
    %c0_i32_1 = arith.constant 0 : i32
    return %c0_i32, %c0_i32_0 : i32, i32
  }
  func.func @transform_7(%arg0: i32) -> (i32, i32) {
    %c0_i32 = arith.constant 0 : i32
    %c0_i32_0 = arith.constant 0 : i32
    %c0_i32_1 = arith.constant 0 : i32
    return %c0_i32, %c0_i32_0 : i32, i32
  }
  func.func @transform_8(%arg0: i32) -> (i32, i32) {
    %c0_i32 = arith.constant 0 : i32
    %c0_i32_0 = arith.constant 0 : i32
    %c0_i32_1 = arith.constant 0 : i32
    return %c0_i32, %c0_i32_0 : i32, i32
  }
  func.func @transform_9(%arg0: i32) -> (i32, i32) {
    %c0_i32 = arith.constant 0 : i32
    %c0_i32_0 = arith.constant 0 : i32
    return %c0_i32, %arg0 : i32, i32
  }
}

</mosaic_0001>

<sc_bundles>
// kernel: kernel.4.cloned.1.call-start
scs
__scs_entry_jumppad:
0x0: {  	(pc) =	sbr.rel $0x88, $3  }
0x1: {  	(tag) =	ssettag $0x0;
	lr =	simm.s32 $0x1  }
0x2: {  	[smem:$0x3F97] =	sst lr;
	_ =	strace $0xD0000000  }
0x3: {  	_ = 	snop  }
0x4: {  	_ = 	snop  }
0x5: {  	_ = 	snop  }
0x6: {  	_ = 	snop  }
0x7: {  	_ = 	snop  }
__scs_overlays_trampoline_lowered:
0x8: {  	[smem:$0x3FA6] =	sst s0  }
0x9: {  	[smem:$0x3FA7] =	sst s1  }
0xa: {  	[smem:$0x3FA8] =	sst s2  }
0xb: {  	[smem:$0x3FA9] =	sst s3  }
0xc: {  	[smem:$0x3FAA] =	sst s4  }
0xd: {  	[smem:$0x3FAB] =	sst s5  }
0xe: {  	[smem:$0x3FAC] =	sst s6  }
0xf: {  	[smem:$0x3FAD] =	sst s7  }
0x10: {  	[smem:$0x3FAE] =	sst s8  }
0x11: {  	[smem:$0x3FAF] =	sst s9;
	s0 =	simm.s32 @!p0 $0x0  }
0x12: {  	s1 =	sld [smem:$0x3F95];
	s0 =	simm.s32 @p0 $0x1  }
0x13: {  	[smem:$0x3FB0] =	sst s0;
	s0 =	simm.s32 @!p1 $0x0  }
0x14: {  	s2 =	sld [smem:$0x3F94];
	s0 =	simm.s32 @p1 $0x1  }
0x15: {  	[smem:$0x3FB1] =	sst s0;
	s0 =	simm.s32 @!p2 $0x0  }
0x16: {  	s3 =	sld [smem:$0x3FDB];
	s0 =	simm.s32 @p2 $0x1  }
0x17: {  	s4 =	simm.s32 $0x1BF5;
	[smem:$0x3FB3] =	sst s0  }
0x18: {  	s0 =	sld [smem:$0x3F96];
	_ =	swait.ge [sflag:s4], $0x0  }
0x19: {  	s7 =	sld [smem:$0x3F97]  }
0x1a: {  	s8 =	sadd.s32 $0xFFFFE003, lr  }
0x1b: {  	s9 =	sadd.s32 $0xFFFFFEF7, lr;
	s5 =	simm.s32 $0xFFFFFFFF;
	p2 =	slt.u32 s8, $0xFFFFF086  }
0x1c: {  	p1 =	slt.u32 s9, $0xF7A;
	s5 =	simm.s32 @!p2 $0x0  }
0x1d: {  	s5 =	simm.s32 @p1 $0x1;
	p0 =	seq.s32 s7, s2  }
0x1e: {  	s7 =	smul.u32 @!p0 $0xF7A, s2;
	p2 =	seq.s32 @!p0 s5, $0x0  }
0x1f: {  	s9 =	smul.u32 $0xF7A, s1;
	s8 =	simm.s32 @!p0 $0x1BF5;
	p2 =	por !p2, p0  }
0x20: {  	[sflag:s8] =	ssyncset.s32 @!p0 $0xFFFFF086;
	s6 =	sadd.s32 @!p0 s3, s7;
	s7 =	simm.s32 @!p0 $0x108  }
0x21: {  	s3 =	sadd.s32 s3, s9;
	s6 =	sadd.s32 @!p0 $0x88, s6;
	s7 =	simm.s32 @p2 $0x1082  }
0x22: {  	[simem:s7], [sflag:s8] =	dma.local @!p0 [hbm:s6], $0xF7A  }
0x23: {  	s9 =	sor.u32 $0xD0000000, s2;
	s6 =	simm.s32 $0x108;
	_ =	swait.ge @!p0 [sflag:s8], $0x0  }
0x24: {  	s3 =	sadd.s32 $0x88, s3;
	s6 =	simm.s32 @!p1 $0x1082;
	[sflag:s4] =	ssyncset.s32 $0xFFFFF086  }
0x25: {  	[simem:s6], [sflag:s4] =	dma.local [hbm:s3], $0xF7A  }
0x26: {  	[smem:$0x3F97] =	sst s1;
	(tag) =	ssettag s2;
	_ =	strace s9  }
0x27: {  	s1 =	sld [smem:$0x3FA7]  }
0x28: {  	s2 =	sld [smem:$0x3FA8]  }
0x29: {  	s4 =	sld [smem:$0x3FAA]  }
0x2a: {  	p0 =	seq.s32 s5, $0x0;
	s5 =	sld [smem:$0x3FAB]  }
0x2b: {  	s6 =	sld [smem:$0x3FAC]  }
0x2c: {  	s7 =	sld [smem:$0x3FAD]  }
0x2d: {  	s3 =	simm.s32 $0x108;
	s8 =	sld [smem:$0x3FAE]  }
0x2e: {  	s3 =	simm.s32 @!p0 $0x1082;
	s9 =	sld [smem:$0x3FAF]  }
0x2f: {  	lr =	sadd.s32 s0, s3;
	s0 =	sld [smem:$0x3FA6]  }
0x30: {  	s3 =	sld [smem:$0x3FA9]  }
0x31: {  	[smem:$0x3FB2] =	sst s10  }
0x32: {  	s10 =	sld [smem:$0x3FB0];
	_ =	sdelay $0x3  }
0x33: {  	p0 =	seq.s32 s10, $0x1;
	s10 =	sld [smem:$0x3FB2];
	_ =	sdelay $0x3  }
0x34: {  	[smem:$0x3FB2] =	sst s10  }
0x35: {  	s10 =	sld [smem:$0x3FB1];
	_ =	sdelay $0x3  }
0x36: {  	p1 =	seq.s32 s10, $0x1;
	s10 =	sld [smem:$0x3FB2];
	_ =	sdelay $0x3  }
0x37: {  	[smem:$0x3FB2] =	sst s10  }
0x38: {  	s10 =	sld [smem:$0x3FB3]  }
0x39: {  	_ = 	snop;
	(pc) =	sbr.ind lr, $3  }
0x3a: {  	_ = 	snop  }
0x3b: {  	_ = 	snop  }
0x3c: {  	p2 =	seq.s32 s10, $0x1;
	s10 =	sld [smem:$0x3FB2]  }
0x3d: {  	_ =	shalt  }
0x3e: {  	_ =	shalt  }
0x3f: {  	_ =	shalt  }
0x40: {  	_ =	shalt  }
0x41: {  	_ =	shalt  }
0x42: {  	_ =	shalt  }
0x43: {  	_ =	shalt  }
0x44: {  	_ =	shalt  }
0x45: {  	_ =	shalt  }
0x46: {  	_ =	shalt  }
0x47: {  	_ =	shalt  }
0x48: {  	_ =	shalt  }
0x49: {  	_ =	shalt  }
0x4a: {  	_ =	shalt  }
0x4b: {  	_ =	shalt  }
0x4c: {  	_ =	shalt  }
0x4d: {  	_ =	shalt  }
0x4e: {  	_ =	shalt  }
0x4f: {  	_ =	shalt  }
0x50: {  	_ =	shalt  }
0x51: {  	_ =	shalt  }
0x52: {  	_ =	shalt  }
0x53: {  	_ =	shalt  }
0x54: {  	_ =	shalt  }
0x55: {  	_ =	shalt  }
0x56: {  	_ =	shalt  }
0x57: {  	_ =	shalt  }
0x58: {  	_ =	shalt  }
0x59: {  	_ =	shalt  }
0x5a: {  	_ =	shalt  }
0x5b: {  	_ =	shalt  }
0x5c: {  	_ =	shalt  }
0x5d: {  	_ =	shalt  }
0x5e: {  	_ =	shalt  }
0x5f: {  	_ =	shalt  }
0x60: {  	_ =	shalt  }
0x61: {  	_ =	shalt  }
0x62: {  	_ =	shalt  }
0x63: {  	_ =	shalt  }
0x64: {  	_ =	shalt  }
0x65: {  	_ =	shalt  }
0x66: {  	_ =	shalt  }
0x67: {  	_ =	shalt  }
0x68: {  	_ =	shalt  }
0x69: {  	_ =	shalt  }
0x6a: {  	_ =	shalt  }
0x6b: {  	_ =	shalt  }
0x6c: {  	_ =	shalt  }
0x6d: {  	_ =	shalt  }
0x6e: {  	_ =	shalt  }
0x6f: {  	_ =	shalt  }
0x70: {  	_ =	shalt  }
0x71: {  	_ =	shalt  }
0x72: {  	_ =	shalt  }
0x73: {  	_ =	shalt  }
0x74: {  	_ =	shalt  }
0x75: {  	_ =	shalt  }
0x76: {  	_ =	shalt  }
0x77: {  	_ =	shalt  }
0x78: {  	_ =	shalt  }
0x79: {  	_ =	shalt  }
0x7a: {  	_ =	shalt  }
0x7b: {  	_ =	shalt  }
0x7c: {  	_ =	shalt  }
0x7d: {  	_ =	shalt  }
0x7e: {  	_ =	shalt  }
0x7f: {  	_ =	shalt  }
0x80: {  	_ =	shalt  }
0x81: {  	_ =	shalt  }
0x82: {  	_ =	shalt  }
0x83: {  	_ =	shalt  }
0x84: {  	_ =	shalt  }
0x85: {  	_ =	shalt  }
0x86: {  	_ =	shalt  }
0x87: {  	_ =	shalt  }
.Lfunc_end0:
.L_simem_size_0:
called_computation_lowered:
.L_overlay_start_0:
0x88: {  	s2 =	sld [smem:$0x3FD9]  }
0x89: {  	s3 =	sld [smem:$0x3FFE];
	_ =	sdelay $0x1  }
0x8a: {  	s1 =	srdreg.scid  }
0x8b: {  	s0 =	sand.u32 $0x1, s1  }
0x8c: {  	s18 =	sshll.u32 s0, $0xA;
	s2 =	sadd.s32 s3, s2  }
0x8d: {  	s2 =	sadd.s32 s2, s18  }
0x8e: {  	[smem:$0x3FBE] =	sst s2  }
0x8f: {  	_ = 	snop  }
0x90: {  	s2 =	sld [smem:$0x3FC9]  }
0x91: {  	s19 =	sld [smem:$0x3FC6]  }
0x92: {  	s4 =	sld [smem:$0x3FD0];
	(tm) =	ssettm $0x1  }
0x93: {  	s5 =	sld [smem:$0x3FFB];
	_ =	sdelay $0x3  }
0x94: {  	_ =	strace s5  }
0x95: {  	s5 =	sld [smem:$0x3FFC];
	_ =	sdelay $0x3  }
0x96: {  	_ =	strace s5  }
0x97: {  	s5 =	sld [smem:$0x3FFD];
	_ =	sdelay $0x3  }
0x98: {  	_ =	strace s5  }
0x99: {  	_ =	strace $0x8FFFFFFF  }
0x9a: {  	s20 =	sld [smem:$0x3FDB];
	_ =	sdelay $0x1  }
0x9b: {  	s6 =	simm.s32 $_scs_section_size  }
0x9c: {  	s7 =	simm.s32 $_size__tile_overlayer_lowered;
	s8 =	simm.s32 $_tile_overlayer_lowered  }
0x9d: {  	s23 =	simm.s32 $0x1BFF;
	s22 =	sshll.u32 s8, $0x1;
	s5 =	sadd.s32 s6, s20  }
0x9e: {  	s9 =	simm.s32 $0x0;
	s21 =	sshll.u32 s7, $0x1;
	s7 =	sadd.s32 s22, s5  }
0x9f: {  	[timem:s9], [sflag:s23] =	dma.local [hbm:s7], s21  }
0xa0: {  	_ =	swait.ge [sflag:s23], s21  }
0xa1: {  	s6 =	ssub.s32 $0x0, s21;
	[sflag:s23] =	ssyncset.done $0x0  }
0xa2: {  	[sflag:s23] =	ssyncadd.s32 s6;
	_ =	sdelay $0x1  }
0xa3: {  	s24 =	simm.s32 $0x1B8B  }
0xa4: {  	_ =	swait.ge [sflag:s24], $0x1  }
0xa5: {  	[sflag:s24] =	ssyncset.done $0x0  }
0xa6: {  	s25 =	simm.s32 $0x1B8E;
	[sflag:s24] =	ssyncadd.s32 $0xFFFFFFFF  }
0xa7: {  	s26 =	simm.s32 $execute0_lowered;
	[smem:$0x3FD2] =	sst s25  }
0xa8: {  	s6 =	sshll.u32 s26, $0x1;
	_ =	strace $0x80000046;
	[dreg:$0x1] =	wrdreg $0xFFFFFFFF  }
0xa9: {  	s28 =	simm.s32 $_size_execute0_lowered;
	s5 =	sadd.s32 s5, s6;
	[dreg:$0x0] =	wrdreg $0x0  }
0xaa: {  	s6 =	sshll.u32 s28, $0x1;
	[dreg:$0x2] =	wrdreg s5  }
0xab: {  	[dreg:$0x3] =	wrdreg s6  }
0xac: {  	[dreg:$0x4] =	wrdreg $0xC0  }
0xad: {  	_ =	task [dreg:s9], $0x5FFFF  }
0xae: {  	[dreg:$0x1] =	wrdreg $0xFFFFFFFF  }
0xaf: {  	[dreg:$0x0] =	wrdreg $0x60  }
0xb0: {  	[dreg:$0x2] =	wrdreg s19  }
0xb1: {  	[dreg:$0x3] =	wrdreg s2  }
0xb2: {  	[dreg:$0x4] =	wrdreg s4  }
0xb3: {  	[dreg:$0x5] =	wrdreg $0x9  }
0xb4: {  	_ =	task.clear_ibuf [dreg:s9], $0x6FFFF;
	_ =	strace $0x90000046  }
0xb5: {  	s29 =	simm.s32 $0x9;
	_ =	strace $0x80000048  }
0xb6: {  	_ =	swait.ge [sflag:s29], $0x1  }
0xb7: {  	[sflag:s29] =	ssyncadd.s32 $0xFFFFFFFF  }
0xb8: {  	_ =	strace $0x90000048  }
0xb9: {  	_ =	sfence  }
0xba: {  	s30 =	sld [smem:$0x0];
	_ =	sdelay $0x2  }
0xbb: {  	s31 =	sshll.u32 s1, $0xD;
	s1 =	sshrl.u32 s1, $0x2  }
0xbc: {  	s3 =	sand.u32 $0x4000, s31;
	s1 =	sadd.s32 s1, s30  }
0xbd: {  	s0 =	sor.u32 s3, s0;
	s1 =	sshll.u32 s1, $0x11  }
0xbe: {  	s0 =	sor.u32 s1, s0  }
0xbf: {  	s0 =	sadd.s32 $0x8F2B, s0  }
0xc0: {  	[sflag:s0] =	ssyncadd.remote.s32 $0x1  }
0xc1: {  	_ =	sfence.sel $0xFFFF  }
0xc2: {  	[dreg:$0x0] =	wrdreg $0xFFFFFFFF;
	(pc) =	sbr.abs _section_cstart, $3  }
0xc3: {  	[dreg:$0x1] =	wrdreg $0xFFFFFFFF  }
0xc4: {  	_ =	task.clear_ibuf [dreg:s9], $0x2FFFF;
	_ =	strace $0x9FFFFFFF  }
0xc5: {  	(tm) =	ssettm $0x7FFFFFFF  }
tec
execute0_lowered:
.L_overlay_start_1:
0x0: {  	(tag) =	ssettag $0x1  }
0x1: {  	vm0 =	vmmov $0x1;
	vm1 =	vcmask $0x308;
	vm2 =	vcmask $0x70C  }
0x2: {  	v0 =	vimm.s32 $0x1380;
	vm9 =	vcmask $0x300;
	vm3 =	vcmask $0xB10  }
0x3: {  	vm13 =	vcmask $0x704;
	vm4 =	vcmask $0xF14;
	vm10 =	vcmask $0xB08  }
0x4: {  	vm5 =	vcmask $0x1318;
	vm15 =	vcmask $0xF0C;
	vm6 =	vcmask $0x171C  }
0x5: {  	vm11 =	vcmask $0x1310;
	vm7 =	vcmask $0x1B20;
	vm12 =	vcmask $0x1714  }
0x6: {  	vm8 =	vcmask $0x1F24;
	vm14 =	vcmask $0x1B18;
	v1 =	vimm.s32 $0x3380  }
0x7: {  	v2 =	vimm.s32 $0x1FF0;
	v3 =	vimm.s32 $0x3FF0;
	v4 =	vimm.s32 $0x1FF1  }
0x8: {  	v5 =	vimm.s32 $0x3FF1;
	v6 =	vimm.s32 $0x1FF2;
	v7 =	vimm.s32 $0x3FF2  }
0x9: {  	v8 =	vimm.s32 $0x1FF3;
	v9 =	vimm.s32 $0x3FF3;
	v10 =	vimm.s32 $0x1FF4  }
0xa: {  	v11 =	vimm.s32 $0x3FF4;
	v12 =	vimm.s32 $0x1FF5;
	v13 =	vimm.s32 $0x3FF5  }
0xb: {  	v14 =	vimm.s32 $0x1FF6;
	v15 =	vimm.s32 $0x3FF6;
	v16 =	vimm.s32 $0x1FF7  }
0xc: {  	v17 =	vimm.s32 $0x3FF7;
	v18 =	vimm.s32 $0x1FF8;
	v19 =	vimm.s32 $0x3FF8  }
0xd: {  	v20 =	vimm.s32 $0x1FF9;
	v21 =	vimm.s32 $0x3FF9;
	v22 =	vimm.s32 $0x1FFA  }
0xe: {  	v23 =	vimm.s32 $0x3FFA;
	v24 =	vimm.s32 $0x1FFB;
	v25 =	vimm.s32 $0x3FFB  }
0xf: {  	v26 =	vimm.s32 $0x1FFC;
	v27 =	vimm.s32 $0x3FFC;
	v28 =	vimm.s32 $0x1FFD  }
0x10: {  	v29 =	vimm.s32 $0x3FFD;
	v30 =	vimm.s32 $0x1FFE;
	v31 =	vimm.s32 $0x3FFE  }
0x11: {  	v32 =	vimm.s32 $0x1FFF;
	v33 =	vimm.s32 $0x3FFF;
	v34 =	vlaneseq.u32  }
0x12: {  	v0 =	vsel vm9, $0x0, v0;
	v1 =	vsel vm9, $0x2000, v1;
	v2 =	vsel vm9, $0xC70, v2  }
0x13: {  	v3 =	vsel vm9, $0x2C70, v3;
	v4 =	vsel vm9, $0xC71, v4;
	v5 =	vsel vm9, $0x2C71, v5  }
0x14: {  	v6 =	vsel vm9, $0xC72, v6;
	v7 =	vsel vm9, $0x2C72, v7;
	v8 =	vsel vm9, $0xC73, v8  }
0x15: {  	v9 =	vsel vm9, $0x2C73, v9;
	v10 =	vsel vm9, $0xC74, v10;
	v11 =	vsel vm9, $0x2C74, v11  }
0x16: {  	v12 =	vsel vm9, $0xC75, v12;
	v13 =	vsel vm9, $0x2C75, v13;
	v14 =	vsel vm9, $0xC76, v14  }
0x17: {  	v15 =	vsel vm9, $0x2C76, v15;
	v16 =	vsel vm9, $0xC77, v16;
	v17 =	vsel vm9, $0x2C77, v17  }
0x18: {  	v18 =	vsel vm9, $0xC78, v18;
	v19 =	vsel vm9, $0x2C78, v19;
	v20 =	vsel vm9, $0xC79, v20  }
0x19: {  	v21 =	vsel vm9, $0x2C79, v21;
	v22 =	vsel vm9, $0xC7A, v22;
	v23 =	vsel vm9, $0x2C7A, v23  }
0x1a: {  	v24 =	vsel vm9, $0xC7B, v24;
	v25 =	vsel vm9, $0x2C7B, v25;
	v26 =	vsel vm9, $0xC7C, v26  }
0x1b: {  	v27 =	vsel vm9, $0x2C7C, v27;
	v28 =	vsel vm9, $0xC7D, v28;
	v29 =	vsel vm9, $0x2C7D, v29  }
0x1c: {  	v30 =	vsel vm9, $0xC7E, v30;
	v31 =	vsel vm9, $0x2C7E, v31;
	v32 =	vsel vm9, $0xC7F, v32  }
0x1d: {  	v33 =	vsel vm9, $0x2C7F, v33;
	vm9 =	vcmask $0x2328;
	v0 =	vsel vm13, $0x80, v0  }
0x1e: {  	v1 =	vsel vm13, $0x2080, v1;
	v2 =	vsel vm13, $0xCF0, v2;
	v3 =	vsel vm13, $0x2CF0, v3  }
0x1f: {  	v4 =	vsel vm13, $0xCF1, v4;
	v5 =	vsel vm13, $0x2CF1, v5;
	v6 =	vsel vm13, $0xCF2, v6  }
0x20: {  	v7 =	vsel vm13, $0x2CF2, v7;
	v8 =	vsel vm13, $0xCF3, v8;
	v9 =	vsel vm13, $0x2CF3, v9  }
0x21: {  	v10 =	vsel vm13, $0xCF4, v10;
	v11 =	vsel vm13, $0x2CF4, v11;
	v12 =	vsel vm13, $0xCF5, v12  }
0x22: {  	v13 =	vsel vm13, $0x2CF5, v13;
	v14 =	vsel vm13, $0xCF6, v14;
	v15 =	vsel vm13, $0x2CF6, v15  }
0x23: {  	v16 =	vsel vm13, $0xCF7, v16;
	v17 =	vsel vm13, $0x2CF7, v17;
	v18 =	vsel vm13, $0xCF8, v18  }
0x24: {  	v19 =	vsel vm13, $0x2CF8, v19;
	v20 =	vsel vm13, $0xCF9, v20;
	v21 =	vsel vm13, $0x2CF9, v21  }
0x25: {  	v22 =	vsel vm13, $0xCFA, v22;
	v23 =	vsel vm13, $0x2CFA, v23;
	v24 =	vsel vm13, $0xCFB, v24  }
0x26: {  	v25 =	vsel vm13, $0x2CFB, v25;
	v26 =	vsel vm13, $0xCFC, v26;
	v27 =	vsel vm13, $0x2CFC, v27  }
0x27: {  	v28 =	vsel vm13, $0xCFD, v28;
	v29 =	vsel vm13, $0x2CFD, v29;
	v30 =	vsel vm13, $0xCFE, v30  }
0x28: {  	v31 =	vsel vm13, $0x2CFE, v31;
	v32 =	vsel vm13, $0xCFF, v32;
	v33 =	vsel vm13, $0x2CFF, v33  }
0x29: {  	vm13 =	vcmask $0x2320;
	v0 =	vsel vm10, $0x100, v0;
	v1 =	vsel vm10, $0x2100, v1  }
0x2a: {  	v2 =	vsel vm10, $0xD70, v2;
	v3 =	vsel vm10, $0x2D70, v3;
	v4 =	vsel vm10, $0xD71, v4  }
0x2b: {  	v5 =	vsel vm10, $0x2D71, v5;
	v6 =	vsel vm10, $0xD72, v6;
	v7 =	vsel vm10, $0x2D72, v7  }
0x2c: {  	v8 =	vsel vm10, $0xD73, v8;
	v9 =	vsel vm10, $0x2D73, v9;
	v10 =	vsel vm10, $0xD74, v10  }
0x2d: {  	v11 =	vsel vm10, $0x2D74, v11;
	v12 =	vsel vm10, $0xD75, v12;
	v13 =	vsel vm10, $0x2D75, v13  }
0x2e: {  	v14 =	vsel vm10, $0xD76, v14;
	v15 =	vsel vm10, $0x2D76, v15;
	v16 =	vsel vm10, $0xD77, v16  }
0x2f: {  	v17 =	vsel vm10, $0x2D77, v17;
	v18 =	vsel vm10, $0xD78, v18;
	v19 =	vsel vm10, $0x2D78, v19  }
0x30: {  	v20 =	vsel vm10, $0xD79, v20;
	v21 =	vsel vm10, $0x2D79, v21;
	v22 =	vsel vm10, $0xD7A, v22  }
0x31: {  	v23 =	vsel vm10, $0x2D7A, v23;
	v24 =	vsel vm10, $0xD7B, v24;
	v25 =	vsel vm10, $0x2D7B, v25  }
0x32: {  	v26 =	vsel vm10, $0xD7C, v26;
	v27 =	vsel vm10, $0x2D7C, v27;
	v28 =	vsel vm10, $0xD7D, v28  }
0x33: {  	v29 =	vsel vm10, $0x2D7D, v29;
	v30 =	vsel vm10, $0xD7E, v30;
	v31 =	vsel vm10, $0x2D7E, v31  }
0x34: {  	v32 =	vsel vm10, $0xD7F, v32;
	v33 =	vsel vm10, $0x2D7F, v33;
	vm10 =	vcmask $0x272C  }
0x35: {  	v0 =	vsel vm15, $0x180, v0;
	v1 =	vsel vm15, $0x2180, v1;
	v2 =	vsel vm15, $0xDF0, v2  }
0x36: {  	v3 =	vsel vm15, $0x2DF0, v3;
	v4 =	vsel vm15, $0xDF1, v4;
	v5 =	vsel vm15, $0x2DF1, v5  }
0x37: {  	v6 =	vsel vm15, $0xDF2, v6;
	v7 =	vsel vm15, $0x2DF2, v7;
	v8 =	vsel vm15, $0xDF3, v8  }
0x38: {  	v9 =	vsel vm15, $0x2DF3, v9;
	v10 =	vsel vm15, $0xDF4, v10;
	v11 =	vsel vm15, $0x2DF4, v11  }
0x39: {  	v12 =	vsel vm15, $0xDF5, v12;
	v13 =	vsel vm15, $0x2DF5, v13;
	v14 =	vsel vm15, $0xDF6, v14  }
0x3a: {  	v15 =	vsel vm15, $0x2DF6, v15;
	v16 =	vsel vm15, $0xDF7, v16;
	v17 =	vsel vm15, $0x2DF7, v17  }
0x3b: {  	v18 =	vsel vm15, $0xDF8, v18;
	v19 =	vsel vm15, $0x2DF8, v19;
	v20 =	vsel vm15, $0xDF9, v20  }
0x3c: {  	v21 =	vsel vm15, $0x2DF9, v21;
	v22 =	vsel vm15, $0xDFA, v22;
	v23 =	vsel vm15, $0x2DFA, v23  }
0x3d: {  	v24 =	vsel vm15, $0xDFB, v24;
	v25 =	vsel vm15, $0x2DFB, v25;
	v26 =	vsel vm15, $0xDFC, v26  }
0x3e: {  	v27 =	vsel vm15, $0x2DFC, v27;
	v28 =	vsel vm15, $0xDFD, v28;
	v29 =	vsel vm15, $0x2DFD, v29  }
0x3f: {  	v30 =	vsel vm15, $0xDFE, v30;
	v31 =	vsel vm15, $0x2DFE, v31;
	v32 =	vsel vm15, $0xDFF, v32  }
0x40: {  	v33 =	vsel vm15, $0x2DFF, v33;
	vm15 =	vcmask $0x2724;
	v0 =	vsel vm11, $0x200, v0  }
0x41: {  	v1 =	vsel vm11, $0x2200, v1;
	v2 =	vsel vm11, $0xE70, v2;
	v3 =	vsel vm11, $0x2E70, v3  }
0x42: {  	v4 =	vsel vm11, $0xE71, v4;
	v5 =	vsel vm11, $0x2E71, v5;
	v6 =	vsel vm11, $0xE72, v6  }
0x43: {  	v7 =	vsel vm11, $0x2E72, v7;
	v8 =	vsel vm11, $0xE73, v8;
	v9 =	vsel vm11, $0x2E73, v9  }
0x44: {  	v10 =	vsel vm11, $0xE74, v10;
	v11 =	vsel vm11, $0x2E74, v11;
	v12 =	vsel vm11, $0xE75, v12  }
0x45: {  	v13 =	vsel vm11, $0x2E75, v13;
	v14 =	vsel vm11, $0xE76, v14;
	v15 =	vsel vm11, $0x2E76, v15  }
0x46: {  	v16 =	vsel vm11, $0xE77, v16;
	v17 =	vsel vm11, $0x2E77, v17;
	v18 =	vsel vm11, $0xE78, v18  }
0x47: {  	v19 =	vsel vm11, $0x2E78, v19;
	v20 =	vsel vm11, $0xE79, v20;
	v21 =	vsel vm11, $0x2E79, v21  }
0x48: {  	v22 =	vsel vm11, $0xE7A, v22;
	v23 =	vsel vm11, $0x2E7A, v23;
	v24 =	vsel vm11, $0xE7B, v24  }
0x49: {  	v25 =	vsel vm11, $0x2E7B, v25;
	v26 =	vsel vm11, $0xE7C, v26;
	v27 =	vsel vm11, $0x2E7C, v27  }
0x4a: {  	v28 =	vsel vm11, $0xE7D, v28;
	v29 =	vsel vm11, $0x2E7D, v29;
	v30 =	vsel vm11, $0xE7E, v30  }
0x4b: {  	v31 =	vsel vm11, $0x2E7E, v31;
	v32 =	vsel vm11, $0xE7F, v32;
	v33 =	vsel vm11, $0x2E7F, v33  }
0x4c: {  	vm11 =	vcmask $0x2B30;
	v0 =	vsel vm12, $0x280, v0;
	v1 =	vsel vm12, $0x2280, v1  }
0x4d: {  	v2 =	vsel vm12, $0xEF0, v2;
	v3 =	vsel vm12, $0x2EF0, v3;
	v4 =	vsel vm12, $0xEF1, v4  }
0x4e: {  	v5 =	vsel vm12, $0x2EF1, v5;
	v6 =	vsel vm12, $0xEF2, v6;
	v7 =	vsel vm12, $0x2EF2, v7  }
0x4f: {  	v8 =	vsel vm12, $0xEF3, v8;
	v9 =	vsel vm12, $0x2EF3, v9;
	v10 =	vsel vm12, $0xEF4, v10  }
0x50: {  	v11 =	vsel vm12, $0x2EF4, v11;
	v12 =	vsel vm12, $0xEF5, v12;
	v13 =	vsel vm12, $0x2EF5, v13  }
0x51: {  	v14 =	vsel vm12, $0xEF6, v14;
	v15 =	vsel vm12, $0x2EF6, v15;
	v16 =	vsel vm12, $0xEF7, v16  }
0x52: {  	v17 =	vsel vm12, $0x2EF7, v17;
	v18 =	vsel vm12, $0xEF8, v18;
	v19 =	vsel vm12, $0x2EF8, v19  }
0x53: {  	v20 =	vsel vm12, $0xEF9, v20;
	v21 =	vsel vm12, $0x2EF9, v21;
	v22 =	vsel vm12, $0xEFA, v22  }
0x54: {  	v23 =	vsel vm12, $0x2EFA, v23;
	v24 =	vsel vm12, $0xEFB, v24;
	v25 =	vsel vm12, $0x2EFB, v25  }
0x55: {  	v26 =	vsel vm12, $0xEFC, v26;
	v27 =	vsel vm12, $0x2EFC, v27;
	v28 =	vsel vm12, $0xEFD, v28  }
0x56: {  	v29 =	vsel vm12, $0x2EFD, v29;
	v30 =	vsel vm12, $0xEFE, v30;
	v31 =	vsel vm12, $0x2EFE, v31  }
0x57: {  	v32 =	vsel vm12, $0xEFF, v32;
	v33 =	vsel vm12, $0x2EFF, v33;
	vm12 =	vcmask $0x1B18  }
0x58: {  	v0 =	vsel vm14, $0x300, v0;
	vm14 =	vcmask $0x1F1C;
	v1 =	vsel vm12, $0x2300, v1  }
0x59: {  	v2 =	vsel vm12, $0xF70, v2;
	v3 =	vsel vm12, $0x2F70, v3;
	v4 =	vsel vm12, $0xF71, v4  }
0x5a: {  	v5 =	vsel vm12, $0x2F71, v5;
	v6 =	vsel vm12, $0xF72, v6;
	v7 =	vsel vm12, $0x2F72, v7  }
0x5b: {  	v8 =	vsel vm12, $0xF73, v8;
	v9 =	vsel vm12, $0x2F73, v9;
	v10 =	vsel vm12, $0xF74, v10  }
0x5c: {  	v11 =	vsel vm12, $0x2F74, v11;
	v12 =	vsel vm12, $0xF75, v12;
	v13 =	vsel vm12, $0x2F75, v13  }
0x5d: {  	v14 =	vsel vm12, $0xF76, v14;
	v15 =	vsel vm12, $0x2F76, v15;
	v16 =	vsel vm12, $0xF77, v16  }
0x5e: {  	v17 =	vsel vm12, $0x2F77, v17;
	v18 =	vsel vm12, $0xF78, v18;
	v19 =	vsel vm12, $0x2F78, v19  }
0x5f: {  	v20 =	vsel vm12, $0xF79, v20;
	v21 =	vsel vm12, $0x2F79, v21;
	v22 =	vsel vm12, $0xF7A, v22  }
0x60: {  	v23 =	vsel vm12, $0x2F7A, v23;
	v24 =	vsel vm12, $0xF7B, v24;
	v25 =	vsel vm12, $0x2F7B, v25  }
0x61: {  	v26 =	vsel vm12, $0xF7C, v26;
	v27 =	vsel vm12, $0x2F7C, v27;
	v28 =	vsel vm12, $0xF7D, v28  }
0x62: {  	v29 =	vsel vm12, $0x2F7D, v29;
	v30 =	vsel vm12, $0xF7E, v30;
	v31 =	vsel vm12, $0x2F7E, v31  }
0x63: {  	v32 =	vsel vm12, $0xF7F, v32;
	v33 =	vsel vm12, $0x2F7F, v33;
	vm12 =	vcmask $0x2F34  }
0x64: {  	v0 =	vsel vm14, $0x380, v0;
	v1 =	vsel vm14, $0x2380, v1;
	v2 =	vsel vm14, $0xFF0, v2  }
0x65: {  	v3 =	vsel vm14, $0x2FF0, v3;
	v4 =	vsel vm14, $0xFF1, v4;
	v5 =	vsel vm14, $0x2FF1, v5  }
0x66: {  	v6 =	vsel vm14, $0xFF2, v6;
	v7 =	vsel vm14, $0x2FF2, v7;
	v8 =	vsel vm14, $0xFF3, v8  }
0x67: {  	v9 =	vsel vm14, $0x2FF3, v9;
	v10 =	vsel vm14, $0xFF4, v10;
	v11 =	vsel vm14, $0x2FF4, v11  }
0x68: {  	v12 =	vsel vm14, $0xFF5, v12;
	v13 =	vsel vm14, $0x2FF5, v13;
	v14 =	vsel vm14, $0xFF6, v14  }
0x69: {  	v15 =	vsel vm14, $0x2FF6, v15;
	v16 =	vsel vm14, $0xFF7, v16;
	v17 =	vsel vm14, $0x2FF7, v17  }
0x6a: {  	v18 =	vsel vm14, $0xFF8, v18;
	v19 =	vsel vm14, $0x2FF8, v19;
	v20 =	vsel vm14, $0xFF9, v20  }
0x6b: {  	v21 =	vsel vm14, $0x2FF9, v21;
	v22 =	vsel vm14, $0xFFA, v22;
	v23 =	vsel vm14, $0x2FFA, v23  }
0x6c: {  	v24 =	vsel vm14, $0xFFB, v24;
	v25 =	vsel vm14, $0x2FFB, v25;
	v26 =	vsel vm14, $0xFFC, v26  }
0x6d: {  	v27 =	vsel vm14, $0x2FFC, v27;
	v28 =	vsel vm14, $0xFFD, v28;
	v29 =	vsel vm14, $0x2FFD, v29  }
0x6e: {  	v30 =	vsel vm14, $0xFFE, v30;
	v31 =	vsel vm14, $0x2FFE, v31;
	v32 =	vsel vm14, $0xFFF, v32  }
0x6f: {  	v33 =	vsel vm14, $0x2FFF, v33;
	vm14 =	vcmask $0x2B28;
	v0 =	vsel vm13, $0x1000, v0  }
0x70: {  	v1 =	vsel vm13, $0x3000, v1;
	v2 =	vsel vm13, $0x1C70, v2;
	v3 =	vsel vm13, $0x3C70, v3  }
0x71: {  	v4 =	vsel vm13, $0x1C71, v4;
	v5 =	vsel vm13, $0x3C71, v5;
	v6 =	vsel vm13, $0x1C72, v6  }
0x72: {  	v7 =	vsel vm13, $0x3C72, v7;
	v8 =	vsel vm13, $0x1C73, v8;
	v9 =	vsel vm13, $0x3C73, v9  }
0x73: {  	v10 =	vsel vm13, $0x1C74, v10;
	v11 =	vsel vm13, $0x3C74, v11;
	v12 =	vsel vm13, $0x1C75, v12  }
0x74: {  	v13 =	vsel vm13, $0x3C75, v13;
	v14 =	vsel vm13, $0x1C76, v14;
	v15 =	vsel vm13, $0x3C76, v15  }
0x75: {  	v16 =	vsel vm13, $0x1C77, v16;
	v17 =	vsel vm13, $0x3C77, v17;
	v18 =	vsel vm13, $0x1C78, v18  }
0x76: {  	v19 =	vsel vm13, $0x3C78, v19;
	v20 =	vsel vm13, $0x1C79, v20;
	v21 =	vsel vm13, $0x3C79, v21  }
0x77: {  	v22 =	vsel vm13, $0x1C7A, v22;
	v23 =	vsel vm13, $0x3C7A, v23;
	v24 =	vsel vm13, $0x1C7B, v24  }
0x78: {  	v25 =	vsel vm13, $0x3C7B, v25;
	v26 =	vsel vm13, $0x1C7C, v26;
	v27 =	vsel vm13, $0x3C7C, v27  }
0x79: {  	v28 =	vsel vm13, $0x1C7D, v28;
	v29 =	vsel vm13, $0x3C7D, v29;
	v30 =	vsel vm13, $0x1C7E, v30  }
0x7a: {  	v31 =	vsel vm13, $0x3C7E, v31;
	v32 =	vsel vm13, $0x1C7F, v32;
	v33 =	vsel vm13, $0x3C7F, v33  }
0x7b: {  	vm13 =	vcmask $0x3338;
	v0 =	vsel vm15, $0x1080, v0;
	v1 =	vsel vm15, $0x3080, v1  }
0x7c: {  	v2 =	vsel vm15, $0x1CF0, v2;
	v3 =	vsel vm15, $0x3CF0, v3;
	v4 =	vsel vm15, $0x1CF1, v4  }
0x7d: {  	v5 =	vsel vm15, $0x3CF1, v5;
	v6 =	vsel vm15, $0x1CF2, v6;
	v7 =	vsel vm15, $0x3CF2, v7  }
0x7e: {  	v8 =	vsel vm15, $0x1CF3, v8;
	v9 =	vsel vm15, $0x3CF3, v9;
	v10 =	vsel vm15, $0x1CF4, v10  }
0x7f: {  	v11 =	vsel vm15, $0x3CF4, v11;
	v12 =	vsel vm15, $0x1CF5, v12;
	v13 =	vsel vm15, $0x3CF5, v13  }
0x80: {  	v14 =	vsel vm15, $0x1CF6, v14;
	v15 =	vsel vm15, $0x3CF6, v15;
	v16 =	vsel vm15, $0x1CF7, v16  }
0x81: {  	v17 =	vsel vm15, $0x3CF7, v17;
	v18 =	vsel vm15, $0x1CF8, v18;
	v19 =	vsel vm15, $0x3CF8, v19  }
0x82: {  	v20 =	vsel vm15, $0x1CF9, v20;
	v21 =	vsel vm15, $0x3CF9, v21;
	v22 =	vsel vm15, $0x1CFA, v22  }
0x83: {  	v23 =	vsel vm15, $0x3CFA, v23;
	v24 =	vsel vm15, $0x1CFB, v24;
	v25 =	vsel vm15, $0x3CFB, v25  }
0x84: {  	v26 =	vsel vm15, $0x1CFC, v26;
	v27 =	vsel vm15, $0x3CFC, v27;
	v28 =	vsel vm15, $0x1CFD, v28  }
0x85: {  	v29 =	vsel vm15, $0x3CFD, v29;
	v30 =	vsel vm15, $0x1CFE, v30;
	v31 =	vsel vm15, $0x3CFE, v31  }
0x86: {  	v32 =	vsel vm15, $0x1CFF, v32;
	v33 =	vsel vm15, $0x3CFF, v33;
	vm15 =	vcmask $0x2F2C  }
0x87: {  	v0 =	vsel vm14, $0x1100, v0;
	v1 =	vsel vm14, $0x3100, v1;
	v2 =	vsel vm14, $0x1D70, v2  }
0x88: {  	v3 =	vsel vm14, $0x3D70, v3;
	v4 =	vsel vm14, $0x1D71, v4;
	v5 =	vsel vm14, $0x3D71, v5  }
0x89: {  	v6 =	vsel vm14, $0x1D72, v6;
	v7 =	vsel vm14, $0x3D72, v7;
	v8 =	vsel vm14, $0x1D73, v8  }
0x8a: {  	v9 =	vsel vm14, $0x3D73, v9;
	v10 =	vsel vm14, $0x1D74, v10;
	v11 =	vsel vm14, $0x3D74, v11  }
0x8b: {  	v12 =	vsel vm14, $0x1D75, v12;
	v13 =	vsel vm14, $0x3D75, v13;
	v14 =	vsel vm14, $0x1D76, v14  }
0x8c: {  	v15 =	vsel vm14, $0x3D76, v15;
	v16 =	vsel vm14, $0x1D77, v16;
	v17 =	vsel vm14, $0x3D77, v17  }
0x8d: {  	v18 =	vsel vm14, $0x1D78, v18;
	v19 =	vsel vm14, $0x3D78, v19;
	v20 =	vsel vm14, $0x1D79, v20  }
0x8e: {  	v21 =	vsel vm14, $0x3D79, v21;
	v22 =	vsel vm14, $0x1D7A, v22;
	v23 =	vsel vm14, $0x3D7A, v23  }
0x8f: {  	v24 =	vsel vm14, $0x1D7B, v24;
	v25 =	vsel vm14, $0x3D7B, v25;
	v26 =	vsel vm14, $0x1D7C, v26  }
0x90: {  	v27 =	vsel vm14, $0x3D7C, v27;
	v28 =	vsel vm14, $0x1D7D, v28;
	v29 =	vsel vm14, $0x3D7D, v29  }
0x91: {  	v30 =	vsel vm14, $0x1D7E, v30;
	v31 =	vsel vm14, $0x3D7E, v31;
	v32 =	vsel vm14, $0x1D7F, v32  }
0x92: {  	v33 =	vsel vm14, $0x3D7F, v33;
	v0 =	vsel vm15, $0x1180, v0;
	v1 =	vsel vm15, $0x3180, v1  }
0x93: {  	v2 =	vsel vm15, $0x1DF0, v2;
	v3 =	vsel vm15, $0x3DF0, v3;
	v4 =	vsel vm15, $0x1DF1, v4  }
0x94: {  	v5 =	vsel vm15, $0x3DF1, v5;
	v6 =	vsel vm15, $0x1DF2, v6;
	v7 =	vsel vm15, $0x3DF2, v7  }
0x95: {  	v8 =	vsel vm15, $0x1DF3, v8;
	v9 =	vsel vm15, $0x3DF3, v9;
	v10 =	vsel vm15, $0x1DF4, v10  }
0x96: {  	v11 =	vsel vm15, $0x3DF4, v11;
	v12 =	vsel vm15, $0x1DF5, v12;
	v13 =	vsel vm15, $0x3DF5, v13  }
0x97: {  	v14 =	vsel vm15, $0x1DF6, v14;
	v15 =	vsel vm15, $0x3DF6, v15;
	v16 =	vsel vm15, $0x1DF7, v16  }
0x98: {  	v17 =	vsel vm15, $0x3DF7, v17;
	v18 =	vsel vm15, $0x1DF8, v18;
	v19 =	vsel vm15, $0x3DF8, v19  }
0x99: {  	v20 =	vsel vm15, $0x1DF9, v20;
	v21 =	vsel vm15, $0x3DF9, v21;
	v22 =	vsel vm15, $0x1DFA, v22  }
0x9a: {  	v23 =	vsel vm15, $0x3DFA, v23;
	v24 =	vsel vm15, $0x1DFB, v24;
	v25 =	vsel vm15, $0x3DFB, v25  }
0x9b: {  	v26 =	vsel vm15, $0x1DFC, v26;
	v27 =	vsel vm15, $0x3DFC, v27;
	v28 =	vsel vm15, $0x1DFD, v28  }
0x9c: {  	v29 =	vsel vm15, $0x3DFD, v29;
	v30 =	vsel vm15, $0x1DFE, v30;
	v31 =	vsel vm15, $0x3DFE, v31  }
0x9d: {  	v32 =	vsel vm15, $0x1DFF, v32;
	v33 =	vsel vm15, $0x3DFF, v33;
	vm15 =	vcmask $0x3330  }
0x9e: {  	vm14 =	vcmask $0x373C;
	v35 =	vsel vm15, $0x1200, v0;
	v1 =	vsel vm15, $0x3200, v1  }
0x9f: {  	v2 =	vsel vm15, $0x1E70, v2;
	v3 =	vsel vm15, $0x3E70, v3;
	v4 =	vsel vm15, $0x1E71, v4  }
0xa0: {  	v5 =	vsel vm15, $0x3E71, v5;
	v6 =	vsel vm15, $0x1E72, v6;
	v7 =	vsel vm15, $0x3E72, v7  }
0xa1: {  	v8 =	vsel vm15, $0x1E73, v8;
	v9 =	vsel vm15, $0x3E73, v9;
	v10 =	vsel vm15, $0x1E74, v10  }
0xa2: {  	v11 =	vsel vm15, $0x3E74, v11;
	v12 =	vsel vm15, $0x1E75, v12;
	v13 =	vsel vm15, $0x3E75, v13  }
0xa3: {  	v14 =	vsel vm15, $0x1E76, v14;
	v15 =	vsel vm15, $0x3E76, v15;
	v16 =	vsel vm15, $0x1E77, v16  }
0xa4: {  	v17 =	vsel vm15, $0x3E77, v17;
	v18 =	vsel vm15, $0x1E78, v18;
	v19 =	vsel vm15, $0x3E78, v19  }
0xa5: {  	v20 =	vsel vm15, $0x1E79, v20;
	v21 =	vsel vm15, $0x3E79, v21;
	v22 =	vsel vm15, $0x1E7A, v22  }
0xa6: {  	v23 =	vsel vm15, $0x3E7A, v23;
	v24 =	vsel vm15, $0x1E7B, v24;
	v25 =	vsel vm15, $0x3E7B, v25  }
0xa7: {  	v26 =	vsel vm15, $0x1E7C, v26;
	v27 =	vsel vm15, $0x3E7C, v27;
	v28 =	vsel vm15, $0x1E7D, v28  }
0xa8: {  	v29 =	vsel vm15, $0x3E7D, v29;
	v30 =	vsel vm15, $0x1E7E, v30;
	v31 =	vsel vm15, $0x3E7E, v31  }
0xa9: {  	v32 =	vsel vm15, $0x1E7F, v32;
	v33 =	vsel vm15, $0x3E7F, v33;
	vm15 =	vcmask $0x3734  }
0xaa: {  	v0 =	vmul.u32 $0x80, v34;
	v34 =	vsel vm15, $0x1280, v35;
	v35 =	vsel vm15, $0x3280, v1  }
0xab: {  	v36 =	vsel vm15, $0x1EF0, v2;
	v37 =	vsel vm15, $0x3EF0, v3;
	v38 =	vsel vm15, $0x1EF1, v4  }
0xac: {  	v39 =	vsel vm15, $0x3EF1, v5;
	v40 =	vsel vm15, $0x1EF2, v6;
	v41 =	vsel vm15, $0x3EF2, v7  }
0xad: {  	v42 =	vsel vm15, $0x1EF3, v8;
	v43 =	vsel vm15, $0x3EF3, v9;
	v44 =	vsel vm15, $0x1EF4, v10  }
0xae: {  	v45 =	vsel vm15, $0x3EF4, v11;
	v46 =	vsel vm15, $0x1EF5, v12;
	v47 =	vsel vm15, $0x3EF5, v13  }
0xaf: {  	v48 =	vsel vm15, $0x1EF6, v14;
	v49 =	vsel vm15, $0x3EF6, v15;
	v50 =	vsel vm15, $0x1EF7, v16  }
0xb0: {  	v51 =	vsel vm15, $0x3EF7, v17;
	v52 =	vsel vm15, $0x1EF8, v18;
	v53 =	vsel vm15, $0x3EF8, v19  }
0xb1: {  	v54 =	vsel vm15, $0x1EF9, v20;
	v55 =	vsel vm15, $0x3EF9, v21;
	v56 =	vsel vm15, $0x1EFA, v22  }
0xb2: {  	v57 =	vsel vm15, $0x3EFA, v23;
	v58 =	vsel vm15, $0x1EFB, v24;
	v59 =	vsel vm15, $0x3EFB, v25  }
0xb3: {  	v60 =	vsel vm15, $0x1EFC, v26;
	v61 =	vsel vm15, $0x3EFC, v27;
	v62 =	vsel vm15, $0x1EFD, v28  }
0xb4: {  	v63 =	vsel vm15, $0x3EFD, v29;
	v3 =	vsel vm15, $0x1EFE, v30;
	v4 =	vsel vm15, $0x3EFE, v31  }
0xb5: {  	v5 =	vsel vm15, $0x1EFF, v32;
	v6 =	vsel vm15, $0x3EFF, v33;
	vm15 =	vcmask $0x3B38  }
0xb6: {  	v1 =	vsel vm15, $0x1300, v34;
	v2 =	vsel vm15, $0x3300, v35;
	v23 =	vsel vm15, $0x1F70, v36  }
0xb7: {  	v24 =	vsel vm15, $0x3F70, v37;
	v25 =	vsel vm15, $0x1F71, v38;
	v26 =	vsel vm15, $0x3F71, v39  }
0xb8: {  	s0 =	rddreg [dreg:$0x1];
	v7 =	vsel vm15, $0x1F72, v40;
	v8 =	vsel vm15, $0x3F72, v41;
	v9 =	vsel vm15, $0x1F73, v42  }
0xb9: {  	s1 =	rddreg [dreg:$0x2];
	v10 =	vsel vm15, $0x3F73, v43;
	v11 =	vsel vm15, $0x1F74, v44;
	v12 =	vsel vm15, $0x3F74, v45  }
0xba: {  	s2 =	srdreg.scid;
	s4 =	stileid.u32;
	v13 =	vsel vm15, $0x1F75, v46;
	v14 =	vsel vm15, $0x3F75, v47;
	v15 =	vsel vm15, $0x1F76, v48  }
0xbb: {  	s5 =	simm.s32 $0x0;
	s2 =	sand.u32 $0x1, s2;
	s4 =	sshll.u32 s4, $0xA;
	v16 =	vsel vm15, $0x3F76, v49;
	v17 =	vsel vm15, $0x1F77, v50;
	v18 =	vsel vm15, $0x3F77, v51  }
0xbc: {  	[smem:$0x7FF] =	sst s5;
	s3 =	ssub.s32 $0x2, s2;
	s2 =	sshll.u32 s2, $0x9;
	v19 =	vsel vm15, $0x1F78, v52;
	v20 =	vsel vm15, $0x3F78, v53;
	v21 =	vsel vm15, $0x1F79, v54  }
0xbd: {  	s26 =	simm.s32 $0x1;
	_ =	strace $0x80000047;
	s2 =	sor.u32 s2, s4;
	v22 =	vsel vm15, $0x3F79, v55;
	v27 =	vsel vm15, $0x1F7C, v60;
	v28 =	vsel vm15, $0x3F7C, v61  }
0xbe: {  	s29 =	sshrl.u32 s3, $0x1;
	s4 =	sshrl.u32 s2, $0x3;
	s30 =	sadd.s32 s1, s2;
	v29 =	vsel vm15, $0x1F7D, v62;
	v30 =	vsel vm15, $0x3F7D, v63;
	v31 =	vsel vm15, $0x1F7E, v3  }
0xbf: {  	s3 =	ssub.s32 s3, s29;
	s0 =	sadd.s32 s0, s4;
	[dreg:$0x1a] =	wrdreg s30;
	v32 =	vsel vm15, $0x3F7E, v4;
	v33 =	vsel vm15, $0x1F7F, v5;
	v34 =	vsel vm15, $0x3F7F, v6  }
0xc0: {  	s28 =	simm.s32 $0x10200;
	s31 =	smax.u32 s3, $0x1;
	[dreg:$0x19] =	wrdreg s0;
	v35 =	vor.u32 $0x800, v0;
	v55 =	vmovc v23;
	v23 =	vsel vm15, $0x1F7A, v56;
	v56 =	vmovc v24;
	v24 =	vsel vm15, $0x3F7A, v57  }
0xc1: {  	s2 =	simm.s32 $0x2;
	s1 =	simm.s32 $0x0;
	[dreg:$0x1b] =	wrdreg s31;
	v57 =	vmovc v25;
	v25 =	vsel vm15, $0x1F7B, v58;
	v58 =	vmovc v26;
	v26 =	vsel vm15, $0x3F7B, v59;
	vm15 =	vmmov $0x7fff  }
.LBB2_1:
0xc2: {  	[dreg:$0x1c] =	wrdreg s1  }
0xc3: {  	s0 =	simm.s32 $0x0;
	s11 =	rddreg [dreg:$0x19]  }
0xc4: {  	[tilespmem:s0], [sflag:$0x2] =	stream.linear.gather [hbm4b:s11+s0], $0x200, $0x38;
	[tilespmem:$0x14200] =	vst v63  }
0xc5: {  	_ =	swait.ge [sflag:s2], $0x200  }
0xc6: {  	[sflag:s2] =	ssyncset.done $0x0  }
0xc7: {  	[sflag:s2] =	ssyncadd.s32 $0xFFFFFE00  }
0xc8: {  	v3 =	vld [tilespmem:$0x0];
	_ =	sdelay $0x4  }
0xc9: {  	v4 =	vnsel vm0, $0x80000000, v3  }
0xca: {  	v36 =	vxor.u32 $0x80000000, v4  }
0xcb: {  	v4 =	vsel vm1, $0x80000000, v3;
	(xrf0) =	vmax.scan.msk.u32 $0xffff, v36  }
0xcc: {  	v37 =	vxor.u32 $0x80000000, v4  }
0xcd: {  	v5 =	vsel vm2, $0x80000000, v3;
	(xrf0) =	vmax.scan.msk.u32 $0xffff, v37  }
0xce: {  	v38 =	vxor.u32 $0x80000000, v5  }
0xcf: {  	(xrf0) =	vmax.scan.msk.u32 $0xffff, v38  }
0xd0: {  	v5 =	vsel vm3, $0x80000000, v3  }
0xd1: {  	v39 =	vxor.u32 $0x80000000, v5;
	v4, _, _ =	vpop (xrf0)  }
0xd2: {  	(xrf0) =	vmax.scan.msk.u32 $0xffff, v39;
	(v2sf) =	vpush v4, $0xF  }
0xd3: {  	v4, _, _ =	vpop (xrf0)  }
0xd4: {  	(v2sf) =	vpush v4, $0xF  }
0xd5: {  	v5 =	vsel vm4, $0x80000000, v3;
	v4, _, _ =	vpop (xrf0)  }
0xd6: {  	(v2sf) =	vpush v4, $0xF;
	v4 =	vxor.u32 $0x80000000, v5  }
0xd7: {  	(xrf0) =	vmax.scan.msk.u32 $0xffff, v4  }
0xd8: {  	v6 =	vsel vm5, $0x80000000, v3;
	v5, _, _ =	vpop (xrf0)  }
0xd9: {  	(v2sf) =	vpush v5, $0xF;
	v5 =	vxor.u32 $0x80000000, v6  }
0xda: {  	(xrf0) =	vmax.scan.msk.u32 $0xffff, v5;
	_ =	sdelay $0x2  }
0xdb: {  	v40 =	vsel vm6, $0x80000000, v3;
	v6, _, _ =	vpop (xrf0)  }
0xdc: {  	(v2sf) =	vpush v6, $0xF;
	v6 =	vxor.u32 $0x80000000, v40  }
0xdd: {  	v41 =	vsel vm7, $0x80000000, v3;
	(xrf0) =	vmax.scan.msk.u32 $0xffff, v6  }
0xde: {  	v46, _, _ =	vpop (xrf0);
	v40 =	vxor.u32 $0x80000000, v41  }
0xdf: {  	s6 =	simm.s32 $0x400;
	v42 =	vsel vm8, $0x80000000, v3;
	(v2sf) =	vpush v46, $0xF;
	(xrf0) =	vmax.scan.msk.u32 $0xffff, v40;
	s12 =	spop (v2sf)  }
0xe0: {  	s5 =	simm.s32 $0x7A1400;
	s7 =	rddreg [dreg:$0x0];
	v41 =	vxor.u32 $0x80000000, v42;
	s0 =	sand.u32 $0x1FFFFF80, s12  }
0xe1: {  	s3 =	simm.s32 $0x200;
	(xrf0) =	vmax.scan.msk.u32 $0xffff, v41;
	s13 =	spop (v2sf);
	s0 =	sadd.s32 s7, s0  }
0xe2: {  	v43 =	vsel vm9, $0x80000000, v3;
	[tilespmem:s3], [sflag:$0x1] =	stream.strided.gather [hbm4b:s0+s6], $0x1000, s5, s6, $0x38;
	[tilespmem:$0x14200] =	vst v63  }
0xe3: {  	v42 =	vxor.u32 $0x80000000, v43;
	v47, _, _ =	vpop (xrf0);
	s0 =	sand.u32 $0x1FFFFF80, s13  }
0xe4: {  	s17 =	simm.s32 $0x1200;
	(xrf0) =	vmax.scan.msk.u32 $0xffff, v42;
	s14 =	spop (v2sf);
	(v2sf) =	vpush v47, $0xF;
	s0 =	sadd.s32 s7, s0  }
0xe5: {  	v44 =	vsel vm10, $0x80000000, v3;
	v48, _, _ =	vpop (xrf0);
	[tilespmem:s17], [sflag:$0x1] =	stream.strided.gather [hbm4b:s0+s6], $0x1000, s5, s6, $0x38;
	[tilespmem:$0x14200] =	vst v63  }
0xe6: {  	v43 =	vxor.u32 $0x80000000, v44;
	(v2sf) =	vpush v48, $0xF;
	s0 =	sand.u32 $0x1FFFFF80, s14  }
0xe7: {  	s19 =	simm.s32 $0x2200;
	(xrf0) =	vmax.scan.msk.u32 $0xffff, v43;
	s15 =	spop (v2sf);
	s0 =	sadd.s32 s7, s0  }
0xe8: {  	v45 =	vsel vm11, $0x80000000, v3;
	v49, _, _ =	vpop (xrf0);
	[tilespmem:s19], [sflag:$0x1] =	stream.strided.gather [hbm4b:s0+s6], $0x1000, s5, s6, $0x38;
	[tilespmem:$0x14200] =	vst v63  }
0xe9: {  	v44 =	vxor.u32 $0x80000000, v45;
	(v2sf) =	vpush v49, $0xF;
	s0 =	sand.u32 $0x1FFFFF80, s15  }
0xea: {  	s24 =	simm.s32 $0x3200;
	(xrf0) =	vmax.scan.msk.u32 $0xffff, v44;
	s0 =	sadd.s32 s7, s0  }
0xeb: {  	v50, _, _ =	vpop (xrf0);
	[tilespmem:s24], [sflag:$0x1] =	stream.strided.gather [hbm4b:s0+s6], $0x1000, s5, s6, $0x38;
	[tilespmem:$0x14200] =	vst v63  }
0xec: {  	v46 =	vsel vm12, $0x80000000, v3;
	(v2sf) =	vpush v50, $0xF;
	s16 =	spop (v2sf)  }
0xed: {  	v52 =	vxor.u32 $0x80000000, v46;
	s0 =	sand.u32 $0x1FFFFF80, s16  }
0xee: {  	s18 =	simm.s32 $0x4200;
	(xrf0) =	vmax.scan.msk.u32 $0xffff, v52;
	v51, _, _ =	vpop (xrf0);
	s20 =	spop (v2sf);
	s0 =	sadd.s32 s7, s0  }
0xef: {  	v47 =	vsel vm13, $0x80000000, v3;
	(v2sf) =	vpush v51, $0xF;
	[tilespmem:s18], [sflag:$0x1] =	stream.strided.gather [hbm4b:s0+s6], $0x1000, s5, s6, $0x38;
	[tilespmem:$0x14200] =	vst v63  }
0xf0: {  	v54 =	vxor.u32 $0x80000000, v47;
	s0 =	sand.u32 $0x1FFFFF80, s20  }
0xf1: {  	s21 =	simm.s32 $0x5200;
	(xrf0) =	vmax.scan.msk.u32 $0xffff, v54;
	v53, _, _ =	vpop (xrf0);
	s0 =	sadd.s32 s7, s0  }
0xf2: {  	v48 =	vsel vm14, $0x80000000, v3;
	(v2sf) =	vpush v53, $0xF;
	[tilespmem:s21], [sflag:$0x1] =	stream.strided.gather [hbm4b:s0+s6], $0x1000, s5, s6, $0x38;
	[tilespmem:$0x14200] =	vst v63  }
0xf3: {  	v60 =	vxor.u32 $0x80000000, v48;
	s22 =	spop (v2sf)  }
0xf4: {  	(xrf0) =	vmax.scan.msk.u32 $0xffff, v60;
	v59, _, _ =	vpop (xrf0);
	s0 =	sand.u32 $0x1FFFFF80, s22  }
0xf5: {  	s23 =	simm.s32 $0x6200;
	v3 =	vsel vm15, $0x80000000, v3;
	(v2sf) =	vpush v59, $0xF;
	s25 =	spop (v2sf);
	s0 =	sadd.s32 s7, s0  }
0xf6: {  	v3 =	vxor.u32 $0x80000000, v3;
	[tilespmem:s23], [sflag:$0x1] =	stream.strided.gather [hbm4b:s0+s6], $0x1000, s5, s6, $0x38;
	[tilespmem:$0x14200] =	vst v63  }
0xf7: {  	(xrf0) =	vmax.scan.msk.u32 $0xffff, v3;
	v61, _, _ =	vpop (xrf0);
	s0 =	sand.u32 $0x1FFFFF80, s25  }
0xf8: {  	s29 =	simm.s32 $0x7200;
	(v2sf) =	vpush v61, $0xF;
	s30 =	spop (v2sf);
	s0 =	sadd.s32 s7, s0  }
0xf9: {  	[tilespmem:s29], [sflag:$0x1] =	stream.strided.gather [hbm4b:s0+s6], $0x1000, s5, s6, $0x38;
	[tilespmem:$0x14200] =	vst v63  }
0xfa: {  	(xrf0) =	vmax.scan.msk.u32 $0xffff, v37;
	v62, _, _ =	vpop (xrf0);
	s0 =	sand.u32 $0x1FFFFF80, s30  }
0xfb: {  	s31 =	simm.s32 $0x8200;
	(xrf0) =	vmax.scan.msk.u32 $0xffff, v38;
	(v2sf) =	vpush v62, $0xF;
	s2 =	spop (v2sf);
	s0 =	sadd.s32 s7, s0  }
0xfc: {  	[tilespmem:s31], [sflag:$0x1] =	stream.strided.gather [hbm4b:s0+s6], $0x1000, s5, s6, $0x38;
	[tilespmem:$0x14200] =	vst v63  }
0xfd: {  	(xrf0) =	vmax.scan.msk.u32 $0xffff, v39;
	v63, _, _ =	vpop (xrf0);
	s0 =	sand.u32 $0x1FFFFF80, s2  }
0xfe: {  	s4 =	simm.s32 $0x9200;
	(xrf0) =	vmax.scan.msk.u32 $0xffff, v4;
	(v2sf) =	vpush v63, $0xF;
	s8 =	spop (v2sf);
	s0 =	sadd.s32 s7, s0  }
0xff: {  	[tilespmem:s4], [sflag:$0x1] =	stream.strided.gather [hbm4b:s0+s6], $0x1000, s5, s6, $0x38;
	[tilespmem:$0x14200] =	vst v63  }
0x100: {  	(xrf0) =	vmax.scan.msk.u32 $0xffff, v5;
	s0 =	sand.u32 $0x1FFFFF80, s8  }
0x101: {  	s9 =	simm.s32 $0xA200;
	(xrf0) =	vmax.scan.msk.u32 $0xffff, v6;
	s10 =	spop (v2sf);
	s0 =	sadd.s32 s7, s0  }
0x102: {  	[tilespmem:s9], [sflag:$0x1] =	stream.strided.gather [hbm4b:s0+s6], $0x1000, s5, s6, $0x38;
	[tilespmem:$0x14200] =	vst v63  }
0x103: {  	(xrf0) =	vmax.scan.msk.u32 $0xffff, v40;
	s0 =	sand.u32 $0x1FFFFF80, s10  }
0x104: {  	s11 =	simm.s32 $0xB200;
	(xrf0) =	vmax.scan.msk.u32 $0xffff, v41;
	s12 =	spop (v2sf);
	s0 =	sadd.s32 s7, s0  }
0x105: {  	v4, _, _ =	vpop (xrf0);
	[tilespmem:s11], [sflag:$0x1] =	stream.strided.gather [hbm4b:s0+s6], $0x1000, s5, s6, $0x38;
	[tilespmem:$0x14200] =	vst v63  }
0x106: {  	v5, _, _ =	vpop (xrf0);
	(xrf0) =	vmax.scan.msk.u32 $0xffff, v42;
	s0 =	sand.u32 $0x1FFFFF80, s12  }
0x107: {  	s13 =	simm.s32 $0xC200;
	(v2sf) =	vpush v4, $0xF;
	v4, _, _ =	vpop (xrf0);
	(xrf0) =	vmax.scan.msk.u32 $0xffff, v43;
	s14 =	spop (v2sf);
	s0 =	sadd.s32 s7, s0  }
0x108: {  	(v2sf) =	vpush v5, $0xF;
	v5, _, _ =	vpop (xrf0);
	[tilespmem:s13], [sflag:$0x1] =	stream.strided.gather [hbm4b:s0+s6], $0x1000, s5, s6, $0x38;
	[tilespmem:$0x14200] =	vst v63  }
0x109: {  	(v2sf) =	vpush v4, $0xF;
	v4, _, _ =	vpop (xrf0);
	(xrf0) =	vmax.scan.msk.u32 $0xffff, v44;
	s0 =	sand.u32 $0x1FFFFF80, s14  }
0x10a: {  	s15 =	simm.s32 $0xD200;
	(xrf0) =	vmax.scan.msk.u32 $0xffff, v52;
	s16 =	spop (v2sf);
	s0 =	sadd.s32 s7, s0  }
0x10b: {  	(v2sf) =	vpush v5, $0xF;
	v5, _, _ =	vpop (xrf0);
	[tilespmem:s15], [sflag:$0x1] =	stream.strided.gather [hbm4b:s0+s6], $0x1000, s5, s6, $0x38;
	[tilespmem:$0x14200] =	vst v63  }
0x10c: {  	(v2sf) =	vpush v4, $0xF;
	v4, _, _ =	vpop (xrf0);
	(xrf0) =	vmax.scan.msk.u32 $0xffff, v54;
	s0 =	sand.u32 $0x1FFFFF80, s16  }
0x10d: {  	s18 =	simm.s32 $0xE200;
	(v2sf) =	vpush v5, $0xF;
	v5, _, _ =	vpop (xrf0);
	(xrf0) =	vmax.scan.msk.u32 $0xffff, v60;
	s20 =	spop (v2sf);
	s0 =	sadd.s32 s7, s0  }
0x10e: {  	(v2sf) =	vpush v4, $0xF;
	[tilespmem:s18], [sflag:$0x1] =	stream.strided.gather [hbm4b:s0+s6], $0x1000, s5, s6, $0x38;
	[tilespmem:$0x14200] =	vst v63  }
0x10f: {  	v4, _, _ =	vpop (xrf0);
	(xrf0) =	vmax.scan.msk.u32 $0xffff, v3;
	(v2sf) =	vpush v5, $0xF;
	s0 =	sand.u32 $0x1FFFFF80, s20  }
0x110: {  	s21 =	simm.s32 $0xF200;
	s22 =	simm.s32 $0x10;
	v3, _, _ =	vpop (xrf0);
	(v2sf) =	vpush v4, $0xF;
	(xrf0) =	vmax.scan.msk.u32 $0xffff, v36;
	s0 =	sadd.s32 s7, s0  }
0x111: {  	v4, _, _ =	vpop (xrf0);
	(v2sf) =	vpush v3, $0xF;
	[tilespmem:s21], [sflag:$0x1] =	stream.strided.gather [hbm4b:s0+s6], $0x1000, s5, s6, $0x38;
	[tilespmem:$0x14200] =	vst v63  }
0x112: {  	v3, _, _ =	vpop (xrf0);
	(v2sf) =	vpush v4, $0xF;
	v4 =	vld [tilespmem:s22+$0x0]  }
0x113: {  	v5, _, _ =	vpop (xrf0);
	(v2sf) =	vpush v3, $0xF  }
0x114: {  	v3, _, _ =	vpop (xrf0);
	(v2sf) =	vpush v5, $0xF  }
0x115: {  	v5, _, _ =	vpop (xrf0);
	(v2sf) =	vpush v3, $0xF  }
0x116: {  	(v2sf) =	vpush v5, $0xF;
	v3, _, _ =	vpop (xrf0)  }
0x117: {  	s23 =	spop (v2sf);
	(v2sf) =	vpush v3, $0xF;
	v3 =	vnsel vm0, $0x80000000, v4  }
0x118: {  	s8 =	spop (v2sf);
	v5 =	vsel vm1, $0x80000000, v4;
	v36 =	vxor.u32 $0x80000000, v3  }
0x119: {  	s9 =	spop (v2sf);
	v3 =	vxor.u32 $0x80000000, v5;
	v5 =	vsel vm5, $0x80000000, v4;
	(xrf0) =	vmax.scan.msk.u32 $0xffff, v36  }
0x11a: {  	s29 =	spop (v2sf);
	v6 =	vsel vm3, $0x80000000, v4;
	v5 =	vxor.u32 $0x80000000, v5;
	(xrf0) =	vmax.scan.msk.u32 $0xffff, v3  }
0x11b: {  	s10 =	spop (v2sf);
	v52 =	vsel vm10, $0x80000000, v4;
	v6 =	vxor.u32 $0x80000000, v6;
	(xrf0) =	vmax.scan.msk.u32 $0xffff, v5  }
0x11c: {  	s18 =	spop (v2sf);
	v53 =	vsel vm6, $0x80000000, v4;
	v37 =	vxor.u32 $0x80000000, v52;
	(xrf0) =	vmax.scan.msk.u32 $0xffff, v6  }
0x11d: {  	s25 =	spop (v2sf);
	v54 =	vsel vm7, $0x80000000, v4;
	v38 =	vxor.u32 $0x80000000, v53;
	(xrf0) =	vmax.scan.msk.u32 $0xffff, v37  }
0x11e: {  	[smem:$0x7F3] =	sst s25;
	s30 =	spop (v2sf);
	v59 =	vsel vm8, $0x80000000, v4;
	v39 =	vxor.u32 $0x80000000, v54;
	(xrf0) =	vmax.scan.msk.u32 $0xffff, v38  }
0x11f: {  	[smem:$0x7F4] =	sst s30;
	s31 =	spop (v2sf);
	v60 =	vsel vm11, $0x80000000, v4;
	v40 =	vxor.u32 $0x80000000, v59;
	v61, _, _ =	vpop (xrf0);
	(xrf0) =	vmax.scan.msk.u32 $0xffff, v39  }
0x120: {  	[smem:$0x7F5] =	sst s31;
	s2 =	spop (v2sf);
	v62 =	vsel vm12, $0x80000000, v4;
	v41 =	vxor.u32 $0x80000000, v60;
	v63, _, _ =	vpop (xrf0);
	(xrf0) =	vmax.scan.msk.u32 $0xffff, v40  }
0x121: {  	[smem:$0x7F6] =	sst s2;
	s4 =	spop (v2sf);
	v52 =	vsel vm13, $0x80000000, v4;
	v43 =	vxor.u32 $0x80000000, v62;
	v53, _, _ =	vpop (xrf0);
	(xrf0) =	vmax.scan.msk.u32 $0xffff, v41  }
0x122: {  	[smem:$0x7F7] =	sst s4;
	s11 =	spop (v2sf);
	v59 =	vsel vm14, $0x80000000, v4;
	v45 =	vxor.u32 $0x80000000, v52;
	(v2sf) =	vpush v61, $0xF;
	v60, _, _ =	vpop (xrf0);
	(xrf0) =	vmax.scan.msk.u32 $0xffff, v43  }
0x123: {  	[smem:$0x7F8] =	sst s11;
	s12 =	spop (v2sf);
	v47 =	vxor.u32 $0x80000000, v59;
	v61 =	vsel vm2, $0x80000000, v4;
	(v2sf) =	vpush v63, $0xF;
	v62, _, _ =	vpop (xrf0);
	(xrf0) =	vmax.scan.msk.u32 $0xffff, v45  }
0x124: {  	[dreg:$0x1f] =	wrdreg s12;
	s13 =	spop (v2sf);
	v49 =	vsel vm4, $0x80000000, v4;
	v48 =	vxor.u32 $0x80000000, v61;
	(v2sf) =	vpush v60, $0xF;
	v63, _, _ =	vpop (xrf0);
	(xrf0) =	vmax.scan.msk.u32 $0xffff, v47  }
0x125: {  	[dreg:$0x1e] =	wrdreg s13;
	s14 =	spop (v2sf);
	v49 =	vxor.u32 $0x80000000, v49;
	(v2sf) =	vpush v62, $0xF;
	(xrf0) =	vmax.scan.msk.u32 $0xffff, v48;
	v50, _, _ =	vpop (xrf0)  }
0x126: {  	v54 =	vsel vm9, $0x80000000, v4;
	[dreg:$0x1d] =	wrdreg s14;
	s15 =	spop (v2sf);
	(v2sf) =	vpush v53, $0xF;
	(xrf0) =	vmax.scan.msk.u32 $0xffff, v49;
	v46, _, _ =	vpop (xrf0)  }
0x127: {  	v44 =	vxor.u32 $0x80000000, v54;
	s1 =	sand.u32 $0x7F, s15;
	v4 =	vsel vm15, $0x80000000, v4;
	_ =	swait.ge [sflag:s26], $0x1000  }
0x128: {  	s16 =	simm.s32 $0x0;
	v51 =	vor.u32 s1, v0;
	v4 =	vxor.u32 $0x80000000, v4;
	(xrf0) =	vmax.scan.msk.u32 $0xffff, v44  }
0x129: {  	v52 =	vor.u32 s1, v35;
	v53 =	vmov s16;
	v54, _, _ =	vpop (xrf0);
	(xrf0) =	vmax.scan.msk.u32 $0xffff, v4  }
0x12a: {  	(v2sf) =	vpush v63, $0xF;
	v59, _, _ =	vpop (xrf0);
	(xrf0) =	vmax.scan.msk.u32 $0xffff, v3;
	v3 =	vshll.u32 v53, $0x3  }
0x12b: {  	v60 =	vand.u32 $0x70, v53;
	[sflag:s26] =	ssyncset.done $0x0;
	(v2sf) =	vpush v50, $0xF;
	v61, _, _ =	vpop (xrf0);
	v3 =	vand.u32 $0xC00, v3;
	(xrf0) =	vmax.scan.msk.u32 $0xffff, v48  }
0x12c: {  	[sflag:s26] =	ssyncadd.s32 $0xFFFFF000;
	(v2sf) =	vpush v54, $0xF;
	v62, _, _ =	vpop (xrf0);
	v3 =	vor.u32 v60, v3;
	(xrf0) =	vmax.scan.msk.u32 $0xffff, v6  }
0x12d: {  	(v2sf) =	vpush v59, $0xF;
	v6 =	vld.idx.msk [tilespmem:v51+s3+$0x0], $0xffff;
	v63, _, _ =	vpop (xrf0);
	v42 =	vor.u32 v1, v3;
	(xrf0) =	vmax.scan.msk.u32 $0xffff, v49  }
0x12e: {  	v54 =	vld.idx.msk [tilespmem:v52+s3+$0x0], $0xffff;
	(v2sf) =	vpush v61, $0xF;
	v3 =	vor.u32 v2, v3;
	v59, _, _ =	vpop (xrf0);
	(xrf0) =	vmax.scan.msk.u32 $0xffff, v5  }
0x12f: {  	(v2sf) =	vpush v62, $0xF;
	v5, _, _ =	vpop (xrf0);
	(xrf0) =	vmax.scan.msk.u32 $0xffff, v38  }
0x130: {  	(v2sf) =	vpush v63, $0xF;
	v60, _, _ =	vpop (xrf0);
	(xrf0) =	vmax.scan.msk.u32 $0xffff, v39  }
0x131: {  	(v2sf) =	vpush v59, $0xF;
	s20 =	spop (v2sf);
	v61, _, _ =	vpop (xrf0);
	(xrf0) =	vmax.scan.msk.u32 $0xffff, v40  }
0x132: {  	s1 =	sand.u32 $0x1FFFFF80, s20;
	(v2sf) =	vpush v46, $0xF;
	v62, _, _ =	vpop (xrf0);
	[tilespmem:v42+s28+$0x0] =	vst.idx.msk $0xffff, v6;
	(xrf0) =	vmax.scan.msk.u32 $0xffff, v44  }
0x133: {  	s0 =	sand.u32 $0x7F, s23;
	s1 =	sadd.s32 s7, s1;
	(v2sf) =	vpush v5, $0xF;
	v6, _, _ =	vpop (xrf0);
	[tilespmem:v3+s28+$0x0] =	vst.idx.msk $0xffff, v54;
	(xrf0) =	vmax.scan.msk.u32 $0xffff, v37  }
0x134: {  	(v2sf) =	vpush v60, $0xF;
	v3, _, _ =	vpop (xrf0);
	[tilespmem:s3], [sflag:$0x1] =	stream.strided.gather [hbm4b:s1+s6], $0x1000, s5, s6, $0x38;
	[tilespmem:$0x14200] =	vst v63  }
0x135: {  	s22 =	simm.s32 $0x1;
	v63 =	vor.u32 s0, v0;
	s21 =	spop (v2sf);
	(v2sf) =	vpush v61, $0xF;
	v5, _, _ =	vpop (xrf0);
	(xrf0) =	vmax.scan.msk.u32 $0xffff, v41  }
0x136: {  	v46 =	vmov s22;
	v44 =	vor.u32 s0, v35;
	_ =	swait.ge [sflag:s26], $0x1000  }
0x137: {  	v48 =	vshll.u32 v46, $0x3;
	s22 =	spop (v2sf)  }
0x138: {  	v39 =	vand.u32 $0x71, v46;
	v49 =	vand.u32 $0xC00, v48;
	(v2sf) =	vpush v62, $0xF;
	[sflag:s26] =	ssyncset.done $0x0;
	s15 =	spop (v2sf)  }
0x139: {  	(v2sf) =	vpush v6, $0xF;
	[sflag:s26] =	ssyncadd.s32 $0xFFFFF000;
	v6 =	vor.u32 v39, v49;
	s3 =	spop (v2sf)  }
0x13a: {  	v50, _, _ =	vpop (xrf0);
	(xrf0) =	vmax.scan.msk.u32 $0xffff, v43;
	(v2sf) =	vpush v3, $0xF;
	v3 =	vld.idx.msk [tilespmem:v63+s17+$0x0], $0xffff;
	v52 =	vor.u32 v1, v6;
	s11 =	spop (v2sf)  }
0x13b: {  	v51, _, _ =	vpop (xrf0);
	(xrf0) =	vmax.scan.msk.u32 $0xffff, v45;
	v6 =	vor.u32 v2, v6;
	(v2sf) =	vpush v5, $0xF;
	v5 =	vld.idx.msk [tilespmem:v44+s17+$0x0], $0xffff;
	s13 =	spop (v2sf)  }
0x13c: {  	v53, _, _ =	vpop (xrf0);
	(xrf0) =	vmax.scan.msk.u32 $0xffff, v47;
	s14 =	spop (v2sf)  }
0x13d: {  	v54, _, _ =	vpop (xrf0);
	(v2sf) =	vpush v50, $0xF;
	s16 =	spop (v2sf)  }
0x13e: {  	s30 =	sand.u32 $0x1FFFFF80, s21;
	v59, _, _ =	vpop (xrf0);
	(v2sf) =	vpush v51, $0xF;
	s23 =	spop (v2sf)  }
0x13f: {  	s4 =	sand.u32 $0x7F, s8;
	s12 =	sadd.s32 s7, s30;
	v60, _, _ =	vpop (xrf0);
	(v2sf) =	vpush v53, $0xF;
	[tilespmem:v52+s28+$0x0] =	vst.idx.msk $0xffff, v3;
	s25 =	spop (v2sf)  }
0x140: {  	s1 =	simm.s32 $0x2;
	(xrf0) =	vmax.scan.msk.u32 $0xffff, v4;
	v61, _, _ =	vpop (xrf0);
	(v2sf) =	vpush v54, $0xF;
	[smem:$0x7F9] =	sst s23;
	[tilespmem:v6+s28+$0x0] =	vst.idx.msk $0xffff, v5;
	s31 =	spop (v2sf)  }
0x141: {  	v4 =	vor.u32 s4, v0;
	v3, _, _ =	vpop (xrf0);
	(v2sf) =	vpush v59, $0xF;
	[tilespmem:s17], [sflag:$0x1] =	stream.strided.gather [hbm4b:s12+s6], $0x1000, s5, s6, $0x38;
	[tilespmem:$0x14200] =	vst v63  }
0x142: {  	v5 =	vmov s1;
	v6 =	vor.u32 s4, v35;
	v62, _, _ =	vpop (xrf0);
	[smem:$0x7FA] =	sst s25;
	(v2sf) =	vpush v60, $0xF;
	s0 =	spop (v2sf)  }
0x143: {  	v63 =	vshll.u32 v5, $0x3;
	_ =	swait.ge [sflag:s26], $0x1000  }
0x144: {  	v5 =	vand.u32 $0x72, v5;
	v38 =	vand.u32 $0xC00, v63;
	[sflag:s26] =	ssyncset.done $0x0  }
0x145: {  	v5 =	vor.u32 v5, v38;
	[sflag:s26] =	ssyncadd.s32 $0xFFFFF000  }
0x146: {  	v38 =	vor.u32 v1, v5;
	v4 =	vld.idx.msk [tilespmem:v4+s19+$0x0], $0xffff  }
0x147: {  	v5 =	vor.u32 v2, v5;
	v6 =	vld.idx.msk [tilespmem:v6+s19+$0x0], $0xffff;
	_ =	sdelay $0x1  }
0x148: {  	s2 =	spop (v2sf)  }
0x149: {  	s12 =	sand.u32 $0x1FFFFF80, s31;
	s4 =	spop (v2sf)  }
0x14a: {  	s8 =	sadd.s32 s7, s12;
	s12 =	spop (v2sf);
	[tilespmem:v38+s28+$0x0] =	vst.idx.msk $0xffff, v4  }
0x14b: {  	s23 =	spop (v2sf);
	[tilespmem:v5+s28+$0x0] =	vst.idx.msk $0xffff, v6  }
0x14c: {  	[tilespmem:s19], [sflag:$0x1] =	stream.strided.gather [hbm4b:s8+s6], $0x1000, s5, s6, $0x38;
	[tilespmem:$0x14200] =	vst v63  }
0x14d: {  	s19 =	spop (v2sf)  }
0x14e: {  	(v2sf) =	vpush v61, $0xF;
	s17 =	spop (v2sf)  }
0x14f: {  	s20 =	spop (v2sf)  }
0x150: {  	(v2sf) =	vpush v3, $0xF;
	s21 =	spop (v2sf)  }
0x151: {  	s25 =	sand.u32 $0x7F, s9;
	v3, _, _ =	vpop (xrf0);
	(v2sf) =	vpush v62, $0xF;
	[smem:$0x7FC] =	sst s20;
	s20 =	spop (v2sf)  }
0x152: {  	s30 =	simm.s32 $0x3;
	v4 =	vor.u32 s25, v0;
	(v2sf) =	vpush v3, $0xF;
	[smem:$0x7FD] =	sst s21;
	s21 =	spop (v2sf)  }
0x153: {  	v5 =	vmov s30;
	v6 =	vor.u32 s25, v35;
	[smem:$0x7FB] =	sst s17;
	s17 =	spop (v2sf)  }
0x154: {  	v3 =	vshll.u32 v5, $0x3;
	_ =	swait.ge [sflag:s26], $0x1000  }
0x155: {  	v5 =	vand.u32 $0x73, v5;
	v3 =	vand.u32 $0xC00, v3;
	[sflag:s26] =	ssyncset.done $0x0  }
0x156: {  	v3 =	vor.u32 v5, v3;
	[sflag:s26] =	ssyncadd.s32 $0xFFFFF000  }
0x157: {  	v5 =	vor.u32 v1, v3;
	v4 =	vld.idx.msk [tilespmem:v4+s24+$0x0], $0xffff  }
0x158: {  	v3 =	vor.u32 v2, v3;
	v6 =	vld.idx.msk [tilespmem:v6+s24+$0x0], $0xffff;
	_ =	sdelay $0x1  }
0x159: {  	s31 =	sand.u32 $0x1FFFFF80, s22;
	s22 =	spop (v2sf)  }
0x15a: {  	s8 =	sadd.s32 s7, s31;
	s31 =	spop (v2sf)  }
0x15b: {  	s30 =	spop (v2sf);
	[tilespmem:v5+s28+$0x0] =	vst.idx.msk $0xffff, v4  }
0x15c: {  	s25 =	spop (v2sf);
	[tilespmem:v3+s28+$0x0] =	vst.idx.msk $0xffff, v6  }
0x15d: {  	[tilespmem:s24], [sflag:$0x1] =	stream.strided.gather [hbm4b:s8+s6], $0x1000, s5, s6, $0x38;
	[tilespmem:$0x14200] =	vst v63  }
0x15e: {  	s8 =	sand.u32 $0x7F, s29;
	s29 =	spop (v2sf)  }
0x15f: {  	s1 =	simm.s32 $0x4;
	v3 =	vor.u32 s8, v0;
	s9 =	spop (v2sf)  }
0x160: {  	v4 =	vmov s1;
	v5 =	vor.u32 s8, v35;
	s8 =	spop (v2sf)  }
0x161: {  	v6 =	vshll.u32 v4, $0x3;
	_ =	swait.ge [sflag:s26], $0x1000  }
0x162: {  	v4 =	vand.u32 $0x74, v4;
	v6 =	vand.u32 $0xC00, v6;
	[sflag:s26] =	ssyncset.done $0x0  }
0x163: {  	s1 =	simm.s32 $0x4200;
	v4 =	vor.u32 v4, v6;
	[sflag:s26] =	ssyncadd.s32 $0xFFFFF000  }
0x164: {  	v6 =	vor.u32 v1, v4;
	v3 =	vld.idx.msk [tilespmem:v3+s1+$0x0], $0xffff  }
0x165: {  	v4 =	vor.u32 v2, v4;
	v5 =	vld.idx.msk [tilespmem:v5+s1+$0x0], $0xffff;
	_ =	sdelay $0x3  }
0x166: {  	s10 =	sand.u32 $0x7F, s10;
	s0 =	sand.u32 $0x1FFFFF80, s0;
	[tilespmem:v6+s28+$0x0] =	vst.idx.msk $0xffff, v3  }
0x167: {  	s0 =	sadd.s32 s7, s0;
	s24 =	simm.s32 $0x5;
	s1 =	simm.s32 $0x4200;
	v3 =	vor.u32 s10, v0;
	[tilespmem:v4+s28+$0x0] =	vst.idx.msk $0xffff, v5  }
0x168: {  	v4 =	vmov s24;
	v5 =	vor.u32 s10, v35;
	[tilespmem:s1], [sflag:$0x1] =	stream.strided.gather [hbm4b:s0+s6], $0x1000, s5, s6, $0x38;
	[tilespmem:$0x14200] =	vst v63  }
0x169: {  	v6 =	vshll.u32 v4, $0x3;
	_ =	swait.ge [sflag:s26], $0x1000  }
0x16a: {  	v4 =	vand.u32 $0x75, v4;
	v6 =	vand.u32 $0xC00, v6;
	[sflag:s26] =	ssyncset.done $0x0  }
0x16b: {  	s1 =	simm.s32 $0x5200;
	v4 =	vor.u32 v4, v6;
	[sflag:s26] =	ssyncadd.s32 $0xFFFFF000  }
0x16c: {  	v6 =	vor.u32 v1, v4;
	v3 =	vld.idx.msk [tilespmem:v3+s1+$0x0], $0xffff  }
0x16d: {  	v4 =	vor.u32 v2, v4;
	v5 =	vld.idx.msk [tilespmem:v5+s1+$0x0], $0xffff;
	_ =	sdelay $0x3  }
0x16e: {  	s10 =	sand.u32 $0x1FFFFF80, s3;
	s0 =	sand.u32 $0x7F, s18;
	[tilespmem:v6+s28+$0x0] =	vst.idx.msk $0xffff, v3  }
0x16f: {  	s24 =	simm.s32 $0x5200;
	s18 =	simm.s32 $0x6;
	s1 =	sadd.s32 s7, s10;
	v3 =	vor.u32 s0, v0;
	[tilespmem:v4+s28+$0x0] =	vst.idx.msk $0xffff, v5  }
0x170: {  	v4 =	vmov s18;
	v5 =	vor.u32 s0, v35;
	[tilespmem:s24], [sflag:$0x1] =	stream.strided.gather [hbm4b:s1+s6], $0x1000, s5, s6, $0x38;
	[tilespmem:$0x14200] =	vst v63  }
0x171: {  	v6 =	vshll.u32 v4, $0x3;
	_ =	swait.ge [sflag:s26], $0x1000  }
0x172: {  	v4 =	vand.u32 $0x76, v4;
	v6 =	vand.u32 $0xC00, v6;
	[sflag:s26] =	ssyncset.done $0x0  }
0x173: {  	s1 =	simm.s32 $0x6200;
	v4 =	vor.u32 v4, v6;
	[sflag:s26] =	ssyncadd.s32 $0xFFFFF000  }
0x174: {  	v6 =	vor.u32 v1, v4;
	v3 =	vld.idx.msk [tilespmem:v3+s1+$0x0], $0xffff  }
0x175: {  	v4 =	vor.u32 v2, v4;
	v5 =	vld.idx.msk [tilespmem:v5+s1+$0x0], $0xffff  }
0x176: {  	s3 =	sld [smem:$0x7F3];
	_ =	sdelay $0x2  }
0x177: {  	s18 =	sand.u32 $0x1FFFFF80, s11;
	s0 =	sand.u32 $0x7F, s3;
	[tilespmem:v6+s28+$0x0] =	vst.idx.msk $0xffff, v3  }
0x178: {  	s10 =	simm.s32 $0x6200;
	s24 =	simm.s32 $0x7;
	s1 =	sadd.s32 s7, s18;
	v3 =	vor.u32 s0, v0;
	[tilespmem:v4+s28+$0x0] =	vst.idx.msk $0xffff, v5  }
0x179: {  	v4 =	vmov s24;
	v5 =	vor.u32 s0, v35;
	[tilespmem:s10], [sflag:$0x1] =	stream.strided.gather [hbm4b:s1+s6], $0x1000, s5, s6, $0x38;
	[tilespmem:$0x14200] =	vst v63  }
0x17a: {  	v6 =	vshll.u32 v4, $0x3;
	_ =	swait.ge [sflag:s26], $0x1000  }
0x17b: {  	v4 =	vand.u32 $0x77, v4;
	v6 =	vand.u32 $0xC00, v6;
	[sflag:s26] =	ssyncset.done $0x0  }
0x17c: {  	s1 =	simm.s32 $0x7200;
	v4 =	vor.u32 v4, v6;
	[sflag:s26] =	ssyncadd.s32 $0xFFFFF000  }
0x17d: {  	v6 =	vor.u32 v1, v4;
	v3 =	vld.idx.msk [tilespmem:v3+s1+$0x0], $0xffff  }
0x17e: {  	v4 =	vor.u32 v2, v4;
	v5 =	vld.idx.msk [tilespmem:v5+s1+$0x0], $0xffff  }
0x17f: {  	s11 =	sld [smem:$0x7F4];
	_ =	sdelay $0x2  }
0x180: {  	s18 =	sand.u32 $0x1FFFFF80, s13;
	s0 =	sand.u32 $0x7F, s11;
	[tilespmem:v6+s28+$0x0] =	vst.idx.msk $0xffff, v3  }
0x181: {  	s3 =	simm.s32 $0x7200;
	s24 =	simm.s32 $0x8;
	s1 =	sadd.s32 s7, s18;
	v3 =	vor.u32 s0, v0;
	[tilespmem:v4+s28+$0x0] =	vst.idx.msk $0xffff, v5  }
0x182: {  	v4 =	vmov s24;
	v5 =	vor.u32 s0, v35;
	[tilespmem:s3], [sflag:$0x1] =	stream.strided.gather [hbm4b:s1+s6], $0x1000, s5, s6, $0x38;
	[tilespmem:$0x14200] =	vst v63  }
0x183: {  	v6 =	vshll.u32 v4, $0x3;
	_ =	swait.ge [sflag:s26], $0x1000  }
0x184: {  	v4 =	vand.u32 $0x78, v4;
	v6 =	vand.u32 $0xC00, v6;
	[sflag:s26] =	ssyncset.done $0x0  }
0x185: {  	s10 =	simm.s32 $0x8200;
	v4 =	vor.u32 v4, v6;
	[sflag:s26] =	ssyncadd.s32 $0xFFFFF000  }
0x186: {  	v6 =	vor.u32 v1, v4;
	v3 =	vld.idx.msk [tilespmem:v3+s10+$0x0], $0xffff  }
0x187: {  	v4 =	vor.u32 v2, v4;
	v5 =	vld.idx.msk [tilespmem:v5+s10+$0x0], $0xffff  }
0x188: {  	s13 =	sld [smem:$0x7F5];
	_ =	sdelay $0x2  }
0x189: {  	s18 =	sand.u32 $0x1FFFFF80, s2;
	s0 =	sand.u32 $0x7F, s13;
	[tilespmem:v6+s28+$0x0] =	vst.idx.msk $0xffff, v3  }
0x18a: {  	s11 =	simm.s32 $0x8200;
	s24 =	simm.s32 $0x9;
	s1 =	sadd.s32 s7, s18;
	v3 =	vor.u32 s0, v0;
	[tilespmem:v4+s28+$0x0] =	vst.idx.msk $0xffff, v5  }
0x18b: {  	v4 =	vmov s24;
	v5 =	vor.u32 s0, v35;
	[tilespmem:s11], [sflag:$0x1] =	stream.strided.gather [hbm4b:s1+s6], $0x1000, s5, s6, $0x38;
	[tilespmem:$0x14200] =	vst v63  }
0x18c: {  	v6 =	vshll.u32 v4, $0x3;
	_ =	swait.ge [sflag:s26], $0x1000  }
0x18d: {  	v4 =	vand.u32 $0x79, v4;
	v6 =	vand.u32 $0xC00, v6;
	[sflag:s26] =	ssyncset.done $0x0  }
0x18e: {  	s1 =	simm.s32 $0x9200;
	v4 =	vor.u32 v4, v6;
	[sflag:s26] =	ssyncadd.s32 $0xFFFFF000  }
0x18f: {  	v6 =	vor.u32 v1, v4;
	v3 =	vld.idx.msk [tilespmem:v3+s1+$0x0], $0xffff  }
0x190: {  	v4 =	vor.u32 v2, v4;
	v5 =	vld.idx.msk [tilespmem:v5+s1+$0x0], $0xffff  }
0x191: {  	s10 =	sld [smem:$0x7F6];
	_ =	sdelay $0x2  }
0x192: {  	s11 =	sand.u32 $0x1FFFFF80, s4;
	s0 =	sand.u32 $0x7F, s10;
	[tilespmem:v6+s28+$0x0] =	vst.idx.msk $0xffff, v3  }
0x193: {  	s2 =	simm.s32 $0x9200;
	s13 =	simm.s32 $0xA;
	s1 =	sadd.s32 s7, s11;
	v3 =	vor.u32 s0, v0;
	[tilespmem:v4+s28+$0x0] =	vst.idx.msk $0xffff, v5  }
0x194: {  	v4 =	vmov s13;
	v5 =	vor.u32 s0, v35;
	[tilespmem:s2], [sflag:$0x1] =	stream.strided.gather [hbm4b:s1+s6], $0x1000, s5, s6, $0x38;
	[tilespmem:$0x14200] =	vst v63  }
0x195: {  	v6 =	vshll.u32 v4, $0x3;
	_ =	swait.ge [sflag:s26], $0x1000  }
0x196: {  	v4 =	vand.u32 $0x7A, v4;
	v6 =	vand.u32 $0xC00, v6;
	[sflag:s26] =	ssyncset.done $0x0  }
0x197: {  	s18 =	simm.s32 $0xA200;
	v4 =	vor.u32 v4, v6;
	[sflag:s26] =	ssyncadd.s32 $0xFFFFF000  }
0x198: {  	v6 =	vor.u32 v1, v4;
	v3 =	vld.idx.msk [tilespmem:v3+s18+$0x0], $0xffff  }
0x199: {  	v4 =	vor.u32 v2, v4;
	v5 =	vld.idx.msk [tilespmem:v5+s18+$0x0], $0xffff  }
0x19a: {  	s1 =	sld [smem:$0x7F7];
	_ =	sdelay $0x2  }
0x19b: {  	s2 =	sand.u32 $0x1FFFFF80, s15;
	s0 =	sand.u32 $0x7F, s1;
	[tilespmem:v6+s28+$0x0] =	vst.idx.msk $0xffff, v3  }
0x19c: {  	s24 =	simm.s32 $0xA200;
	s4 =	simm.s32 $0xB;
	s1 =	sadd.s32 s7, s2;
	v3 =	vor.u32 s0, v0;
	[tilespmem:v4+s28+$0x0] =	vst.idx.msk $0xffff, v5  }
0x19d: {  	v4 =	vmov s4;
	v5 =	vor.u32 s0, v35;
	[tilespmem:s24], [sflag:$0x1] =	stream.strided.gather [hbm4b:s1+s6], $0x1000, s5, s6, $0x38;
	[tilespmem:$0x14200] =	vst v63  }
0x19e: {  	v6 =	vshll.u32 v4, $0x3;
	_ =	swait.ge [sflag:s26], $0x1000  }
0x19f: {  	v4 =	vand.u32 $0x7B, v4;
	v6 =	vand.u32 $0xC00, v6;
	[sflag:s26] =	ssyncset.done $0x0  }
0x1a0: {  	s10 =	simm.s32 $0xB200;
	v4 =	vor.u32 v4, v6;
	[sflag:s26] =	ssyncadd.s32 $0xFFFFF000  }
0x1a1: {  	v6 =	vor.u32 v1, v4;
	v3 =	vld.idx.msk [tilespmem:v3+s10+$0x0], $0xffff  }
0x1a2: {  	v4 =	vor.u32 v2, v4;
	v5 =	vld.idx.msk [tilespmem:v5+s10+$0x0], $0xffff  }
0x1a3: {  	s13 =	sld [smem:$0x7F8];
	_ =	sdelay $0x2  }
0x1a4: {  	s14 =	sand.u32 $0x1FFFFF80, s14;
	s0 =	sand.u32 $0x7F, s13;
	[tilespmem:v6+s28+$0x0] =	vst.idx.msk $0xffff, v3  }
0x1a5: {  	s11 =	simm.s32 $0xB200;
	s15 =	simm.s32 $0xC;
	s1 =	sadd.s32 s7, s14;
	v3 =	vor.u32 s0, v0;
	[tilespmem:v4+s28+$0x0] =	vst.idx.msk $0xffff, v5  }
0x1a6: {  	v4 =	vmov s15;
	v5 =	vor.u32 s0, v35;
	[tilespmem:s11], [sflag:$0x1] =	stream.strided.gather [hbm4b:s1+s6], $0x1000, s5, s6, $0x38;
	[tilespmem:$0x14200] =	vst v63  }
0x1a7: {  	v6 =	vshll.u32 v4, $0x3;
	_ =	swait.ge [sflag:s26], $0x1000  }
0x1a8: {  	v4 =	vand.u32 $0x7C, v4;
	v6 =	vand.u32 $0xC00, v6;
	[sflag:s26] =	ssyncset.done $0x0  }
0x1a9: {  	s18 =	simm.s32 $0xC200;
	v4 =	vor.u32 v4, v6;
	[sflag:s26] =	ssyncadd.s32 $0xFFFFF000  }
0x1aa: {  	v6 =	vor.u32 v1, v4;
	v3 =	vld.idx.msk [tilespmem:v3+s18+$0x0], $0xffff  }
0x1ab: {  	v4 =	vor.u32 v2, v4;
	v5 =	vld.idx.msk [tilespmem:v5+s18+$0x0], $0xffff;
	_ =	sdelay $0x2  }
0x1ac: {  	s2 =	rddreg [dreg:$0x1f]  }
0x1ad: {  	s4 =	sand.u32 $0x1FFFFF80, s16;
	s0 =	sand.u32 $0x7F, s2;
	[tilespmem:v6+s28+$0x0] =	vst.idx.msk $0xffff, v3  }
0x1ae: {  	s24 =	simm.s32 $0xC200;
	s10 =	simm.s32 $0xD;
	s1 =	sadd.s32 s7, s4;
	v3 =	vor.u32 s0, v0;
	[tilespmem:v4+s28+$0x0] =	vst.idx.msk $0xffff, v5  }
0x1af: {  	v4 =	vmov s10;
	v5 =	vor.u32 s0, v35;
	[tilespmem:s24], [sflag:$0x1] =	stream.strided.gather [hbm4b:s1+s6], $0x1000, s5, s6, $0x38;
	[tilespmem:$0x14200] =	vst v63  }
0x1b0: {  	v6 =	vshll.u32 v4, $0x3;
	_ =	swait.ge [sflag:s26], $0x1000  }
0x1b1: {  	v4 =	vand.u32 $0x7D, v4;
	v6 =	vand.u32 $0xC00, v6;
	[sflag:s26] =	ssyncset.done $0x0  }
0x1b2: {  	s11 =	simm.s32 $0xD200;
	v4 =	vor.u32 v4, v6;
	[sflag:s26] =	ssyncadd.s32 $0xFFFFF000  }
0x1b3: {  	v6 =	vor.u32 v1, v4;
	v3 =	vld.idx.msk [tilespmem:v3+s11+$0x0], $0xffff  }
0x1b4: {  	v4 =	vor.u32 v2, v4;
	v5 =	vld.idx.msk [tilespmem:v5+s11+$0x0], $0xffff  }
0x1b5: {  	s15 =	sld [smem:$0x7F9];
	_ =	sdelay $0x1  }
0x1b6: {  	s14 =	rddreg [dreg:$0x1e]  }
0x1b7: {  	s0 =	sand.u32 $0x7F, s14;
	s1 =	sand.u32 $0x1FFFFF80, s15;
	[tilespmem:v6+s28+$0x0] =	vst.idx.msk $0xffff, v3  }
0x1b8: {  	s16 =	simm.s32 $0xE;
	s13 =	simm.s32 $0xD200;
	s1 =	sadd.s32 s7, s1;
	v3 =	vor.u32 s0, v0;
	[tilespmem:v4+s28+$0x0] =	vst.idx.msk $0xffff, v5  }
0x1b9: {  	v4 =	vmov s16;
	v5 =	vor.u32 s0, v35;
	[tilespmem:s13], [sflag:$0x1] =	stream.strided.gather [hbm4b:s1+s6], $0x1000, s5, s6, $0x38;
	[tilespmem:$0x14200] =	vst v63  }
0x1ba: {  	v6 =	vshll.u32 v4, $0x3;
	_ =	swait.ge [sflag:s26], $0x1000  }
0x1bb: {  	v4 =	vand.u32 $0x7E, v4;
	v6 =	vand.u32 $0xC00, v6;
	[sflag:s26] =	ssyncset.done $0x0  }
0x1bc: {  	s18 =	simm.s32 $0xE200;
	v4 =	vor.u32 v4, v6;
	[sflag:s26] =	ssyncadd.s32 $0xFFFFF000  }
0x1bd: {  	v6 =	vor.u32 v1, v4;
	v3 =	vld.idx.msk [tilespmem:v3+s18+$0x0], $0xffff  }
0x1be: {  	v4 =	vor.u32 v2, v4;
	v5 =	vld.idx.msk [tilespmem:v5+s18+$0x0], $0xffff  }
0x1bf: {  	s2 =	sld [smem:$0x7FA];
	_ =	sdelay $0x1  }
0x1c0: {  	s1 =	rddreg [dreg:$0x1d]  }
0x1c1: {  	s24 =	simm.s32 $0xE200;
	s0 =	sand.u32 $0x7F, s1;
	s1 =	sand.u32 $0x1FFFFF80, s2;
	[tilespmem:v6+s28+$0x0] =	vst.idx.msk $0xffff, v3  }
0x1c2: {  	s14 =	sand.u32 $0x7F, s20;
	s15 =	sand.u32 $0x7F, s19;
	s1 =	sadd.s32 s7, s1;
	[tilespmem:v4+s28+$0x0] =	vst.idx.msk $0xffff, v5  }
0x1c3: {  	[tilespmem:s24], [sflag:$0x1] =	stream.strided.gather [hbm4b:s1+s6], $0x1000, s5, s6, $0x38;
	[tilespmem:$0x14200] =	vst v63  }
0x1c4: {  	s19 =	sand.u32 $0x7F, s21;
	_ =	swait.ge [sflag:s26], $0x1000;
	[dreg:$0xd] =	wrdreg s14  }
0x1c5: {  	s20 =	sand.u32 $0x7F, s17;
	[dreg:$0xc] =	wrdreg s19  }
0x1c6: {  	s21 =	sand.u32 $0x7F, s22;
	[dreg:$0xb] =	wrdreg s20  }
0x1c7: {  	s4 =	simm.s32 $0xF;
	s22 =	sand.u32 $0x7F, s31;
	v3 =	vor.u32 s0, v0;
	[dreg:$0xa] =	wrdreg s21  }
0x1c8: {  	s18 =	sand.u32 $0x7F, s23;
	s23 =	sand.u32 $0x7F, s30;
	v4 =	vor.u32 s0, v35;
	v5 =	vmov s4;
	[dreg:$0x9] =	wrdreg s22  }
0x1c9: {  	s25 =	sand.u32 $0x7F, s25;
	s29 =	sand.u32 $0x7F, s29;
	v6 =	vshll.u32 v5, $0x3;
	[dreg:$0x8] =	wrdreg s23  }
0x1ca: {  	s30 =	sand.u32 $0x7F, s9;
	v5 =	vand.u32 $0x7F, v5;
	v6 =	vand.u32 $0xC00, v6;
	[dreg:$0x7] =	wrdreg s25;
	[sflag:s26] =	ssyncset.done $0x0  }
0x1cb: {  	s6 =	simm.s32 $0xF200;
	[dreg:$0x6] =	wrdreg s29;
	v5 =	vor.u32 v5, v6;
	[sflag:s26] =	ssyncadd.s32 $0xFFFFF000  }
0x1cc: {  	[dreg:$0x5] =	wrdreg s30;
	v6 =	vor.u32 v1, v5;
	v3 =	vld.idx.msk [tilespmem:v3+s6+$0x0], $0xffff  }
0x1cd: {  	s11 =	sld [smem:$0x7FB];
	v5 =	vor.u32 v2, v5;
	v4 =	vld.idx.msk [tilespmem:v4+s6+$0x0], $0xffff  }
0x1ce: {  	s10 =	sand.u32 $0x1FFFFF80, s12;
	s12 =	sld [smem:$0x7FC]  }
0x1cf: {  	s17 =	simm.s32 $0x20;
	s31 =	sand.u32 $0x7F, s8;
	s13 =	sld [smem:$0x7FD]  }
0x1d0: {  	s16 =	simm.s32 $0x2F;
	[dreg:$0x4] =	wrdreg s31;
	s2 =	sand.u32 $0x7F, s11  }
0x1d1: {  	s0 =	sadd.s32 s7, s10;
	[dreg:$0xf] =	wrdreg s2;
	s2 =	sand.u32 $0x7F, s12;
	[tilespmem:v6+s28+$0x0] =	vst.idx.msk $0xffff, v3  }
0x1d2: {  	s1 =	simm.s32 $0x1F;
	(xrf0) =	vmax.scan.msk.u32 $0xffff, v36;
	s24 =	sand.u32 $0x7F, s13;
	[dreg:$0xe] =	wrdreg s2;
	[tilespmem:v5+s28+$0x0] =	vst.idx.msk $0xffff, v4  }
.LBB2_2:
0x1d3: {  	_ = 	snop  }
0x1d4: {  	s11 =	simm.s32 $0x400;
	s12 =	simm.s32 $0x7A1400;
	s2 =	simm.s32 $0xF200  }
0x1d5: {  	[tilespmem:s2], [sflag:$0x1] =	stream.strided.gather [hbm4b:s0+s11], $0x1000, s12, s11, $0x38;
	[tilespmem:$0x14200] =	vst v63  }
0x1d6: {  	v3 =	vld [tilespmem:s17+$0x0];
	_ =	sdelay $0x1  }
0x1d7: {  	v4, _, _ =	vpop (xrf0)  }
0x1d8: {  	(v2sf) =	vpush v4, $0xF;
	_ =	sdelay $0x1  }
0x1d9: {  	v4 =	vnsel vm0, $0x80000000, v3  }
0x1da: {  	v5 =	vsel vm1, $0x80000000, v3;
	v36 =	vxor.u32 $0x80000000, v4  }
0x1db: {  	v4 =	vxor.u32 $0x80000000, v5;
	v5 =	vsel vm5, $0x80000000, v3;
	(xrf0) =	vmax.scan.msk.u32 $0xffff, v36  }
0x1dc: {  	v37 =	vsel vm3, $0x80000000, v3;
	v5 =	vxor.u32 $0x80000000, v5;
	(xrf0) =	vmax.scan.msk.u32 $0xffff, v4  }
0x1dd: {  	v38 =	vsel vm10, $0x80000000, v3;
	v40 =	vxor.u32 $0x80000000, v37;
	(xrf0) =	vmax.scan.msk.u32 $0xffff, v5  }
0x1de: {  	v6 =	vsel vm6, $0x80000000, v3;
	v43 =	vxor.u32 $0x80000000, v38;
	(xrf0) =	vmax.scan.msk.u32 $0xffff, v40  }
0x1df: {  	v41 =	vsel vm7, $0x80000000, v3;
	v6 =	vxor.u32 $0x80000000, v6;
	(xrf0) =	vmax.scan.msk.u32 $0xffff, v43  }
0x1e0: {  	v39 =	vsel vm4, $0x80000000, v3;
	v63 =	vsel vm8, $0x80000000, v3;
	v41 =	vxor.u32 $0x80000000, v41;
	(xrf0) =	vmax.scan.msk.u32 $0xffff, v6  }
0x1e1: {  	v42 =	vsel vm9, $0x80000000, v3;
	v52 =	vsel vm11, $0x80000000, v3;
	v48 =	vxor.u32 $0x80000000, v63;
	v45, _, _ =	vpop (xrf0);
	(xrf0) =	vmax.scan.msk.u32 $0xffff, v41  }
0x1e2: {  	v53 =	vsel vm12, $0x80000000, v3;
	v50 =	vsel vm13, $0x80000000, v3;
	v44 =	vxor.u32 $0x80000000, v52;
	v54, _, _ =	vpop (xrf0);
	(xrf0) =	vmax.scan.msk.u32 $0xffff, v48  }
0x1e3: {  	v49 =	vsel vm14, $0x80000000, v3;
	v47 =	vsel vm2, $0x80000000, v3;
	v46 =	vxor.u32 $0x80000000, v53;
	v59, _, _ =	vpop (xrf0);
	(xrf0) =	vmax.scan.msk.u32 $0xffff, v44  }
0x1e4: {  	v51 =	vsel vm15, $0x80000000, v3;
	v38 =	vxor.u32 $0x80000000, v50;
	(v2sf) =	vpush v45, $0xF;
	v3, _, _ =	vpop (xrf0);
	(xrf0) =	vmax.scan.msk.u32 $0xffff, v46  }
0x1e5: {  	v37 =	vxor.u32 $0x80000000, v49;
	(v2sf) =	vpush v54, $0xF;
	v60, _, _ =	vpop (xrf0);
	(xrf0) =	vmax.scan.msk.u32 $0xffff, v38  }
0x1e6: {  	v47 =	vxor.u32 $0x80000000, v47;
	s10 =	spop (v2sf);
	(v2sf) =	vpush v3, $0xF;
	v3, _, _ =	vpop (xrf0);
	(xrf0) =	vmax.scan.msk.u32 $0xffff, v37  }
0x1e7: {  	s9 =	smov.u32 s16;
	v49 =	vxor.u32 $0x80000000, v39;
	(xrf0) =	vmax.scan.msk.u32 $0xffff, v47;
	v53, _, _ =	vpop (xrf0);
	(v2sf) =	vpush v60, $0xF  }
0x1e8: {  	[dreg:$0x10] =	wrdreg s9;
	(xrf0) =	vmax.scan.msk.u32 $0xffff, v49;
	(v2sf) =	vpush v59, $0xF;
	v45, _, _ =	vpop (xrf0)  }
0x1e9: {  	v42 =	vxor.u32 $0x80000000, v42;
	s0 =	sand.u32 $0x7F, s10;
	_ =	swait.ge [sflag:s26], $0x1000  }
0x1ea: {  	s13 =	sadd.s32 $0xFFFFFFF1, s1;
	v39 =	vxor.u32 $0x80000000, v51;
	v61 =	vor.u32 s0, v0;
	(v2sf) =	vpush v3, $0xF;
	(xrf0) =	vmax.scan.msk.u32 $0xffff, v42;
	v3, _, _ =	vpop (xrf0)  }
0x1eb: {  	v62 =	vmov s13;
	v52 =	vor.u32 s0, v35;
	(v2sf) =	vpush v53, $0xF;
	v63, _, _ =	vpop (xrf0);
	(xrf0) =	vmax.scan.msk.u32 $0xffff, v39  }
0x1ec: {  	v54 =	vshll.u32 v62, $0x3;
	(xrf0) =	vmax.scan.msk.u32 $0xffff, v4;
	v4 =	vand.u32 $0x70, v62;
	(v2sf) =	vpush v3, $0xF;
	v3, _, _ =	vpop (xrf0)  }
0x1ed: {  	v54 =	vand.u32 $0xC00, v54;
	[sflag:s26] =	ssyncset.done $0x0;
	(xrf0) =	vmax.scan.msk.u32 $0xffff, v47;
	(v2sf) =	vpush v63, $0xF;
	v59, _, _ =	vpop (xrf0)  }
0x1ee: {  	s5 =	simm.s32 $0x200;
	[sflag:s26] =	ssyncadd.s32 $0xFFFFF000;
	v54 =	vor.u32 v4, v54;
	(xrf0) =	vmax.scan.msk.u32 $0xffff, v40;
	v62, _, _ =	vpop (xrf0);
	(v2sf) =	vpush v3, $0xF  }
0x1ef: {  	v47 =	vld.idx.msk [tilespmem:v61+s5+$0x0], $0xffff;
	v61 =	vor.u32 v1, v54;
	(xrf0) =	vmax.scan.msk.u32 $0xffff, v49;
	v4, _, _ =	vpop (xrf0);
	(v2sf) =	vpush v59, $0xF  }
0x1f0: {  	v60 =	vld.idx.msk [tilespmem:v52+s5+$0x0], $0xffff;
	v3 =	vor.u32 v2, v54;
	(xrf0) =	vmax.scan.msk.u32 $0xffff, v5;
	(v2sf) =	vpush v62, $0xF;
	v5, _, _ =	vpop (xrf0)  }
0x1f1: {  	(xrf0) =	vmax.scan.msk.u32 $0xffff, v6;
	(v2sf) =	vpush v4, $0xF;
	v4, _, _ =	vpop (xrf0)  }
0x1f2: {  	v6, _, _ =	vpop (xrf0);
	(xrf0) =	vmax.scan.msk.u32 $0xffff, v41  }
0x1f3: {  	s14 =	spop (v2sf);
	v63, _, _ =	vpop (xrf0);
	(xrf0) =	vmax.scan.msk.u32 $0xffff, v48  }
0x1f4: {  	s10 =	rddreg [dreg:$0x0];
	s0 =	sand.u32 $0x1FFFFF80, s14;
	s19 =	spop (v2sf);
	(v2sf) =	vpush v45, $0xF;
	[tilespmem:v61+s28+$0x0] =	vst.idx.msk $0xffff, v47;
	v48, _, _ =	vpop (xrf0);
	(xrf0) =	vmax.scan.msk.u32 $0xffff, v42  }
0x1f5: {  	s3 =	sadd.s32 s10, s0;
	(v2sf) =	vpush v5, $0xF;
	[tilespmem:v3+s28+$0x0] =	vst.idx.msk $0xffff, v60;
	v5, _, _ =	vpop (xrf0);
	(xrf0) =	vmax.scan.msk.u32 $0xffff, v43  }
0x1f6: {  	(v2sf) =	vpush v4, $0xF;
	[tilespmem:s5], [sflag:$0x1] =	stream.strided.gather [hbm4b:s3+s11], $0x1000, s12, s11, $0x38;
	[tilespmem:$0x14200] =	vst v63  }
0x1f7: {  	s4 =	sadd.s32 $0xFFFFFFF2, s1;
	v3 =	vor.u32 s18, v0;
	(v2sf) =	vpush v6, $0xF;
	v4, _, _ =	vpop (xrf0);
	(xrf0) =	vmax.scan.msk.u32 $0xffff, v44  }
0x1f8: {  	v49 =	vor.u32 s18, v35;
	v6 =	vmov s4;
	_ =	swait.ge [sflag:s26], $0x1000  }
0x1f9: {  	v51 =	vshll.u32 v6, $0x3;
	s23 =	spop (v2sf)  }
0x1fa: {  	v6 =	vand.u32 $0x71, v6;
	v42 =	vand.u32 $0xC00, v51;
	(v2sf) =	vpush v63, $0xF;
	v50, _, _ =	vpop (xrf0);
	[sflag:s26] =	ssyncset.done $0x0;
	s25 =	spop (v2sf)  }
0x1fb: {  	s30 =	simm.s32 $0x1200;
	v6 =	vor.u32 v6, v42;
	(v2sf) =	vpush v48, $0xF;
	v52, _, _ =	vpop (xrf0);
	[sflag:s26] =	ssyncadd.s32 $0xFFFFF000;
	s29 =	spop (v2sf)  }
0x1fc: {  	v54 =	vor.u32 v1, v6;
	(v2sf) =	vpush v5, $0xF;
	v5, _, _ =	vpop (xrf0);
	v3 =	vld.idx.msk [tilespmem:v3+s30+$0x0], $0xffff;
	s31 =	spop (v2sf)  }
0x1fd: {  	(xrf0) =	vmax.scan.msk.u32 $0xffff, v46;
	v6 =	vor.u32 v2, v6;
	v53 =	vld.idx.msk [tilespmem:v49+s30+$0x0], $0xffff;
	(v2sf) =	vpush v4, $0xF;
	v4, _, _ =	vpop (xrf0);
	s3 =	spop (v2sf)  }
0x1fe: {  	s20 =	sand.u32 $0x1FFFFF80, s19;
	s2 =	sand.u32 $0x1FFFFF80, s25;
	(xrf0) =	vmax.scan.msk.u32 $0xffff, v38;
	v59, _, _ =	vpop (xrf0);
	s4 =	spop (v2sf)  }
0x1ff: {  	s0 =	sadd.s32 s10, s20;
	[dreg:$0x16] =	wrdreg s2;
	v60, _, _ =	vpop (xrf0);
	(xrf0) =	vmax.scan.msk.u32 $0xffff, v37;
	s6 =	spop (v2sf)  }
0x200: {  	(v2sf) =	vpush v50, $0xF;
	s2 =	sand.u32 $0x1FFFFF80, s3;
	s3 =	sand.u32 $0x1FFFFF80, s4;
	s7 =	spop (v2sf)  }
0x201: {  	(v2sf) =	vpush v52, $0xF;
	[dreg:$0x15] =	wrdreg s3;
	s3 =	sand.u32 $0x1FFFFF80, s6;
	[tilespmem:v54+s28+$0x0] =	vst.idx.msk $0xffff, v3;
	s8 =	spop (v2sf)  }
0x202: {  	[dreg:$0x14] =	wrdreg s3;
	s3 =	sand.u32 $0x1FFFFF80, s7;
	(v2sf) =	vpush v5, $0xF;
	[tilespmem:v6+s28+$0x0] =	vst.idx.msk $0xffff, v53;
	s13 =	spop (v2sf)  }
0x203: {  	v61, _, _ =	vpop (xrf0);
	(v2sf) =	vpush v4, $0xF;
	[tilespmem:s30], [sflag:$0x1] =	stream.strided.gather [hbm4b:s0+s11], $0x1000, s12, s11, $0x38;
	[tilespmem:$0x14200] =	vst v63  }
0x204: {  	[dreg:$0x13] =	wrdreg s3;
	s3 =	sand.u32 $0x1FFFFF80, s8;
	v3, _, _ =	vpop (xrf0);
	s14 =	spop (v2sf);
	(v2sf) =	vpush v59, $0xF  }
0x205: {  	(xrf0) =	vmax.scan.msk.u32 $0xffff, v39;
	[dreg:$0x11] =	wrdreg s3;
	(v2sf) =	vpush v60, $0xF;
	v63, _, _ =	vpop (xrf0)  }
0x206: {  	v5 =	vor.u32 s15, v0;
	_ =	swait.ge [sflag:s26], $0x1000  }
0x207: {  	s9 =	sadd.s32 $0xFFFFFFF3, s1;
	v6 =	vor.u32 s15, v35;
	s15 =	spop (v2sf)  }
0x208: {  	v4 =	vmov s9;
	s18 =	spop (v2sf)  }
0x209: {  	s22 =	sand.u32 $0x1FFFFF80, s23;
	v62 =	vshll.u32 v4, $0x3;
	(v2sf) =	vpush v61, $0xF;
	[sflag:s26] =	ssyncset.done $0x0;
	s19 =	spop (v2sf)  }
0x20a: {  	s8 =	simm.s32 $0x2200;
	v4 =	vand.u32 $0x72, v4;
	v38 =	vand.u32 $0xC00, v62;
	(v2sf) =	vpush v3, $0xF;
	[sflag:s26] =	ssyncadd.s32 $0xFFFFF000;
	s23 =	spop (v2sf)  }
0x20b: {  	v4 =	vor.u32 v4, v38;
	v3, _, _ =	vpop (xrf0);
	v5 =	vld.idx.msk [tilespmem:v5+s8+$0x0], $0xffff;
	(v2sf) =	vpush v63, $0xF;
	s25 =	spop (v2sf)  }
0x20c: {  	(v2sf) =	vpush v3, $0xF;
	v3 =	vld.idx.msk [tilespmem:v6+s8+$0x0], $0xffff;
	v6 =	vor.u32 v1, v4;
	s30 =	spop (v2sf)  }
0x20d: {  	s21 =	sand.u32 $0x1FFFFF80, s31;
	s3 =	sand.u32 $0x1FFFFF80, s13;
	v4 =	vor.u32 v2, v4;
	s31 =	spop (v2sf)  }
0x20e: {  	s7 =	sand.u32 $0x1FFFFF80, s14;
	s3 =	sadd.s32 s10, s3;
	s5 =	spop (v2sf)  }
0x20f: {  	s9 =	sand.u32 $0x1FFFFF80, s18;
	s0 =	sand.u32 $0x1FFFFF80, s19;
	s6 =	spop (v2sf)  }
0x210: {  	s18 =	sand.u32 $0x7F, s23;
	s23 =	sand.u32 $0x7F, s31;
	s13 =	spop (v2sf)  }
0x211: {  	s31 =	sand.u32 $0x7F, s5;
	[tilespmem:v6+s28+$0x0] =	vst.idx.msk $0xffff, v5;
	s5 =	sand.u32 $0x7F, s13;
	s13 =	rddreg [dreg:$0xf]  }
0x212: {  	s14 =	sadd.s32 $0xFFFFFFF4, s1;
	[dreg:$0x12] =	wrdreg s0;
	[tilespmem:v4+s28+$0x0] =	vst.idx.msk $0xffff, v3;
	s19 =	spop (v2sf);
	v3 =	vor.u32 s13, v0  }
0x213: {  	v4 =	vmov s14;
	[tilespmem:s8], [sflag:$0x1] =	stream.strided.gather [hbm4b:s3+s11], $0x1000, s12, s11, $0x38;
	v5 =	vor.u32 s13, v35;
	[tilespmem:$0x14200] =	vst v63  }
0x214: {  	v6 =	vshll.u32 v4, $0x3;
	_ =	swait.ge [sflag:s26], $0x1000  }
0x215: {  	s0 =	sand.u32 $0x7F, s30;
	v4 =	vand.u32 $0x73, v4;
	v6 =	vand.u32 $0xC00, v6;
	s30 =	spop (v2sf);
	[sflag:s26] =	ssyncset.done $0x0  }
0x216: {  	s13 =	simm.s32 $0x3200;
	v4 =	vor.u32 v4, v6;
	s3 =	spop (v2sf);
	[sflag:s26] =	ssyncadd.s32 $0xFFFFF000  }
0x217: {  	s20 =	sand.u32 $0x1FFFFF80, s15;
	v6 =	vor.u32 v1, v4;
	s8 =	spop (v2sf);
	v3 =	vld.idx.msk [tilespmem:v3+s13+$0x0], $0xffff  }
0x218: {  	s15 =	sand.u32 $0x7F, s25;
	s25 =	smov.u32 s0;
	v4 =	vor.u32 v2, v4;
	s14 =	spop (v2sf);
	v5 =	vld.idx.msk [tilespmem:v5+s13+$0x0], $0xffff  }
0x219: {  	s22 =	sadd.s32 s10, s22;
	[dreg:$0xf] =	wrdreg s25;
	s25 =	spop (v2sf)  }
0x21a: {  	s4 =	sand.u32 $0x7F, s19;
	s19 =	sand.u32 $0x7F, s8;
	s0 =	sand.u32 $0x7F, s25  }
0x21b: {  	s8 =	sand.u32 $0x7F, s14;
	s14 =	spop (v2sf);
	[dreg:$0x18] =	wrdreg s0  }
0x21c: {  	s0 =	sand.u32 $0x7F, s14;
	s25 =	spop (v2sf);
	s14 =	rddreg [dreg:$0xe];
	[tilespmem:v6+s28+$0x0] =	vst.idx.msk $0xffff, v3  }
0x21d: {  	[dreg:$0x17] =	wrdreg s0;
	s0 =	smov.u32 s24;
	s24 =	sadd.s32 $0xFFFFFFF5, s1;
	v3 =	vor.u32 s14, v0;
	[tilespmem:v4+s28+$0x0] =	vst.idx.msk $0xffff, v5  }
0x21e: {  	v4 =	vmov s24;
	v5 =	vor.u32 s14, v35;
	[tilespmem:s13], [sflag:$0x1] =	stream.strided.gather [hbm4b:s22+s11], $0x1000, s12, s11, $0x38;
	[tilespmem:$0x14200] =	vst v63  }
0x21f: {  	v6 =	vshll.u32 v4, $0x3;
	_ =	swait.ge [sflag:s26], $0x1000  }
0x220: {  	v4 =	vand.u32 $0x74, v4;
	v6 =	vand.u32 $0xC00, v6;
	[sflag:s26] =	ssyncset.done $0x0  }
0x221: {  	s24 =	simm.s32 $0x4200;
	v4 =	vor.u32 v4, v6;
	[sflag:s26] =	ssyncadd.s32 $0xFFFFF000  }
0x222: {  	v6 =	vor.u32 v1, v4;
	v3 =	vld.idx.msk [tilespmem:v3+s24+$0x0], $0xffff  }
0x223: {  	v4 =	vor.u32 v2, v4;
	v5 =	vld.idx.msk [tilespmem:v5+s24+$0x0], $0xffff;
	_ =	sdelay $0x3  }
0x224: {  	s22 =	smov.u32 s23;
	[tilespmem:v6+s28+$0x0] =	vst.idx.msk $0xffff, v3  }
0x225: {  	s7 =	sadd.s32 s10, s7;
	s14 =	sadd.s32 $0xFFFFFFF6, s1;
	[dreg:$0xe] =	wrdreg s22;
	v3 =	vor.u32 s0, v0;
	[tilespmem:v4+s28+$0x0] =	vst.idx.msk $0xffff, v5  }
0x226: {  	v4 =	vmov s14;
	v5 =	vor.u32 s0, v35;
	[tilespmem:s24], [sflag:$0x1] =	stream.strided.gather [hbm4b:s7+s11], $0x1000, s12, s11, $0x38;
	[tilespmem:$0x14200] =	vst v63  }
0x227: {  	v6 =	vshll.u32 v4, $0x3;
	_ =	swait.ge [sflag:s26], $0x1000  }
0x228: {  	v4 =	vand.u32 $0x75, v4;
	v6 =	vand.u32 $0xC00, v6;
	[sflag:s26] =	ssyncset.done $0x0  }
0x229: {  	s22 =	simm.s32 $0x5200;
	v4 =	vor.u32 v4, v6;
	[sflag:s26] =	ssyncadd.s32 $0xFFFFF000  }
0x22a: {  	v6 =	vor.u32 v1, v4;
	v3 =	vld.idx.msk [tilespmem:v3+s22+$0x0], $0xffff  }
0x22b: {  	v4 =	vor.u32 v2, v4;
	v5 =	vld.idx.msk [tilespmem:v5+s22+$0x0], $0xffff;
	_ =	sdelay $0x3  }
0x22c: {  	s29 =	sand.u32 $0x1FFFFF80, s29;
	s24 =	smov.u32 s31;
	s31 =	rddreg [dreg:$0xd];
	[tilespmem:v6+s28+$0x0] =	vst.idx.msk $0xffff, v3  }
0x22d: {  	s23 =	sadd.s32 s10, s29;
	s29 =	sadd.s32 $0xFFFFFFF7, s1;
	v3 =	vor.u32 s31, v0;
	[tilespmem:v4+s28+$0x0] =	vst.idx.msk $0xffff, v5  }
0x22e: {  	v4 =	vmov s29;
	v5 =	vor.u32 s31, v35;
	[tilespmem:s22], [sflag:$0x1] =	stream.strided.gather [hbm4b:s23+s11], $0x1000, s12, s11, $0x38;
	[tilespmem:$0x14200] =	vst v63  }
0x22f: {  	v6 =	vshll.u32 v4, $0x3;
	_ =	swait.ge [sflag:s26], $0x1000  }
0x230: {  	v4 =	vand.u32 $0x76, v4;
	v6 =	vand.u32 $0xC00, v6;
	[sflag:s26] =	ssyncset.done $0x0  }
0x231: {  	s7 =	simm.s32 $0x6200;
	v4 =	vor.u32 v4, v6;
	[sflag:s26] =	ssyncadd.s32 $0xFFFFF000  }
0x232: {  	v6 =	vor.u32 v1, v4;
	v3 =	vld.idx.msk [tilespmem:v3+s7+$0x0], $0xffff  }
0x233: {  	v4 =	vor.u32 v2, v4;
	v5 =	vld.idx.msk [tilespmem:v5+s7+$0x0], $0xffff;
	_ =	sdelay $0x2  }
0x234: {  	s6 =	sand.u32 $0x7F, s6  }
0x235: {  	s0 =	smov.u32 s6;
	s22 =	rddreg [dreg:$0xc];
	[tilespmem:v6+s28+$0x0] =	vst.idx.msk $0xffff, v3  }
0x236: {  	s14 =	sadd.s32 s10, s21;
	s21 =	sadd.s32 $0xFFFFFFF8, s1;
	[dreg:$0xd] =	wrdreg s0;
	v3 =	vor.u32 s22, v0;
	[tilespmem:v4+s28+$0x0] =	vst.idx.msk $0xffff, v5  }
0x237: {  	v4 =	vmov s21;
	v5 =	vor.u32 s22, v35;
	[tilespmem:s7], [sflag:$0x1] =	stream.strided.gather [hbm4b:s14+s11], $0x1000, s12, s11, $0x38;
	[tilespmem:$0x14200] =	vst v63  }
0x238: {  	v6 =	vshll.u32 v4, $0x3;
	_ =	swait.ge [sflag:s26], $0x1000  }
0x239: {  	v4 =	vand.u32 $0x77, v4;
	v6 =	vand.u32 $0xC00, v6;
	[sflag:s26] =	ssyncset.done $0x0  }
0x23a: {  	s29 =	simm.s32 $0x7200;
	v4 =	vor.u32 v4, v6;
	[sflag:s26] =	ssyncadd.s32 $0xFFFFF000  }
0x23b: {  	v6 =	vor.u32 v1, v4;
	v3 =	vld.idx.msk [tilespmem:v3+s29+$0x0], $0xffff  }
0x23c: {  	v4 =	vor.u32 v2, v4;
	v5 =	vld.idx.msk [tilespmem:v5+s29+$0x0], $0xffff;
	_ =	sdelay $0x3  }
0x23d: {  	s23 =	smov.u32 s5;
	s0 =	rddreg [dreg:$0xb];
	[tilespmem:v6+s28+$0x0] =	vst.idx.msk $0xffff, v3  }
0x23e: {  	s2 =	sadd.s32 s10, s2;
	s31 =	sadd.s32 $0xFFFFFFF9, s1;
	[dreg:$0xc] =	wrdreg s23;
	v3 =	vor.u32 s0, v0;
	[tilespmem:v4+s28+$0x0] =	vst.idx.msk $0xffff, v5  }
0x23f: {  	v4 =	vmov s31;
	v5 =	vor.u32 s0, v35;
	[tilespmem:s29], [sflag:$0x1] =	stream.strided.gather [hbm4b:s2+s11], $0x1000, s12, s11, $0x38;
	[tilespmem:$0x14200] =	vst v63  }
0x240: {  	v6 =	vshll.u32 v4, $0x3;
	_ =	swait.ge [sflag:s26], $0x1000  }
0x241: {  	v4 =	vand.u32 $0x78, v4;
	v6 =	vand.u32 $0xC00, v6;
	[sflag:s26] =	ssyncset.done $0x0  }
0x242: {  	s13 =	simm.s32 $0x8200;
	v4 =	vor.u32 v4, v6;
	[sflag:s26] =	ssyncadd.s32 $0xFFFFF000  }
0x243: {  	v6 =	vor.u32 v1, v4;
	v3 =	vld.idx.msk [tilespmem:v3+s13+$0x0], $0xffff  }
0x244: {  	v4 =	vor.u32 v2, v4;
	v5 =	vld.idx.msk [tilespmem:v5+s13+$0x0], $0xffff;
	_ =	sdelay $0x3  }
0x245: {  	s7 =	smov.u32 s4;
	s21 =	rddreg [dreg:$0xa];
	[tilespmem:v6+s28+$0x0] =	vst.idx.msk $0xffff, v3  }
0x246: {  	s14 =	sadd.s32 s10, s20;
	s20 =	sadd.s32 $0xFFFFFFFA, s1;
	[dreg:$0xb] =	wrdreg s7;
	v3 =	vor.u32 s21, v0;
	[tilespmem:v4+s28+$0x0] =	vst.idx.msk $0xffff, v5  }
0x247: {  	v4 =	vmov s20;
	v5 =	vor.u32 s21, v35;
	[tilespmem:s13], [sflag:$0x1] =	stream.strided.gather [hbm4b:s14+s11], $0x1000, s12, s11, $0x38;
	[tilespmem:$0x14200] =	vst v63  }
0x248: {  	v6 =	vshll.u32 v4, $0x3;
	_ =	swait.ge [sflag:s26], $0x1000  }
0x249: {  	v4 =	vand.u32 $0x79, v4;
	v6 =	vand.u32 $0xC00, v6;
	[sflag:s26] =	ssyncset.done $0x0  }
0x24a: {  	s23 =	simm.s32 $0x9200;
	v4 =	vor.u32 v4, v6;
	[sflag:s26] =	ssyncadd.s32 $0xFFFFF000  }
0x24b: {  	v6 =	vor.u32 v1, v4;
	v3 =	vld.idx.msk [tilespmem:v3+s23+$0x0], $0xffff  }
0x24c: {  	v4 =	vor.u32 v2, v4;
	v5 =	vld.idx.msk [tilespmem:v5+s23+$0x0], $0xffff;
	_ =	sdelay $0x2  }
0x24d: {  	s30 =	sand.u32 $0x7F, s30  }
0x24e: {  	s22 =	smov.u32 s30;
	s31 =	rddreg [dreg:$0x9];
	[tilespmem:v6+s28+$0x0] =	vst.idx.msk $0xffff, v3  }
0x24f: {  	s30 =	sadd.s32 $0xFFFFFFFB, s1;
	s29 =	sadd.s32 s10, s9;
	[dreg:$0xa] =	wrdreg s22;
	v3 =	vor.u32 s31, v0;
	[tilespmem:v4+s28+$0x0] =	vst.idx.msk $0xffff, v5  }
0x250: {  	v4 =	vmov s30;
	v5 =	vor.u32 s31, v35;
	[tilespmem:s23], [sflag:$0x1] =	stream.strided.gather [hbm4b:s29+s11], $0x1000, s12, s11, $0x38;
	[tilespmem:$0x14200] =	vst v63  }
0x251: {  	v6 =	vshll.u32 v4, $0x3;
	_ =	swait.ge [sflag:s26], $0x1000  }
0x252: {  	v4 =	vand.u32 $0x7A, v4;
	v6 =	vand.u32 $0xC00, v6;
	[sflag:s26] =	ssyncset.done $0x0  }
0x253: {  	s2 =	simm.s32 $0xA200;
	v4 =	vor.u32 v4, v6;
	[sflag:s26] =	ssyncadd.s32 $0xFFFFF000  }
0x254: {  	v6 =	vor.u32 v1, v4;
	v3 =	vld.idx.msk [tilespmem:v3+s2+$0x0], $0xffff  }
0x255: {  	v4 =	vor.u32 v2, v4;
	v5 =	vld.idx.msk [tilespmem:v5+s2+$0x0], $0xffff;
	_ =	sdelay $0x1  }
0x256: {  	s3 =	sand.u32 $0x7F, s3  }
0x257: {  	s0 =	smov.u32 s3;
	s3 =	rddreg [dreg:$0x16]  }
0x258: {  	s7 =	rddreg [dreg:$0x8];
	[tilespmem:v6+s28+$0x0] =	vst.idx.msk $0xffff, v3  }
0x259: {  	s6 =	sadd.s32 $0xFFFFFFFC, s1;
	[dreg:$0x9] =	wrdreg s0;
	s5 =	sadd.s32 s10, s3;
	v3 =	vor.u32 s7, v0;
	[tilespmem:v4+s28+$0x0] =	vst.idx.msk $0xffff, v5  }
0x25a: {  	v4 =	vmov s6;
	v5 =	vor.u32 s7, v35;
	[tilespmem:s2], [sflag:$0x1] =	stream.strided.gather [hbm4b:s5+s11], $0x1000, s12, s11, $0x38;
	[tilespmem:$0x14200] =	vst v63  }
0x25b: {  	v6 =	vshll.u32 v4, $0x3;
	_ =	swait.ge [sflag:s26], $0x1000  }
0x25c: {  	v4 =	vand.u32 $0x7B, v4;
	v6 =	vand.u32 $0xC00, v6;
	[sflag:s26] =	ssyncset.done $0x0  }
0x25d: {  	s13 =	simm.s32 $0xB200;
	v4 =	vor.u32 v4, v6;
	[sflag:s26] =	ssyncadd.s32 $0xFFFFF000  }
0x25e: {  	v6 =	vor.u32 v1, v4;
	v3 =	vld.idx.msk [tilespmem:v3+s13+$0x0], $0xffff  }
0x25f: {  	v4 =	vor.u32 v2, v4;
	v5 =	vld.idx.msk [tilespmem:v5+s13+$0x0], $0xffff;
	_ =	sdelay $0x2  }
0x260: {  	s14 =	rddreg [dreg:$0x15]  }
0x261: {  	s9 =	smov.u32 s19;
	s21 =	rddreg [dreg:$0x7];
	[tilespmem:v6+s28+$0x0] =	vst.idx.msk $0xffff, v3  }
0x262: {  	s20 =	sadd.s32 $0xFFFFFFFD, s1;
	[dreg:$0x8] =	wrdreg s9;
	s19 =	sadd.s32 s10, s14;
	v3 =	vor.u32 s21, v0;
	[tilespmem:v4+s28+$0x0] =	vst.idx.msk $0xffff, v5  }
0x263: {  	v4 =	vmov s20;
	v5 =	vor.u32 s21, v35;
	[tilespmem:s13], [sflag:$0x1] =	stream.strided.gather [hbm4b:s19+s11], $0x1000, s12, s11, $0x38;
	[tilespmem:$0x14200] =	vst v63  }
0x264: {  	v6 =	vshll.u32 v4, $0x3;
	_ =	swait.ge [sflag:s26], $0x1000  }
0x265: {  	v4 =	vand.u32 $0x7C, v4;
	v6 =	vand.u32 $0xC00, v6;
	[sflag:s26] =	ssyncset.done $0x0  }
0x266: {  	s23 =	simm.s32 $0xC200;
	v4 =	vor.u32 v4, v6;
	[sflag:s26] =	ssyncadd.s32 $0xFFFFF000  }
0x267: {  	v6 =	vor.u32 v1, v4;
	v3 =	vld.idx.msk [tilespmem:v3+s23+$0x0], $0xffff  }
0x268: {  	v4 =	vor.u32 v2, v4;
	v5 =	vld.idx.msk [tilespmem:v5+s23+$0x0], $0xffff;
	_ =	sdelay $0x2  }
0x269: {  	s29 =	rddreg [dreg:$0x14]  }
0x26a: {  	s22 =	smov.u32 s8;
	s0 =	rddreg [dreg:$0x6];
	[tilespmem:v6+s28+$0x0] =	vst.idx.msk $0xffff, v3  }
0x26b: {  	s31 =	sadd.s32 $0xFFFFFFFE, s1;
	[dreg:$0x7] =	wrdreg s22;
	s30 =	sadd.s32 s10, s29;
	v3 =	vor.u32 s0, v0;
	[tilespmem:v4+s28+$0x0] =	vst.idx.msk $0xffff, v5  }
0x26c: {  	v4 =	vmov s31;
	v5 =	vor.u32 s0, v35;
	[tilespmem:s23], [sflag:$0x1] =	stream.strided.gather [hbm4b:s30+s11], $0x1000, s12, s11, $0x38;
	[tilespmem:$0x14200] =	vst v63  }
0x26d: {  	v6 =	vshll.u32 v4, $0x3;
	_ =	swait.ge [sflag:s26], $0x1000  }
0x26e: {  	v4 =	vand.u32 $0x7D, v4;
	v6 =	vand.u32 $0xC00, v6;
	[sflag:s26] =	ssyncset.done $0x0  }
0x26f: {  	s6 =	simm.s32 $0xD200;
	v4 =	vor.u32 v4, v6;
	[sflag:s26] =	ssyncadd.s32 $0xFFFFF000  }
0x270: {  	v6 =	vor.u32 v1, v4;
	v3 =	vld.idx.msk [tilespmem:v3+s6+$0x0], $0xffff  }
0x271: {  	v4 =	vor.u32 v2, v4;
	v5 =	vld.idx.msk [tilespmem:v5+s6+$0x0], $0xffff;
	_ =	sdelay $0x1  }
0x272: {  	s4 =	rddreg [dreg:$0x18]  }
0x273: {  	s7 =	rddreg [dreg:$0x13]  }
0x274: {  	s13 =	rddreg [dreg:$0x5];
	s5 =	smov.u32 s4;
	[tilespmem:v6+s28+$0x0] =	vst.idx.msk $0xffff, v3  }
0x275: {  	s9 =	sadd.s32 $0xFFFFFFFF, s1;
	s8 =	sadd.s32 s10, s7;
	[dreg:$0x6] =	wrdreg s5;
	v3 =	vor.u32 s13, v0;
	[tilespmem:v4+s28+$0x0] =	vst.idx.msk $0xffff, v5  }
0x276: {  	v4 =	vmov s9;
	v5 =	vor.u32 s13, v35;
	[tilespmem:s6], [sflag:$0x1] =	stream.strided.gather [hbm4b:s8+s11], $0x1000, s12, s11, $0x38;
	[tilespmem:$0x14200] =	vst v63  }
0x277: {  	v6 =	vshll.u32 v4, $0x3;
	_ =	swait.ge [sflag:s26], $0x1000  }
0x278: {  	v4 =	vand.u32 $0x7E, v4;
	v6 =	vand.u32 $0xC00, v6;
	[sflag:s26] =	ssyncset.done $0x0  }
0x279: {  	s20 =	simm.s32 $0xE200;
	v4 =	vor.u32 v4, v6;
	[sflag:s26] =	ssyncadd.s32 $0xFFFFF000  }
0x27a: {  	v6 =	vor.u32 v1, v4;
	v3 =	vld.idx.msk [tilespmem:v3+s20+$0x0], $0xffff  }
0x27b: {  	v4 =	vor.u32 v2, v4;
	v5 =	vld.idx.msk [tilespmem:v5+s20+$0x0], $0xffff;
	_ =	sdelay $0x1  }
0x27c: {  	s14 =	rddreg [dreg:$0x17]  }
0x27d: {  	s21 =	rddreg [dreg:$0x11]  }
0x27e: {  	s22 =	rddreg [dreg:$0x4];
	s19 =	smov.u32 s14;
	[tilespmem:v6+s28+$0x0] =	vst.idx.msk $0xffff, v3  }
0x27f: {  	s0 =	sadd.s32 s10, s21;
	[dreg:$0x5] =	wrdreg s19;
	v3 =	vor.u32 s22, v0;
	[tilespmem:v4+s28+$0x0] =	vst.idx.msk $0xffff, v5  }
0x280: {  	v4 =	vor.u32 s22, v35;
	v5 =	vmov s1;
	[tilespmem:s20], [sflag:$0x1] =	stream.strided.gather [hbm4b:s0+s11], $0x1000, s12, s11, $0x38;
	[tilespmem:$0x14200] =	vst v63  }
0x281: {  	v6 =	vshll.u32 v5, $0x3;
	_ =	swait.ge [sflag:s26], $0x1000  }
0x282: {  	v5 =	vand.u32 $0x7F, v5;
	v6 =	vand.u32 $0xC00, v6;
	[sflag:s26] =	ssyncset.done $0x0  }
0x283: {  	s30 =	simm.s32 $0xF200;
	v5 =	vor.u32 v5, v6;
	[sflag:s26] =	ssyncadd.s32 $0xFFFFF000  }
0x284: {  	v6 =	vor.u32 v1, v5;
	v3 =	vld.idx.msk [tilespmem:v3+s30+$0x0], $0xffff  }
0x285: {  	p0 =	sne.s32 s16, $0x1EF;
	v5 =	vor.u32 v2, v5;
	v4 =	vld.idx.msk [tilespmem:v4+s30+$0x0], $0xffff  }
.Ltmp0:
0x286: {  	_ = 	snop;
	(pc) =	sbr.rel @p0 .LBB2_2-.Ltmp0, $4  }
0x287: {  	_ = 	snop  }
0x288: {  	s16 =	sadd.s32 $0x10, s16;
	s25 =	sand.u32 $0x7F, s25;
	s23 =	rddreg [dreg:$0x10]  }
0x289: {  	s17 =	sadd.s32 $0x10, s17;
	s29 =	smov.u32 s25;
	s31 =	rddreg [dreg:$0x12];
	[tilespmem:v6+s28+$0x0] =	vst.idx.msk $0xffff, v3  }
0x28a: {  	[dreg:$0x4] =	wrdreg s29;
	(xrf0) =	vmax.scan.msk.u32 $0xffff, v36;
	s1 =	smov.u32 s23;
	s0 =	sadd.s32 s10, s31;
	[tilespmem:v5+s28+$0x0] =	vst.idx.msk $0xffff, v4  }
0x28b: {  	s11 =	simm.s32 $0x400;
	s12 =	simm.s32 $0x7A1400;
	s2 =	simm.s32 $0xF200  }
0x28c: {  	[tilespmem:s2], [sflag:$0x1] =	stream.strided.gather [hbm4b:s0+s11], $0x1000, s12, s11, $0x38;
	[tilespmem:$0x14200] =	vst v63  }
0x28d: {  	v3 =	vld [tilespmem:s17+$0x0];
	_ =	sdelay $0x2  }
0x28e: {  	v4, _, _ =	vpop (xrf0)  }
0x28f: {  	(v2sf) =	vpush v4, $0xF  }
0x290: {  	v4 =	vnsel vm0, $0x80000000, v3  }
0x291: {  	v5 =	vsel vm1, $0x80000000, v3;
	v4 =	vxor.u32 $0x80000000, v4  }
0x292: {  	v6 =	vsel vm5, $0x80000000, v3;
	v5 =	vxor.u32 $0x80000000, v5;
	(xrf0) =	vmax.scan.msk.u32 $0xffff, v4  }
0x293: {  	v6 =	vxor.u32 $0x80000000, v6;
	v4 =	vsel vm3, $0x80000000, v3;
	(xrf0) =	vmax.scan.msk.u32 $0xffff, v5  }
0x294: {  	v5 =	vsel vm10, $0x80000000, v3;
	v4 =	vxor.u32 $0x80000000, v4;
	(xrf0) =	vmax.scan.msk.u32 $0xffff, v6  }
0x295: {  	v6 =	vsel vm6, $0x80000000, v3;
	v5 =	vxor.u32 $0x80000000, v5;
	(xrf0) =	vmax.scan.msk.u32 $0xffff, v4  }
0x296: {  	v4 =	vxor.u32 $0x80000000, v6;
	v6 =	vsel vm7, $0x80000000, v3;
	(xrf0) =	vmax.scan.msk.u32 $0xffff, v5  }
0x297: {  	v5 =	vsel vm8, $0x80000000, v3;
	v6 =	vxor.u32 $0x80000000, v6;
	(xrf0) =	vmax.scan.msk.u32 $0xffff, v4  }
0x298: {  	v4 =	vsel vm11, $0x80000000, v3;
	v5 =	vxor.u32 $0x80000000, v5;
	(xrf0) =	vmax.scan.msk.u32 $0xffff, v6  }
0x299: {  	v36, _, _ =	vpop (xrf0);
	v4 =	vxor.u32 $0x80000000, v4;
	v6 =	vsel vm12, $0x80000000, v3;
	(xrf0) =	vmax.scan.msk.u32 $0xffff, v5  }
0x29a: {  	(v2sf) =	vpush v36, $0xF;
	v51, _, _ =	vpop (xrf0);
	v5 =	vsel vm13, $0x80000000, v3;
	v6 =	vxor.u32 $0x80000000, v6;
	(xrf0) =	vmax.scan.msk.u32 $0xffff, v4  }
0x29b: {  	v37, _, _ =	vpop (xrf0);
	v4 =	vxor.u32 $0x80000000, v5;
	v5 =	vsel vm14, $0x80000000, v3;
	(v2sf) =	vpush v51, $0xF;
	(xrf0) =	vmax.scan.msk.u32 $0xffff, v6  }
0x29c: {  	v52, _, _ =	vpop (xrf0);
	v5 =	vxor.u32 $0x80000000, v5;
	(xrf0) =	vmax.scan.msk.u32 $0xffff, v4;
	v4 =	vsel vm4, $0x80000000, v3  }
0x29d: {  	v6 =	vsel vm2, $0x80000000, v3;
	v38, _, _ =	vpop (xrf0);
	v4 =	vxor.u32 $0x80000000, v4  }
0x29e: {  	s25 =	sadd.s32 $0xFFFFFFF1, s1;
	v6 =	vxor.u32 $0x80000000, v6;
	v53, _, _ =	vpop (xrf0);
	(xrf0) =	vmax.scan.msk.u32 $0xffff, v5;
	s23 =	spop (v2sf);
	(v2sf) =	vpush v52, $0xF  }
0x29f: {  	v39 =	vmov s25;
	(xrf0) =	vmax.scan.msk.u32 $0xffff, v6;
	v5, _, _ =	vpop (xrf0);
	s0 =	sand.u32 $0x7F, s23;
	(v2sf) =	vpush v38, $0xF  }
0x2a0: {  	v6 =	vsel vm9, $0x80000000, v3;
	(xrf0) =	vmax.scan.msk.u32 $0xffff, v4;
	v54 =	vor.u32 s0, v0;
	(v2sf) =	vpush v37, $0xF;
	v4, _, _ =	vpop (xrf0)  }
0x2a1: {  	v3 =	vsel vm15, $0x80000000, v3;
	v6 =	vxor.u32 $0x80000000, v6;
	v59 =	vor.u32 s0, v35;
	_ =	swait.ge [sflag:s26], $0x1000  }
0x2a2: {  	v60 =	vshll.u32 v39, $0x3;
	v3 =	vxor.u32 $0x80000000, v3;
	(v2sf) =	vpush v53, $0xF  }
0x2a3: {  	v36 =	vand.u32 $0xC00, v60;
	v40, _, _ =	vpop (xrf0);
	[sflag:s26] =	ssyncset.done $0x0;
	(v2sf) =	vpush v5, $0xF;
	v5 =	vand.u32 $0x70, v39  }
0x2a4: {  	s29 =	simm.s32 $0x200;
	(xrf0) =	vmax.scan.msk.u32 $0xffff, v6;
	v6, _, _ =	vpop (xrf0);
	[sflag:s26] =	ssyncadd.s32 $0xFFFFF000;
	(v2sf) =	vpush v40, $0xF;
	v5 =	vor.u32 v5, v36  }
0x2a5: {  	(xrf0) =	vmax.scan.msk.u32 $0xffff, v3;
	v3, _, _ =	vpop (xrf0);
	v61 =	vld.idx.msk [tilespmem:v54+s29+$0x0], $0xffff;
	(v2sf) =	vpush v6, $0xF;
	v6 =	vor.u32 v1, v5  }
0x2a6: {  	v62, _, _ =	vpop (xrf0);
	v37 =	vld.idx.msk [tilespmem:v59+s29+$0x0], $0xffff;
	(v2sf) =	vpush v3, $0xF;
	v3 =	vor.u32 v2, v5  }
0x2a7: {  	v5, _, _ =	vpop (xrf0);
	(v2sf) =	vpush v62, $0xF  }
0x2a8: {  	v63, _, _ =	vpop (xrf0);
	(v2sf) =	vpush v5, $0xF  }
0x2a9: {  	s3 =	simm.s32 $0x200;
	s10 =	rddreg [dreg:$0x0];
	s30 =	spop (v2sf);
	(v2sf) =	vpush v63, $0xF  }
0x2aa: {  	[smem:$0x7EB] =	sst s30;
	v5, _, _ =	vpop (xrf0);
	s0 =	sand.u32 $0x1FFFFF80, s30;
	s4 =	spop (v2sf);
	[tilespmem:v6+s28+$0x0] =	vst.idx.msk $0xffff, v61;
	(v2sf) =	vpush v4, $0xF  }
0x2ab: {  	s31 =	sadd.s32 $0xFFFFFFF2, s1;
	v4, _, _ =	vpop (xrf0);
	[smem:$0x7EC] =	sst s4;
	s0 =	sadd.s32 s10, s0;
	[tilespmem:v3+s28+$0x0] =	vst.idx.msk $0xffff, v37;
	v3 =	vor.u32 s18, v0;
	(v2sf) =	vpush v5, $0xF  }
0x2ac: {  	v5 =	vor.u32 s18, v35;
	[tilespmem:s3], [sflag:$0x1] =	stream.strided.gather [hbm4b:s0+s11], $0x1000, s12, s11, $0x38;
	(v2sf) =	vpush v4, $0xF;
	v4 =	vmov s31;
	[tilespmem:$0x14200] =	vst v63  }
0x2ad: {  	_ =	swait.ge [sflag:s26], $0x1000;
	v6 =	vshll.u32 v4, $0x3  }
0x2ae: {  	v4 =	vand.u32 $0x71, v4;
	[sflag:s26] =	ssyncset.done $0x0;
	v6 =	vand.u32 $0xC00, v6;
	s7 =	spop (v2sf)  }
0x2af: {  	s25 =	simm.s32 $0x1200;
	[sflag:s26] =	ssyncadd.s32 $0xFFFFF000;
	v4 =	vor.u32 v4, v6;
	s19 =	spop (v2sf)  }
0x2b0: {  	v3 =	vld.idx.msk [tilespmem:v3+s25+$0x0], $0xffff;
	v6 =	vor.u32 v1, v4;
	s9 =	spop (v2sf)  }
0x2b1: {  	v5 =	vld.idx.msk [tilespmem:v5+s25+$0x0], $0xffff;
	v4 =	vor.u32 v2, v4;
	s8 =	spop (v2sf)  }
0x2b2: {  	s5 =	spop (v2sf)  }
0x2b3: {  	s17 =	spop (v2sf)  }
0x2b4: {  	s16 =	spop (v2sf)  }
0x2b5: {  	s4 =	sand.u32 $0x1FFFFF80, s4;
	[smem:$0x7ED] =	sst s7;
	[tilespmem:v6+s28+$0x0] =	vst.idx.msk $0xffff, v3;
	s13 =	spop (v2sf)  }
0x2b6: {  	s0 =	sadd.s32 s10, s4;
	[smem:$0x7EE] =	sst s9;
	[tilespmem:v4+s28+$0x0] =	vst.idx.msk $0xffff, v5;
	s14 =	spop (v2sf)  }
0x2b7: {  	[tilespmem:s25], [sflag:$0x1] =	stream.strided.gather [hbm4b:s0+s11], $0x1000, s12, s11, $0x38;
	[tilespmem:$0x14200] =	vst v63  }
0x2b8: {  	s6 =	sadd.s32 $0xFFFFFFF3, s1;
	[smem:$0x7EF] =	sst s8;
	v3 =	vor.u32 s15, v0;
	s18 =	spop (v2sf)  }
0x2b9: {  	[smem:$0x7F0] =	sst s5;
	v4 =	vmov s6;
	v5 =	vor.u32 s15, v35;
	s20 =	spop (v2sf)  }
0x2ba: {  	v6 =	vshll.u32 v4, $0x3;
	_ =	swait.ge [sflag:s26], $0x1000  }
0x2bb: {  	v4 =	vand.u32 $0x72, v4;
	v6 =	vand.u32 $0xC00, v6;
	[sflag:s26] =	ssyncset.done $0x0  }
0x2bc: {  	s21 =	simm.s32 $0x2200;
	v4 =	vor.u32 v4, v6;
	[sflag:s26] =	ssyncadd.s32 $0xFFFFF000  }
0x2bd: {  	v6 =	vor.u32 v1, v4;
	v3 =	vld.idx.msk [tilespmem:v3+s21+$0x0], $0xffff  }
0x2be: {  	v4 =	vor.u32 v2, v4;
	v5 =	vld.idx.msk [tilespmem:v5+s21+$0x0], $0xffff;
	_ =	sdelay $0x3  }
0x2bf: {  	s15 =	sand.u32 $0x1FFFFF80, s18;
	[tilespmem:v6+s28+$0x0] =	vst.idx.msk $0xffff, v3  }
0x2c0: {  	s4 =	sadd.s32 s10, s15;
	s15 =	spop (v2sf);
	s22 =	rddreg [dreg:$0xf];
	[tilespmem:v4+s28+$0x0] =	vst.idx.msk $0xffff, v5  }
0x2c1: {  	[tilespmem:s21], [sflag:$0x1] =	stream.strided.gather [hbm4b:s4+s11], $0x1000, s12, s11, $0x38;
	[tilespmem:$0x14200] =	vst v63  }
0x2c2: {  	[smem:$0x7F1] =	sst s15;
	s4 =	spop (v2sf)  }
0x2c3: {  	s6 =	sadd.s32 $0xFFFFFFF4, s1;
	v3 =	vor.u32 s22, v0;
	[smem:$0x7F2] =	sst s4;
	s23 =	spop (v2sf)  }
0x2c4: {  	v4 =	vmov s6;
	v5 =	vor.u32 s22, v35;
	[smem:$0x7EA] =	sst s23  }
0x2c5: {  	v6 =	vshll.u32 v4, $0x3;
	_ =	swait.ge [sflag:s26], $0x1000  }
0x2c6: {  	v4 =	vand.u32 $0x73, v4;
	v6 =	vand.u32 $0xC00, v6;
	[sflag:s26] =	ssyncset.done $0x0  }
0x2c7: {  	s22 =	simm.s32 $0x3200;
	v4 =	vor.u32 v4, v6;
	[sflag:s26] =	ssyncadd.s32 $0xFFFFF000  }
0x2c8: {  	v6 =	vor.u32 v1, v4;
	v3 =	vld.idx.msk [tilespmem:v3+s22+$0x0], $0xffff  }
0x2c9: {  	v4 =	vor.u32 v2, v4;
	v5 =	vld.idx.msk [tilespmem:v5+s22+$0x0], $0xffff;
	_ =	sdelay $0x3  }
0x2ca: {  	s29 =	sand.u32 $0x1FFFFF80, s7;
	s30 =	rddreg [dreg:$0xe];
	[tilespmem:v6+s28+$0x0] =	vst.idx.msk $0xffff, v3  }
0x2cb: {  	s31 =	sadd.s32 $0xFFFFFFF5, s1;
	s6 =	sadd.s32 s10, s29;
	v3 =	vor.u32 s30, v0;
	[tilespmem:v4+s28+$0x0] =	vst.idx.msk $0xffff, v5  }
0x2cc: {  	v4 =	vmov s31;
	v5 =	vor.u32 s30, v35;
	[tilespmem:s22], [sflag:$0x1] =	stream.strided.gather [hbm4b:s6+s11], $0x1000, s12, s11, $0x38;
	[tilespmem:$0x14200] =	vst v63  }
0x2cd: {  	v6 =	vshll.u32 v4, $0x3;
	_ =	swait.ge [sflag:s26], $0x1000  }
0x2ce: {  	v4 =	vand.u32 $0x74, v4;
	v6 =	vand.u32 $0xC00, v6;
	[sflag:s26] =	ssyncset.done $0x0  }
0x2cf: {  	s23 =	simm.s32 $0x4200;
	v4 =	vor.u32 v4, v6;
	[sflag:s26] =	ssyncadd.s32 $0xFFFFF000  }
0x2d0: {  	v6 =	vor.u32 v1, v4;
	v3 =	vld.idx.msk [tilespmem:v3+s23+$0x0], $0xffff  }
0x2d1: {  	v4 =	vor.u32 v2, v4;
	v5 =	vld.idx.msk [tilespmem:v5+s23+$0x0], $0xffff;
	_ =	sdelay $0x3  }
0x2d2: {  	s2 =	sand.u32 $0x1FFFFF80, s20;
	[tilespmem:v6+s28+$0x0] =	vst.idx.msk $0xffff, v3  }
0x2d3: {  	s3 =	sadd.s32 $0xFFFFFFF6, s1;
	s6 =	sadd.s32 s10, s2;
	v3 =	vor.u32 s24, v0;
	[tilespmem:v4+s28+$0x0] =	vst.idx.msk $0xffff, v5  }
0x2d4: {  	v4 =	vmov s3;
	v5 =	vor.u32 s24, v35;
	[tilespmem:s23], [sflag:$0x1] =	stream.strided.gather [hbm4b:s6+s11], $0x1000, s12, s11, $0x38;
	[tilespmem:$0x14200] =	vst v63  }
0x2d5: {  	v6 =	vshll.u32 v4, $0x3;
	_ =	swait.ge [sflag:s26], $0x1000  }
0x2d6: {  	v4 =	vand.u32 $0x75, v4;
	v6 =	vand.u32 $0xC00, v6;
	[sflag:s26] =	ssyncset.done $0x0  }
0x2d7: {  	s24 =	simm.s32 $0x5200;
	v4 =	vor.u32 v4, v6;
	[sflag:s26] =	ssyncadd.s32 $0xFFFFF000  }
0x2d8: {  	v6 =	vor.u32 v1, v4;
	v3 =	vld.idx.msk [tilespmem:v3+s24+$0x0], $0xffff  }
0x2d9: {  	v4 =	vor.u32 v2, v4;
	v5 =	vld.idx.msk [tilespmem:v5+s24+$0x0], $0xffff;
	_ =	sdelay $0x3  }
0x2da: {  	s29 =	sand.u32 $0x1FFFFF80, s9;
	s30 =	rddreg [dreg:$0xd];
	[tilespmem:v6+s28+$0x0] =	vst.idx.msk $0xffff, v3  }
0x2db: {  	s31 =	sadd.s32 $0xFFFFFFF7, s1;
	s6 =	sadd.s32 s10, s29;
	v3 =	vor.u32 s30, v0;
	[tilespmem:v4+s28+$0x0] =	vst.idx.msk $0xffff, v5  }
0x2dc: {  	v4 =	vmov s31;
	v5 =	vor.u32 s30, v35;
	[tilespmem:s24], [sflag:$0x1] =	stream.strided.gather [hbm4b:s6+s11], $0x1000, s12, s11, $0x38;
	[tilespmem:$0x14200] =	vst v63  }
0x2dd: {  	v6 =	vshll.u32 v4, $0x3;
	_ =	swait.ge [sflag:s26], $0x1000  }
0x2de: {  	v4 =	vand.u32 $0x76, v4;
	v6 =	vand.u32 $0xC00, v6;
	[sflag:s26] =	ssyncset.done $0x0  }
0x2df: {  	s29 =	simm.s32 $0x6200;
	v4 =	vor.u32 v4, v6;
	[sflag:s26] =	ssyncadd.s32 $0xFFFFF000  }
0x2e0: {  	v6 =	vor.u32 v1, v4;
	v3 =	vld.idx.msk [tilespmem:v3+s29+$0x0], $0xffff  }
0x2e1: {  	v4 =	vor.u32 v2, v4;
	v5 =	vld.idx.msk [tilespmem:v5+s29+$0x0], $0xffff;
	_ =	sdelay $0x3  }
0x2e2: {  	s0 =	sand.u32 $0x1FFFFF80, s8;
	s2 =	rddreg [dreg:$0xc];
	[tilespmem:v6+s28+$0x0] =	vst.idx.msk $0xffff, v3  }
0x2e3: {  	s3 =	sadd.s32 $0xFFFFFFF8, s1;
	s6 =	sadd.s32 s10, s0;
	v3 =	vor.u32 s2, v0;
	[tilespmem:v4+s28+$0x0] =	vst.idx.msk $0xffff, v5  }
0x2e4: {  	v4 =	vmov s3;
	v5 =	vor.u32 s2, v35;
	[tilespmem:s29], [sflag:$0x1] =	stream.strided.gather [hbm4b:s6+s11], $0x1000, s12, s11, $0x38;
	[tilespmem:$0x14200] =	vst v63  }
0x2e5: {  	v6 =	vshll.u32 v4, $0x3;
	_ =	swait.ge [sflag:s26], $0x1000  }
0x2e6: {  	v4 =	vand.u32 $0x77, v4;
	v6 =	vand.u32 $0xC00, v6;
	[sflag:s26] =	ssyncset.done $0x0  }
0x2e7: {  	s30 =	simm.s32 $0x7200;
	v4 =	vor.u32 v4, v6;
	[sflag:s26] =	ssyncadd.s32 $0xFFFFF000  }
0x2e8: {  	v6 =	vor.u32 v1, v4;
	v3 =	vld.idx.msk [tilespmem:v3+s30+$0x0], $0xffff  }
0x2e9: {  	v4 =	vor.u32 v2, v4;
	v5 =	vld.idx.msk [tilespmem:v5+s30+$0x0], $0xffff;
	_ =	sdelay $0x3  }
0x2ea: {  	s8 =	sand.u32 $0x1FFFFF80, s5;
	s9 =	rddreg [dreg:$0xb];
	[tilespmem:v6+s28+$0x0] =	vst.idx.msk $0xffff, v3  }
0x2eb: {  	s31 =	sadd.s32 $0xFFFFFFF9, s1;
	s6 =	sadd.s32 s10, s8;
	v3 =	vor.u32 s9, v0;
	[tilespmem:v4+s28+$0x0] =	vst.idx.msk $0xffff, v5  }
0x2ec: {  	v4 =	vmov s31;
	v5 =	vor.u32 s9, v35;
	[tilespmem:s30], [sflag:$0x1] =	stream.strided.gather [hbm4b:s6+s11], $0x1000, s12, s11, $0x38;
	[tilespmem:$0x14200] =	vst v63  }
0x2ed: {  	v6 =	vshll.u32 v4, $0x3;
	_ =	swait.ge [sflag:s26], $0x1000  }
0x2ee: {  	v4 =	vand.u32 $0x78, v4;
	v6 =	vand.u32 $0xC00, v6;
	[sflag:s26] =	ssyncset.done $0x0  }
0x2ef: {  	s31 =	simm.s32 $0x8200;
	v4 =	vor.u32 v4, v6;
	[sflag:s26] =	ssyncadd.s32 $0xFFFFF000  }
0x2f0: {  	v6 =	vor.u32 v1, v4;
	v3 =	vld.idx.msk [tilespmem:v3+s31+$0x0], $0xffff  }
0x2f1: {  	v4 =	vor.u32 v2, v4;
	v5 =	vld.idx.msk [tilespmem:v5+s31+$0x0], $0xffff;
	_ =	sdelay $0x3  }
0x2f2: {  	s0 =	sand.u32 $0x1FFFFF80, s15;
	s3 =	rddreg [dreg:$0xa];
	[tilespmem:v6+s28+$0x0] =	vst.idx.msk $0xffff, v3  }
0x2f3: {  	s2 =	sadd.s32 $0xFFFFFFFA, s1;
	s6 =	sadd.s32 s10, s0;
	v3 =	vor.u32 s3, v0;
	[tilespmem:v4+s28+$0x0] =	vst.idx.msk $0xffff, v5  }
0x2f4: {  	v4 =	vmov s2;
	v5 =	vor.u32 s3, v35;
	[tilespmem:s31], [sflag:$0x1] =	stream.strided.gather [hbm4b:s6+s11], $0x1000, s12, s11, $0x38;
	[tilespmem:$0x14200] =	vst v63  }
0x2f5: {  	v6 =	vshll.u32 v4, $0x3;
	_ =	swait.ge [sflag:s26], $0x1000  }
0x2f6: {  	v4 =	vand.u32 $0x79, v4;
	v6 =	vand.u32 $0xC00, v6;
	[sflag:s26] =	ssyncset.done $0x0  }
0x2f7: {  	s9 =	simm.s32 $0x9200;
	v4 =	vor.u32 v4, v6;
	[sflag:s26] =	ssyncadd.s32 $0xFFFFF000  }
0x2f8: {  	v6 =	vor.u32 v1, v4;
	v3 =	vld.idx.msk [tilespmem:v3+s9+$0x0], $0xffff  }
0x2f9: {  	v4 =	vor.u32 v2, v4;
	v5 =	vld.idx.msk [tilespmem:v5+s9+$0x0], $0xffff;
	_ =	sdelay $0x3  }
0x2fa: {  	s4 =	sand.u32 $0x1FFFFF80, s4;
	s8 =	rddreg [dreg:$0x9];
	[tilespmem:v6+s28+$0x0] =	vst.idx.msk $0xffff, v3  }
0x2fb: {  	s5 =	sadd.s32 $0xFFFFFFFB, s1;
	s6 =	sadd.s32 s10, s4;
	v3 =	vor.u32 s8, v0;
	[tilespmem:v4+s28+$0x0] =	vst.idx.msk $0xffff, v5  }
0x2fc: {  	v4 =	vmov s5;
	v5 =	vor.u32 s8, v35;
	[tilespmem:s9], [sflag:$0x1] =	stream.strided.gather [hbm4b:s6+s11], $0x1000, s12, s11, $0x38;
	[tilespmem:$0x14200] =	vst v63  }
0x2fd: {  	v6 =	vshll.u32 v4, $0x3;
	_ =	swait.ge [sflag:s26], $0x1000  }
0x2fe: {  	v4 =	vand.u32 $0x7A, v4;
	v6 =	vand.u32 $0xC00, v6;
	[sflag:s26] =	ssyncset.done $0x0  }
0x2ff: {  	s8 =	simm.s32 $0xA200;
	v4 =	vor.u32 v4, v6;
	[sflag:s26] =	ssyncadd.s32 $0xFFFFF000  }
0x300: {  	v6 =	vor.u32 v1, v4;
	v3 =	vld.idx.msk [tilespmem:v3+s8+$0x0], $0xffff  }
0x301: {  	v4 =	vor.u32 v2, v4;
	v5 =	vld.idx.msk [tilespmem:v5+s8+$0x0], $0xffff;
	_ =	sdelay $0x3  }
0x302: {  	s15 =	sand.u32 $0x1FFFFF80, s19;
	s2 =	rddreg [dreg:$0x8];
	[tilespmem:v6+s28+$0x0] =	vst.idx.msk $0xffff, v3  }
0x303: {  	s0 =	sadd.s32 $0xFFFFFFFC, s1;
	s6 =	sadd.s32 s10, s15;
	v3 =	vor.u32 s2, v0;
	[tilespmem:v4+s28+$0x0] =	vst.idx.msk $0xffff, v5  }
0x304: {  	v4 =	vmov s0;
	v5 =	vor.u32 s2, v35;
	[tilespmem:s8], [sflag:$0x1] =	stream.strided.gather [hbm4b:s6+s11], $0x1000, s12, s11, $0x38;
	[tilespmem:$0x14200] =	vst v63  }
0x305: {  	v6 =	vshll.u32 v4, $0x3;
	_ =	swait.ge [sflag:s26], $0x1000  }
0x306: {  	v4 =	vand.u32 $0x7B, v4;
	v6 =	vand.u32 $0xC00, v6;
	[sflag:s26] =	ssyncset.done $0x0  }
0x307: {  	s5 =	simm.s32 $0xB200;
	v4 =	vor.u32 v4, v6;
	[sflag:s26] =	ssyncadd.s32 $0xFFFFF000  }
0x308: {  	v6 =	vor.u32 v1, v4;
	v3 =	vld.idx.msk [tilespmem:v3+s5+$0x0], $0xffff  }
0x309: {  	v4 =	vor.u32 v2, v4;
	v5 =	vld.idx.msk [tilespmem:v5+s5+$0x0], $0xffff;
	_ =	sdelay $0x3  }
0x30a: {  	s3 =	sand.u32 $0x1FFFFF80, s17;
	s15 =	rddreg [dreg:$0x7];
	[tilespmem:v6+s28+$0x0] =	vst.idx.msk $0xffff, v3  }
0x30b: {  	s4 =	sadd.s32 $0xFFFFFFFD, s1;
	s6 =	sadd.s32 s10, s3;
	v3 =	vor.u32 s15, v0;
	[tilespmem:v4+s28+$0x0] =	vst.idx.msk $0xffff, v5  }
0x30c: {  	v4 =	vmov s4;
	v5 =	vor.u32 s15, v35;
	[tilespmem:s5], [sflag:$0x1] =	stream.strided.gather [hbm4b:s6+s11], $0x1000, s12, s11, $0x38;
	[tilespmem:$0x14200] =	vst v63  }
0x30d: {  	v6 =	vshll.u32 v4, $0x3;
	_ =	swait.ge [sflag:s26], $0x1000  }
0x30e: {  	v4 =	vand.u32 $0x7C, v4;
	v6 =	vand.u32 $0xC00, v6;
	[sflag:s26] =	ssyncset.done $0x0  }
0x30f: {  	s4 =	simm.s32 $0xC200;
	v4 =	vor.u32 v4, v6;
	[sflag:s26] =	ssyncadd.s32 $0xFFFFF000  }
0x310: {  	v6 =	vor.u32 v1, v4;
	v3 =	vld.idx.msk [tilespmem:v3+s4+$0x0], $0xffff  }
0x311: {  	v4 =	vor.u32 v2, v4;
	v5 =	vld.idx.msk [tilespmem:v5+s4+$0x0], $0xffff;
	_ =	sdelay $0x3  }
0x312: {  	s2 =	sand.u32 $0x1FFFFF80, s16;
	s15 =	rddreg [dreg:$0x6];
	[tilespmem:v6+s28+$0x0] =	vst.idx.msk $0xffff, v3  }
0x313: {  	s3 =	sadd.s32 $0xFFFFFFFE, s1;
	s6 =	sadd.s32 s10, s2;
	v3 =	vor.u32 s15, v0;
	[tilespmem:v4+s28+$0x0] =	vst.idx.msk $0xffff, v5  }
0x314: {  	v4 =	vmov s3;
	v5 =	vor.u32 s15, v35;
	[tilespmem:s4], [sflag:$0x1] =	stream.strided.gather [hbm4b:s6+s11], $0x1000, s12, s11, $0x38;
	[tilespmem:$0x14200] =	vst v63  }
0x315: {  	v6 =	vshll.u32 v4, $0x3;
	_ =	swait.ge [sflag:s26], $0x1000  }
0x316: {  	v4 =	vand.u32 $0x7D, v4;
	v6 =	vand.u32 $0xC00, v6;
	[sflag:s26] =	ssyncset.done $0x0  }
0x317: {  	s3 =	simm.s32 $0xD200;
	v4 =	vor.u32 v4, v6;
	[sflag:s26] =	ssyncadd.s32 $0xFFFFF000  }
0x318: {  	v6 =	vor.u32 v1, v4;
	v3 =	vld.idx.msk [tilespmem:v3+s3+$0x0], $0xffff  }
0x319: {  	v4 =	vor.u32 v2, v4;
	v5 =	vld.idx.msk [tilespmem:v5+s3+$0x0], $0xffff;
	_ =	sdelay $0x3  }
0x31a: {  	s0 =	sand.u32 $0x1FFFFF80, s13;
	s15 =	smov.u32 s13;
	s13 =	rddreg [dreg:$0x5];
	[tilespmem:v6+s28+$0x0] =	vst.idx.msk $0xffff, v3  }
0x31b: {  	s2 =	sadd.s32 $0xFFFFFFFF, s1;
	s6 =	sadd.s32 s10, s0;
	v3 =	vor.u32 s13, v0;
	[tilespmem:v4+s28+$0x0] =	vst.idx.msk $0xffff, v5  }
0x31c: {  	v4 =	vmov s2;
	v5 =	vor.u32 s13, v35;
	[tilespmem:s3], [sflag:$0x1] =	stream.strided.gather [hbm4b:s6+s11], $0x1000, s12, s11, $0x38;
	[tilespmem:$0x14200] =	vst v63  }
0x31d: {  	v6 =	vshll.u32 v4, $0x3;
	_ =	swait.ge [sflag:s26], $0x1000  }
0x31e: {  	v4 =	vand.u32 $0x7E, v4;
	v6 =	vand.u32 $0xC00, v6;
	[sflag:s26] =	ssyncset.done $0x0  }
0x31f: {  	s7 =	simm.s32 $0xE200;
	v4 =	vor.u32 v4, v6;
	[sflag:s26] =	ssyncadd.s32 $0xFFFFF000  }
0x320: {  	v6 =	vor.u32 v1, v4;
	v3 =	vld.idx.msk [tilespmem:v3+s7+$0x0], $0xffff  }
0x321: {  	v4 =	vor.u32 v2, v4;
	v5 =	vld.idx.msk [tilespmem:v5+s7+$0x0], $0xffff;
	_ =	sdelay $0x3  }
0x322: {  	s2 =	sand.u32 $0x1FFFFF80, s14;
	s13 =	rddreg [dreg:$0x4];
	[tilespmem:v6+s28+$0x0] =	vst.idx.msk $0xffff, v3  }
0x323: {  	s6 =	sadd.s32 s10, s2;
	v3 =	vor.u32 s13, v0;
	[tilespmem:v4+s28+$0x0] =	vst.idx.msk $0xffff, v5  }
0x324: {  	v4 =	vor.u32 s13, v35;
	v5 =	vmov s1;
	[tilespmem:s7], [sflag:$0x1] =	stream.strided.gather [hbm4b:s6+s11], $0x1000, s12, s11, $0x38;
	[tilespmem:$0x14200] =	vst v63  }
0x325: {  	v6 =	vshll.u32 v5, $0x3;
	_ =	swait.ge [sflag:s26], $0x1000  }
0x326: {  	v5 =	vand.u32 $0x7F, v5;
	v6 =	vand.u32 $0xC00, v6;
	[sflag:s26] =	ssyncset.done $0x0  }
0x327: {  	s2 =	simm.s32 $0xF200;
	v5 =	vor.u32 v5, v6;
	[sflag:s26] =	ssyncadd.s32 $0xFFFFF000  }
0x328: {  	v6 =	vor.u32 v1, v5;
	v3 =	vld.idx.msk [tilespmem:v3+s2+$0x0], $0xffff  }
0x329: {  	s6 =	sld [smem:$0x7EB];
	v5 =	vor.u32 v2, v5;
	v4 =	vld.idx.msk [tilespmem:v4+s2+$0x0], $0xffff  }
0x32a: {  	s2 =	sld [smem:$0x7EA];
	_ =	sdelay $0x2  }
0x32b: {  	s0 =	sand.u32 $0x7F, s6;
	s1 =	sand.u32 $0x1FFFFF80, s2;
	[tilespmem:v6+s28+$0x0] =	vst.idx.msk $0xffff, v3  }
0x32c: {  	s13 =	simm.s32 $0xF200;
	s1 =	sadd.s32 s10, s1;
	v3 =	vor.u32 s0, v0;
	[tilespmem:v5+s28+$0x0] =	vst.idx.msk $0xffff, v4  }
0x32d: {  	v4 =	vor.u32 s0, v35;
	[tilespmem:s13], [sflag:$0x1] =	stream.strided.gather [hbm4b:s1+s11], $0x1000, s12, s11, $0x38;
	[tilespmem:$0x14200] =	vst v63  }
0x32e: {  	_ =	swait.ge [sflag:s26], $0x1000  }
0x32f: {  	[sflag:s26] =	ssyncset.done $0x0  }
0x330: {  	s6 =	simm.s32 $0x200;
	[sflag:s26] =	ssyncadd.s32 $0xFFFFF000  }
0x331: {  	v3 =	vld.idx.msk [tilespmem:v3+s6+$0x0], $0xffff  }
0x332: {  	s10 =	sld [smem:$0x7EC];
	v4 =	vld.idx.msk [tilespmem:v4+s6+$0x0], $0xffff;
	_ =	sdelay $0x2  }
0x333: {  	s11 =	sand.u32 $0x7F, s10  }
0x334: {  	[tilespmem:v55+s28+$0x0] =	vst.idx.msk $0xffff, v3;
	v3 =	vor.u32 s11, v0  }
0x335: {  	v5 =	vor.u32 s11, v35;
	[tilespmem:v56+s28+$0x0] =	vst.idx.msk $0xffff, v4  }
0x336: {  	_ =	swait.ge [sflag:s26], $0x1000  }
0x337: {  	[sflag:s26] =	ssyncset.done $0x0  }
0x338: {  	[sflag:s26] =	ssyncadd.s32 $0xFFFFF000  }
0x339: {  	v3 =	vld.idx.msk [tilespmem:v3+s25+$0x0], $0xffff  }
0x33a: {  	v4 =	vld.idx.msk [tilespmem:v5+s25+$0x0], $0xffff;
	_ =	sdelay $0x2  }
0x33b: {  	s12 =	sand.u32 $0x7F, s18  }
0x33c: {  	[tilespmem:v57+s28+$0x0] =	vst.idx.msk $0xffff, v3;
	v3 =	vor.u32 s12, v0  }
0x33d: {  	v5 =	vor.u32 s12, v35;
	[tilespmem:v58+s28+$0x0] =	vst.idx.msk $0xffff, v4  }
0x33e: {  	_ =	swait.ge [sflag:s26], $0x1000  }
0x33f: {  	[sflag:s26] =	ssyncset.done $0x0  }
0x340: {  	[sflag:s26] =	ssyncadd.s32 $0xFFFFF000  }
0x341: {  	v3 =	vld.idx.msk [tilespmem:v3+s21+$0x0], $0xffff  }
0x342: {  	s18 =	sld [smem:$0x7ED];
	v4 =	vld.idx.msk [tilespmem:v5+s21+$0x0], $0xffff;
	_ =	sdelay $0x2  }
0x343: {  	s21 =	sand.u32 $0x7F, s18  }
0x344: {  	[tilespmem:v7+s28+$0x0] =	vst.idx.msk $0xffff, v3;
	v3 =	vor.u32 s21, v0  }
0x345: {  	v5 =	vor.u32 s21, v35;
	[tilespmem:v8+s28+$0x0] =	vst.idx.msk $0xffff, v4  }
0x346: {  	_ =	swait.ge [sflag:s26], $0x1000  }
0x347: {  	[sflag:s26] =	ssyncset.done $0x0  }
0x348: {  	[sflag:s26] =	ssyncadd.s32 $0xFFFFF000  }
0x349: {  	v3 =	vld.idx.msk [tilespmem:v3+s22+$0x0], $0xffff  }
0x34a: {  	v4 =	vld.idx.msk [tilespmem:v5+s22+$0x0], $0xffff;
	_ =	sdelay $0x2  }
0x34b: {  	s25 =	sand.u32 $0x7F, s20  }
0x34c: {  	[tilespmem:v9+s28+$0x0] =	vst.idx.msk $0xffff, v3;
	v3 =	vor.u32 s25, v0  }
0x34d: {  	v5 =	vor.u32 s25, v35;
	[tilespmem:v10+s28+$0x0] =	vst.idx.msk $0xffff, v4  }
0x34e: {  	_ =	swait.ge [sflag:s26], $0x1000  }
0x34f: {  	[sflag:s26] =	ssyncset.done $0x0  }
0x350: {  	[sflag:s26] =	ssyncadd.s32 $0xFFFFF000  }
0x351: {  	v3 =	vld.idx.msk [tilespmem:v3+s23+$0x0], $0xffff  }
0x352: {  	s1 =	sld [smem:$0x7EE];
	v4 =	vld.idx.msk [tilespmem:v5+s23+$0x0], $0xffff;
	_ =	sdelay $0x2  }
0x353: {  	s0 =	sand.u32 $0x7F, s1  }
0x354: {  	[tilespmem:v11+s28+$0x0] =	vst.idx.msk $0xffff, v3;
	v3 =	vor.u32 s0, v0  }
0x355: {  	v5 =	vor.u32 s0, v35;
	[tilespmem:v12+s28+$0x0] =	vst.idx.msk $0xffff, v4  }
0x356: {  	_ =	swait.ge [sflag:s26], $0x1000  }
0x357: {  	[sflag:s26] =	ssyncset.done $0x0  }
0x358: {  	[sflag:s26] =	ssyncadd.s32 $0xFFFFF000  }
0x359: {  	v3 =	vld.idx.msk [tilespmem:v3+s24+$0x0], $0xffff  }
0x35a: {  	s6 =	sld [smem:$0x7EF];
	v4 =	vld.idx.msk [tilespmem:v5+s24+$0x0], $0xffff;
	_ =	sdelay $0x2  }
0x35b: {  	s0 =	sand.u32 $0x7F, s6  }
0x35c: {  	[tilespmem:v13+s28+$0x0] =	vst.idx.msk $0xffff, v3;
	v3 =	vor.u32 s0, v0  }
0x35d: {  	v5 =	vor.u32 s0, v35;
	[tilespmem:v14+s28+$0x0] =	vst.idx.msk $0xffff, v4  }
0x35e: {  	_ =	swait.ge [sflag:s26], $0x1000  }
0x35f: {  	[sflag:s26] =	ssyncset.done $0x0  }
0x360: {  	[sflag:s26] =	ssyncadd.s32 $0xFFFFF000  }
0x361: {  	v3 =	vld.idx.msk [tilespmem:v3+s29+$0x0], $0xffff  }
0x362: {  	s10 =	sld [smem:$0x7F0];
	v4 =	vld.idx.msk [tilespmem:v5+s29+$0x0], $0xffff;
	_ =	sdelay $0x2  }
0x363: {  	s0 =	sand.u32 $0x7F, s10  }
0x364: {  	[tilespmem:v15+s28+$0x0] =	vst.idx.msk $0xffff, v3;
	v3 =	vor.u32 s0, v0  }
0x365: {  	v5 =	vor.u32 s0, v35;
	[tilespmem:v16+s28+$0x0] =	vst.idx.msk $0xffff, v4  }
0x366: {  	_ =	swait.ge [sflag:s26], $0x1000  }
0x367: {  	[sflag:s26] =	ssyncset.done $0x0  }
0x368: {  	[sflag:s26] =	ssyncadd.s32 $0xFFFFF000  }
0x369: {  	v3 =	vld.idx.msk [tilespmem:v3+s30+$0x0], $0xffff  }
0x36a: {  	s11 =	sld [smem:$0x7F1];
	v4 =	vld.idx.msk [tilespmem:v5+s30+$0x0], $0xffff;
	_ =	sdelay $0x2  }
0x36b: {  	s0 =	sand.u32 $0x7F, s11  }
0x36c: {  	[tilespmem:v17+s28+$0x0] =	vst.idx.msk $0xffff, v3;
	v3 =	vor.u32 s0, v0  }
0x36d: {  	v5 =	vor.u32 s0, v35;
	[tilespmem:v18+s28+$0x0] =	vst.idx.msk $0xffff, v4  }
0x36e: {  	_ =	swait.ge [sflag:s26], $0x1000  }
0x36f: {  	[sflag:s26] =	ssyncset.done $0x0  }
0x370: {  	[sflag:s26] =	ssyncadd.s32 $0xFFFFF000  }
0x371: {  	v3 =	vld.idx.msk [tilespmem:v3+s31+$0x0], $0xffff  }
0x372: {  	s12 =	sld [smem:$0x7F2];
	v4 =	vld.idx.msk [tilespmem:v5+s31+$0x0], $0xffff;
	_ =	sdelay $0x2  }
0x373: {  	s0 =	sand.u32 $0x7F, s12  }
0x374: {  	[tilespmem:v19+s28+$0x0] =	vst.idx.msk $0xffff, v3;
	v3 =	vor.u32 s0, v0  }
0x375: {  	v5 =	vor.u32 s0, v35;
	[tilespmem:v20+s28+$0x0] =	vst.idx.msk $0xffff, v4  }
0x376: {  	_ =	swait.ge [sflag:s26], $0x1000  }
0x377: {  	[sflag:s26] =	ssyncset.done $0x0  }
0x378: {  	[sflag:s26] =	ssyncadd.s32 $0xFFFFF000  }
0x379: {  	v3 =	vld.idx.msk [tilespmem:v3+s9+$0x0], $0xffff  }
0x37a: {  	v4 =	vld.idx.msk [tilespmem:v5+s9+$0x0], $0xffff;
	_ =	sdelay $0x2  }
0x37b: {  	s18 =	sand.u32 $0x7F, s19  }
0x37c: {  	[tilespmem:v21+s28+$0x0] =	vst.idx.msk $0xffff, v3;
	v3 =	vor.u32 s18, v0  }
0x37d: {  	v5 =	vor.u32 s18, v35;
	[tilespmem:v22+s28+$0x0] =	vst.idx.msk $0xffff, v4  }
0x37e: {  	_ =	swait.ge [sflag:s26], $0x1000  }
0x37f: {  	[sflag:s26] =	ssyncset.done $0x0  }
0x380: {  	[sflag:s26] =	ssyncadd.s32 $0xFFFFF000  }
0x381: {  	v3 =	vld.idx.msk [tilespmem:v3+s8+$0x0], $0xffff  }
0x382: {  	v4 =	vld.idx.msk [tilespmem:v5+s8+$0x0], $0xffff;
	_ =	sdelay $0x2  }
0x383: {  	s19 =	sand.u32 $0x7F, s17  }
0x384: {  	[tilespmem:v23+s28+$0x0] =	vst.idx.msk $0xffff, v3;
	v3 =	vor.u32 s19, v0  }
0x385: {  	v5 =	vor.u32 s19, v35;
	[tilespmem:v24+s28+$0x0] =	vst.idx.msk $0xffff, v4  }
0x386: {  	_ =	swait.ge [sflag:s26], $0x1000  }
0x387: {  	[sflag:s26] =	ssyncset.done $0x0  }
0x388: {  	[sflag:s26] =	ssyncadd.s32 $0xFFFFF000  }
0x389: {  	v3 =	vld.idx.msk [tilespmem:v3+s5+$0x0], $0xffff  }
0x38a: {  	v4 =	vld.idx.msk [tilespmem:v5+s5+$0x0], $0xffff;
	_ =	sdelay $0x2  }
0x38b: {  	s20 =	sand.u32 $0x7F, s16  }
0x38c: {  	[tilespmem:v25+s28+$0x0] =	vst.idx.msk $0xffff, v3;
	v3 =	vor.u32 s20, v0  }
0x38d: {  	v5 =	vor.u32 s20, v35;
	[tilespmem:v26+s28+$0x0] =	vst.idx.msk $0xffff, v4  }
0x38e: {  	_ =	swait.ge [sflag:s26], $0x1000  }
0x38f: {  	[sflag:s26] =	ssyncset.done $0x0  }
0x390: {  	[sflag:s26] =	ssyncadd.s32 $0xFFFFF000  }
0x391: {  	v3 =	vld.idx.msk [tilespmem:v3+s4+$0x0], $0xffff  }
0x392: {  	v4 =	vld.idx.msk [tilespmem:v5+s4+$0x0], $0xffff;
	_ =	sdelay $0x2  }
0x393: {  	s21 =	sand.u32 $0x7F, s15  }
0x394: {  	[tilespmem:v27+s28+$0x0] =	vst.idx.msk $0xffff, v3;
	v3 =	vor.u32 s21, v0  }
0x395: {  	v5 =	vor.u32 s21, v35;
	[tilespmem:v28+s28+$0x0] =	vst.idx.msk $0xffff, v4  }
0x396: {  	_ =	swait.ge [sflag:s26], $0x1000  }
0x397: {  	[sflag:s26] =	ssyncset.done $0x0  }
0x398: {  	[sflag:s26] =	ssyncadd.s32 $0xFFFFF000  }
0x399: {  	v3 =	vld.idx.msk [tilespmem:v3+s3+$0x0], $0xffff  }
0x39a: {  	v4 =	vld.idx.msk [tilespmem:v5+s3+$0x0], $0xffff;
	_ =	sdelay $0x2  }
0x39b: {  	s22 =	sand.u32 $0x7F, s14  }
0x39c: {  	[tilespmem:v29+s28+$0x0] =	vst.idx.msk $0xffff, v3;
	v3 =	vor.u32 s22, v0  }
0x39d: {  	v5 =	vor.u32 s22, v35;
	[tilespmem:v30+s28+$0x0] =	vst.idx.msk $0xffff, v4  }
0x39e: {  	_ =	swait.ge [sflag:s26], $0x1000  }
0x39f: {  	[sflag:s26] =	ssyncset.done $0x0  }
0x3a0: {  	[sflag:s26] =	ssyncadd.s32 $0xFFFFF000  }
0x3a1: {  	v3 =	vld.idx.msk [tilespmem:v3+s7+$0x0], $0xffff  }
0x3a2: {  	v4 =	vld.idx.msk [tilespmem:v5+s7+$0x0], $0xffff;
	_ =	sdelay $0x2  }
0x3a3: {  	s23 =	sand.u32 $0x7F, s2  }
0x3a4: {  	[tilespmem:v31+s28+$0x0] =	vst.idx.msk $0xffff, v3;
	v3 =	vor.u32 s23, v0  }
0x3a5: {  	v5 =	vor.u32 s23, v35;
	[tilespmem:v32+s28+$0x0] =	vst.idx.msk $0xffff, v4  }
0x3a6: {  	_ =	swait.ge [sflag:s26], $0x1000  }
0x3a7: {  	[sflag:s26] =	ssyncset.done $0x0  }
0x3a8: {  	[sflag:s26] =	ssyncadd.s32 $0xFFFFF000  }
0x3a9: {  	v3 =	vld.idx.msk [tilespmem:v3+s13+$0x0], $0xffff  }
0x3aa: {  	v4 =	vld.idx.msk [tilespmem:v5+s13+$0x0], $0xffff;
	_ =	sdelay $0x3  }
0x3ab: {  	s25 =	simm.s32 $0x1000;
	[tilespmem:v33+s28+$0x0] =	vst.idx.msk $0xffff, v3  }
0x3ac: {  	s2 =	simm.s32 $0x2;
	s29 =	simm.s32 $0x20000;
	s24 =	rddreg [dreg:$0x1a];
	[tilespmem:v34+s28+$0x0] =	vst.idx.msk $0xffff, v4  }
0x3ad: {  	[hbm4b:s24+s25] =	stream.strided.scatter [tilespmem:s28], [sflag:$0x2], $0x4000, s29, s25, $0x38;
	[tilespmem:$0x14200] =	vst v63  }
0x3ae: {  	_ =	swait.ge [sflag:s2], $0x4000  }
0x3af: {  	s30 =	rddreg [dreg:$0x1c]  }
0x3b0: {  	s31 =	rddreg [dreg:$0x1b];
	s1 =	sadd.s32 $0x1, s30  }
0x3b1: {  	p0 =	sne.s32 s1, s31  }
.Ltmp1:
0x3b2: {  	_ = 	snop;
	(pc) =	sbr.rel @p0 .LBB2_1-.Ltmp1, $3  }
0x3b3: {  	_ =	sdelay $0x1  }
0x3b4: {  	[sflag:s2] =	ssyncset.done $0x0  }
0x3b5: {  	[sflag:s2] =	ssyncadd.s32 $0xFFFFC000  }
0x3b6: {  	_ =	sfence.sel $0x180000  }
0x3b7: {  	[bflag:$0x0] =	sbarrier.arrive $0xFFFF  }
0x3b8: {  	_ =	strace $0x90000047  }
0x3b9: {  	s0 =	stileid.u32;
	[bflag:$0x2] =	sbarrier.arrive $0xFFFF  }
0x3ba: {  	p0 =	sne.s32 s0, $0x0;
	s0 =	rddreg [dreg:$0x3]  }
0x3bb: {  	s0 =	sadd.s32 @!p0 $0x100000, s0  }
0x3bc: {  	[sflag:s0] =	ssyncadd.tile.s32 @!p0 $0x1;
	_ =	shalt  }
.Lfunc_end2:
_tile_overlayer_lowered:
.L_overlay_start_2:
0x3bd: {  	(tag) =	ssettag $0x2  }
0x3be: {  	s0 =	rddreg [dreg:$0x0];
	s2 =	stileid.u32  }
0x3bf: {  	s1 =	rddreg [dreg:$0x1];
	p0 =	sne.s32 s2, $0x0  }
0x3c0: {  	s3 =	rddreg [dreg:$0x2];
	[bflag:$0x3] =	sbarrier.arrive $0xFFFF;
	s2 =	simm.s32 @!p0 $0x1C02  }
0x3c1: {  	[timem:s3], [sflag:s2] =	dma.local @!p0 [hbm:s0], s1  }
0x3c2: {  	s0 =	simm.s32 @!p0 $0x2  }
0x3c3: {  	_ =	swait.ge @!p0 [sflag:s0], s1  }
0x3c4: {  	s1 =	ssub.s32 @!p0 $0x0, s1;
	[sflag:s0] =	ssyncset.done @!p0 $0x0  }
0x3c5: {  	[sflag:s0] =	ssyncadd.s32 @!p0 s1  }
0x3c6: {  	[bflag:$0x3] =	sbarrier.arrive $0xFFFF  }
0x3c7: {  	_ =	shalt  }

</sc_bundles>
